<compile_context>
chip_gen: v7x
topology: tpu7x:2x2x1
jax: 0.10.2.dev20260603
libtpu: 0.0.44.dev20260713+nightly
codegen_flags: <defaults>
</compile_context>

<pallas_src>
import functools

import jax
import jax.numpy as jnp
from jax import lax
from jax.experimental import pallas as pl
from jax.experimental.pallas import tpu as pltpu
from jax.experimental.pallas import tpu_sc as plsc

N = 10000
NP = 10240
E = 320000
E_TOT = E + N
HID = 64
NG = 64
NC = 2
NS = 16
TILES = NC * NS
C = 128
K = 2
HH = HID // NC
EPW = 20736
E_PAD = EPW * NS
CHUNKS = EPW // C
GROUPS = C // 16
RPT = NP // NS

_f32 = jnp.float32
_i32 = jnp.int32



def _sc_edge_body(h_hbm, as_hbm, ad_hbm, edges_hbm,
                  num_hbm, den_hbm, *scr):
  cid = lax.axis_index("c")
  sid = lax.axis_index("s")
  as_v, ad_v, edges_v = scr[0], scr[1], scr[2]
  wchunk = scr[3:3 + K]
  sidx = scr[3 + K:3 + 2 * K]
  didx = scr[3 + 2 * K:3 + 3 * K]
  grow = scr[3 + 3 * K:3 + 4 * K]
  srow = scr[3 + 4 * K:3 + 5 * K]
  h_sh, num_sh, den_sh = scr[3 + 5 * K:6 + 5 * K]
  gsem = scr[6 + 5 * K:6 + 6 * K]
  nsem = scr[6 + 6 * K:6 + 7 * K]
  srow0_v = srow[0]
  wchunk0_v = wchunk[0]

  pltpu.sync_copy(as_hbm, as_v)
  pltpu.sync_copy(ad_hbm, ad_v)
  pltpu.sync_copy(edges_hbm.at[sid], edges_v)
  base_r = sid * RPT
  pltpu.sync_copy(h_hbm.at[cid, pl.ds(base_r, RPT)],
                  h_sh.at[pl.ds(base_r, RPT)])

  z16 = jnp.zeros((16,), _f32)

  def zrow(i, carry):
    for q in range(HH // 16):
      srow0_v[i, pl.ds(q * 16, 16)] = z16
    return carry

  lax.fori_loop(0, C, zrow, 0)

  def zw(i, carry):
    wchunk0_v[pl.ds(i * 16, 16)] = z16
    return carry

  lax.fori_loop(0, GROUPS, zw, 0)
  for k in range(RPT // C):
    pltpu.sync_copy(srow0_v, num_sh.at[pl.ds(base_r + k * C, C)])
    pltpu.sync_copy(wchunk0_v, den_sh.at[pl.ds(base_r + k * C, C)])
  plsc.subcore_barrier()

  def unpack_w(ci, b):
    for g in range(GROUPS):
      p = edges_v[ci, pl.ds(g * 16, 16)]
      s16 = lax.shift_right_logical(p, 14)
      d16 = lax.bitwise_and(p, 16383)
      sidx[b][pl.ds(g * 16, 16)] = s16
      didx[b][pl.ds(g * 16, 16)] = d16
      e = plsc.load_gather(as_v, [s16]) + plsc.load_gather(ad_v, [d16])
      e = jnp.where(e >= 0.0, e, e * 0.2)
      wchunk[b][pl.ds(g * 16, 16)] = jnp.exp(e)

  def scale(b):
    @plsc.parallel_loop(0, C, unroll=8)
    def _edge(k):
      ws = plsc.load_gather(
          wchunk[b], [jnp.broadcast_to(k, (16,)).astype(_i32)])
      for q in range(HH // 16):
        srow[b][k, pl.ds(q * 16, 16)] = grow[b][k, pl.ds(q * 16, 16)] * ws

  def outer(cio, carry):
    ci0 = cio * K
    gds = []
    sds = []
    for b in range(K):
      unpack_w(ci0 + b, b)
      gds.append(pltpu.async_copy(h_sh.at[sidx[b]], grow[b], gsem[b]))
    for b in range(K):
      gds[b].wait()
      scale(b)
      sds.append(pltpu.async_copy(srow[b], num_sh.at[didx[b]], nsem[b],
                                  add=True))

      @pl.when(cid == 0)
      def _den():
        pltpu.sync_copy(wchunk[b], den_sh.at[didx[b]], add=True)

    for d in sds:
      d.wait()
    return carry

  lax.fori_loop(0, CHUNKS // K, outer, 0)
  plsc.subcore_barrier()

  for k in range(RPT // C):
    pltpu.sync_copy(num_sh.at[pl.ds(base_r + k * C, C)],
                    num_hbm.at[cid, pl.ds(base_r + k * C, C)])

  @pl.when(cid == 0)
  def _den_out():
    pltpu.sync_copy(den_sh.at[pl.ds(base_r, RPT)],
                    den_hbm.at[pl.ds(base_r, RPT)])


def _sc_edge_pass(h_split, as_n, ad_n, edges):
  mesh = plsc.VectorSubcoreMesh(core_axis_name="c", subcore_axis_name="s",
                                num_cores=NC, num_subcores=NS)
  f = pl.kernel(
      _sc_edge_body,
      out_type=[jax.ShapeDtypeStruct((NC, NP, HH), _f32),
                jax.ShapeDtypeStruct((NP,), _f32)],
      mesh=mesh,
      compiler_params=pltpu.CompilerParams(needs_layout_passes=False,
                                           use_tc_tiling_on_sc=False),
      scratch_types=[
          pltpu.VMEM((NP,), _f32),
          pltpu.VMEM((NP,), _f32),
          pltpu.VMEM((CHUNKS, C), _i32),
      ] + [pltpu.VMEM((C,), _f32)] * K
        + [pltpu.VMEM((C,), _i32)] * K
        + [pltpu.VMEM((C,), _i32)] * K
        + [pltpu.VMEM((C, HH), _f32)] * K
        + [pltpu.VMEM((C, HH), _f32)] * K
        + [
          pltpu.VMEM_SHARED((NP, HH), _f32),
          pltpu.VMEM_SHARED((NP, HH), _f32),
          pltpu.VMEM_SHARED((NP,), _f32),
      ] + [pltpu.SemaphoreType.DMA] * (2 * K),
  )
  return f(h_split, as_n, ad_n, edges)



def _split_h(h):
  return jnp.stack([h[:, :HH], h[:, HH:]])


def _tc_pre_body(x_ref, w_ref, asv_ref, adv_ref, h_ref, as_ref, ad_ref):
  h = jnp.dot(x_ref[...], w_ref[...], preferred_element_type=_f32)
  h_ref[...] = _split_h(h)
  as_ref[...] = jnp.dot(h, asv_ref[...], preferred_element_type=_f32)
  ad_ref[...] = jnp.dot(h, adv_ref[...], preferred_element_type=_f32)


def _tc_pre(x, W, asv, adv):
  return pl.pallas_call(
      _tc_pre_body,
      out_shape=[jax.ShapeDtypeStruct((NC, NP, HH), _f32),
                 jax.ShapeDtypeStruct((NP, 1), _f32),
                 jax.ShapeDtypeStruct((NP, 1), _f32)],
  )(x, W, asv, adv)


def _bn_relu(num, den, b, g, be):
  s = jnp.concatenate([num[0], num[1]], axis=1)
  d = den
  o = s / (d + 1e-16) + b
  rid = lax.broadcasted_iota(_i32, (NP, 1), 0)
  valid = rid < N
  o = jnp.where(valid, o, 0.0)
  mu = jnp.sum(o, axis=0, keepdims=True) * (1.0 / N)
  xc = jnp.where(valid, o - mu, 0.0)
  var = jnp.sum(xc * xc, axis=0, keepdims=True) * (1.0 / N)
  y = g * xc * lax.rsqrt(var + 1e-5) + be
  y = jnp.maximum(y, 0.0)
  return jnp.where(valid, y, 0.0)


def _tc_mid_body(num_ref, den_ref, b_ref, g_ref, be_ref, w_ref, asv_ref,
                 adv_ref, h_ref, as_ref, ad_ref):
  y = _bn_relu(num_ref[...], den_ref[...], b_ref[...], g_ref[...], be_ref[...])
  h = jnp.dot(y, w_ref[...], preferred_element_type=_f32)
  h_ref[...] = _split_h(h)
  as_ref[...] = jnp.dot(h, asv_ref[...], preferred_element_type=_f32)
  ad_ref[...] = jnp.dot(h, adv_ref[...], preferred_element_type=_f32)


def _tc_mid(num, den, b, g, be, W, asv, adv):
  return pl.pallas_call(
      _tc_mid_body,
      out_shape=[jax.ShapeDtypeStruct((NC, NP, HH), _f32),
                 jax.ShapeDtypeStruct((NP, 1), _f32),
                 jax.ShapeDtypeStruct((NP, 1), _f32)],
  )(num, den, b, g, be, W, asv, adv)


def _tc_tail_body(num_ref, den_ref, b_ref, g_ref, be_ref, batch_ref,
                  h_ref, gp_ref):
  y = _bn_relu(num_ref[...], den_ref[...], b_ref[...], g_ref[...], be_ref[...])
  h_ref[...] = y
  P = (lax.broadcasted_iota(_i32, (NG, NP), 0) == batch_ref[...]).astype(_f32)
  sums = jnp.dot(P, y, preferred_element_type=_f32)
  cnt = jnp.sum(P, axis=1, keepdims=True)
  gp_ref[...] = sums / jnp.maximum(cnt, 1.0)


def _tc_tail(num, den, b, g, be, batch2d):
  return pl.pallas_call(
      _tc_tail_body,
      out_shape=[jax.ShapeDtypeStruct((NP, HID), _f32),
                 jax.ShapeDtypeStruct((NG, HID), _f32)],
  )(num, den, b, g, be, batch2d)



def kernel(x, edge_index, batch,
           W1, a_src1, a_dst1, b1, g1, be1,
           W2, a_src2, a_dst2, b2, g2, be2,
           W3, a_src3, a_dst3, b3, g3, be3):
  src = edge_index[0].astype(_i32)
  dst = edge_index[1].astype(_i32)
  loop = jnp.arange(N, dtype=_i32)
  pad = E_PAD - E_TOT
  srcp = jnp.concatenate([src, loop, jnp.zeros((pad,), _i32)])
  dstp = jnp.concatenate([dst, loop, jnp.full((pad,), N, _i32)])
  edges = (srcp * 16384 + dstp).reshape(NS, CHUNKS, C)

  x_pad = jnp.pad(x, ((0, NP - N), (0, 0)))
  batch2d = jnp.pad(batch.astype(_i32), (0, NP - N),
                    constant_values=-1).reshape(1, NP)

  def col(v):
    return v.reshape(HID, 1)

  def row(v):
    return v.reshape(1, HID)

  h1, as1, ad1 = _tc_pre(x_pad, W1, col(a_src1), col(a_dst1))
  num1, den1 = _sc_edge_pass(h1, as1.reshape(NP), ad1.reshape(NP), edges)
  h2, as2, ad2 = _tc_mid(num1, den1.reshape(NP, 1), row(b1), row(g1), row(be1),
                         W2, col(a_src2), col(a_dst2))
  num2, den2 = _sc_edge_pass(h2, as2.reshape(NP), ad2.reshape(NP), edges)
  h3, as3, ad3 = _tc_mid(num2, den2.reshape(NP, 1), row(b2), row(g2), row(be2),
                         W3, col(a_src3), col(a_dst3))
  num3, den3 = _sc_edge_pass(h3, as3.reshape(NP), ad3.reshape(NP), edges)
  y3, gpool = _tc_tail(num3, den3.reshape(NP, 1), row(b3), row(g3), row(be3),
                       batch2d)
  return (y3[:N], gpool)

# --- scband reference (transcript-rebuilt; emitter-appended) ---
"""Pipeline reference for scband-net-gat-80135499808835 (READ-ONLY COPY).

The authoritative reference and input builder live on the scoring server;
editing this copy changes nothing except your own understanding.
"""

import jax, jax.numpy as jnp
import numpy as np

N_NODES = 10000
N_EDGES = 320000
IN_CH = 128
HID = 64
NUM_GRAPHS = 64


def _gat_conv(x, edge_index, W, a_src, a_dst, b):
    N = x.shape[0]
    src = edge_index[0]
    dst = edge_index[1]
    # PyG GATConv adds self-loops by default
    loop = jnp.arange(N, dtype=src.dtype)
    src = jnp.concatenate([src, loop])
    dst = jnp.concatenate([dst, loop])
    h = x @ W  # [N, HID] (heads=1, concat)
    alpha_src = h @ a_src  # [N]
    alpha_dst = h @ a_dst  # [N]
    e = alpha_src[src] + alpha_dst[dst]
    e = jax.nn.leaky_relu(e, negative_slope=0.2)
    # segment softmax over incoming edges of each dst node
    e_max = jax.ops.segment_max(e, dst, num_segments=N)
    e_max = jax.lax.stop_gradient(jnp.where(jnp.isfinite(e_max), e_max, 0.0))
    ex = jnp.exp(e - e_max[dst])
    denom = jax.ops.segment_sum(ex, dst, num_segments=N)
    alpha = ex / (denom[dst] + 1e-16)
    msg = h[src] * alpha[:, None]
    out = jax.ops.segment_sum(msg, dst, num_segments=N)
    return out + b


def _bn_train(x, gamma, beta):
    mu = jnp.mean(x, axis=0)
    var = jnp.mean((x - mu) ** 2, axis=0)  # biased var, as torch BN uses for normalization
    return gamma * (x - mu) / jnp.sqrt(var + 1e-5) + beta


def setup_inputs(seed: int = 0) -> dict:
    key = jax.random.key(seed)
    ks = jax.random.split(key, 24)
    x = jax.random.normal(ks[0], (N_NODES, IN_CH), dtype=jnp.float32)
    edge_index = jax.random.randint(ks[1], (2, N_EDGES), 0, N_NODES, dtype=jnp.int64 if jax.config.jax_enable_x64 else jnp.int32)
    batch = jnp.sort(jax.random.randint(ks[2], (N_NODES,), 0, NUM_GRAPHS))
    d = {"x": x, "edge_index": edge_index, "batch": batch}
    dims = [(IN_CH, HID), (HID, HID), (HID, HID)]
    for i, (di, do) in enumerate(dims, start=1):
        k0 = jax.random.fold_in(key, 100 + i)
        kk = jax.random.split(k0, 6)
        d[f"W{i}"] = jax.random.normal(kk[0], (di, do), dtype=jnp.float32) * (1.0 / np.sqrt(di))
        d[f"a_src{i}"] = jax.random.normal(kk[1], (do,), dtype=jnp.float32) * 0.1
        d[f"a_dst{i}"] = jax.random.normal(kk[2], (do,), dtype=jnp.float32) * 0.1
        d[f"b{i}"] = jnp.zeros((do,), dtype=jnp.float32)
        d[f"g{i}"] = jnp.ones((do,), dtype=jnp.float32)
        d[f"be{i}"] = jnp.zeros((do,), dtype=jnp.float32)
    return d


def reference(x, edge_index, batch,
              W1, a_src1, a_dst1, b1, g1, be1,
              W2, a_src2, a_dst2, b2, g2, be2,
              W3, a_src3, a_dst3, b3, g3, be3):
    h = jax.nn.relu(_bn_train(_gat_conv(x, edge_index, W1, a_src1, a_dst1, b1), g1, be1))
    h = jax.nn.relu(_bn_train(_gat_conv(h, edge_index, W2, a_src2, a_dst2, b2), g2, be2))
    h = jax.nn.relu(_bn_train(_gat_conv(h, edge_index, W3, a_src3, a_dst3, b3), g3, be3))
    # global_mean_pool
    sums = jax.ops.segment_sum(h, batch, num_segments=NUM_GRAPHS)
    cnt = jax.ops.segment_sum(jnp.ones((h.shape[0],), dtype=h.dtype), batch, num_segments=NUM_GRAPHS)
    gpool = sums / jnp.maximum(cnt, 1.0)[:, None]
    return (h, gpool)

if __name__ == "__main__":
    import jax
    _d = setup_inputs()
    print(jax.jit(kernel)(*tuple(_d.values())))

</pallas_src>

<mosaic_0001>
#map = affine_map<(d0, d1) -> (0, 0, 0)>
#map1 = affine_map<(d0, d1) -> (0)>
module attributes {stable_mosaic.version = 14 : i64} {
  func.func @_sc_edge_body(%arg0: i32, %arg1: i32, %arg2: memref<2x10240x32xf32, #tpu.memory_space<hbm>>, %arg3: memref<10240xf32, #tpu.memory_space<hbm>>, %arg4: memref<10240xf32, #tpu.memory_space<hbm>>, %arg5: memref<16x162x128xi32, #tpu.memory_space<hbm>>, %arg6: memref<2x10240x32xf32, #tpu.memory_space<hbm>>, %arg7: memref<10240xf32, #tpu.memory_space<hbm>>, %arg8: memref<10240xf32, #tpu.memory_space<vmem>>, %arg9: memref<10240xf32, #tpu.memory_space<vmem>>, %arg10: memref<162x128xi32, #tpu.memory_space<vmem>>, %arg11: memref<128xf32, #tpu.memory_space<vmem>>, %arg12: memref<128xf32, #tpu.memory_space<vmem>>, %arg13: memref<128xi32, #tpu.memory_space<vmem>>, %arg14: memref<128xi32, #tpu.memory_space<vmem>>, %arg15: memref<128xi32, #tpu.memory_space<vmem>>, %arg16: memref<128xi32, #tpu.memory_space<vmem>>, %arg17: memref<128x32xf32, #tpu.memory_space<vmem>>, %arg18: memref<128x32xf32, #tpu.memory_space<vmem>>, %arg19: memref<128x32xf32, #tpu.memory_space<vmem>>, %arg20: memref<128x32xf32, #tpu.memory_space<vmem>>, %arg21: memref<10240x32xf32, #tpu.memory_space<vmem_shared>>, %arg22: memref<10240x32xf32, #tpu.memory_space<vmem_shared>>, %arg23: memref<10240xf32, #tpu.memory_space<vmem_shared>>, %arg24: memref<!tpu.dma_semaphore, #tpu.memory_space<semaphore_mem>>, %arg25: memref<!tpu.dma_semaphore, #tpu.memory_space<semaphore_mem>>, %arg26: memref<!tpu.dma_semaphore, #tpu.memory_space<semaphore_mem>>, %arg27: memref<!tpu.dma_semaphore, #tpu.memory_space<semaphore_mem>>) attributes {dimension_semantics = [#tpu.dimension_semantics<core_parallel>, #tpu.dimension_semantics<subcore_parallel>], iteration_bounds = array<i64: 2, 16>, scalar_prefetch = 0 : i64, scratch_operands = 20 : i64, tpu.core_type = #tpu.core_type<sc_vector_subcore>, window_params = [{transform_indices = #map}, {transform_indices = #map1}, {transform_indices = #map1}, {transform_indices = #map}, {transform_indices = #map}, {transform_indices = #map1}]} {
    "tpu.region"() ({
      %run_scoped3A = tpu.sem_alloc : memref<!tpu.dma_semaphore, #tpu.memory_space<semaphore_mem>>
      tpu.enqueue_dma source(%arg3 : memref<10240xf32, #tpu.memory_space<hbm>>) target(%arg8 : memref<10240xf32, #tpu.memory_space<vmem>>) target_semaphore(%run_scoped3A : memref<!tpu.dma_semaphore, #tpu.memory_space<semaphore_mem>>)
      tpu.wait_dma2 semaphore(%run_scoped3A : memref<!tpu.dma_semaphore, #tpu.memory_space<semaphore_mem>>) src(%arg3 : memref<10240xf32, #tpu.memory_space<hbm>>) dst(%arg8 : memref<10240xf32, #tpu.memory_space<vmem>>)
      tpu.yield
    }) : () -> ()
    "tpu.region"() ({
      %run_scoped3A = tpu.sem_alloc : memref<!tpu.dma_semaphore, #tpu.memory_space<semaphore_mem>>
      tpu.enqueue_dma source(%arg4 : memref<10240xf32, #tpu.memory_space<hbm>>) target(%arg9 : memref<10240xf32, #tpu.memory_space<vmem>>) target_semaphore(%run_scoped3A : memref<!tpu.dma_semaphore, #tpu.memory_space<semaphore_mem>>)
      tpu.wait_dma2 semaphore(%run_scoped3A : memref<!tpu.dma_semaphore, #tpu.memory_space<semaphore_mem>>) src(%arg4 : memref<10240xf32, #tpu.memory_space<hbm>>) dst(%arg9 : memref<10240xf32, #tpu.memory_space<vmem>>)
      tpu.yield
    }) : () -> ()
    "tpu.region"() ({
      %run_scoped3A = tpu.sem_alloc : memref<!tpu.dma_semaphore, #tpu.memory_space<semaphore_mem>>
      %dma_start3A = arith.constant 0 : i32
      %dma_start3A_61 = arith.constant 0 : i32
      %dma_start3A_62 = tpu.memref_slice %arg5[%arg1, %dma_start3A, %dma_start3A_61] : memref<16x162x128xi32, #tpu.memory_space<hbm>> -> memref<1x162x128xi32, #tpu.memory_space<hbm>>
      %dma_start3A_63 = tpu.memref_squeeze %dma_start3A_62 : memref<1x162x128xi32, #tpu.memory_space<hbm>> -> memref<162x128xi32, #tpu.memory_space<hbm>>
      %dma_start3A_64 = arith.constant 0 : i32
      %dma_start3A_65 = arith.constant 0 : i32
      %dma_start3A_66 = tpu.memref_slice %arg5[%arg1, %dma_start3A_64, %dma_start3A_65] : memref<16x162x128xi32, #tpu.memory_space<hbm>> -> memref<1x162x128xi32, #tpu.memory_space<hbm>>
      %dma_start3A_67 = tpu.memref_squeeze %dma_start3A_66 : memref<1x162x128xi32, #tpu.memory_space<hbm>> -> memref<162x128xi32, #tpu.memory_space<hbm>>
      tpu.enqueue_dma source(%dma_start3A_67 : memref<162x128xi32, #tpu.memory_space<hbm>>) target(%arg10 : memref<162x128xi32, #tpu.memory_space<vmem>>) target_semaphore(%run_scoped3A : memref<!tpu.dma_semaphore, #tpu.memory_space<semaphore_mem>>)
      %dma_wait3A = arith.constant 0 : i32
      %dma_wait3A_68 = arith.constant 0 : i32
      %dma_wait3A_69 = tpu.memref_slice %arg5[%arg1, %dma_wait3A, %dma_wait3A_68] : memref<16x162x128xi32, #tpu.memory_space<hbm>> -> memref<1x162x128xi32, #tpu.memory_space<hbm>>
      %dma_wait3A_70 = tpu.memref_squeeze %dma_wait3A_69 : memref<1x162x128xi32, #tpu.memory_space<hbm>> -> memref<162x128xi32, #tpu.memory_space<hbm>>
      %dma_wait3A_71 = arith.constant 0 : i32
      %dma_wait3A_72 = arith.constant 0 : i32
      %dma_wait3A_73 = tpu.memref_slice %arg5[%arg1, %dma_wait3A_71, %dma_wait3A_72] : memref<16x162x128xi32, #tpu.memory_space<hbm>> -> memref<1x162x128xi32, #tpu.memory_space<hbm>>
      %dma_wait3A_74 = tpu.memref_squeeze %dma_wait3A_73 : memref<1x162x128xi32, #tpu.memory_space<hbm>> -> memref<162x128xi32, #tpu.memory_space<hbm>>
      tpu.wait_dma2 semaphore(%run_scoped3A : memref<!tpu.dma_semaphore, #tpu.memory_space<semaphore_mem>>) src(%dma_wait3A_74 : memref<162x128xi32, #tpu.memory_space<hbm>>) dst(%arg10 : memref<162x128xi32, #tpu.memory_space<vmem>>)
      tpu.yield
    }) : () -> ()
    %mul3A = arith.constant 640 : i32
    %mul3A_0 = arith.muli %arg1, %mul3A : i32
    "tpu.region"() ({
      %run_scoped3A = tpu.sem_alloc : memref<!tpu.dma_semaphore, #tpu.memory_space<semaphore_mem>>
      %dma_start3A = arith.constant 0 : i32
      %dma_start3A_61 = tpu.memref_slice %arg21[%mul3A_0, %dma_start3A] : memref<10240x32xf32, #tpu.memory_space<vmem_shared>> -> memref<640x32xf32, #tpu.memory_space<vmem_shared>>
      %dma_start3A_62 = arith.constant 0 : i32
      %dma_start3A_63 = tpu.memref_slice %arg2[%arg0, %mul3A_0, %dma_start3A_62] : memref<2x10240x32xf32, #tpu.memory_space<hbm>> -> memref<1x640x32xf32, #tpu.memory_space<hbm>>
      %dma_start3A_64 = tpu.memref_squeeze %dma_start3A_63 : memref<1x640x32xf32, #tpu.memory_space<hbm>> -> memref<640x32xf32, #tpu.memory_space<hbm>>
      tpu.enqueue_dma source(%dma_start3A_64 : memref<640x32xf32, #tpu.memory_space<hbm>>) target(%dma_start3A_61 : memref<640x32xf32, #tpu.memory_space<vmem_shared>>) target_semaphore(%run_scoped3A : memref<!tpu.dma_semaphore, #tpu.memory_space<semaphore_mem>>)
      %dma_wait3A = arith.constant 0 : i32
      %dma_wait3A_65 = tpu.memref_slice %arg21[%mul3A_0, %dma_wait3A] : memref<10240x32xf32, #tpu.memory_space<vmem_shared>> -> memref<640x32xf32, #tpu.memory_space<vmem_shared>>
      %dma_wait3A_66 = arith.constant 0 : i32
      %dma_wait3A_67 = tpu.memref_slice %arg2[%arg0, %mul3A_0, %dma_wait3A_66] : memref<2x10240x32xf32, #tpu.memory_space<hbm>> -> memref<1x640x32xf32, #tpu.memory_space<hbm>>
      %dma_wait3A_68 = tpu.memref_squeeze %dma_wait3A_67 : memref<1x640x32xf32, #tpu.memory_space<hbm>> -> memref<640x32xf32, #tpu.memory_space<hbm>>
      tpu.wait_dma2 semaphore(%run_scoped3A : memref<!tpu.dma_semaphore, #tpu.memory_space<semaphore_mem>>) src(%dma_wait3A_68 : memref<640x32xf32, #tpu.memory_space<hbm>>) dst(%dma_wait3A_65 : memref<640x32xf32, #tpu.memory_space<vmem_shared>>)
      tpu.yield
    }) : () -> ()
    %broadcast_in_dim3A = arith.constant 0.000000e+00 : f32
    %broadcast_in_dim3A_1 = vector.broadcast %broadcast_in_dim3A : f32 to vector<16xf32>
    %scan3A = arith.constant 0 : i32
    %scan3A_2 = arith.constant 0 : i32
    %scan3A_3 = arith.constant 128 : i32
    %scan3A_4 = arith.addi %scan3A_2, %scan3A_3 : i32
    %scan3A_5 = arith.constant 1 : i32
    scf.for %scan3A_61 = %scan3A_2 to %scan3A_4 step %scan3A_5  : i32 {
      %swap3A = arith.index_cast %scan3A_61 : i32 to index
      %swap3A_62 = arith.constant 0 : index
      %swap3A_63 = tpu.vector_load %arg19[%swap3A, %swap3A_62] {strides = array<i32>} : memref<128x32xf32, #tpu.memory_space<vmem>>, vector<16xf32>,
      tpu.vector_store %arg19[%swap3A, %swap3A_62], %broadcast_in_dim3A_1 {strides = array<i32>} : memref<128x32xf32, #tpu.memory_space<vmem>>, vector<16xf32>,
      %swap3A_64 = arith.index_cast %scan3A_61 : i32 to index
      %swap3A_65 = arith.constant 16 : index
      %swap3A_66 = tpu.vector_load %arg19[%swap3A_64, %swap3A_65] {strides = array<i32>} : memref<128x32xf32, #tpu.memory_space<vmem>>, vector<16xf32>,
      tpu.vector_store %arg19[%swap3A_64, %swap3A_65], %broadcast_in_dim3A_1 {strides = array<i32>} : memref<128x32xf32, #tpu.memory_space<vmem>>, vector<16xf32>,
    }
    %scan3A_6 = arith.constant 128 : i32
    %scan3A_7 = arith.constant 0 : i32
    %scan3A_8 = arith.constant 0 : i32
    %scan3A_9 = arith.constant 8 : i32
    %scan3A_10 = arith.addi %scan3A_8, %scan3A_9 : i32
    %scan3A_11 = arith.constant 1 : i32
    scf.for %scan3A_61 = %scan3A_8 to %scan3A_10 step %scan3A_11  : i32 {
      %mul3A_62 = arith.constant 16 : i32
      %mul3A_63 = arith.muli %scan3A_61, %mul3A_62 : i32
      %swap3A = arith.index_cast %mul3A_63 : i32 to index
      %swap3A_64 = tpu.vector_load %arg11[%swap3A] {strides = array<i32>} : memref<128xf32, #tpu.memory_space<vmem>>, vector<16xf32>,
      tpu.vector_store %arg11[%swap3A], %broadcast_in_dim3A_1 {strides = array<i32>} : memref<128xf32, #tpu.memory_space<vmem>>, vector<16xf32>,
    }
    %scan3A_12 = arith.constant 8 : i32
    %add3A = arith.constant 0 : i32
    %add3A_13 = arith.addi %mul3A_0, %add3A : i32
    "tpu.region"() ({
      %run_scoped3A = tpu.sem_alloc : memref<!tpu.dma_semaphore, #tpu.memory_space<semaphore_mem>>
      %dma_start3A = arith.constant 0 : i32
      %dma_start3A_61 = tpu.memref_slice %arg22[%add3A_13, %dma_start3A] : memref<10240x32xf32, #tpu.memory_space<vmem_shared>> -> memref<128x32xf32, #tpu.memory_space<vmem_shared>>
      %dma_start3A_62 = arith.constant 0 : i32
      %dma_start3A_63 = tpu.memref_slice %arg22[%add3A_13, %dma_start3A_62] : memref<10240x32xf32, #tpu.memory_space<vmem_shared>> -> memref<128x32xf32, #tpu.memory_space<vmem_shared>>
      tpu.enqueue_dma source(%arg19 : memref<128x32xf32, #tpu.memory_space<vmem>>) target(%dma_start3A_63 : memref<128x32xf32, #tpu.memory_space<vmem_shared>>) target_semaphore(%run_scoped3A : memref<!tpu.dma_semaphore, #tpu.memory_space<semaphore_mem>>)
      %dma_wait3A = arith.constant 0 : i32
      %dma_wait3A_64 = tpu.memref_slice %arg22[%add3A_13, %dma_wait3A] : memref<10240x32xf32, #tpu.memory_space<vmem_shared>> -> memref<128x32xf32, #tpu.memory_space<vmem_shared>>
      %dma_wait3A_65 = arith.constant 0 : i32
      %dma_wait3A_66 = tpu.memref_slice %arg22[%add3A_13, %dma_wait3A_65] : memref<10240x32xf32, #tpu.memory_space<vmem_shared>> -> memref<128x32xf32, #tpu.memory_space<vmem_shared>>
      tpu.wait_dma2 semaphore(%run_scoped3A : memref<!tpu.dma_semaphore, #tpu.memory_space<semaphore_mem>>) src(%arg19 : memref<128x32xf32, #tpu.memory_space<vmem>>) dst(%dma_wait3A_66 : memref<128x32xf32, #tpu.memory_space<vmem_shared>>)
      tpu.yield
    }) : () -> ()
    %add3A_14 = arith.constant 0 : i32
    %add3A_15 = arith.addi %mul3A_0, %add3A_14 : i32
    "tpu.region"() ({
      %run_scoped3A = tpu.sem_alloc : memref<!tpu.dma_semaphore, #tpu.memory_space<semaphore_mem>>
      %dma_start3A = tpu.memref_slice %arg23[%add3A_15] : memref<10240xf32, #tpu.memory_space<vmem_shared>> -> memref<128xf32, #tpu.memory_space<vmem_shared>>
      %dma_start3A_61 = tpu.memref_slice %arg23[%add3A_15] : memref<10240xf32, #tpu.memory_space<vmem_shared>> -> memref<128xf32, #tpu.memory_space<vmem_shared>>
      tpu.enqueue_dma source(%arg11 : memref<128xf32, #tpu.memory_space<vmem>>) target(%dma_start3A_61 : memref<128xf32, #tpu.memory_space<vmem_shared>>) target_semaphore(%run_scoped3A : memref<!tpu.dma_semaphore, #tpu.memory_space<semaphore_mem>>)
      %dma_wait3A = tpu.memref_slice %arg23[%add3A_15] : memref<10240xf32, #tpu.memory_space<vmem_shared>> -> memref<128xf32, #tpu.memory_space<vmem_shared>>
      %dma_wait3A_62 = tpu.memref_slice %arg23[%add3A_15] : memref<10240xf32, #tpu.memory_space<vmem_shared>> -> memref<128xf32, #tpu.memory_space<vmem_shared>>
      tpu.wait_dma2 semaphore(%run_scoped3A : memref<!tpu.dma_semaphore, #tpu.memory_space<semaphore_mem>>) src(%arg11 : memref<128xf32, #tpu.memory_space<vmem>>) dst(%dma_wait3A_62 : memref<128xf32, #tpu.memory_space<vmem_shared>>)
      tpu.yield
    }) : () -> ()
    %add3A_16 = arith.constant 128 : i32
    %add3A_17 = arith.addi %mul3A_0, %add3A_16 : i32
    "tpu.region"() ({
      %run_scoped3A = tpu.sem_alloc : memref<!tpu.dma_semaphore, #tpu.memory_space<semaphore_mem>>
      %dma_start3A = arith.constant 0 : i32
      %dma_start3A_61 = tpu.memref_slice %arg22[%add3A_17, %dma_start3A] : memref<10240x32xf32, #tpu.memory_space<vmem_shared>> -> memref<128x32xf32, #tpu.memory_space<vmem_shared>>
      %dma_start3A_62 = arith.constant 0 : i32
      %dma_start3A_63 = tpu.memref_slice %arg22[%add3A_17, %dma_start3A_62] : memref<10240x32xf32, #tpu.memory_space<vmem_shared>> -> memref<128x32xf32, #tpu.memory_space<vmem_shared>>
      tpu.enqueue_dma source(%arg19 : memref<128x32xf32, #tpu.memory_space<vmem>>) target(%dma_start3A_63 : memref<128x32xf32, #tpu.memory_space<vmem_shared>>) target_semaphore(%run_scoped3A : memref<!tpu.dma_semaphore, #tpu.memory_space<semaphore_mem>>)
      %dma_wait3A = arith.constant 0 : i32
      %dma_wait3A_64 = tpu.memref_slice %arg22[%add3A_17, %dma_wait3A] : memref<10240x32xf32, #tpu.memory_space<vmem_shared>> -> memref<128x32xf32, #tpu.memory_space<vmem_shared>>
      %dma_wait3A_65 = arith.constant 0 : i32
      %dma_wait3A_66 = tpu.memref_slice %arg22[%add3A_17, %dma_wait3A_65] : memref<10240x32xf32, #tpu.memory_space<vmem_shared>> -> memref<128x32xf32, #tpu.memory_space<vmem_shared>>
      tpu.wait_dma2 semaphore(%run_scoped3A : memref<!tpu.dma_semaphore, #tpu.memory_space<semaphore_mem>>) src(%arg19 : memref<128x32xf32, #tpu.memory_space<vmem>>) dst(%dma_wait3A_66 : memref<128x32xf32, #tpu.memory_space<vmem_shared>>)
      tpu.yield
    }) : () -> ()
    %add3A_18 = arith.constant 128 : i32
    %add3A_19 = arith.addi %mul3A_0, %add3A_18 : i32
    "tpu.region"() ({
      %run_scoped3A = tpu.sem_alloc : memref<!tpu.dma_semaphore, #tpu.memory_space<semaphore_mem>>
      %dma_start3A = tpu.memref_slice %arg23[%add3A_19] : memref<10240xf32, #tpu.memory_space<vmem_shared>> -> memref<128xf32, #tpu.memory_space<vmem_shared>>
      %dma_start3A_61 = tpu.memref_slice %arg23[%add3A_19] : memref<10240xf32, #tpu.memory_space<vmem_shared>> -> memref<128xf32, #tpu.memory_space<vmem_shared>>
      tpu.enqueue_dma source(%arg11 : memref<128xf32, #tpu.memory_space<vmem>>) target(%dma_start3A_61 : memref<128xf32, #tpu.memory_space<vmem_shared>>) target_semaphore(%run_scoped3A : memref<!tpu.dma_semaphore, #tpu.memory_space<semaphore_mem>>)
      %dma_wait3A = tpu.memref_slice %arg23[%add3A_19] : memref<10240xf32, #tpu.memory_space<vmem_shared>> -> memref<128xf32, #tpu.memory_space<vmem_shared>>
      %dma_wait3A_62 = tpu.memref_slice %arg23[%add3A_19] : memref<10240xf32, #tpu.memory_space<vmem_shared>> -> memref<128xf32, #tpu.memory_space<vmem_shared>>
      tpu.wait_dma2 semaphore(%run_scoped3A : memref<!tpu.dma_semaphore, #tpu.memory_space<semaphore_mem>>) src(%arg11 : memref<128xf32, #tpu.memory_space<vmem>>) dst(%dma_wait3A_62 : memref<128xf32, #tpu.memory_space<vmem_shared>>)
      tpu.yield
    }) : () -> ()
    %add3A_20 = arith.constant 256 : i32
    %add3A_21 = arith.addi %mul3A_0, %add3A_20 : i32
    "tpu.region"() ({
      %run_scoped3A = tpu.sem_alloc : memref<!tpu.dma_semaphore, #tpu.memory_space<semaphore_mem>>
      %dma_start3A = arith.constant 0 : i32
      %dma_start3A_61 = tpu.memref_slice %arg22[%add3A_21, %dma_start3A] : memref<10240x32xf32, #tpu.memory_space<vmem_shared>> -> memref<128x32xf32, #tpu.memory_space<vmem_shared>>
      %dma_start3A_62 = arith.constant 0 : i32
      %dma_start3A_63 = tpu.memref_slice %arg22[%add3A_21, %dma_start3A_62] : memref<10240x32xf32, #tpu.memory_space<vmem_shared>> -> memref<128x32xf32, #tpu.memory_space<vmem_shared>>
      tpu.enqueue_dma source(%arg19 : memref<128x32xf32, #tpu.memory_space<vmem>>) target(%dma_start3A_63 : memref<128x32xf32, #tpu.memory_space<vmem_shared>>) target_semaphore(%run_scoped3A : memref<!tpu.dma_semaphore, #tpu.memory_space<semaphore_mem>>)
      %dma_wait3A = arith.constant 0 : i32
      %dma_wait3A_64 = tpu.memref_slice %arg22[%add3A_21, %dma_wait3A] : memref<10240x32xf32, #tpu.memory_space<vmem_shared>> -> memref<128x32xf32, #tpu.memory_space<vmem_shared>>
      %dma_wait3A_65 = arith.constant 0 : i32
      %dma_wait3A_66 = tpu.memref_slice %arg22[%add3A_21, %dma_wait3A_65] : memref<10240x32xf32, #tpu.memory_space<vmem_shared>> -> memref<128x32xf32, #tpu.memory_space<vmem_shared>>
      tpu.wait_dma2 semaphore(%run_scoped3A : memref<!tpu.dma_semaphore, #tpu.memory_space<semaphore_mem>>) src(%arg19 : memref<128x32xf32, #tpu.memory_space<vmem>>) dst(%dma_wait3A_66 : memref<128x32xf32, #tpu.memory_space<vmem_shared>>)
      tpu.yield
    }) : () -> ()
    %add3A_22 = arith.constant 256 : i32
    %add3A_23 = arith.addi %mul3A_0, %add3A_22 : i32
    "tpu.region"() ({
      %run_scoped3A = tpu.sem_alloc : memref<!tpu.dma_semaphore, #tpu.memory_space<semaphore_mem>>
      %dma_start3A = tpu.memref_slice %arg23[%add3A_23] : memref<10240xf32, #tpu.memory_space<vmem_shared>> -> memref<128xf32, #tpu.memory_space<vmem_shared>>
      %dma_start3A_61 = tpu.memref_slice %arg23[%add3A_23] : memref<10240xf32, #tpu.memory_space<vmem_shared>> -> memref<128xf32, #tpu.memory_space<vmem_shared>>
      tpu.enqueue_dma source(%arg11 : memref<128xf32, #tpu.memory_space<vmem>>) target(%dma_start3A_61 : memref<128xf32, #tpu.memory_space<vmem_shared>>) target_semaphore(%run_scoped3A : memref<!tpu.dma_semaphore, #tpu.memory_space<semaphore_mem>>)
      %dma_wait3A = tpu.memref_slice %arg23[%add3A_23] : memref<10240xf32, #tpu.memory_space<vmem_shared>> -> memref<128xf32, #tpu.memory_space<vmem_shared>>
      %dma_wait3A_62 = tpu.memref_slice %arg23[%add3A_23] : memref<10240xf32, #tpu.memory_space<vmem_shared>> -> memref<128xf32, #tpu.memory_space<vmem_shared>>
      tpu.wait_dma2 semaphore(%run_scoped3A : memref<!tpu.dma_semaphore, #tpu.memory_space<semaphore_mem>>) src(%arg11 : memref<128xf32, #tpu.memory_space<vmem>>) dst(%dma_wait3A_62 : memref<128xf32, #tpu.memory_space<vmem_shared>>)
      tpu.yield
    }) : () -> ()
    %add3A_24 = arith.constant 384 : i32
    %add3A_25 = arith.addi %mul3A_0, %add3A_24 : i32
    "tpu.region"() ({
      %run_scoped3A = tpu.sem_alloc : memref<!tpu.dma_semaphore, #tpu.memory_space<semaphore_mem>>
      %dma_start3A = arith.constant 0 : i32
      %dma_start3A_61 = tpu.memref_slice %arg22[%add3A_25, %dma_start3A] : memref<10240x32xf32, #tpu.memory_space<vmem_shared>> -> memref<128x32xf32, #tpu.memory_space<vmem_shared>>
      %dma_start3A_62 = arith.constant 0 : i32
      %dma_start3A_63 = tpu.memref_slice %arg22[%add3A_25, %dma_start3A_62] : memref<10240x32xf32, #tpu.memory_space<vmem_shared>> -> memref<128x32xf32, #tpu.memory_space<vmem_shared>>
      tpu.enqueue_dma source(%arg19 : memref<128x32xf32, #tpu.memory_space<vmem>>) target(%dma_start3A_63 : memref<128x32xf32, #tpu.memory_space<vmem_shared>>) target_semaphore(%run_scoped3A : memref<!tpu.dma_semaphore, #tpu.memory_space<semaphore_mem>>)
      %dma_wait3A = arith.constant 0 : i32
      %dma_wait3A_64 = tpu.memref_slice %arg22[%add3A_25, %dma_wait3A] : memref<10240x32xf32, #tpu.memory_space<vmem_shared>> -> memref<128x32xf32, #tpu.memory_space<vmem_shared>>
      %dma_wait3A_65 = arith.constant 0 : i32
      %dma_wait3A_66 = tpu.memref_slice %arg22[%add3A_25, %dma_wait3A_65] : memref<10240x32xf32, #tpu.memory_space<vmem_shared>> -> memref<128x32xf32, #tpu.memory_space<vmem_shared>>
      tpu.wait_dma2 semaphore(%run_scoped3A : memref<!tpu.dma_semaphore, #tpu.memory_space<semaphore_mem>>) src(%arg19 : memref<128x32xf32, #tpu.memory_space<vmem>>) dst(%dma_wait3A_66 : memref<128x32xf32, #tpu.memory_space<vmem_shared>>)
      tpu.yield
    }) : () -> ()
    %add3A_26 = arith.constant 384 : i32
    %add3A_27 = arith.addi %mul3A_0, %add3A_26 : i32
    "tpu.region"() ({
      %run_scoped3A = tpu.sem_alloc : memref<!tpu.dma_semaphore, #tpu.memory_space<semaphore_mem>>
      %dma_start3A = tpu.memref_slice %arg23[%add3A_27] : memref<10240xf32, #tpu.memory_space<vmem_shared>> -> memref<128xf32, #tpu.memory_space<vmem_shared>>
      %dma_start3A_61 = tpu.memref_slice %arg23[%add3A_27] : memref<10240xf32, #tpu.memory_space<vmem_shared>> -> memref<128xf32, #tpu.memory_space<vmem_shared>>
      tpu.enqueue_dma source(%arg11 : memref<128xf32, #tpu.memory_space<vmem>>) target(%dma_start3A_61 : memref<128xf32, #tpu.memory_space<vmem_shared>>) target_semaphore(%run_scoped3A : memref<!tpu.dma_semaphore, #tpu.memory_space<semaphore_mem>>)
      %dma_wait3A = tpu.memref_slice %arg23[%add3A_27] : memref<10240xf32, #tpu.memory_space<vmem_shared>> -> memref<128xf32, #tpu.memory_space<vmem_shared>>
      %dma_wait3A_62 = tpu.memref_slice %arg23[%add3A_27] : memref<10240xf32, #tpu.memory_space<vmem_shared>> -> memref<128xf32, #tpu.memory_space<vmem_shared>>
      tpu.wait_dma2 semaphore(%run_scoped3A : memref<!tpu.dma_semaphore, #tpu.memory_space<semaphore_mem>>) src(%arg11 : memref<128xf32, #tpu.memory_space<vmem>>) dst(%dma_wait3A_62 : memref<128xf32, #tpu.memory_space<vmem_shared>>)
      tpu.yield
    }) : () -> ()
    %add3A_28 = arith.constant 512 : i32
    %add3A_29 = arith.addi %mul3A_0, %add3A_28 : i32
    "tpu.region"() ({
      %run_scoped3A = tpu.sem_alloc : memref<!tpu.dma_semaphore, #tpu.memory_space<semaphore_mem>>
      %dma_start3A = arith.constant 0 : i32
      %dma_start3A_61 = tpu.memref_slice %arg22[%add3A_29, %dma_start3A] : memref<10240x32xf32, #tpu.memory_space<vmem_shared>> -> memref<128x32xf32, #tpu.memory_space<vmem_shared>>
      %dma_start3A_62 = arith.constant 0 : i32
      %dma_start3A_63 = tpu.memref_slice %arg22[%add3A_29, %dma_start3A_62] : memref<10240x32xf32, #tpu.memory_space<vmem_shared>> -> memref<128x32xf32, #tpu.memory_space<vmem_shared>>
      tpu.enqueue_dma source(%arg19 : memref<128x32xf32, #tpu.memory_space<vmem>>) target(%dma_start3A_63 : memref<128x32xf32, #tpu.memory_space<vmem_shared>>) target_semaphore(%run_scoped3A : memref<!tpu.dma_semaphore, #tpu.memory_space<semaphore_mem>>)
      %dma_wait3A = arith.constant 0 : i32
      %dma_wait3A_64 = tpu.memref_slice %arg22[%add3A_29, %dma_wait3A] : memref<10240x32xf32, #tpu.memory_space<vmem_shared>> -> memref<128x32xf32, #tpu.memory_space<vmem_shared>>
      %dma_wait3A_65 = arith.constant 0 : i32
      %dma_wait3A_66 = tpu.memref_slice %arg22[%add3A_29, %dma_wait3A_65] : memref<10240x32xf32, #tpu.memory_space<vmem_shared>> -> memref<128x32xf32, #tpu.memory_space<vmem_shared>>
      tpu.wait_dma2 semaphore(%run_scoped3A : memref<!tpu.dma_semaphore, #tpu.memory_space<semaphore_mem>>) src(%arg19 : memref<128x32xf32, #tpu.memory_space<vmem>>) dst(%dma_wait3A_66 : memref<128x32xf32, #tpu.memory_space<vmem_shared>>)
      tpu.yield
    }) : () -> ()
    %add3A_30 = arith.constant 512 : i32
    %add3A_31 = arith.addi %mul3A_0, %add3A_30 : i32
    "tpu.region"() ({
      %run_scoped3A = tpu.sem_alloc : memref<!tpu.dma_semaphore, #tpu.memory_space<semaphore_mem>>
      %dma_start3A = tpu.memref_slice %arg23[%add3A_31] : memref<10240xf32, #tpu.memory_space<vmem_shared>> -> memref<128xf32, #tpu.memory_space<vmem_shared>>
      %dma_start3A_61 = tpu.memref_slice %arg23[%add3A_31] : memref<10240xf32, #tpu.memory_space<vmem_shared>> -> memref<128xf32, #tpu.memory_space<vmem_shared>>
      tpu.enqueue_dma source(%arg11 : memref<128xf32, #tpu.memory_space<vmem>>) target(%dma_start3A_61 : memref<128xf32, #tpu.memory_space<vmem_shared>>) target_semaphore(%run_scoped3A : memref<!tpu.dma_semaphore, #tpu.memory_space<semaphore_mem>>)
      %dma_wait3A = tpu.memref_slice %arg23[%add3A_31] : memref<10240xf32, #tpu.memory_space<vmem_shared>> -> memref<128xf32, #tpu.memory_space<vmem_shared>>
      %dma_wait3A_62 = tpu.memref_slice %arg23[%add3A_31] : memref<10240xf32, #tpu.memory_space<vmem_shared>> -> memref<128xf32, #tpu.memory_space<vmem_shared>>
      tpu.wait_dma2 semaphore(%run_scoped3A : memref<!tpu.dma_semaphore, #tpu.memory_space<semaphore_mem>>) src(%arg11 : memref<128xf32, #tpu.memory_space<vmem>>) dst(%dma_wait3A_62 : memref<128xf32, #tpu.memory_space<vmem_shared>>)
      tpu.yield
    }) : () -> ()
    %barrier3A = arith.constant 0 : index
    tpu.barrier barrier_id(%barrier3A)
    %scan3A_32 = arith.constant 0 : i32
    %scan3A_33 = arith.constant 0 : i32
    %scan3A_34 = arith.constant 81 : i32
    %scan3A_35 = arith.addi %scan3A_33, %scan3A_34 : i32
    %scan3A_36 = arith.constant 1 : i32
    scf.for %scan3A_61 = %scan3A_33 to %scan3A_35 step %scan3A_36  : i32 {
      %mul3A_62 = arith.constant 2 : i32
      %mul3A_63 = arith.muli %scan3A_61, %mul3A_62 : i32
      %add3A_64 = arith.constant 0 : i32
      %add3A_65 = arith.addi %mul3A_63, %add3A_64 : i32
      %get3A = arith.index_cast %add3A_65 : i32 to index
      %get3A_66 = arith.constant 0 : index
      %get3A_67 = tpu.vector_load %arg10[%get3A, %get3A_66] {strides = array<i32>} : memref<162x128xi32, #tpu.memory_space<vmem>>, vector<16xi32>,
      %shift_right_logical3A = arith.constant 14 : i32
      %shift_right_logical3A_68 = vector.broadcast %shift_right_logical3A : i32 to vector<16xi32>
      %shift_right_logical3A_69 = arith.shrui %get3A_67, %shift_right_logical3A_68 : vector<16xi32>
      %and3A = arith.constant 16383 : i32
      %and3A_70 = vector.broadcast %and3A : i32 to vector<16xi32>
      %and3A_71 = arith.andi %get3A_67, %and3A_70 : vector<16xi32>
      %swap3A = arith.constant 0 : index
      %swap3A_72 = tpu.vector_load %arg13[%swap3A] {strides = array<i32>} : memref<128xi32, #tpu.memory_space<vmem>>, vector<16xi32>,
      tpu.vector_store %arg13[%swap3A], %shift_right_logical3A_69 {strides = array<i32>} : memref<128xi32, #tpu.memory_space<vmem>>, vector<16xi32>,
      %swap3A_73 = arith.constant 0 : index
      %swap3A_74 = tpu.vector_load %arg15[%swap3A_73] {strides = array<i32>} : memref<128xi32, #tpu.memory_space<vmem>>, vector<16xi32>,
      tpu.vector_store %arg15[%swap3A_73], %and3A_71 {strides = array<i32>} : memref<128xi32, #tpu.memory_space<vmem>>, vector<16xi32>,
      %gather3A = tpu.vector_load_idx %arg8[%shift_right_logical3A_69] : memref<10240xf32, #tpu.memory_space<vmem>>[vector<16xi32>], vector<16xf32>,
      %gather3A_75 = tpu.vector_load_idx %arg9[%and3A_71] : memref<10240xf32, #tpu.memory_space<vmem>>[vector<16xi32>], vector<16xf32>,
      %add3A_76 = arith.addf %gather3A, %gather3A_75 : vector<16xf32>
      %ge3A = arith.constant 0.000000e+00 : f32
      %ge3A_77 = vector.broadcast %ge3A : f32 to vector<16xf32>
      %ge3A_78 = arith.cmpf oge, %add3A_76, %ge3A_77 : vector<16xf32>
      %mul3A_79 = arith.constant 2.000000e-01 : f32
      %mul3A_80 = vector.broadcast %mul3A_79 : f32 to vector<16xf32>
      %mul3A_81 = arith.mulf %add3A_76, %mul3A_80 : vector<16xf32>
      %select_n3A = arith.select %ge3A_78, %add3A_76, %mul3A_81 : vector<16xi1>, vector<16xf32>
      %exp3A = math.exp %select_n3A : vector<16xf32>
      %swap3A_82 = arith.constant 0 : index
      %swap3A_83 = tpu.vector_load %arg11[%swap3A_82] {strides = array<i32>} : memref<128xf32, #tpu.memory_space<vmem>>, vector<16xf32>,
      tpu.vector_store %arg11[%swap3A_82], %exp3A {strides = array<i32>} : memref<128xf32, #tpu.memory_space<vmem>>, vector<16xf32>,
      %get3A_84 = arith.index_cast %add3A_65 : i32 to index
      %get3A_85 = arith.constant 16 : index
      %get3A_86 = tpu.vector_load %arg10[%get3A_84, %get3A_85] {strides = array<i32>} : memref<162x128xi32, #tpu.memory_space<vmem>>, vector<16xi32>,
      %shift_right_logical3A_87 = arith.constant 14 : i32
      %shift_right_logical3A_88 = vector.broadcast %shift_right_logical3A_87 : i32 to vector<16xi32>
      %shift_right_logical3A_89 = arith.shrui %get3A_86, %shift_right_logical3A_88 : vector<16xi32>
      %and3A_90 = arith.constant 16383 : i32
      %and3A_91 = vector.broadcast %and3A_90 : i32 to vector<16xi32>
      %and3A_92 = arith.andi %get3A_86, %and3A_91 : vector<16xi32>
      %swap3A_93 = arith.constant 16 : index
      %swap3A_94 = tpu.vector_load %arg13[%swap3A_93] {strides = array<i32>} : memref<128xi32, #tpu.memory_space<vmem>>, vector<16xi32>,
      tpu.vector_store %arg13[%swap3A_93], %shift_right_logical3A_89 {strides = array<i32>} : memref<128xi32, #tpu.memory_space<vmem>>, vector<16xi32>,
      %swap3A_95 = arith.constant 16 : index
      %swap3A_96 = tpu.vector_load %arg15[%swap3A_95] {strides = array<i32>} : memref<128xi32, #tpu.memory_space<vmem>>, vector<16xi32>,
      tpu.vector_store %arg15[%swap3A_95], %and3A_92 {strides = array<i32>} : memref<128xi32, #tpu.memory_space<vmem>>, vector<16xi32>,
      %gather3A_97 = tpu.vector_load_idx %arg8[%shift_right_logical3A_89] : memref<10240xf32, #tpu.memory_space<vmem>>[vector<16xi32>], vector<16xf32>,
      %gather3A_98 = tpu.vector_load_idx %arg9[%and3A_92] : memref<10240xf32, #tpu.memory_space<vmem>>[vector<16xi32>], vector<16xf32>,
      %add3A_99 = arith.addf %gather3A_97, %gather3A_98 : vector<16xf32>
      %ge3A_100 = arith.constant 0.000000e+00 : f32
      %ge3A_101 = vector.broadcast %ge3A_100 : f32 to vector<16xf32>
      %ge3A_102 = arith.cmpf oge, %add3A_99, %ge3A_101 : vector<16xf32>
      %mul3A_103 = arith.constant 2.000000e-01 : f32
      %mul3A_104 = vector.broadcast %mul3A_103 : f32 to vector<16xf32>
      %mul3A_105 = arith.mulf %add3A_99, %mul3A_104 : vector<16xf32>
      %select_n3A_106 = arith.select %ge3A_102, %add3A_99, %mul3A_105 : vector<16xi1>, vector<16xf32>
      %exp3A_107 = math.exp %select_n3A_106 : vector<16xf32>
      %swap3A_108 = arith.constant 16 : index
      %swap3A_109 = tpu.vector_load %arg11[%swap3A_108] {strides = array<i32>} : memref<128xf32, #tpu.memory_space<vmem>>, vector<16xf32>,
      tpu.vector_store %arg11[%swap3A_108], %exp3A_107 {strides = array<i32>} : memref<128xf32, #tpu.memory_space<vmem>>, vector<16xf32>,
      %get3A_110 = arith.index_cast %add3A_65 : i32 to index
      %get3A_111 = arith.constant 32 : index
      %get3A_112 = tpu.vector_load %arg10[%get3A_110, %get3A_111] {strides = array<i32>} : memref<162x128xi32, #tpu.memory_space<vmem>>, vector<16xi32>,
      %shift_right_logical3A_113 = arith.constant 14 : i32
      %shift_right_logical3A_114 = vector.broadcast %shift_right_logical3A_113 : i32 to vector<16xi32>
      %shift_right_logical3A_115 = arith.shrui %get3A_112, %shift_right_logical3A_114 : vector<16xi32>
      %and3A_116 = arith.constant 16383 : i32
      %and3A_117 = vector.broadcast %and3A_116 : i32 to vector<16xi32>
      %and3A_118 = arith.andi %get3A_112, %and3A_117 : vector<16xi32>
      %swap3A_119 = arith.constant 32 : index
      %swap3A_120 = tpu.vector_load %arg13[%swap3A_119] {strides = array<i32>} : memref<128xi32, #tpu.memory_space<vmem>>, vector<16xi32>,
      tpu.vector_store %arg13[%swap3A_119], %shift_right_logical3A_115 {strides = array<i32>} : memref<128xi32, #tpu.memory_space<vmem>>, vector<16xi32>,
      %swap3A_121 = arith.constant 32 : index
      %swap3A_122 = tpu.vector_load %arg15[%swap3A_121] {strides = array<i32>} : memref<128xi32, #tpu.memory_space<vmem>>, vector<16xi32>,
      tpu.vector_store %arg15[%swap3A_121], %and3A_118 {strides = array<i32>} : memref<128xi32, #tpu.memory_space<vmem>>, vector<16xi32>,
      %gather3A_123 = tpu.vector_load_idx %arg8[%shift_right_logical3A_115] : memref<10240xf32, #tpu.memory_space<vmem>>[vector<16xi32>], vector<16xf32>,
      %gather3A_124 = tpu.vector_load_idx %arg9[%and3A_118] : memref<10240xf32, #tpu.memory_space<vmem>>[vector<16xi32>], vector<16xf32>,
      %add3A_125 = arith.addf %gather3A_123, %gather3A_124 : vector<16xf32>
      %ge3A_126 = arith.constant 0.000000e+00 : f32
      %ge3A_127 = vector.broadcast %ge3A_126 : f32 to vector<16xf32>
      %ge3A_128 = arith.cmpf oge, %add3A_125, %ge3A_127 : vector<16xf32>
      %mul3A_129 = arith.constant 2.000000e-01 : f32
      %mul3A_130 = vector.broadcast %mul3A_129 : f32 to vector<16xf32>
      %mul3A_131 = arith.mulf %add3A_125, %mul3A_130 : vector<16xf32>
      %select_n3A_132 = arith.select %ge3A_128, %add3A_125, %mul3A_131 : vector<16xi1>, vector<16xf32>
      %exp3A_133 = math.exp %select_n3A_132 : vector<16xf32>
      %swap3A_134 = arith.constant 32 : index
      %swap3A_135 = tpu.vector_load %arg11[%swap3A_134] {strides = array<i32>} : memref<128xf32, #tpu.memory_space<vmem>>, vector<16xf32>,
      tpu.vector_store %arg11[%swap3A_134], %exp3A_133 {strides = array<i32>} : memref<128xf32, #tpu.memory_space<vmem>>, vector<16xf32>,
      %get3A_136 = arith.index_cast %add3A_65 : i32 to index
      %get3A_137 = arith.constant 48 : index
      %get3A_138 = tpu.vector_load %arg10[%get3A_136, %get3A_137] {strides = array<i32>} : memref<162x128xi32, #tpu.memory_space<vmem>>, vector<16xi32>,
      %shift_right_logical3A_139 = arith.constant 14 : i32
      %shift_right_logical3A_140 = vector.broadcast %shift_right_logical3A_139 : i32 to vector<16xi32>
      %shift_right_logical3A_141 = arith.shrui %get3A_138, %shift_right_logical3A_140 : vector<16xi32>
      %and3A_142 = arith.constant 16383 : i32
      %and3A_143 = vector.broadcast %and3A_142 : i32 to vector<16xi32>
      %and3A_144 = arith.andi %get3A_138, %and3A_143 : vector<16xi32>
      %swap3A_145 = arith.constant 48 : index
      %swap3A_146 = tpu.vector_load %arg13[%swap3A_145] {strides = array<i32>} : memref<128xi32, #tpu.memory_space<vmem>>, vector<16xi32>,
      tpu.vector_store %arg13[%swap3A_145], %shift_right_logical3A_141 {strides = array<i32>} : memref<128xi32, #tpu.memory_space<vmem>>, vector<16xi32>,
      %swap3A_147 = arith.constant 48 : index
      %swap3A_148 = tpu.vector_load %arg15[%swap3A_147] {strides = array<i32>} : memref<128xi32, #tpu.memory_space<vmem>>, vector<16xi32>,
      tpu.vector_store %arg15[%swap3A_147], %and3A_144 {strides = array<i32>} : memref<128xi32, #tpu.memory_space<vmem>>, vector<16xi32>,
      %gather3A_149 = tpu.vector_load_idx %arg8[%shift_right_logical3A_141] : memref<10240xf32, #tpu.memory_space<vmem>>[vector<16xi32>], vector<16xf32>,
      %gather3A_150 = tpu.vector_load_idx %arg9[%and3A_144] : memref<10240xf32, #tpu.memory_space<vmem>>[vector<16xi32>], vector<16xf32>,
      %add3A_151 = arith.addf %gather3A_149, %gather3A_150 : vector<16xf32>
      %ge3A_152 = arith.constant 0.000000e+00 : f32
      %ge3A_153 = vector.broadcast %ge3A_152 : f32 to vector<16xf32>
      %ge3A_154 = arith.cmpf oge, %add3A_151, %ge3A_153 : vector<16xf32>
      %mul3A_155 = arith.constant 2.000000e-01 : f32
      %mul3A_156 = vector.broadcast %mul3A_155 : f32 to vector<16xf32>
      %mul3A_157 = arith.mulf %add3A_151, %mul3A_156 : vector<16xf32>
      %select_n3A_158 = arith.select %ge3A_154, %add3A_151, %mul3A_157 : vector<16xi1>, vector<16xf32>
      %exp3A_159 = math.exp %select_n3A_158 : vector<16xf32>
      %swap3A_160 = arith.constant 48 : index
      %swap3A_161 = tpu.vector_load %arg11[%swap3A_160] {strides = array<i32>} : memref<128xf32, #tpu.memory_space<vmem>>, vector<16xf32>,
      tpu.vector_store %arg11[%swap3A_160], %exp3A_159 {strides = array<i32>} : memref<128xf32, #tpu.memory_space<vmem>>, vector<16xf32>,
      %get3A_162 = arith.index_cast %add3A_65 : i32 to index
      %get3A_163 = arith.constant 64 : index
      %get3A_164 = tpu.vector_load %arg10[%get3A_162, %get3A_163] {strides = array<i32>} : memref<162x128xi32, #tpu.memory_space<vmem>>, vector<16xi32>,
      %shift_right_logical3A_165 = arith.constant 14 : i32
      %shift_right_logical3A_166 = vector.broadcast %shift_right_logical3A_165 : i32 to vector<16xi32>
      %shift_right_logical3A_167 = arith.shrui %get3A_164, %shift_right_logical3A_166 : vector<16xi32>
      %and3A_168 = arith.constant 16383 : i32
      %and3A_169 = vector.broadcast %and3A_168 : i32 to vector<16xi32>
      %and3A_170 = arith.andi %get3A_164, %and3A_169 : vector<16xi32>
      %swap3A_171 = arith.constant 64 : index
      %swap3A_172 = tpu.vector_load %arg13[%swap3A_171] {strides = array<i32>} : memref<128xi32, #tpu.memory_space<vmem>>, vector<16xi32>,
      tpu.vector_store %arg13[%swap3A_171], %shift_right_logical3A_167 {strides = array<i32>} : memref<128xi32, #tpu.memory_space<vmem>>, vector<16xi32>,
      %swap3A_173 = arith.constant 64 : index
      %swap3A_174 = tpu.vector_load %arg15[%swap3A_173] {strides = array<i32>} : memref<128xi32, #tpu.memory_space<vmem>>, vector<16xi32>,
      tpu.vector_store %arg15[%swap3A_173], %and3A_170 {strides = array<i32>} : memref<128xi32, #tpu.memory_space<vmem>>, vector<16xi32>,
      %gather3A_175 = tpu.vector_load_idx %arg8[%shift_right_logical3A_167] : memref<10240xf32, #tpu.memory_space<vmem>>[vector<16xi32>], vector<16xf32>,
      %gather3A_176 = tpu.vector_load_idx %arg9[%and3A_170] : memref<10240xf32, #tpu.memory_space<vmem>>[vector<16xi32>], vector<16xf32>,
      %add3A_177 = arith.addf %gather3A_175, %gather3A_176 : vector<16xf32>
      %ge3A_178 = arith.constant 0.000000e+00 : f32
      %ge3A_179 = vector.broadcast %ge3A_178 : f32 to vector<16xf32>
      %ge3A_180 = arith.cmpf oge, %add3A_177, %ge3A_179 : vector<16xf32>
      %mul3A_181 = arith.constant 2.000000e-01 : f32
      %mul3A_182 = vector.broadcast %mul3A_181 : f32 to vector<16xf32>
      %mul3A_183 = arith.mulf %add3A_177, %mul3A_182 : vector<16xf32>
      %select_n3A_184 = arith.select %ge3A_180, %add3A_177, %mul3A_183 : vector<16xi1>, vector<16xf32>
      %exp3A_185 = math.exp %select_n3A_184 : vector<16xf32>
      %swap3A_186 = arith.constant 64 : index
      %swap3A_187 = tpu.vector_load %arg11[%swap3A_186] {strides = array<i32>} : memref<128xf32, #tpu.memory_space<vmem>>, vector<16xf32>,
      tpu.vector_store %arg11[%swap3A_186], %exp3A_185 {strides = array<i32>} : memref<128xf32, #tpu.memory_space<vmem>>, vector<16xf32>,
      %get3A_188 = arith.index_cast %add3A_65 : i32 to index
      %get3A_189 = arith.constant 80 : index
      %get3A_190 = tpu.vector_load %arg10[%get3A_188, %get3A_189] {strides = array<i32>} : memref<162x128xi32, #tpu.memory_space<vmem>>, vector<16xi32>,
      %shift_right_logical3A_191 = arith.constant 14 : i32
      %shift_right_logical3A_192 = vector.broadcast %shift_right_logical3A_191 : i32 to vector<16xi32>
      %shift_right_logical3A_193 = arith.shrui %get3A_190, %shift_right_logical3A_192 : vector<16xi32>
      %and3A_194 = arith.constant 16383 : i32
      %and3A_195 = vector.broadcast %and3A_194 : i32 to vector<16xi32>
      %and3A_196 = arith.andi %get3A_190, %and3A_195 : vector<16xi32>
      %swap3A_197 = arith.constant 80 : index
      %swap3A_198 = tpu.vector_load %arg13[%swap3A_197] {strides = array<i32>} : memref<128xi32, #tpu.memory_space<vmem>>, vector<16xi32>,
      tpu.vector_store %arg13[%swap3A_197], %shift_right_logical3A_193 {strides = array<i32>} : memref<128xi32, #tpu.memory_space<vmem>>, vector<16xi32>,
      %swap3A_199 = arith.constant 80 : index
      %swap3A_200 = tpu.vector_load %arg15[%swap3A_199] {strides = array<i32>} : memref<128xi32, #tpu.memory_space<vmem>>, vector<16xi32>,
      tpu.vector_store %arg15[%swap3A_199], %and3A_196 {strides = array<i32>} : memref<128xi32, #tpu.memory_space<vmem>>, vector<16xi32>,
      %gather3A_201 = tpu.vector_load_idx %arg8[%shift_right_logical3A_193] : memref<10240xf32, #tpu.memory_space<vmem>>[vector<16xi32>], vector<16xf32>,
      %gather3A_202 = tpu.vector_load_idx %arg9[%and3A_196] : memref<10240xf32, #tpu.memory_space<vmem>>[vector<16xi32>], vector<16xf32>,
      %add3A_203 = arith.addf %gather3A_201, %gather3A_202 : vector<16xf32>
      %ge3A_204 = arith.constant 0.000000e+00 : f32
      %ge3A_205 = vector.broadcast %ge3A_204 : f32 to vector<16xf32>
      %ge3A_206 = arith.cmpf oge, %add3A_203, %ge3A_205 : vector<16xf32>
      %mul3A_207 = arith.constant 2.000000e-01 : f32
      %mul3A_208 = vector.broadcast %mul3A_207 : f32 to vector<16xf32>
      %mul3A_209 = arith.mulf %add3A_203, %mul3A_208 : vector<16xf32>
      %select_n3A_210 = arith.select %ge3A_206, %add3A_203, %mul3A_209 : vector<16xi1>, vector<16xf32>
      %exp3A_211 = math.exp %select_n3A_210 : vector<16xf32>
      %swap3A_212 = arith.constant 80 : index
      %swap3A_213 = tpu.vector_load %arg11[%swap3A_212] {strides = array<i32>} : memref<128xf32, #tpu.memory_space<vmem>>, vector<16xf32>,
      tpu.vector_store %arg11[%swap3A_212], %exp3A_211 {strides = array<i32>} : memref<128xf32, #tpu.memory_space<vmem>>, vector<16xf32>,
      %get3A_214 = arith.index_cast %add3A_65 : i32 to index
      %get3A_215 = arith.constant 96 : index
      %get3A_216 = tpu.vector_load %arg10[%get3A_214, %get3A_215] {strides = array<i32>} : memref<162x128xi32, #tpu.memory_space<vmem>>, vector<16xi32>,
      %shift_right_logical3A_217 = arith.constant 14 : i32
      %shift_right_logical3A_218 = vector.broadcast %shift_right_logical3A_217 : i32 to vector<16xi32>
      %shift_right_logical3A_219 = arith.shrui %get3A_216, %shift_right_logical3A_218 : vector<16xi32>
      %and3A_220 = arith.constant 16383 : i32
      %and3A_221 = vector.broadcast %and3A_220 : i32 to vector<16xi32>
      %and3A_222 = arith.andi %get3A_216, %and3A_221 : vector<16xi32>
      %swap3A_223 = arith.constant 96 : index
      %swap3A_224 = tpu.vector_load %arg13[%swap3A_223] {strides = array<i32>} : memref<128xi32, #tpu.memory_space<vmem>>, vector<16xi32>,
      tpu.vector_store %arg13[%swap3A_223], %shift_right_logical3A_219 {strides = array<i32>} : memref<128xi32, #tpu.memory_space<vmem>>, vector<16xi32>,
      %swap3A_225 = arith.constant 96 : index
      %swap3A_226 = tpu.vector_load %arg15[%swap3A_225] {strides = array<i32>} : memref<128xi32, #tpu.memory_space<vmem>>, vector<16xi32>,
      tpu.vector_store %arg15[%swap3A_225], %and3A_222 {strides = array<i32>} : memref<128xi32, #tpu.memory_space<vmem>>, vector<16xi32>,
      %gather3A_227 = tpu.vector_load_idx %arg8[%shift_right_logical3A_219] : memref<10240xf32, #tpu.memory_space<vmem>>[vector<16xi32>], vector<16xf32>,
      %gather3A_228 = tpu.vector_load_idx %arg9[%and3A_222] : memref<10240xf32, #tpu.memory_space<vmem>>[vector<16xi32>], vector<16xf32>,
      %add3A_229 = arith.addf %gather3A_227, %gather3A_228 : vector<16xf32>
      %ge3A_230 = arith.constant 0.000000e+00 : f32
      %ge3A_231 = vector.broadcast %ge3A_230 : f32 to vector<16xf32>
      %ge3A_232 = arith.cmpf oge, %add3A_229, %ge3A_231 : vector<16xf32>
      %mul3A_233 = arith.constant 2.000000e-01 : f32
      %mul3A_234 = vector.broadcast %mul3A_233 : f32 to vector<16xf32>
      %mul3A_235 = arith.mulf %add3A_229, %mul3A_234 : vector<16xf32>
      %select_n3A_236 = arith.select %ge3A_232, %add3A_229, %mul3A_235 : vector<16xi1>, vector<16xf32>
      %exp3A_237 = math.exp %select_n3A_236 : vector<16xf32>
      %swap3A_238 = arith.constant 96 : index
      %swap3A_239 = tpu.vector_load %arg11[%swap3A_238] {strides = array<i32>} : memref<128xf32, #tpu.memory_space<vmem>>, vector<16xf32>,
      tpu.vector_store %arg11[%swap3A_238], %exp3A_237 {strides = array<i32>} : memref<128xf32, #tpu.memory_space<vmem>>, vector<16xf32>,
      %get3A_240 = arith.index_cast %add3A_65 : i32 to index
      %get3A_241 = arith.constant 112 : index
      %get3A_242 = tpu.vector_load %arg10[%get3A_240, %get3A_241] {strides = array<i32>} : memref<162x128xi32, #tpu.memory_space<vmem>>, vector<16xi32>,
      %shift_right_logical3A_243 = arith.constant 14 : i32
      %shift_right_logical3A_244 = vector.broadcast %shift_right_logical3A_243 : i32 to vector<16xi32>
      %shift_right_logical3A_245 = arith.shrui %get3A_242, %shift_right_logical3A_244 : vector<16xi32>
      %and3A_246 = arith.constant 16383 : i32
      %and3A_247 = vector.broadcast %and3A_246 : i32 to vector<16xi32>
      %and3A_248 = arith.andi %get3A_242, %and3A_247 : vector<16xi32>
      %swap3A_249 = arith.constant 112 : index
      %swap3A_250 = tpu.vector_load %arg13[%swap3A_249] {strides = array<i32>} : memref<128xi32, #tpu.memory_space<vmem>>, vector<16xi32>,
      tpu.vector_store %arg13[%swap3A_249], %shift_right_logical3A_245 {strides = array<i32>} : memref<128xi32, #tpu.memory_space<vmem>>, vector<16xi32>,
      %swap3A_251 = arith.constant 112 : index
      %swap3A_252 = tpu.vector_load %arg15[%swap3A_251] {strides = array<i32>} : memref<128xi32, #tpu.memory_space<vmem>>, vector<16xi32>,
      tpu.vector_store %arg15[%swap3A_251], %and3A_248 {strides = array<i32>} : memref<128xi32, #tpu.memory_space<vmem>>, vector<16xi32>,
      %gather3A_253 = tpu.vector_load_idx %arg8[%shift_right_logical3A_245] : memref<10240xf32, #tpu.memory_space<vmem>>[vector<16xi32>], vector<16xf32>,
      %gather3A_254 = tpu.vector_load_idx %arg9[%and3A_248] : memref<10240xf32, #tpu.memory_space<vmem>>[vector<16xi32>], vector<16xf32>,
      %add3A_255 = arith.addf %gather3A_253, %gather3A_254 : vector<16xf32>
      %ge3A_256 = arith.constant 0.000000e+00 : f32
      %ge3A_257 = vector.broadcast %ge3A_256 : f32 to vector<16xf32>
      %ge3A_258 = arith.cmpf oge, %add3A_255, %ge3A_257 : vector<16xf32>
      %mul3A_259 = arith.constant 2.000000e-01 : f32
      %mul3A_260 = vector.broadcast %mul3A_259 : f32 to vector<16xf32>
      %mul3A_261 = arith.mulf %add3A_255, %mul3A_260 : vector<16xf32>
      %select_n3A_262 = arith.select %ge3A_258, %add3A_255, %mul3A_261 : vector<16xi1>, vector<16xf32>
      %exp3A_263 = math.exp %select_n3A_262 : vector<16xf32>
      %swap3A_264 = arith.constant 112 : index
      %swap3A_265 = tpu.vector_load %arg11[%swap3A_264] {strides = array<i32>} : memref<128xf32, #tpu.memory_space<vmem>>, vector<16xf32>,
      tpu.vector_store %arg11[%swap3A_264], %exp3A_263 {strides = array<i32>} : memref<128xf32, #tpu.memory_space<vmem>>, vector<16xf32>,
      %dma_start3A = arith.constant 0 : i32
      %dma_start3A_266 = arith.constant 0 : i32
      %dma_start3A_267 = tpu.memref_slice %arg21[%dma_start3A, %dma_start3A_266] : memref<10240x32xf32, #tpu.memory_space<vmem_shared>> -> memref<10240x32xf32, #tpu.memory_space<vmem_shared>>
      tpu.enqueue_indirect_dma source(%dma_start3A_267 : memref<10240x32xf32, #tpu.memory_space<vmem_shared>>) target(%arg17 : memref<128x32xf32, #tpu.memory_space<vmem>>) offsets(%arg13 : memref<128xi32, #tpu.memory_space<vmem>>) semaphore(%arg24 : memref<!tpu.dma_semaphore, #tpu.memory_space<semaphore_mem>>)
      %add3A_268 = arith.constant 1 : i32
      %add3A_269 = arith.addi %mul3A_63, %add3A_268 : i32
      %get3A_270 = arith.index_cast %add3A_269 : i32 to index
      %get3A_271 = arith.constant 0 : index
      %get3A_272 = tpu.vector_load %arg10[%get3A_270, %get3A_271] {strides = array<i32>} : memref<162x128xi32, #tpu.memory_space<vmem>>, vector<16xi32>,
      %shift_right_logical3A_273 = arith.constant 14 : i32
      %shift_right_logical3A_274 = vector.broadcast %shift_right_logical3A_273 : i32 to vector<16xi32>
      %shift_right_logical3A_275 = arith.shrui %get3A_272, %shift_right_logical3A_274 : vector<16xi32>
      %and3A_276 = arith.constant 16383 : i32
      %and3A_277 = vector.broadcast %and3A_276 : i32 to vector<16xi32>
      %and3A_278 = arith.andi %get3A_272, %and3A_277 : vector<16xi32>
      %swap3A_279 = arith.constant 0 : index
      %swap3A_280 = tpu.vector_load %arg14[%swap3A_279] {strides = array<i32>} : memref<128xi32, #tpu.memory_space<vmem>>, vector<16xi32>,
      tpu.vector_store %arg14[%swap3A_279], %shift_right_logical3A_275 {strides = array<i32>} : memref<128xi32, #tpu.memory_space<vmem>>, vector<16xi32>,
      %swap3A_281 = arith.constant 0 : index
      %swap3A_282 = tpu.vector_load %arg16[%swap3A_281] {strides = array<i32>} : memref<128xi32, #tpu.memory_space<vmem>>, vector<16xi32>,
      tpu.vector_store %arg16[%swap3A_281], %and3A_278 {strides = array<i32>} : memref<128xi32, #tpu.memory_space<vmem>>, vector<16xi32>,
      %gather3A_283 = tpu.vector_load_idx %arg8[%shift_right_logical3A_275] : memref<10240xf32, #tpu.memory_space<vmem>>[vector<16xi32>], vector<16xf32>,
      %gather3A_284 = tpu.vector_load_idx %arg9[%and3A_278] : memref<10240xf32, #tpu.memory_space<vmem>>[vector<16xi32>], vector<16xf32>,
      %add3A_285 = arith.addf %gather3A_283, %gather3A_284 : vector<16xf32>
      %ge3A_286 = arith.constant 0.000000e+00 : f32
      %ge3A_287 = vector.broadcast %ge3A_286 : f32 to vector<16xf32>
      %ge3A_288 = arith.cmpf oge, %add3A_285, %ge3A_287 : vector<16xf32>
      %mul3A_289 = arith.constant 2.000000e-01 : f32
      %mul3A_290 = vector.broadcast %mul3A_289 : f32 to vector<16xf32>
      %mul3A_291 = arith.mulf %add3A_285, %mul3A_290 : vector<16xf32>
      %select_n3A_292 = arith.select %ge3A_288, %add3A_285, %mul3A_291 : vector<16xi1>, vector<16xf32>
      %exp3A_293 = math.exp %select_n3A_292 : vector<16xf32>
      %swap3A_294 = arith.constant 0 : index
      %swap3A_295 = tpu.vector_load %arg12[%swap3A_294] {strides = array<i32>} : memref<128xf32, #tpu.memory_space<vmem>>, vector<16xf32>,
      tpu.vector_store %arg12[%swap3A_294], %exp3A_293 {strides = array<i32>} : memref<128xf32, #tpu.memory_space<vmem>>, vector<16xf32>,
      %get3A_296 = arith.index_cast %add3A_269 : i32 to index
      %get3A_297 = arith.constant 16 : index
      %get3A_298 = tpu.vector_load %arg10[%get3A_296, %get3A_297] {strides = array<i32>} : memref<162x128xi32, #tpu.memory_space<vmem>>, vector<16xi32>,
      %shift_right_logical3A_299 = arith.constant 14 : i32
      %shift_right_logical3A_300 = vector.broadcast %shift_right_logical3A_299 : i32 to vector<16xi32>
      %shift_right_logical3A_301 = arith.shrui %get3A_298, %shift_right_logical3A_300 : vector<16xi32>
      %and3A_302 = arith.constant 16383 : i32
      %and3A_303 = vector.broadcast %and3A_302 : i32 to vector<16xi32>
      %and3A_304 = arith.andi %get3A_298, %and3A_303 : vector<16xi32>
      %swap3A_305 = arith.constant 16 : index
      %swap3A_306 = tpu.vector_load %arg14[%swap3A_305] {strides = array<i32>} : memref<128xi32, #tpu.memory_space<vmem>>, vector<16xi32>,
      tpu.vector_store %arg14[%swap3A_305], %shift_right_logical3A_301 {strides = array<i32>} : memref<128xi32, #tpu.memory_space<vmem>>, vector<16xi32>,
      %swap3A_307 = arith.constant 16 : index
      %swap3A_308 = tpu.vector_load %arg16[%swap3A_307] {strides = array<i32>} : memref<128xi32, #tpu.memory_space<vmem>>, vector<16xi32>,
      tpu.vector_store %arg16[%swap3A_307], %and3A_304 {strides = array<i32>} : memref<128xi32, #tpu.memory_space<vmem>>, vector<16xi32>,
      %gather3A_309 = tpu.vector_load_idx %arg8[%shift_right_logical3A_301] : memref<10240xf32, #tpu.memory_space<vmem>>[vector<16xi32>], vector<16xf32>,
      %gather3A_310 = tpu.vector_load_idx %arg9[%and3A_304] : memref<10240xf32, #tpu.memory_space<vmem>>[vector<16xi32>], vector<16xf32>,
      %add3A_311 = arith.addf %gather3A_309, %gather3A_310 : vector<16xf32>
      %ge3A_312 = arith.constant 0.000000e+00 : f32
      %ge3A_313 = vector.broadcast %ge3A_312 : f32 to vector<16xf32>
      %ge3A_314 = arith.cmpf oge, %add3A_311, %ge3A_313 : vector<16xf32>
      %mul3A_315 = arith.constant 2.000000e-01 : f32
      %mul3A_316 = vector.broadcast %mul3A_315 : f32 to vector<16xf32>
      %mul3A_317 = arith.mulf %add3A_311, %mul3A_316 : vector<16xf32>
      %select_n3A_318 = arith.select %ge3A_314, %add3A_311, %mul3A_317 : vector<16xi1>, vector<16xf32>
      %exp3A_319 = math.exp %select_n3A_318 : vector<16xf32>
      %swap3A_320 = arith.constant 16 : index
      %swap3A_321 = tpu.vector_load %arg12[%swap3A_320] {strides = array<i32>} : memref<128xf32, #tpu.memory_space<vmem>>, vector<16xf32>,
      tpu.vector_store %arg12[%swap3A_320], %exp3A_319 {strides = array<i32>} : memref<128xf32, #tpu.memory_space<vmem>>, vector<16xf32>,
      %get3A_322 = arith.index_cast %add3A_269 : i32 to index
      %get3A_323 = arith.constant 32 : index
      %get3A_324 = tpu.vector_load %arg10[%get3A_322, %get3A_323] {strides = array<i32>} : memref<162x128xi32, #tpu.memory_space<vmem>>, vector<16xi32>,
      %shift_right_logical3A_325 = arith.constant 14 : i32
      %shift_right_logical3A_326 = vector.broadcast %shift_right_logical3A_325 : i32 to vector<16xi32>
      %shift_right_logical3A_327 = arith.shrui %get3A_324, %shift_right_logical3A_326 : vector<16xi32>
      %and3A_328 = arith.constant 16383 : i32
      %and3A_329 = vector.broadcast %and3A_328 : i32 to vector<16xi32>
      %and3A_330 = arith.andi %get3A_324, %and3A_329 : vector<16xi32>
      %swap3A_331 = arith.constant 32 : index
      %swap3A_332 = tpu.vector_load %arg14[%swap3A_331] {strides = array<i32>} : memref<128xi32, #tpu.memory_space<vmem>>, vector<16xi32>,
      tpu.vector_store %arg14[%swap3A_331], %shift_right_logical3A_327 {strides = array<i32>} : memref<128xi32, #tpu.memory_space<vmem>>, vector<16xi32>,
      %swap3A_333 = arith.constant 32 : index
      %swap3A_334 = tpu.vector_load %arg16[%swap3A_333] {strides = array<i32>} : memref<128xi32, #tpu.memory_space<vmem>>, vector<16xi32>,
      tpu.vector_store %arg16[%swap3A_333], %and3A_330 {strides = array<i32>} : memref<128xi32, #tpu.memory_space<vmem>>, vector<16xi32>,
      %gather3A_335 = tpu.vector_load_idx %arg8[%shift_right_logical3A_327] : memref<10240xf32, #tpu.memory_space<vmem>>[vector<16xi32>], vector<16xf32>,
      %gather3A_336 = tpu.vector_load_idx %arg9[%and3A_330] : memref<10240xf32, #tpu.memory_space<vmem>>[vector<16xi32>], vector<16xf32>,
      %add3A_337 = arith.addf %gather3A_335, %gather3A_336 : vector<16xf32>
      %ge3A_338 = arith.constant 0.000000e+00 : f32
      %ge3A_339 = vector.broadcast %ge3A_338 : f32 to vector<16xf32>
      %ge3A_340 = arith.cmpf oge, %add3A_337, %ge3A_339 : vector<16xf32>
      %mul3A_341 = arith.constant 2.000000e-01 : f32
      %mul3A_342 = vector.broadcast %mul3A_341 : f32 to vector<16xf32>
      %mul3A_343 = arith.mulf %add3A_337, %mul3A_342 : vector<16xf32>
      %select_n3A_344 = arith.select %ge3A_340, %add3A_337, %mul3A_343 : vector<16xi1>, vector<16xf32>
      %exp3A_345 = math.exp %select_n3A_344 : vector<16xf32>
      %swap3A_346 = arith.constant 32 : index
      %swap3A_347 = tpu.vector_load %arg12[%swap3A_346] {strides = array<i32>} : memref<128xf32, #tpu.memory_space<vmem>>, vector<16xf32>,
      tpu.vector_store %arg12[%swap3A_346], %exp3A_345 {strides = array<i32>} : memref<128xf32, #tpu.memory_space<vmem>>, vector<16xf32>,
      %get3A_348 = arith.index_cast %add3A_269 : i32 to index
      %get3A_349 = arith.constant 48 : index
      %get3A_350 = tpu.vector_load %arg10[%get3A_348, %get3A_349] {strides = array<i32>} : memref<162x128xi32, #tpu.memory_space<vmem>>, vector<16xi32>,
      %shift_right_logical3A_351 = arith.constant 14 : i32
      %shift_right_logical3A_352 = vector.broadcast %shift_right_logical3A_351 : i32 to vector<16xi32>
      %shift_right_logical3A_353 = arith.shrui %get3A_350, %shift_right_logical3A_352 : vector<16xi32>
      %and3A_354 = arith.constant 16383 : i32
      %and3A_355 = vector.broadcast %and3A_354 : i32 to vector<16xi32>
      %and3A_356 = arith.andi %get3A_350, %and3A_355 : vector<16xi32>
      %swap3A_357 = arith.constant 48 : index
      %swap3A_358 = tpu.vector_load %arg14[%swap3A_357] {strides = array<i32>} : memref<128xi32, #tpu.memory_space<vmem>>, vector<16xi32>,
      tpu.vector_store %arg14[%swap3A_357], %shift_right_logical3A_353 {strides = array<i32>} : memref<128xi32, #tpu.memory_space<vmem>>, vector<16xi32>,
      %swap3A_359 = arith.constant 48 : index
      %swap3A_360 = tpu.vector_load %arg16[%swap3A_359] {strides = array<i32>} : memref<128xi32, #tpu.memory_space<vmem>>, vector<16xi32>,
      tpu.vector_store %arg16[%swap3A_359], %and3A_356 {strides = array<i32>} : memref<128xi32, #tpu.memory_space<vmem>>, vector<16xi32>,
      %gather3A_361 = tpu.vector_load_idx %arg8[%shift_right_logical3A_353] : memref<10240xf32, #tpu.memory_space<vmem>>[vector<16xi32>], vector<16xf32>,
      %gather3A_362 = tpu.vector_load_idx %arg9[%and3A_356] : memref<10240xf32, #tpu.memory_space<vmem>>[vector<16xi32>], vector<16xf32>,
      %add3A_363 = arith.addf %gather3A_361, %gather3A_362 : vector<16xf32>
      %ge3A_364 = arith.constant 0.000000e+00 : f32
      %ge3A_365 = vector.broadcast %ge3A_364 : f32 to vector<16xf32>
      %ge3A_366 = arith.cmpf oge, %add3A_363, %ge3A_365 : vector<16xf32>
      %mul3A_367 = arith.constant 2.000000e-01 : f32
      %mul3A_368 = vector.broadcast %mul3A_367 : f32 to vector<16xf32>
      %mul3A_369 = arith.mulf %add3A_363, %mul3A_368 : vector<16xf32>
      %select_n3A_370 = arith.select %ge3A_366, %add3A_363, %mul3A_369 : vector<16xi1>, vector<16xf32>
      %exp3A_371 = math.exp %select_n3A_370 : vector<16xf32>
      %swap3A_372 = arith.constant 48 : index
      %swap3A_373 = tpu.vector_load %arg12[%swap3A_372] {strides = array<i32>} : memref<128xf32, #tpu.memory_space<vmem>>, vector<16xf32>,
      tpu.vector_store %arg12[%swap3A_372], %exp3A_371 {strides = array<i32>} : memref<128xf32, #tpu.memory_space<vmem>>, vector<16xf32>,
      %get3A_374 = arith.index_cast %add3A_269 : i32 to index
      %get3A_375 = arith.constant 64 : index
      %get3A_376 = tpu.vector_load %arg10[%get3A_374, %get3A_375] {strides = array<i32>} : memref<162x128xi32, #tpu.memory_space<vmem>>, vector<16xi32>,
      %shift_right_logical3A_377 = arith.constant 14 : i32
      %shift_right_logical3A_378 = vector.broadcast %shift_right_logical3A_377 : i32 to vector<16xi32>
      %shift_right_logical3A_379 = arith.shrui %get3A_376, %shift_right_logical3A_378 : vector<16xi32>
      %and3A_380 = arith.constant 16383 : i32
      %and3A_381 = vector.broadcast %and3A_380 : i32 to vector<16xi32>
      %and3A_382 = arith.andi %get3A_376, %and3A_381 : vector<16xi32>
      %swap3A_383 = arith.constant 64 : index
      %swap3A_384 = tpu.vector_load %arg14[%swap3A_383] {strides = array<i32>} : memref<128xi32, #tpu.memory_space<vmem>>, vector<16xi32>,
      tpu.vector_store %arg14[%swap3A_383], %shift_right_logical3A_379 {strides = array<i32>} : memref<128xi32, #tpu.memory_space<vmem>>, vector<16xi32>,
      %swap3A_385 = arith.constant 64 : index
      %swap3A_386 = tpu.vector_load %arg16[%swap3A_385] {strides = array<i32>} : memref<128xi32, #tpu.memory_space<vmem>>, vector<16xi32>,
      tpu.vector_store %arg16[%swap3A_385], %and3A_382 {strides = array<i32>} : memref<128xi32, #tpu.memory_space<vmem>>, vector<16xi32>,
      %gather3A_387 = tpu.vector_load_idx %arg8[%shift_right_logical3A_379] : memref<10240xf32, #tpu.memory_space<vmem>>[vector<16xi32>], vector<16xf32>,
      %gather3A_388 = tpu.vector_load_idx %arg9[%and3A_382] : memref<10240xf32, #tpu.memory_space<vmem>>[vector<16xi32>], vector<16xf32>,
      %add3A_389 = arith.addf %gather3A_387, %gather3A_388 : vector<16xf32>
      %ge3A_390 = arith.constant 0.000000e+00 : f32
      %ge3A_391 = vector.broadcast %ge3A_390 : f32 to vector<16xf32>
      %ge3A_392 = arith.cmpf oge, %add3A_389, %ge3A_391 : vector<16xf32>
      %mul3A_393 = arith.constant 2.000000e-01 : f32
      %mul3A_394 = vector.broadcast %mul3A_393 : f32 to vector<16xf32>
      %mul3A_395 = arith.mulf %add3A_389, %mul3A_394 : vector<16xf32>
      %select_n3A_396 = arith.select %ge3A_392, %add3A_389, %mul3A_395 : vector<16xi1>, vector<16xf32>
      %exp3A_397 = math.exp %select_n3A_396 : vector<16xf32>
      %swap3A_398 = arith.constant 64 : index
      %swap3A_399 = tpu.vector_load %arg12[%swap3A_398] {strides = array<i32>} : memref<128xf32, #tpu.memory_space<vmem>>, vector<16xf32>,
      tpu.vector_store %arg12[%swap3A_398], %exp3A_397 {strides = array<i32>} : memref<128xf32, #tpu.memory_space<vmem>>, vector<16xf32>,
      %get3A_400 = arith.index_cast %add3A_269 : i32 to index
      %get3A_401 = arith.constant 80 : index
      %get3A_402 = tpu.vector_load %arg10[%get3A_400, %get3A_401] {strides = array<i32>} : memref<162x128xi32, #tpu.memory_space<vmem>>, vector<16xi32>,
      %shift_right_logical3A_403 = arith.constant 14 : i32
      %shift_right_logical3A_404 = vector.broadcast %shift_right_logical3A_403 : i32 to vector<16xi32>
      %shift_right_logical3A_405 = arith.shrui %get3A_402, %shift_right_logical3A_404 : vector<16xi32>
      %and3A_406 = arith.constant 16383 : i32
      %and3A_407 = vector.broadcast %and3A_406 : i32 to vector<16xi32>
      %and3A_408 = arith.andi %get3A_402, %and3A_407 : vector<16xi32>
      %swap3A_409 = arith.constant 80 : index
      %swap3A_410 = tpu.vector_load %arg14[%swap3A_409] {strides = array<i32>} : memref<128xi32, #tpu.memory_space<vmem>>, vector<16xi32>,
      tpu.vector_store %arg14[%swap3A_409], %shift_right_logical3A_405 {strides = array<i32>} : memref<128xi32, #tpu.memory_space<vmem>>, vector<16xi32>,
      %swap3A_411 = arith.constant 80 : index
      %swap3A_412 = tpu.vector_load %arg16[%swap3A_411] {strides = array<i32>} : memref<128xi32, #tpu.memory_space<vmem>>, vector<16xi32>,
      tpu.vector_store %arg16[%swap3A_411], %and3A_408 {strides = array<i32>} : memref<128xi32, #tpu.memory_space<vmem>>, vector<16xi32>,
      %gather3A_413 = tpu.vector_load_idx %arg8[%shift_right_logical3A_405] : memref<10240xf32, #tpu.memory_space<vmem>>[vector<16xi32>], vector<16xf32>,
      %gather3A_414 = tpu.vector_load_idx %arg9[%and3A_408] : memref<10240xf32, #tpu.memory_space<vmem>>[vector<16xi32>], vector<16xf32>,
      %add3A_415 = arith.addf %gather3A_413, %gather3A_414 : vector<16xf32>
      %ge3A_416 = arith.constant 0.000000e+00 : f32
      %ge3A_417 = vector.broadcast %ge3A_416 : f32 to vector<16xf32>
      %ge3A_418 = arith.cmpf oge, %add3A_415, %ge3A_417 : vector<16xf32>
      %mul3A_419 = arith.constant 2.000000e-01 : f32
      %mul3A_420 = vector.broadcast %mul3A_419 : f32 to vector<16xf32>
      %mul3A_421 = arith.mulf %add3A_415, %mul3A_420 : vector<16xf32>
      %select_n3A_422 = arith.select %ge3A_418, %add3A_415, %mul3A_421 : vector<16xi1>, vector<16xf32>
      %exp3A_423 = math.exp %select_n3A_422 : vector<16xf32>
      %swap3A_424 = arith.constant 80 : index
      %swap3A_425 = tpu.vector_load %arg12[%swap3A_424] {strides = array<i32>} : memref<128xf32, #tpu.memory_space<vmem>>, vector<16xf32>,
      tpu.vector_store %arg12[%swap3A_424], %exp3A_423 {strides = array<i32>} : memref<128xf32, #tpu.memory_space<vmem>>, vector<16xf32>,
      %get3A_426 = arith.index_cast %add3A_269 : i32 to index
      %get3A_427 = arith.constant 96 : index
      %get3A_428 = tpu.vector_load %arg10[%get3A_426, %get3A_427] {strides = array<i32>} : memref<162x128xi32, #tpu.memory_space<vmem>>, vector<16xi32>,
      %shift_right_logical3A_429 = arith.constant 14 : i32
      %shift_right_logical3A_430 = vector.broadcast %shift_right_logical3A_429 : i32 to vector<16xi32>
      %shift_right_logical3A_431 = arith.shrui %get3A_428, %shift_right_logical3A_430 : vector<16xi32>
      %and3A_432 = arith.constant 16383 : i32
      %and3A_433 = vector.broadcast %and3A_432 : i32 to vector<16xi32>
      %and3A_434 = arith.andi %get3A_428, %and3A_433 : vector<16xi32>
      %swap3A_435 = arith.constant 96 : index
      %swap3A_436 = tpu.vector_load %arg14[%swap3A_435] {strides = array<i32>} : memref<128xi32, #tpu.memory_space<vmem>>, vector<16xi32>,
      tpu.vector_store %arg14[%swap3A_435], %shift_right_logical3A_431 {strides = array<i32>} : memref<128xi32, #tpu.memory_space<vmem>>, vector<16xi32>,
      %swap3A_437 = arith.constant 96 : index
      %swap3A_438 = tpu.vector_load %arg16[%swap3A_437] {strides = array<i32>} : memref<128xi32, #tpu.memory_space<vmem>>, vector<16xi32>,
      tpu.vector_store %arg16[%swap3A_437], %and3A_434 {strides = array<i32>} : memref<128xi32, #tpu.memory_space<vmem>>, vector<16xi32>,
      %gather3A_439 = tpu.vector_load_idx %arg8[%shift_right_logical3A_431] : memref<10240xf32, #tpu.memory_space<vmem>>[vector<16xi32>], vector<16xf32>,
      %gather3A_440 = tpu.vector_load_idx %arg9[%and3A_434] : memref<10240xf32, #tpu.memory_space<vmem>>[vector<16xi32>], vector<16xf32>,
      %add3A_441 = arith.addf %gather3A_439, %gather3A_440 : vector<16xf32>
      %ge3A_442 = arith.constant 0.000000e+00 : f32
      %ge3A_443 = vector.broadcast %ge3A_442 : f32 to vector<16xf32>
      %ge3A_444 = arith.cmpf oge, %add3A_441, %ge3A_443 : vector<16xf32>
      %mul3A_445 = arith.constant 2.000000e-01 : f32
      %mul3A_446 = vector.broadcast %mul3A_445 : f32 to vector<16xf32>
      %mul3A_447 = arith.mulf %add3A_441, %mul3A_446 : vector<16xf32>
      %select_n3A_448 = arith.select %ge3A_444, %add3A_441, %mul3A_447 : vector<16xi1>, vector<16xf32>
      %exp3A_449 = math.exp %select_n3A_448 : vector<16xf32>
      %swap3A_450 = arith.constant 96 : index
      %swap3A_451 = tpu.vector_load %arg12[%swap3A_450] {strides = array<i32>} : memref<128xf32, #tpu.memory_space<vmem>>, vector<16xf32>,
      tpu.vector_store %arg12[%swap3A_450], %exp3A_449 {strides = array<i32>} : memref<128xf32, #tpu.memory_space<vmem>>, vector<16xf32>,
      %get3A_452 = arith.index_cast %add3A_269 : i32 to index
      %get3A_453 = arith.constant 112 : index
      %get3A_454 = tpu.vector_load %arg10[%get3A_452, %get3A_453] {strides = array<i32>} : memref<162x128xi32, #tpu.memory_space<vmem>>, vector<16xi32>,
      %shift_right_logical3A_455 = arith.constant 14 : i32
      %shift_right_logical3A_456 = vector.broadcast %shift_right_logical3A_455 : i32 to vector<16xi32>
      %shift_right_logical3A_457 = arith.shrui %get3A_454, %shift_right_logical3A_456 : vector<16xi32>
      %and3A_458 = arith.constant 16383 : i32
      %and3A_459 = vector.broadcast %and3A_458 : i32 to vector<16xi32>
      %and3A_460 = arith.andi %get3A_454, %and3A_459 : vector<16xi32>
      %swap3A_461 = arith.constant 112 : index
      %swap3A_462 = tpu.vector_load %arg14[%swap3A_461] {strides = array<i32>} : memref<128xi32, #tpu.memory_space<vmem>>, vector<16xi32>,
      tpu.vector_store %arg14[%swap3A_461], %shift_right_logical3A_457 {strides = array<i32>} : memref<128xi32, #tpu.memory_space<vmem>>, vector<16xi32>,
      %swap3A_463 = arith.constant 112 : index
      %swap3A_464 = tpu.vector_load %arg16[%swap3A_463] {strides = array<i32>} : memref<128xi32, #tpu.memory_space<vmem>>, vector<16xi32>,
      tpu.vector_store %arg16[%swap3A_463], %and3A_460 {strides = array<i32>} : memref<128xi32, #tpu.memory_space<vmem>>, vector<16xi32>,
      %gather3A_465 = tpu.vector_load_idx %arg8[%shift_right_logical3A_457] : memref<10240xf32, #tpu.memory_space<vmem>>[vector<16xi32>], vector<16xf32>,
      %gather3A_466 = tpu.vector_load_idx %arg9[%and3A_460] : memref<10240xf32, #tpu.memory_space<vmem>>[vector<16xi32>], vector<16xf32>,
      %add3A_467 = arith.addf %gather3A_465, %gather3A_466 : vector<16xf32>
      %ge3A_468 = arith.constant 0.000000e+00 : f32
      %ge3A_469 = vector.broadcast %ge3A_468 : f32 to vector<16xf32>
      %ge3A_470 = arith.cmpf oge, %add3A_467, %ge3A_469 : vector<16xf32>
      %mul3A_471 = arith.constant 2.000000e-01 : f32
      %mul3A_472 = vector.broadcast %mul3A_471 : f32 to vector<16xf32>
      %mul3A_473 = arith.mulf %add3A_467, %mul3A_472 : vector<16xf32>
      %select_n3A_474 = arith.select %ge3A_470, %add3A_467, %mul3A_473 : vector<16xi1>, vector<16xf32>
      %exp3A_475 = math.exp %select_n3A_474 : vector<16xf32>
      %swap3A_476 = arith.constant 112 : index
      %swap3A_477 = tpu.vector_load %arg12[%swap3A_476] {strides = array<i32>} : memref<128xf32, #tpu.memory_space<vmem>>, vector<16xf32>,
      tpu.vector_store %arg12[%swap3A_476], %exp3A_475 {strides = array<i32>} : memref<128xf32, #tpu.memory_space<vmem>>, vector<16xf32>,
      %dma_start3A_478 = arith.constant 0 : i32
      %dma_start3A_479 = arith.constant 0 : i32
      %dma_start3A_480 = tpu.memref_slice %arg21[%dma_start3A_478, %dma_start3A_479] : memref<10240x32xf32, #tpu.memory_space<vmem_shared>> -> memref<10240x32xf32, #tpu.memory_space<vmem_shared>>
      tpu.enqueue_indirect_dma source(%dma_start3A_480 : memref<10240x32xf32, #tpu.memory_space<vmem_shared>>) target(%arg18 : memref<128x32xf32, #tpu.memory_space<vmem>>) offsets(%arg14 : memref<128xi32, #tpu.memory_space<vmem>>) semaphore(%arg25 : memref<!tpu.dma_semaphore, #tpu.memory_space<semaphore_mem>>)
      %dma_wait3A = arith.constant 0 : i32
      %dma_wait3A_481 = arith.constant 0 : i32
      %dma_wait3A_482 = tpu.memref_slice %arg21[%dma_wait3A, %dma_wait3A_481] : memref<10240x32xf32, #tpu.memory_space<vmem_shared>> -> memref<10240x32xf32, #tpu.memory_space<vmem_shared>>
      tpu.wait_indirect_dma semaphore(%arg24 : memref<!tpu.dma_semaphore, #tpu.memory_space<semaphore_mem>>) src(%dma_wait3A_482 : memref<10240x32xf32, #tpu.memory_space<vmem_shared>>) dst(%arg17 : memref<128x32xf32, #tpu.memory_space<vmem>>)
      %parallel_loop3A = arith.constant 0 : i32
      %parallel_loop3A_483 = arith.constant 128 : i32
      %parallel_loop3A_484 = arith.constant 1 : i32
      scf.for %parallel_loop3A_513 = %parallel_loop3A to %parallel_loop3A_483 step %parallel_loop3A_484  : i32 {
        %parallel_loop3A_514 = vector.broadcast %parallel_loop3A_513 : i32 to vector<16xi32>
        %parallel_loop3A_515 = tpu.vector_load_idx %arg11[%parallel_loop3A_514] : memref<128xf32, #tpu.memory_space<vmem>>[vector<16xi32>], vector<16xf32>,
        %parallel_loop3A_516 = arith.index_cast %parallel_loop3A_513 : i32 to index
        %parallel_loop3A_517 = arith.constant 0 : index
        %parallel_loop3A_518 = tpu.vector_load %arg17[%parallel_loop3A_516, %parallel_loop3A_517] {strides = array<i32>} : memref<128x32xf32, #tpu.memory_space<vmem>>, vector<16xf32>,
        %parallel_loop3A_519 = arith.mulf %parallel_loop3A_518, %parallel_loop3A_515 : vector<16xf32>
        %parallel_loop3A_520 = arith.index_cast %parallel_loop3A_513 : i32 to index
        %parallel_loop3A_521 = arith.constant 0 : index
        %parallel_loop3A_522 = tpu.vector_load %arg19[%parallel_loop3A_520, %parallel_loop3A_521] {strides = array<i32>} : memref<128x32xf32, #tpu.memory_space<vmem>>, vector<16xf32>,
        tpu.vector_store %arg19[%parallel_loop3A_520, %parallel_loop3A_521], %parallel_loop3A_519 {strides = array<i32>} : memref<128x32xf32, #tpu.memory_space<vmem>>, vector<16xf32>,
        %parallel_loop3A_523 = arith.index_cast %parallel_loop3A_513 : i32 to index
        %parallel_loop3A_524 = arith.constant 16 : index
        %parallel_loop3A_525 = tpu.vector_load %arg17[%parallel_loop3A_523, %parallel_loop3A_524] {strides = array<i32>} : memref<128x32xf32, #tpu.memory_space<vmem>>, vector<16xf32>,
        %parallel_loop3A_526 = arith.mulf %parallel_loop3A_525, %parallel_loop3A_515 : vector<16xf32>
        %parallel_loop3A_527 = arith.index_cast %parallel_loop3A_513 : i32 to index
        %parallel_loop3A_528 = arith.constant 16 : index
        %parallel_loop3A_529 = tpu.vector_load %arg19[%parallel_loop3A_527, %parallel_loop3A_528] {strides = array<i32>} : memref<128x32xf32, #tpu.memory_space<vmem>>, vector<16xf32>,
        tpu.vector_store %arg19[%parallel_loop3A_527, %parallel_loop3A_528], %parallel_loop3A_526 {strides = array<i32>} : memref<128x32xf32, #tpu.memory_space<vmem>>, vector<16xf32>,
      } {sc.loop_unroll_factor = 8 : i64, sc.parallel_access}
      %dma_start3A_485 = arith.constant 0 : i32
      %dma_start3A_486 = arith.constant 0 : i32
      %dma_start3A_487 = tpu.memref_slice %arg22[%dma_start3A_485, %dma_start3A_486] : memref<10240x32xf32, #tpu.memory_space<vmem_shared>> -> memref<10240x32xf32, #tpu.memory_space<vmem_shared>>
      tpu.enqueue_indirect_dma source(%arg19 : memref<128x32xf32, #tpu.memory_space<vmem>>) target(%dma_start3A_487 : memref<10240x32xf32, #tpu.memory_space<vmem_shared>>) offsets(%arg15 : memref<128xi32, #tpu.memory_space<vmem>>) semaphore(%arg26 : memref<!tpu.dma_semaphore, #tpu.memory_space<semaphore_mem>>) {add = true}
      %eq3A_488 = arith.constant 0 : i32
      %eq3A_489 = arith.cmpi eq, %arg0, %eq3A_488 : i32
      %convert_element_type3A_490 = arith.extui %eq3A_489 : i1 to i32
      %cond3A_491 = arith.constant 0 : i32
      %cond3A_492 = arith.cmpi ne, %convert_element_type3A_490, %cond3A_491 : i32
      scf.if %cond3A_492 {
        "tpu.region"() ({
          %run_scoped3A = tpu.sem_alloc : memref<!tpu.dma_semaphore, #tpu.memory_space<semaphore_mem>>
          %dma_start3A_513 = arith.constant 0 : i32
          %dma_start3A_514 = tpu.memref_slice %arg23[%dma_start3A_513] : memref<10240xf32, #tpu.memory_space<vmem_shared>> -> memref<10240xf32, #tpu.memory_space<vmem_shared>>
          tpu.enqueue_indirect_dma source(%arg11 : memref<128xf32, #tpu.memory_space<vmem>>) target(%dma_start3A_514 : memref<10240xf32, #tpu.memory_space<vmem_shared>>) offsets(%arg15 : memref<128xi32, #tpu.memory_space<vmem>>) semaphore(%run_scoped3A : memref<!tpu.dma_semaphore, #tpu.memory_space<semaphore_mem>>) {add = true}
          %dma_wait3A_515 = arith.constant 0 : i32
          %dma_wait3A_516 = tpu.memref_slice %arg23[%dma_wait3A_515] : memref<10240xf32, #tpu.memory_space<vmem_shared>> -> memref<10240xf32, #tpu.memory_space<vmem_shared>>
          tpu.wait_indirect_dma semaphore(%run_scoped3A : memref<!tpu.dma_semaphore, #tpu.memory_space<semaphore_mem>>) src(%arg11 : memref<128xf32, #tpu.memory_space<vmem>>) dst(%dma_wait3A_516 : memref<10240xf32, #tpu.memory_space<vmem_shared>>)
          tpu.yield
        }) : () -> ()
      } else {
      }
      %dma_wait3A_493 = arith.constant 0 : i32
      %dma_wait3A_494 = arith.constant 0 : i32
      %dma_wait3A_495 = tpu.memref_slice %arg21[%dma_wait3A_493, %dma_wait3A_494] : memref<10240x32xf32, #tpu.memory_space<vmem_shared>> -> memref<10240x32xf32, #tpu.memory_space<vmem_shared>>
      tpu.wait_indirect_dma semaphore(%arg25 : memref<!tpu.dma_semaphore, #tpu.memory_space<semaphore_mem>>) src(%dma_wait3A_495 : memref<10240x32xf32, #tpu.memory_space<vmem_shared>>) dst(%arg18 : memref<128x32xf32, #tpu.memory_space<vmem>>)
      %parallel_loop3A_496 = arith.constant 0 : i32
      %parallel_loop3A_497 = arith.constant 128 : i32
      %parallel_loop3A_498 = arith.constant 1 : i32
      scf.for %parallel_loop3A_513 = %parallel_loop3A_496 to %parallel_loop3A_497 step %parallel_loop3A_498  : i32 {
        %parallel_loop3A_514 = vector.broadcast %parallel_loop3A_513 : i32 to vector<16xi32>
        %parallel_loop3A_515 = tpu.vector_load_idx %arg12[%parallel_loop3A_514] : memref<128xf32, #tpu.memory_space<vmem>>[vector<16xi32>], vector<16xf32>,
        %parallel_loop3A_516 = arith.index_cast %parallel_loop3A_513 : i32 to index
        %parallel_loop3A_517 = arith.constant 0 : index
        %parallel_loop3A_518 = tpu.vector_load %arg18[%parallel_loop3A_516, %parallel_loop3A_517] {strides = array<i32>} : memref<128x32xf32, #tpu.memory_space<vmem>>, vector<16xf32>,
        %parallel_loop3A_519 = arith.mulf %parallel_loop3A_518, %parallel_loop3A_515 : vector<16xf32>
        %parallel_loop3A_520 = arith.index_cast %parallel_loop3A_513 : i32 to index
        %parallel_loop3A_521 = arith.constant 0 : index
        %parallel_loop3A_522 = tpu.vector_load %arg20[%parallel_loop3A_520, %parallel_loop3A_521] {strides = array<i32>} : memref<128x32xf32, #tpu.memory_space<vmem>>, vector<16xf32>,
        tpu.vector_store %arg20[%parallel_loop3A_520, %parallel_loop3A_521], %parallel_loop3A_519 {strides = array<i32>} : memref<128x32xf32, #tpu.memory_space<vmem>>, vector<16xf32>,
        %parallel_loop3A_523 = arith.index_cast %parallel_loop3A_513 : i32 to index
        %parallel_loop3A_524 = arith.constant 16 : index
        %parallel_loop3A_525 = tpu.vector_load %arg18[%parallel_loop3A_523, %parallel_loop3A_524] {strides = array<i32>} : memref<128x32xf32, #tpu.memory_space<vmem>>, vector<16xf32>,
        %parallel_loop3A_526 = arith.mulf %parallel_loop3A_525, %parallel_loop3A_515 : vector<16xf32>
        %parallel_loop3A_527 = arith.index_cast %parallel_loop3A_513 : i32 to index
        %parallel_loop3A_528 = arith.constant 16 : index
        %parallel_loop3A_529 = tpu.vector_load %arg20[%parallel_loop3A_527, %parallel_loop3A_528] {strides = array<i32>} : memref<128x32xf32, #tpu.memory_space<vmem>>, vector<16xf32>,
        tpu.vector_store %arg20[%parallel_loop3A_527, %parallel_loop3A_528], %parallel_loop3A_526 {strides = array<i32>} : memref<128x32xf32, #tpu.memory_space<vmem>>, vector<16xf32>,
      } {sc.loop_unroll_factor = 8 : i64, sc.parallel_access}
      %dma_start3A_499 = arith.constant 0 : i32
      %dma_start3A_500 = arith.constant 0 : i32
      %dma_start3A_501 = tpu.memref_slice %arg22[%dma_start3A_499, %dma_start3A_500] : memref<10240x32xf32, #tpu.memory_space<vmem_shared>> -> memref<10240x32xf32, #tpu.memory_space<vmem_shared>>
      tpu.enqueue_indirect_dma source(%arg20 : memref<128x32xf32, #tpu.memory_space<vmem>>) target(%dma_start3A_501 : memref<10240x32xf32, #tpu.memory_space<vmem_shared>>) offsets(%arg16 : memref<128xi32, #tpu.memory_space<vmem>>) semaphore(%arg27 : memref<!tpu.dma_semaphore, #tpu.memory_space<semaphore_mem>>) {add = true}
      %eq3A_502 = arith.constant 0 : i32
      %eq3A_503 = arith.cmpi eq, %arg0, %eq3A_502 : i32
      %convert_element_type3A_504 = arith.extui %eq3A_503 : i1 to i32
      %cond3A_505 = arith.constant 0 : i32
      %cond3A_506 = arith.cmpi ne, %convert_element_type3A_504, %cond3A_505 : i32
      scf.if %cond3A_506 {
        "tpu.region"() ({
          %run_scoped3A = tpu.sem_alloc : memref<!tpu.dma_semaphore, #tpu.memory_space<semaphore_mem>>
          %dma_start3A_513 = arith.constant 0 : i32
          %dma_start3A_514 = tpu.memref_slice %arg23[%dma_start3A_513] : memref<10240xf32, #tpu.memory_space<vmem_shared>> -> memref<10240xf32, #tpu.memory_space<vmem_shared>>
          tpu.enqueue_indirect_dma source(%arg12 : memref<128xf32, #tpu.memory_space<vmem>>) target(%dma_start3A_514 : memref<10240xf32, #tpu.memory_space<vmem_shared>>) offsets(%arg16 : memref<128xi32, #tpu.memory_space<vmem>>) semaphore(%run_scoped3A : memref<!tpu.dma_semaphore, #tpu.memory_space<semaphore_mem>>) {add = true}
          %dma_wait3A_515 = arith.constant 0 : i32
          %dma_wait3A_516 = tpu.memref_slice %arg23[%dma_wait3A_515] : memref<10240xf32, #tpu.memory_space<vmem_shared>> -> memref<10240xf32, #tpu.memory_space<vmem_shared>>
          tpu.wait_indirect_dma semaphore(%run_scoped3A : memref<!tpu.dma_semaphore, #tpu.memory_space<semaphore_mem>>) src(%arg12 : memref<128xf32, #tpu.memory_space<vmem>>) dst(%dma_wait3A_516 : memref<10240xf32, #tpu.memory_space<vmem_shared>>)
          tpu.yield
        }) : () -> ()
      } else {
      }
      %dma_wait3A_507 = arith.constant 0 : i32
      %dma_wait3A_508 = arith.constant 0 : i32
      %dma_wait3A_509 = tpu.memref_slice %arg22[%dma_wait3A_507, %dma_wait3A_508] : memref<10240x32xf32, #tpu.memory_space<vmem_shared>> -> memref<10240x32xf32, #tpu.memory_space<vmem_shared>>
      tpu.wait_indirect_dma semaphore(%arg26 : memref<!tpu.dma_semaphore, #tpu.memory_space<semaphore_mem>>) src(%arg19 : memref<128x32xf32, #tpu.memory_space<vmem>>) dst(%dma_wait3A_509 : memref<10240x32xf32, #tpu.memory_space<vmem_shared>>)
      %dma_wait3A_510 = arith.constant 0 : i32
      %dma_wait3A_511 = arith.constant 0 : i32
      %dma_wait3A_512 = tpu.memref_slice %arg22[%dma_wait3A_510, %dma_wait3A_511] : memref<10240x32xf32, #tpu.memory_space<vmem_shared>> -> memref<10240x32xf32, #tpu.memory_space<vmem_shared>>
      tpu.wait_indirect_dma semaphore(%arg27 : memref<!tpu.dma_semaphore, #tpu.memory_space<semaphore_mem>>) src(%arg20 : memref<128x32xf32, #tpu.memory_space<vmem>>) dst(%dma_wait3A_512 : memref<10240x32xf32, #tpu.memory_space<vmem_shared>>)
    }
    %scan3A_37 = arith.constant 81 : i32
    %barrier3A_38 = arith.constant 0 : index
    tpu.barrier barrier_id(%barrier3A_38)
    %add3A_39 = arith.constant 0 : i32
    %add3A_40 = arith.addi %mul3A_0, %add3A_39 : i32
    %add3A_41 = arith.constant 0 : i32
    %add3A_42 = arith.addi %mul3A_0, %add3A_41 : i32
    "tpu.region"() ({
      %run_scoped3A = tpu.sem_alloc : memref<!tpu.dma_semaphore, #tpu.memory_space<semaphore_mem>>
      %dma_start3A = arith.constant 0 : i32
      %dma_start3A_61 = tpu.memref_slice %arg6[%arg0, %add3A_42, %dma_start3A] : memref<2x10240x32xf32, #tpu.memory_space<hbm>> -> memref<1x128x32xf32, #tpu.memory_space<hbm>>
      %dma_start3A_62 = tpu.memref_squeeze %dma_start3A_61 : memref<1x128x32xf32, #tpu.memory_space<hbm>> -> memref<128x32xf32, #tpu.memory_space<hbm>>
      %dma_start3A_63 = arith.constant 0 : i32
      %dma_start3A_64 = tpu.memref_slice %arg22[%add3A_40, %dma_start3A_63] : memref<10240x32xf32, #tpu.memory_space<vmem_shared>> -> memref<128x32xf32, #tpu.memory_space<vmem_shared>>
      tpu.enqueue_dma source(%dma_start3A_64 : memref<128x32xf32, #tpu.memory_space<vmem_shared>>) target(%dma_start3A_62 : memref<128x32xf32, #tpu.memory_space<hbm>>) target_semaphore(%run_scoped3A : memref<!tpu.dma_semaphore, #tpu.memory_space<semaphore_mem>>)
      %dma_wait3A = arith.constant 0 : i32
      %dma_wait3A_65 = tpu.memref_slice %arg6[%arg0, %add3A_42, %dma_wait3A] : memref<2x10240x32xf32, #tpu.memory_space<hbm>> -> memref<1x128x32xf32, #tpu.memory_space<hbm>>
      %dma_wait3A_66 = tpu.memref_squeeze %dma_wait3A_65 : memref<1x128x32xf32, #tpu.memory_space<hbm>> -> memref<128x32xf32, #tpu.memory_space<hbm>>
      %dma_wait3A_67 = arith.constant 0 : i32
      %dma_wait3A_68 = tpu.memref_slice %arg22[%add3A_40, %dma_wait3A_67] : memref<10240x32xf32, #tpu.memory_space<vmem_shared>> -> memref<128x32xf32, #tpu.memory_space<vmem_shared>>
      tpu.wait_dma2 semaphore(%run_scoped3A : memref<!tpu.dma_semaphore, #tpu.memory_space<semaphore_mem>>) src(%dma_wait3A_68 : memref<128x32xf32, #tpu.memory_space<vmem_shared>>) dst(%dma_wait3A_66 : memref<128x32xf32, #tpu.memory_space<hbm>>)
      tpu.yield
    }) : () -> ()
    %add3A_43 = arith.constant 128 : i32
    %add3A_44 = arith.addi %mul3A_0, %add3A_43 : i32
    %add3A_45 = arith.constant 128 : i32
    %add3A_46 = arith.addi %mul3A_0, %add3A_45 : i32
    "tpu.region"() ({
      %run_scoped3A = tpu.sem_alloc : memref<!tpu.dma_semaphore, #tpu.memory_space<semaphore_mem>>
      %dma_start3A = arith.constant 0 : i32
      %dma_start3A_61 = tpu.memref_slice %arg6[%arg0, %add3A_46, %dma_start3A] : memref<2x10240x32xf32, #tpu.memory_space<hbm>> -> memref<1x128x32xf32, #tpu.memory_space<hbm>>
      %dma_start3A_62 = tpu.memref_squeeze %dma_start3A_61 : memref<1x128x32xf32, #tpu.memory_space<hbm>> -> memref<128x32xf32, #tpu.memory_space<hbm>>
      %dma_start3A_63 = arith.constant 0 : i32
      %dma_start3A_64 = tpu.memref_slice %arg22[%add3A_44, %dma_start3A_63] : memref<10240x32xf32, #tpu.memory_space<vmem_shared>> -> memref<128x32xf32, #tpu.memory_space<vmem_shared>>
      tpu.enqueue_dma source(%dma_start3A_64 : memref<128x32xf32, #tpu.memory_space<vmem_shared>>) target(%dma_start3A_62 : memref<128x32xf32, #tpu.memory_space<hbm>>) target_semaphore(%run_scoped3A : memref<!tpu.dma_semaphore, #tpu.memory_space<semaphore_mem>>)
      %dma_wait3A = arith.constant 0 : i32
      %dma_wait3A_65 = tpu.memref_slice %arg6[%arg0, %add3A_46, %dma_wait3A] : memref<2x10240x32xf32, #tpu.memory_space<hbm>> -> memref<1x128x32xf32, #tpu.memory_space<hbm>>
      %dma_wait3A_66 = tpu.memref_squeeze %dma_wait3A_65 : memref<1x128x32xf32, #tpu.memory_space<hbm>> -> memref<128x32xf32, #tpu.memory_space<hbm>>
      %dma_wait3A_67 = arith.constant 0 : i32
      %dma_wait3A_68 = tpu.memref_slice %arg22[%add3A_44, %dma_wait3A_67] : memref<10240x32xf32, #tpu.memory_space<vmem_shared>> -> memref<128x32xf32, #tpu.memory_space<vmem_shared>>
      tpu.wait_dma2 semaphore(%run_scoped3A : memref<!tpu.dma_semaphore, #tpu.memory_space<semaphore_mem>>) src(%dma_wait3A_68 : memref<128x32xf32, #tpu.memory_space<vmem_shared>>) dst(%dma_wait3A_66 : memref<128x32xf32, #tpu.memory_space<hbm>>)
      tpu.yield
    }) : () -> ()
    %add3A_47 = arith.constant 256 : i32
    %add3A_48 = arith.addi %mul3A_0, %add3A_47 : i32
    %add3A_49 = arith.constant 256 : i32
    %add3A_50 = arith.addi %mul3A_0, %add3A_49 : i32
    "tpu.region"() ({
      %run_scoped3A = tpu.sem_alloc : memref<!tpu.dma_semaphore, #tpu.memory_space<semaphore_mem>>
      %dma_start3A = arith.constant 0 : i32
      %dma_start3A_61 = tpu.memref_slice %arg6[%arg0, %add3A_50, %dma_start3A] : memref<2x10240x32xf32, #tpu.memory_space<hbm>> -> memref<1x128x32xf32, #tpu.memory_space<hbm>>
      %dma_start3A_62 = tpu.memref_squeeze %dma_start3A_61 : memref<1x128x32xf32, #tpu.memory_space<hbm>> -> memref<128x32xf32, #tpu.memory_space<hbm>>
      %dma_start3A_63 = arith.constant 0 : i32
      %dma_start3A_64 = tpu.memref_slice %arg22[%add3A_48, %dma_start3A_63] : memref<10240x32xf32, #tpu.memory_space<vmem_shared>> -> memref<128x32xf32, #tpu.memory_space<vmem_shared>>
      tpu.enqueue_dma source(%dma_start3A_64 : memref<128x32xf32, #tpu.memory_space<vmem_shared>>) target(%dma_start3A_62 : memref<128x32xf32, #tpu.memory_space<hbm>>) target_semaphore(%run_scoped3A : memref<!tpu.dma_semaphore, #tpu.memory_space<semaphore_mem>>)
      %dma_wait3A = arith.constant 0 : i32
      %dma_wait3A_65 = tpu.memref_slice %arg6[%arg0, %add3A_50, %dma_wait3A] : memref<2x10240x32xf32, #tpu.memory_space<hbm>> -> memref<1x128x32xf32, #tpu.memory_space<hbm>>
      %dma_wait3A_66 = tpu.memref_squeeze %dma_wait3A_65 : memref<1x128x32xf32, #tpu.memory_space<hbm>> -> memref<128x32xf32, #tpu.memory_space<hbm>>
      %dma_wait3A_67 = arith.constant 0 : i32
      %dma_wait3A_68 = tpu.memref_slice %arg22[%add3A_48, %dma_wait3A_67] : memref<10240x32xf32, #tpu.memory_space<vmem_shared>> -> memref<128x32xf32, #tpu.memory_space<vmem_shared>>
      tpu.wait_dma2 semaphore(%run_scoped3A : memref<!tpu.dma_semaphore, #tpu.memory_space<semaphore_mem>>) src(%dma_wait3A_68 : memref<128x32xf32, #tpu.memory_space<vmem_shared>>) dst(%dma_wait3A_66 : memref<128x32xf32, #tpu.memory_space<hbm>>)
      tpu.yield
    }) : () -> ()
    %add3A_51 = arith.constant 384 : i32
    %add3A_52 = arith.addi %mul3A_0, %add3A_51 : i32
    %add3A_53 = arith.constant 384 : i32
    %add3A_54 = arith.addi %mul3A_0, %add3A_53 : i32
    "tpu.region"() ({
      %run_scoped3A = tpu.sem_alloc : memref<!tpu.dma_semaphore, #tpu.memory_space<semaphore_mem>>
      %dma_start3A = arith.constant 0 : i32
      %dma_start3A_61 = tpu.memref_slice %arg6[%arg0, %add3A_54, %dma_start3A] : memref<2x10240x32xf32, #tpu.memory_space<hbm>> -> memref<1x128x32xf32, #tpu.memory_space<hbm>>
      %dma_start3A_62 = tpu.memref_squeeze %dma_start3A_61 : memref<1x128x32xf32, #tpu.memory_space<hbm>> -> memref<128x32xf32, #tpu.memory_space<hbm>>
      %dma_start3A_63 = arith.constant 0 : i32
      %dma_start3A_64 = tpu.memref_slice %arg22[%add3A_52, %dma_start3A_63] : memref<10240x32xf32, #tpu.memory_space<vmem_shared>> -> memref<128x32xf32, #tpu.memory_space<vmem_shared>>
      tpu.enqueue_dma source(%dma_start3A_64 : memref<128x32xf32, #tpu.memory_space<vmem_shared>>) target(%dma_start3A_62 : memref<128x32xf32, #tpu.memory_space<hbm>>) target_semaphore(%run_scoped3A : memref<!tpu.dma_semaphore, #tpu.memory_space<semaphore_mem>>)
      %dma_wait3A = arith.constant 0 : i32
      %dma_wait3A_65 = tpu.memref_slice %arg6[%arg0, %add3A_54, %dma_wait3A] : memref<2x10240x32xf32, #tpu.memory_space<hbm>> -> memref<1x128x32xf32, #tpu.memory_space<hbm>>
      %dma_wait3A_66 = tpu.memref_squeeze %dma_wait3A_65 : memref<1x128x32xf32, #tpu.memory_space<hbm>> -> memref<128x32xf32, #tpu.memory_space<hbm>>
      %dma_wait3A_67 = arith.constant 0 : i32
      %dma_wait3A_68 = tpu.memref_slice %arg22[%add3A_52, %dma_wait3A_67] : memref<10240x32xf32, #tpu.memory_space<vmem_shared>> -> memref<128x32xf32, #tpu.memory_space<vmem_shared>>
      tpu.wait_dma2 semaphore(%run_scoped3A : memref<!tpu.dma_semaphore, #tpu.memory_space<semaphore_mem>>) src(%dma_wait3A_68 : memref<128x32xf32, #tpu.memory_space<vmem_shared>>) dst(%dma_wait3A_66 : memref<128x32xf32, #tpu.memory_space<hbm>>)
      tpu.yield
    }) : () -> ()
    %add3A_55 = arith.constant 512 : i32
    %add3A_56 = arith.addi %mul3A_0, %add3A_55 : i32
    %add3A_57 = arith.constant 512 : i32
    %add3A_58 = arith.addi %mul3A_0, %add3A_57 : i32
    "tpu.region"() ({
      %run_scoped3A = tpu.sem_alloc : memref<!tpu.dma_semaphore, #tpu.memory_space<semaphore_mem>>
      %dma_start3A = arith.constant 0 : i32
      %dma_start3A_61 = tpu.memref_slice %arg6[%arg0, %add3A_58, %dma_start3A] : memref<2x10240x32xf32, #tpu.memory_space<hbm>> -> memref<1x128x32xf32, #tpu.memory_space<hbm>>
      %dma_start3A_62 = tpu.memref_squeeze %dma_start3A_61 : memref<1x128x32xf32, #tpu.memory_space<hbm>> -> memref<128x32xf32, #tpu.memory_space<hbm>>
      %dma_start3A_63 = arith.constant 0 : i32
      %dma_start3A_64 = tpu.memref_slice %arg22[%add3A_56, %dma_start3A_63] : memref<10240x32xf32, #tpu.memory_space<vmem_shared>> -> memref<128x32xf32, #tpu.memory_space<vmem_shared>>
      tpu.enqueue_dma source(%dma_start3A_64 : memref<128x32xf32, #tpu.memory_space<vmem_shared>>) target(%dma_start3A_62 : memref<128x32xf32, #tpu.memory_space<hbm>>) target_semaphore(%run_scoped3A : memref<!tpu.dma_semaphore, #tpu.memory_space<semaphore_mem>>)
      %dma_wait3A = arith.constant 0 : i32
      %dma_wait3A_65 = tpu.memref_slice %arg6[%arg0, %add3A_58, %dma_wait3A] : memref<2x10240x32xf32, #tpu.memory_space<hbm>> -> memref<1x128x32xf32, #tpu.memory_space<hbm>>
      %dma_wait3A_66 = tpu.memref_squeeze %dma_wait3A_65 : memref<1x128x32xf32, #tpu.memory_space<hbm>> -> memref<128x32xf32, #tpu.memory_space<hbm>>
      %dma_wait3A_67 = arith.constant 0 : i32
      %dma_wait3A_68 = tpu.memref_slice %arg22[%add3A_56, %dma_wait3A_67] : memref<10240x32xf32, #tpu.memory_space<vmem_shared>> -> memref<128x32xf32, #tpu.memory_space<vmem_shared>>
      tpu.wait_dma2 semaphore(%run_scoped3A : memref<!tpu.dma_semaphore, #tpu.memory_space<semaphore_mem>>) src(%dma_wait3A_68 : memref<128x32xf32, #tpu.memory_space<vmem_shared>>) dst(%dma_wait3A_66 : memref<128x32xf32, #tpu.memory_space<hbm>>)
      tpu.yield
    }) : () -> ()
    %eq3A = arith.constant 0 : i32
    %eq3A_59 = arith.cmpi eq, %arg0, %eq3A : i32
    %convert_element_type3A = arith.extui %eq3A_59 : i1 to i32
    %cond3A = arith.constant 0 : i32
    %cond3A_60 = arith.cmpi ne, %convert_element_type3A, %cond3A : i32
    scf.if %cond3A_60 {
      "tpu.region"() ({
        %run_scoped3A = tpu.sem_alloc : memref<!tpu.dma_semaphore, #tpu.memory_space<semaphore_mem>>
        %dma_start3A = tpu.memref_slice %arg7[%mul3A_0] : memref<10240xf32, #tpu.memory_space<hbm>> -> memref<640xf32, #tpu.memory_space<hbm>>
        %dma_start3A_61 = tpu.memref_slice %arg23[%mul3A_0] : memref<10240xf32, #tpu.memory_space<vmem_shared>> -> memref<640xf32, #tpu.memory_space<vmem_shared>>
        tpu.enqueue_dma source(%dma_start3A_61 : memref<640xf32, #tpu.memory_space<vmem_shared>>) target(%dma_start3A : memref<640xf32, #tpu.memory_space<hbm>>) target_semaphore(%run_scoped3A : memref<!tpu.dma_semaphore, #tpu.memory_space<semaphore_mem>>)
        %dma_wait3A = tpu.memref_slice %arg7[%mul3A_0] : memref<10240xf32, #tpu.memory_space<hbm>> -> memref<640xf32, #tpu.memory_space<hbm>>
        %dma_wait3A_62 = tpu.memref_slice %arg23[%mul3A_0] : memref<10240xf32, #tpu.memory_space<vmem_shared>> -> memref<640xf32, #tpu.memory_space<vmem_shared>>
        tpu.wait_dma2 semaphore(%run_scoped3A : memref<!tpu.dma_semaphore, #tpu.memory_space<semaphore_mem>>) src(%dma_wait3A_62 : memref<640xf32, #tpu.memory_space<vmem_shared>>) dst(%dma_wait3A : memref<640xf32, #tpu.memory_space<hbm>>)
        tpu.yield
      }) : () -> ()
    } else {
    }
    return
  }
}

#map = affine_map<(d0, d1) -> (0, 0, 0)>
#map1 = affine_map<(d0, d1) -> (0)>
module attributes {stable_mosaic.version = 14 : i64} {
  func.func @_sc_edge_body(%arg0: i32, %arg1: i32, %arg2: memref<2x10240x32xf32, #tpu.memory_space<hbm>>, %arg3: memref<10240xf32, #tpu.memory_space<hbm>>, %arg4: memref<10240xf32, #tpu.memory_space<hbm>>, %arg5: memref<16x162x128xi32, #tpu.memory_space<hbm>>, %arg6: memref<2x10240x32xf32, #tpu.memory_space<hbm>>, %arg7: memref<10240xf32, #tpu.memory_space<hbm>>, %arg8: memref<10240xf32, #tpu.memory_space<vmem>>, %arg9: memref<10240xf32, #tpu.memory_space<vmem>>, %arg10: memref<162x128xi32, #tpu.memory_space<vmem>>, %arg11: memref<128xf32, #tpu.memory_space<vmem>>, %arg12: memref<128xf32, #tpu.memory_space<vmem>>, %arg13: memref<128xi32, #tpu.memory_space<vmem>>, %arg14: memref<128xi32, #tpu.memory_space<vmem>>, %arg15: memref<128xi32, #tpu.memory_space<vmem>>, %arg16: memref<128xi32, #tpu.memory_space<vmem>>, %arg17: memref<128x32xf32, #tpu.memory_space<vmem>>, %arg18: memref<128x32xf32, #tpu.memory_space<vmem>>, %arg19: memref<128x32xf32, #tpu.memory_space<vmem>>, %arg20: memref<128x32xf32, #tpu.memory_space<vmem>>, %arg21: memref<10240x32xf32, #tpu.memory_space<vmem_shared>>, %arg22: memref<10240x32xf32, #tpu.memory_space<vmem_shared>>, %arg23: memref<10240xf32, #tpu.memory_space<vmem_shared>>, %arg24: memref<!tpu.dma_semaphore, #tpu.memory_space<semaphore_mem>>, %arg25: memref<!tpu.dma_semaphore, #tpu.memory_space<semaphore_mem>>, %arg26: memref<!tpu.dma_semaphore, #tpu.memory_space<semaphore_mem>>, %arg27: memref<!tpu.dma_semaphore, #tpu.memory_space<semaphore_mem>>) attributes {dimension_semantics = [#tpu.dimension_semantics<core_parallel>, #tpu.dimension_semantics<subcore_parallel>], iteration_bounds = array<i64: 2, 16>, scalar_prefetch = 0 : i64, scratch_operands = 20 : i64, tpu.core_type = #tpu.core_type<sc_vector_subcore>, window_params = [{transform_indices = #map}, {transform_indices = #map1}, {transform_indices = #map1}, {transform_indices = #map}, {transform_indices = #map}, {transform_indices = #map1}]} {
    "tpu.region"() ({
      %run_scoped3A = tpu.sem_alloc : memref<!tpu.dma_semaphore, #tpu.memory_space<semaphore_mem>>
      tpu.enqueue_dma source(%arg3 : memref<10240xf32, #tpu.memory_space<hbm>>) target(%arg8 : memref<10240xf32, #tpu.memory_space<vmem>>) target_semaphore(%run_scoped3A : memref<!tpu.dma_semaphore, #tpu.memory_space<semaphore_mem>>)
      tpu.wait_dma2 semaphore(%run_scoped3A : memref<!tpu.dma_semaphore, #tpu.memory_space<semaphore_mem>>) src(%arg3 : memref<10240xf32, #tpu.memory_space<hbm>>) dst(%arg8 : memref<10240xf32, #tpu.memory_space<vmem>>)
      tpu.yield
    }) : () -> ()
    "tpu.region"() ({
      %run_scoped3A = tpu.sem_alloc : memref<!tpu.dma_semaphore, #tpu.memory_space<semaphore_mem>>
      tpu.enqueue_dma source(%arg4 : memref<10240xf32, #tpu.memory_space<hbm>>) target(%arg9 : memref<10240xf32, #tpu.memory_space<vmem>>) target_semaphore(%run_scoped3A : memref<!tpu.dma_semaphore, #tpu.memory_space<semaphore_mem>>)
      tpu.wait_dma2 semaphore(%run_scoped3A : memref<!tpu.dma_semaphore, #tpu.memory_space<semaphore_mem>>) src(%arg4 : memref<10240xf32, #tpu.memory_space<hbm>>) dst(%arg9 : memref<10240xf32, #tpu.memory_space<vmem>>)
      tpu.yield
    }) : () -> ()
    "tpu.region"() ({
      %run_scoped3A = tpu.sem_alloc : memref<!tpu.dma_semaphore, #tpu.memory_space<semaphore_mem>>
      %dma_start3A = arith.constant 0 : i32
      %dma_start3A_61 = arith.constant 0 : i32
      %dma_start3A_62 = tpu.memref_slice %arg5[%arg1, %dma_start3A, %dma_start3A_61] : memref<16x162x128xi32, #tpu.memory_space<hbm>> -> memref<1x162x128xi32, #tpu.memory_space<hbm>>
      %dma_start3A_63 = tpu.memref_squeeze %dma_start3A_62 : memref<1x162x128xi32, #tpu.memory_space<hbm>> -> memref<162x128xi32, #tpu.memory_space<hbm>>
      %dma_start3A_64 = arith.constant 0 : i32
      %dma_start3A_65 = arith.constant 0 : i32
      %dma_start3A_66 = tpu.memref_slice %arg5[%arg1, %dma_start3A_64, %dma_start3A_65] : memref<16x162x128xi32, #tpu.memory_space<hbm>> -> memref<1x162x128xi32, #tpu.memory_space<hbm>>
      %dma_start3A_67 = tpu.memref_squeeze %dma_start3A_66 : memref<1x162x128xi32, #tpu.memory_space<hbm>> -> memref<162x128xi32, #tpu.memory_space<hbm>>
      tpu.enqueue_dma source(%dma_start3A_67 : memref<162x128xi32, #tpu.memory_space<hbm>>) target(%arg10 : memref<162x128xi32, #tpu.memory_space<vmem>>) target_semaphore(%run_scoped3A : memref<!tpu.dma_semaphore, #tpu.memory_space<semaphore_mem>>)
      %dma_wait3A = arith.constant 0 : i32
      %dma_wait3A_68 = arith.constant 0 : i32
      %dma_wait3A_69 = tpu.memref_slice %arg5[%arg1, %dma_wait3A, %dma_wait3A_68] : memref<16x162x128xi32, #tpu.memory_space<hbm>> -> memref<1x162x128xi32, #tpu.memory_space<hbm>>
      %dma_wait3A_70 = tpu.memref_squeeze %dma_wait3A_69 : memref<1x162x128xi32, #tpu.memory_space<hbm>> -> memref<162x128xi32, #tpu.memory_space<hbm>>
      %dma_wait3A_71 = arith.constant 0 : i32
      %dma_wait3A_72 = arith.constant 0 : i32
      %dma_wait3A_73 = tpu.memref_slice %arg5[%arg1, %dma_wait3A_71, %dma_wait3A_72] : memref<16x162x128xi32, #tpu.memory_space<hbm>> -> memref<1x162x128xi32, #tpu.memory_space<hbm>>
      %dma_wait3A_74 = tpu.memref_squeeze %dma_wait3A_73 : memref<1x162x128xi32, #tpu.memory_space<hbm>> -> memref<162x128xi32, #tpu.memory_space<hbm>>
      tpu.wait_dma2 semaphore(%run_scoped3A : memref<!tpu.dma_semaphore, #tpu.memory_space<semaphore_mem>>) src(%dma_wait3A_74 : memref<162x128xi32, #tpu.memory_space<hbm>>) dst(%arg10 : memref<162x128xi32, #tpu.memory_space<vmem>>)
      tpu.yield
    }) : () -> ()
    %mul3A = arith.constant 640 : i32
    %mul3A_0 = arith.muli %arg1, %mul3A : i32
    "tpu.region"() ({
      %run_scoped3A = tpu.sem_alloc : memref<!tpu.dma_semaphore, #tpu.memory_space<semaphore_mem>>
      %dma_start3A = arith.constant 0 : i32
      %dma_start3A_61 = tpu.memref_slice %arg21[%mul3A_0, %dma_start3A] : memref<10240x32xf32, #tpu.memory_space<vmem_shared>> -> memref<640x32xf32, #tpu.memory_space<vmem_shared>>
      %dma_start3A_62 = arith.constant 0 : i32
      %dma_start3A_63 = tpu.memref_slice %arg2[%arg0, %mul3A_0, %dma_start3A_62] : memref<2x10240x32xf32, #tpu.memory_space<hbm>> -> memref<1x640x32xf32, #tpu.memory_space<hbm>>
      %dma_start3A_64 = tpu.memref_squeeze %dma_start3A_63 : memref<1x640x32xf32, #tpu.memory_space<hbm>> -> memref<640x32xf32, #tpu.memory_space<hbm>>
      tpu.enqueue_dma source(%dma_start3A_64 : memref<640x32xf32, #tpu.memory_space<hbm>>) target(%dma_start3A_61 : memref<640x32xf32, #tpu.memory_space<vmem_shared>>) target_semaphore(%run_scoped3A : memref<!tpu.dma_semaphore, #tpu.memory_space<semaphore_mem>>)
      %dma_wait3A = arith.constant 0 : i32
      %dma_wait3A_65 = tpu.memref_slice %arg21[%mul3A_0, %dma_wait3A] : memref<10240x32xf32, #tpu.memory_space<vmem_shared>> -> memref<640x32xf32, #tpu.memory_space<vmem_shared>>
      %dma_wait3A_66 = arith.constant 0 : i32
      %dma_wait3A_67 = tpu.memref_slice %arg2[%arg0, %mul3A_0, %dma_wait3A_66] : memref<2x10240x32xf32, #tpu.memory_space<hbm>> -> memref<1x640x32xf32, #tpu.memory_space<hbm>>
      %dma_wait3A_68 = tpu.memref_squeeze %dma_wait3A_67 : memref<1x640x32xf32, #tpu.memory_space<hbm>> -> memref<640x32xf32, #tpu.memory_space<hbm>>
      tpu.wait_dma2 semaphore(%run_scoped3A : memref<!tpu.dma_semaphore, #tpu.memory_space<semaphore_mem>>) src(%dma_wait3A_68 : memref<640x32xf32, #tpu.memory_space<hbm>>) dst(%dma_wait3A_65 : memref<640x32xf32, #tpu.memory_space<vmem_shared>>)
      tpu.yield
    }) : () -> ()
    %broadcast_in_dim3A = arith.constant 0.000000e+00 : f32
    %broadcast_in_dim3A_1 = vector.broadcast %broadcast_in_dim3A : f32 to vector<16xf32>
    %scan3A = arith.constant 0 : i32
    %scan3A_2 = arith.constant 0 : i32
    %scan3A_3 = arith.constant 128 : i32
    %scan3A_4 = arith.addi %scan3A_2, %scan3A_3 : i32
    %scan3A_5 = arith.constant 1 : i32
    scf.for %scan3A_61 = %scan3A_2 to %scan3A_4 step %scan3A_5  : i32 {
      %swap3A = arith.index_cast %scan3A_61 : i32 to index
      %swap3A_62 = arith.constant 0 : index
      %swap3A_63 = tpu.vector_load %arg19[%swap3A, %swap3A_62] {strides = array<i32>} : memref<128x32xf32, #tpu.memory_space<vmem>>, vector<16xf32>,
      tpu.vector_store %arg19[%swap3A, %swap3A_62], %broadcast_in_dim3A_1 {strides = array<i32>} : memref<128x32xf32, #tpu.memory_space<vmem>>, vector<16xf32>,
      %swap3A_64 = arith.index_cast %scan3A_61 : i32 to index
      %swap3A_65 = arith.constant 16 : index
      %swap3A_66 = tpu.vector_load %arg19[%swap3A_64, %swap3A_65] {strides = array<i32>} : memref<128x32xf32, #tpu.memory_space<vmem>>, vector<16xf32>,
      tpu.vector_store %arg19[%swap3A_64, %swap3A_65], %broadcast_in_dim3A_1 {strides = array<i32>} : memref<128x32xf32, #tpu.memory_space<vmem>>, vector<16xf32>,
    }
    %scan3A_6 = arith.constant 128 : i32
    %scan3A_7 = arith.constant 0 : i32
    %scan3A_8 = arith.constant 0 : i32
    %scan3A_9 = arith.constant 8 : i32
    %scan3A_10 = arith.addi %scan3A_8, %scan3A_9 : i32
    %scan3A_11 = arith.constant 1 : i32
    scf.for %scan3A_61 = %scan3A_8 to %scan3A_10 step %scan3A_11  : i32 {
      %mul3A_62 = arith.constant 16 : i32
      %mul3A_63 = arith.muli %scan3A_61, %mul3A_62 : i32
      %swap3A = arith.index_cast %mul3A_63 : i32 to index
      %swap3A_64 = tpu.vector_load %arg11[%swap3A] {strides = array<i32>} : memref<128xf32, #tpu.memory_space<vmem>>, vector<16xf32>,
      tpu.vector_store %arg11[%swap3A], %broadcast_in_dim3A_1 {strides = array<i32>} : memref<128xf32, #tpu.memory_space<vmem>>, vector<16xf32>,
    }
    %scan3A_12 = arith.constant 8 : i32
    %add3A = arith.constant 0 : i32
    %add3A_13 = arith.addi %mul3A_0, %add3A : i32
    "tpu.region"() ({
      %run_scoped3A = tpu.sem_alloc : memref<!tpu.dma_semaphore, #tpu.memory_space<semaphore_mem>>
      %dma_start3A = arith.constant 0 : i32
      %dma_start3A_61 = tpu.memref_slice %arg22[%add3A_13, %dma_start3A] : memref<10240x32xf32, #tpu.memory_space<vmem_shared>> -> memref<128x32xf32, #tpu.memory_space<vmem_shared>>
      %dma_start3A_62 = arith.constant 0 : i32
      %dma_start3A_63 = tpu.memref_slice %arg22[%add3A_13, %dma_start3A_62] : memref<10240x32xf32, #tpu.memory_space<vmem_shared>> -> memref<128x32xf32, #tpu.memory_space<vmem_shared>>
      tpu.enqueue_dma source(%arg19 : memref<128x32xf32, #tpu.memory_space<vmem>>) target(%dma_start3A_63 : memref<128x32xf32, #tpu.memory_space<vmem_shared>>) target_semaphore(%run_scoped3A : memref<!tpu.dma_semaphore, #tpu.memory_space<semaphore_mem>>)
      %dma_wait3A = arith.constant 0 : i32
      %dma_wait3A_64 = tpu.memref_slice %arg22[%add3A_13, %dma_wait3A] : memref<10240x32xf32, #tpu.memory_space<vmem_shared>> -> memref<128x32xf32, #tpu.memory_space<vmem_shared>>
      %dma_wait3A_65 = arith.constant 0 : i32
      %dma_wait3A_66 = tpu.memref_slice %arg22[%add3A_13, %dma_wait3A_65] : memref<10240x32xf32, #tpu.memory_space<vmem_shared>> -> memref<128x32xf32, #tpu.memory_space<vmem_shared>>
      tpu.wait_dma2 semaphore(%run_scoped3A : memref<!tpu.dma_semaphore, #tpu.memory_space<semaphore_mem>>) src(%arg19 : memref<128x32xf32, #tpu.memory_space<vmem>>) dst(%dma_wait3A_66 : memref<128x32xf32, #tpu.memory_space<vmem_shared>>)
      tpu.yield
    }) : () -> ()
    %add3A_14 = arith.constant 0 : i32
    %add3A_15 = arith.addi %mul3A_0, %add3A_14 : i32
    "tpu.region"() ({
      %run_scoped3A = tpu.sem_alloc : memref<!tpu.dma_semaphore, #tpu.memory_space<semaphore_mem>>
      %dma_start3A = tpu.memref_slice %arg23[%add3A_15] : memref<10240xf32, #tpu.memory_space<vmem_shared>> -> memref<128xf32, #tpu.memory_space<vmem_shared>>
      %dma_start3A_61 = tpu.memref_slice %arg23[%add3A_15] : memref<10240xf32, #tpu.memory_space<vmem_shared>> -> memref<128xf32, #tpu.memory_space<vmem_shared>>
      tpu.enqueue_dma source(%arg11 : memref<128xf32, #tpu.memory_space<vmem>>) target(%dma_start3A_61 : memref<128xf32, #tpu.memory_space<vmem_shared>>) target_semaphore(%run_scoped3A : memref<!tpu.dma_semaphore, #tpu.memory_space<semaphore_mem>>)
      %dma_wait3A = tpu.memref_slice %arg23[%add3A_15] : memref<10240xf32, #tpu.memory_space<vmem_shared>> -> memref<128xf32, #tpu.memory_space<vmem_shared>>
      %dma_wait3A_62 = tpu.memref_slice %arg23[%add3A_15] : memref<10240xf32, #tpu.memory_space<vmem_shared>> -> memref<128xf32, #tpu.memory_space<vmem_shared>>
      tpu.wait_dma2 semaphore(%run_scoped3A : memref<!tpu.dma_semaphore, #tpu.memory_space<semaphore_mem>>) src(%arg11 : memref<128xf32, #tpu.memory_space<vmem>>) dst(%dma_wait3A_62 : memref<128xf32, #tpu.memory_space<vmem_shared>>)
      tpu.yield
    }) : () -> ()
    %add3A_16 = arith.constant 128 : i32
    %add3A_17 = arith.addi %mul3A_0, %add3A_16 : i32
    "tpu.region"() ({
      %run_scoped3A = tpu.sem_alloc : memref<!tpu.dma_semaphore, #tpu.memory_space<semaphore_mem>>
      %dma_start3A = arith.constant 0 : i32
      %dma_start3A_61 = tpu.memref_slice %arg22[%add3A_17, %dma_start3A] : memref<10240x32xf32, #tpu.memory_space<vmem_shared>> -> memref<128x32xf32, #tpu.memory_space<vmem_shared>>
      %dma_start3A_62 = arith.constant 0 : i32
      %dma_start3A_63 = tpu.memref_slice %arg22[%add3A_17, %dma_start3A_62] : memref<10240x32xf32, #tpu.memory_space<vmem_shared>> -> memref<128x32xf32, #tpu.memory_space<vmem_shared>>
      tpu.enqueue_dma source(%arg19 : memref<128x32xf32, #tpu.memory_space<vmem>>) target(%dma_start3A_63 : memref<128x32xf32, #tpu.memory_space<vmem_shared>>) target_semaphore(%run_scoped3A : memref<!tpu.dma_semaphore, #tpu.memory_space<semaphore_mem>>)
      %dma_wait3A = arith.constant 0 : i32
      %dma_wait3A_64 = tpu.memref_slice %arg22[%add3A_17, %dma_wait3A] : memref<10240x32xf32, #tpu.memory_space<vmem_shared>> -> memref<128x32xf32, #tpu.memory_space<vmem_shared>>
      %dma_wait3A_65 = arith.constant 0 : i32
      %dma_wait3A_66 = tpu.memref_slice %arg22[%add3A_17, %dma_wait3A_65] : memref<10240x32xf32, #tpu.memory_space<vmem_shared>> -> memref<128x32xf32, #tpu.memory_space<vmem_shared>>
      tpu.wait_dma2 semaphore(%run_scoped3A : memref<!tpu.dma_semaphore, #tpu.memory_space<semaphore_mem>>) src(%arg19 : memref<128x32xf32, #tpu.memory_space<vmem>>) dst(%dma_wait3A_66 : memref<128x32xf32, #tpu.memory_space<vmem_shared>>)
      tpu.yield
    }) : () -> ()
    %add3A_18 = arith.constant 128 : i32
    %add3A_19 = arith.addi %mul3A_0, %add3A_18 : i32
    "tpu.region"() ({
      %run_scoped3A = tpu.sem_alloc : memref<!tpu.dma_semaphore, #tpu.memory_space<semaphore_mem>>
      %dma_start3A = tpu.memref_slice %arg23[%add3A_19] : memref<10240xf32, #tpu.memory_space<vmem_shared>> -> memref<128xf32, #tpu.memory_space<vmem_shared>>
      %dma_start3A_61 = tpu.memref_slice %arg23[%add3A_19] : memref<10240xf32, #tpu.memory_space<vmem_shared>> -> memref<128xf32, #tpu.memory_space<vmem_shared>>
      tpu.enqueue_dma source(%arg11 : memref<128xf32, #tpu.memory_space<vmem>>) target(%dma_start3A_61 : memref<128xf32, #tpu.memory_space<vmem_shared>>) target_semaphore(%run_scoped3A : memref<!tpu.dma_semaphore, #tpu.memory_space<semaphore_mem>>)
      %dma_wait3A = tpu.memref_slice %arg23[%add3A_19] : memref<10240xf32, #tpu.memory_space<vmem_shared>> -> memref<128xf32, #tpu.memory_space<vmem_shared>>
      %dma_wait3A_62 = tpu.memref_slice %arg23[%add3A_19] : memref<10240xf32, #tpu.memory_space<vmem_shared>> -> memref<128xf32, #tpu.memory_space<vmem_shared>>
      tpu.wait_dma2 semaphore(%run_scoped3A : memref<!tpu.dma_semaphore, #tpu.memory_space<semaphore_mem>>) src(%arg11 : memref<128xf32, #tpu.memory_space<vmem>>) dst(%dma_wait3A_62 : memref<128xf32, #tpu.memory_space<vmem_shared>>)
      tpu.yield
    }) : () -> ()
    %add3A_20 = arith.constant 256 : i32
    %add3A_21 = arith.addi %mul3A_0, %add3A_20 : i32
    "tpu.region"() ({
      %run_scoped3A = tpu.sem_alloc : memref<!tpu.dma_semaphore, #tpu.memory_space<semaphore_mem>>
      %dma_start3A = arith.constant 0 : i32
      %dma_start3A_61 = tpu.memref_slice %arg22[%add3A_21, %dma_start3A] : memref<10240x32xf32, #tpu.memory_space<vmem_shared>> -> memref<128x32xf32, #tpu.memory_space<vmem_shared>>
      %dma_start3A_62 = arith.constant 0 : i32
      %dma_start3A_63 = tpu.memref_slice %arg22[%add3A_21, %dma_start3A_62] : memref<10240x32xf32, #tpu.memory_space<vmem_shared>> -> memref<128x32xf32, #tpu.memory_space<vmem_shared>>
      tpu.enqueue_dma source(%arg19 : memref<128x32xf32, #tpu.memory_space<vmem>>) target(%dma_start3A_63 : memref<128x32xf32, #tpu.memory_space<vmem_shared>>) target_semaphore(%run_scoped3A : memref<!tpu.dma_semaphore, #tpu.memory_space<semaphore_mem>>)
      %dma_wait3A = arith.constant 0 : i32
      %dma_wait3A_64 = tpu.memref_slice %arg22[%add3A_21, %dma_wait3A] : memref<10240x32xf32, #tpu.memory_space<vmem_shared>> -> memref<128x32xf32, #tpu.memory_space<vmem_shared>>
      %dma_wait3A_65 = arith.constant 0 : i32
      %dma_wait3A_66 = tpu.memref_slice %arg22[%add3A_21, %dma_wait3A_65] : memref<10240x32xf32, #tpu.memory_space<vmem_shared>> -> memref<128x32xf32, #tpu.memory_space<vmem_shared>>
      tpu.wait_dma2 semaphore(%run_scoped3A : memref<!tpu.dma_semaphore, #tpu.memory_space<semaphore_mem>>) src(%arg19 : memref<128x32xf32, #tpu.memory_space<vmem>>) dst(%dma_wait3A_66 : memref<128x32xf32, #tpu.memory_space<vmem_shared>>)
      tpu.yield
    }) : () -> ()
    %add3A_22 = arith.constant 256 : i32
    %add3A_23 = arith.addi %mul3A_0, %add3A_22 : i32
    "tpu.region"() ({
      %run_scoped3A = tpu.sem_alloc : memref<!tpu.dma_semaphore, #tpu.memory_space<semaphore_mem>>
      %dma_start3A = tpu.memref_slice %arg23[%add3A_23] : memref<10240xf32, #tpu.memory_space<vmem_shared>> -> memref<128xf32, #tpu.memory_space<vmem_shared>>
      %dma_start3A_61 = tpu.memref_slice %arg23[%add3A_23] : memref<10240xf32, #tpu.memory_space<vmem_shared>> -> memref<128xf32, #tpu.memory_space<vmem_shared>>
      tpu.enqueue_dma source(%arg11 : memref<128xf32, #tpu.memory_space<vmem>>) target(%dma_start3A_61 : memref<128xf32, #tpu.memory_space<vmem_shared>>) target_semaphore(%run_scoped3A : memref<!tpu.dma_semaphore, #tpu.memory_space<semaphore_mem>>)
      %dma_wait3A = tpu.memref_slice %arg23[%add3A_23] : memref<10240xf32, #tpu.memory_space<vmem_shared>> -> memref<128xf32, #tpu.memory_space<vmem_shared>>
      %dma_wait3A_62 = tpu.memref_slice %arg23[%add3A_23] : memref<10240xf32, #tpu.memory_space<vmem_shared>> -> memref<128xf32, #tpu.memory_space<vmem_shared>>
      tpu.wait_dma2 semaphore(%run_scoped3A : memref<!tpu.dma_semaphore, #tpu.memory_space<semaphore_mem>>) src(%arg11 : memref<128xf32, #tpu.memory_space<vmem>>) dst(%dma_wait3A_62 : memref<128xf32, #tpu.memory_space<vmem_shared>>)
      tpu.yield
    }) : () -> ()
    %add3A_24 = arith.constant 384 : i32
    %add3A_25 = arith.addi %mul3A_0, %add3A_24 : i32
    "tpu.region"() ({
      %run_scoped3A = tpu.sem_alloc : memref<!tpu.dma_semaphore, #tpu.memory_space<semaphore_mem>>
      %dma_start3A = arith.constant 0 : i32
      %dma_start3A_61 = tpu.memref_slice %arg22[%add3A_25, %dma_start3A] : memref<10240x32xf32, #tpu.memory_space<vmem_shared>> -> memref<128x32xf32, #tpu.memory_space<vmem_shared>>
      %dma_start3A_62 = arith.constant 0 : i32
      %dma_start3A_63 = tpu.memref_slice %arg22[%add3A_25, %dma_start3A_62] : memref<10240x32xf32, #tpu.memory_space<vmem_shared>> -> memref<128x32xf32, #tpu.memory_space<vmem_shared>>
      tpu.enqueue_dma source(%arg19 : memref<128x32xf32, #tpu.memory_space<vmem>>) target(%dma_start3A_63 : memref<128x32xf32, #tpu.memory_space<vmem_shared>>) target_semaphore(%run_scoped3A : memref<!tpu.dma_semaphore, #tpu.memory_space<semaphore_mem>>)
      %dma_wait3A = arith.constant 0 : i32
      %dma_wait3A_64 = tpu.memref_slice %arg22[%add3A_25, %dma_wait3A] : memref<10240x32xf32, #tpu.memory_space<vmem_shared>> -> memref<128x32xf32, #tpu.memory_space<vmem_shared>>
      %dma_wait3A_65 = arith.constant 0 : i32
      %dma_wait3A_66 = tpu.memref_slice %arg22[%add3A_25, %dma_wait3A_65] : memref<10240x32xf32, #tpu.memory_space<vmem_shared>> -> memref<128x32xf32, #tpu.memory_space<vmem_shared>>
      tpu.wait_dma2 semaphore(%run_scoped3A : memref<!tpu.dma_semaphore, #tpu.memory_space<semaphore_mem>>) src(%arg19 : memref<128x32xf32, #tpu.memory_space<vmem>>) dst(%dma_wait3A_66 : memref<128x32xf32, #tpu.memory_space<vmem_shared>>)
      tpu.yield
    }) : () -> ()
    %add3A_26 = arith.constant 384 : i32
    %add3A_27 = arith.addi %mul3A_0, %add3A_26 : i32
    "tpu.region"() ({
      %run_scoped3A = tpu.sem_alloc : memref<!tpu.dma_semaphore, #tpu.memory_space<semaphore_mem>>
      %dma_start3A = tpu.memref_slice %arg23[%add3A_27] : memref<10240xf32, #tpu.memory_space<vmem_shared>> -> memref<128xf32, #tpu.memory_space<vmem_shared>>
      %dma_start3A_61 = tpu.memref_slice %arg23[%add3A_27] : memref<10240xf32, #tpu.memory_space<vmem_shared>> -> memref<128xf32, #tpu.memory_space<vmem_shared>>
      tpu.enqueue_dma source(%arg11 : memref<128xf32, #tpu.memory_space<vmem>>) target(%dma_start3A_61 : memref<128xf32, #tpu.memory_space<vmem_shared>>) target_semaphore(%run_scoped3A : memref<!tpu.dma_semaphore, #tpu.memory_space<semaphore_mem>>)
      %dma_wait3A = tpu.memref_slice %arg23[%add3A_27] : memref<10240xf32, #tpu.memory_space<vmem_shared>> -> memref<128xf32, #tpu.memory_space<vmem_shared>>
      %dma_wait3A_62 = tpu.memref_slice %arg23[%add3A_27] : memref<10240xf32, #tpu.memory_space<vmem_shared>> -> memref<128xf32, #tpu.memory_space<vmem_shared>>
      tpu.wait_dma2 semaphore(%run_scoped3A : memref<!tpu.dma_semaphore, #tpu.memory_space<semaphore_mem>>) src(%arg11 : memref<128xf32, #tpu.memory_space<vmem>>) dst(%dma_wait3A_62 : memref<128xf32, #tpu.memory_space<vmem_shared>>)
      tpu.yield
    }) : () -> ()
    %add3A_28 = arith.constant 512 : i32
    %add3A_29 = arith.addi %mul3A_0, %add3A_28 : i32
    "tpu.region"() ({
      %run_scoped3A = tpu.sem_alloc : memref<!tpu.dma_semaphore, #tpu.memory_space<semaphore_mem>>
      %dma_start3A = arith.constant 0 : i32
      %dma_start3A_61 = tpu.memref_slice %arg22[%add3A_29, %dma_start3A] : memref<10240x32xf32, #tpu.memory_space<vmem_shared>> -> memref<128x32xf32, #tpu.memory_space<vmem_shared>>
      %dma_start3A_62 = arith.constant 0 : i32
      %dma_start3A_63 = tpu.memref_slice %arg22[%add3A_29, %dma_start3A_62] : memref<10240x32xf32, #tpu.memory_space<vmem_shared>> -> memref<128x32xf32, #tpu.memory_space<vmem_shared>>
      tpu.enqueue_dma source(%arg19 : memref<128x32xf32, #tpu.memory_space<vmem>>) target(%dma_start3A_63 : memref<128x32xf32, #tpu.memory_space<vmem_shared>>) target_semaphore(%run_scoped3A : memref<!tpu.dma_semaphore, #tpu.memory_space<semaphore_mem>>)
      %dma_wait3A = arith.constant 0 : i32
      %dma_wait3A_64 = tpu.memref_slice %arg22[%add3A_29, %dma_wait3A] : memref<10240x32xf32, #tpu.memory_space<vmem_shared>> -> memref<128x32xf32, #tpu.memory_space<vmem_shared>>
      %dma_wait3A_65 = arith.constant 0 : i32
      %dma_wait3A_66 = tpu.memref_slice %arg22[%add3A_29, %dma_wait3A_65] : memref<10240x32xf32, #tpu.memory_space<vmem_shared>> -> memref<128x32xf32, #tpu.memory_space<vmem_shared>>
      tpu.wait_dma2 semaphore(%run_scoped3A : memref<!tpu.dma_semaphore, #tpu.memory_space<semaphore_mem>>) src(%arg19 : memref<128x32xf32, #tpu.memory_space<vmem>>) dst(%dma_wait3A_66 : memref<128x32xf32, #tpu.memory_space<vmem_shared>>)
      tpu.yield
    }) : () -> ()
    %add3A_30 = arith.constant 512 : i32
    %add3A_31 = arith.addi %mul3A_0, %add3A_30 : i32
    "tpu.region"() ({
      %run_scoped3A = tpu.sem_alloc : memref<!tpu.dma_semaphore, #tpu.memory_space<semaphore_mem>>
      %dma_start3A = tpu.memref_slice %arg23[%add3A_31] : memref<10240xf32, #tpu.memory_space<vmem_shared>> -> memref<128xf32, #tpu.memory_space<vmem_shared>>
      %dma_start3A_61 = tpu.memref_slice %arg23[%add3A_31] : memref<10240xf32, #tpu.memory_space<vmem_shared>> -> memref<128xf32, #tpu.memory_space<vmem_shared>>
      tpu.enqueue_dma source(%arg11 : memref<128xf32, #tpu.memory_space<vmem>>) target(%dma_start3A_61 : memref<128xf32, #tpu.memory_space<vmem_shared>>) target_semaphore(%run_scoped3A : memref<!tpu.dma_semaphore, #tpu.memory_space<semaphore_mem>>)
      %dma_wait3A = tpu.memref_slice %arg23[%add3A_31] : memref<10240xf32, #tpu.memory_space<vmem_shared>> -> memref<128xf32, #tpu.memory_space<vmem_shared>>
      %dma_wait3A_62 = tpu.memref_slice %arg23[%add3A_31] : memref<10240xf32, #tpu.memory_space<vmem_shared>> -> memref<128xf32, #tpu.memory_space<vmem_shared>>
      tpu.wait_dma2 semaphore(%run_scoped3A : memref<!tpu.dma_semaphore, #tpu.memory_space<semaphore_mem>>) src(%arg11 : memref<128xf32, #tpu.memory_space<vmem>>) dst(%dma_wait3A_62 : memref<128xf32, #tpu.memory_space<vmem_shared>>)
      tpu.yield
    }) : () -> ()
    %barrier3A = arith.constant 0 : index
    tpu.barrier barrier_id(%barrier3A)
    %scan3A_32 = arith.constant 0 : i32
    %scan3A_33 = arith.constant 0 : i32
    %scan3A_34 = arith.constant 81 : i32
    %scan3A_35 = arith.addi %scan3A_33, %scan3A_34 : i32
    %scan3A_36 = arith.constant 1 : i32
    scf.for %scan3A_61 = %scan3A_33 to %scan3A_35 step %scan3A_36  : i32 {
      %mul3A_62 = arith.constant 2 : i32
      %mul3A_63 = arith.muli %scan3A_61, %mul3A_62 : i32
      %add3A_64 = arith.constant 0 : i32
      %add3A_65 = arith.addi %mul3A_63, %add3A_64 : i32
      %get3A = arith.index_cast %add3A_65 : i32 to index
      %get3A_66 = arith.constant 0 : index
      %get3A_67 = tpu.vector_load %arg10[%get3A, %get3A_66] {strides = array<i32>} : memref<162x128xi32, #tpu.memory_space<vmem>>, vector<16xi32>,
      %shift_right_logical3A = arith.constant 14 : i32
      %shift_right_logical3A_68 = vector.broadcast %shift_right_logical3A : i32 to vector<16xi32>
      %shift_right_logical3A_69 = arith.shrui %get3A_67, %shift_right_logical3A_68 : vector<16xi32>
      %and3A = arith.constant 16383 : i32
      %and3A_70 = vector.broadcast %and3A : i32 to vector<16xi32>
      %and3A_71 = arith.andi %get3A_67, %and3A_70 : vector<16xi32>
      %swap3A = arith.constant 0 : index
      %swap3A_72 = tpu.vector_load %arg13[%swap3A] {strides = array<i32>} : memref<128xi32, #tpu.memory_space<vmem>>, vector<16xi32>,
      tpu.vector_store %arg13[%swap3A], %shift_right_logical3A_69 {strides = array<i32>} : memref<128xi32, #tpu.memory_space<vmem>>, vector<16xi32>,
      %swap3A_73 = arith.constant 0 : index
      %swap3A_74 = tpu.vector_load %arg15[%swap3A_73] {strides = array<i32>} : memref<128xi32, #tpu.memory_space<vmem>>, vector<16xi32>,
      tpu.vector_store %arg15[%swap3A_73], %and3A_71 {strides = array<i32>} : memref<128xi32, #tpu.memory_space<vmem>>, vector<16xi32>,
      %gather3A = tpu.vector_load_idx %arg8[%shift_right_logical3A_69] : memref<10240xf32, #tpu.memory_space<vmem>>[vector<16xi32>], vector<16xf32>,
      %gather3A_75 = tpu.vector_load_idx %arg9[%and3A_71] : memref<10240xf32, #tpu.memory_space<vmem>>[vector<16xi32>], vector<16xf32>,
      %add3A_76 = arith.addf %gather3A, %gather3A_75 : vector<16xf32>
      %ge3A = arith.constant 0.000000e+00 : f32
      %ge3A_77 = vector.broadcast %ge3A : f32 to vector<16xf32>
      %ge3A_78 = arith.cmpf oge, %add3A_76, %ge3A_77 : vector<16xf32>
      %mul3A_79 = arith.constant 2.000000e-01 : f32
      %mul3A_80 = vector.broadcast %mul3A_79 : f32 to vector<16xf32>
      %mul3A_81 = arith.mulf %add3A_76, %mul3A_80 : vector<16xf32>
      %select_n3A = arith.select %ge3A_78, %add3A_76, %mul3A_81 : vector<16xi1>, vector<16xf32>
      %exp3A = math.exp %select_n3A : vector<16xf32>
      %swap3A_82 = arith.constant 0 : index
      %swap3A_83 = tpu.vector_load %arg11[%swap3A_82] {strides = array<i32>} : memref<128xf32, #tpu.memory_space<vmem>>, vector<16xf32>,
      tpu.vector_store %arg11[%swap3A_82], %exp3A {strides = array<i32>} : memref<128xf32, #tpu.memory_space<vmem>>, vector<16xf32>,
      %get3A_84 = arith.index_cast %add3A_65 : i32 to index
      %get3A_85 = arith.constant 16 : index
      %get3A_86 = tpu.vector_load %arg10[%get3A_84, %get3A_85] {strides = array<i32>} : memref<162x128xi32, #tpu.memory_space<vmem>>, vector<16xi32>,
      %shift_right_logical3A_87 = arith.constant 14 : i32
      %shift_right_logical3A_88 = vector.broadcast %shift_right_logical3A_87 : i32 to vector<16xi32>
      %shift_right_logical3A_89 = arith.shrui %get3A_86, %shift_right_logical3A_88 : vector<16xi32>
      %and3A_90 = arith.constant 16383 : i32
      %and3A_91 = vector.broadcast %and3A_90 : i32 to vector<16xi32>
      %and3A_92 = arith.andi %get3A_86, %and3A_91 : vector<16xi32>
      %swap3A_93 = arith.constant 16 : index
      %swap3A_94 = tpu.vector_load %arg13[%swap3A_93] {strides = array<i32>} : memref<128xi32, #tpu.memory_space<vmem>>, vector<16xi32>,
      tpu.vector_store %arg13[%swap3A_93], %shift_right_logical3A_89 {strides = array<i32>} : memref<128xi32, #tpu.memory_space<vmem>>, vector<16xi32>,
      %swap3A_95 = arith.constant 16 : index
      %swap3A_96 = tpu.vector_load %arg15[%swap3A_95] {strides = array<i32>} : memref<128xi32, #tpu.memory_space<vmem>>, vector<16xi32>,
      tpu.vector_store %arg15[%swap3A_95], %and3A_92 {strides = array<i32>} : memref<128xi32, #tpu.memory_space<vmem>>, vector<16xi32>,
      %gather3A_97 = tpu.vector_load_idx %arg8[%shift_right_logical3A_89] : memref<10240xf32, #tpu.memory_space<vmem>>[vector<16xi32>], vector<16xf32>,
      %gather3A_98 = tpu.vector_load_idx %arg9[%and3A_92] : memref<10240xf32, #tpu.memory_space<vmem>>[vector<16xi32>], vector<16xf32>,
      %add3A_99 = arith.addf %gather3A_97, %gather3A_98 : vector<16xf32>
      %ge3A_100 = arith.constant 0.000000e+00 : f32
      %ge3A_101 = vector.broadcast %ge3A_100 : f32 to vector<16xf32>
      %ge3A_102 = arith.cmpf oge, %add3A_99, %ge3A_101 : vector<16xf32>
      %mul3A_103 = arith.constant 2.000000e-01 : f32
      %mul3A_104 = vector.broadcast %mul3A_103 : f32 to vector<16xf32>
      %mul3A_105 = arith.mulf %add3A_99, %mul3A_104 : vector<16xf32>
      %select_n3A_106 = arith.select %ge3A_102, %add3A_99, %mul3A_105 : vector<16xi1>, vector<16xf32>
      %exp3A_107 = math.exp %select_n3A_106 : vector<16xf32>
      %swap3A_108 = arith.constant 16 : index
      %swap3A_109 = tpu.vector_load %arg11[%swap3A_108] {strides = array<i32>} : memref<128xf32, #tpu.memory_space<vmem>>, vector<16xf32>,
      tpu.vector_store %arg11[%swap3A_108], %exp3A_107 {strides = array<i32>} : memref<128xf32, #tpu.memory_space<vmem>>, vector<16xf32>,
      %get3A_110 = arith.index_cast %add3A_65 : i32 to index
      %get3A_111 = arith.constant 32 : index
      %get3A_112 = tpu.vector_load %arg10[%get3A_110, %get3A_111] {strides = array<i32>} : memref<162x128xi32, #tpu.memory_space<vmem>>, vector<16xi32>,
      %shift_right_logical3A_113 = arith.constant 14 : i32
      %shift_right_logical3A_114 = vector.broadcast %shift_right_logical3A_113 : i32 to vector<16xi32>
      %shift_right_logical3A_115 = arith.shrui %get3A_112, %shift_right_logical3A_114 : vector<16xi32>
      %and3A_116 = arith.constant 16383 : i32
      %and3A_117 = vector.broadcast %and3A_116 : i32 to vector<16xi32>
      %and3A_118 = arith.andi %get3A_112, %and3A_117 : vector<16xi32>
      %swap3A_119 = arith.constant 32 : index
      %swap3A_120 = tpu.vector_load %arg13[%swap3A_119] {strides = array<i32>} : memref<128xi32, #tpu.memory_space<vmem>>, vector<16xi32>,
      tpu.vector_store %arg13[%swap3A_119], %shift_right_logical3A_115 {strides = array<i32>} : memref<128xi32, #tpu.memory_space<vmem>>, vector<16xi32>,
      %swap3A_121 = arith.constant 32 : index
      %swap3A_122 = tpu.vector_load %arg15[%swap3A_121] {strides = array<i32>} : memref<128xi32, #tpu.memory_space<vmem>>, vector<16xi32>,
      tpu.vector_store %arg15[%swap3A_121], %and3A_118 {strides = array<i32>} : memref<128xi32, #tpu.memory_space<vmem>>, vector<16xi32>,
      %gather3A_123 = tpu.vector_load_idx %arg8[%shift_right_logical3A_115] : memref<10240xf32, #tpu.memory_space<vmem>>[vector<16xi32>], vector<16xf32>,
      %gather3A_124 = tpu.vector_load_idx %arg9[%and3A_118] : memref<10240xf32, #tpu.memory_space<vmem>>[vector<16xi32>], vector<16xf32>,
      %add3A_125 = arith.addf %gather3A_123, %gather3A_124 : vector<16xf32>
      %ge3A_126 = arith.constant 0.000000e+00 : f32
      %ge3A_127 = vector.broadcast %ge3A_126 : f32 to vector<16xf32>
      %ge3A_128 = arith.cmpf oge, %add3A_125, %ge3A_127 : vector<16xf32>
      %mul3A_129 = arith.constant 2.000000e-01 : f32
      %mul3A_130 = vector.broadcast %mul3A_129 : f32 to vector<16xf32>
      %mul3A_131 = arith.mulf %add3A_125, %mul3A_130 : vector<16xf32>
      %select_n3A_132 = arith.select %ge3A_128, %add3A_125, %mul3A_131 : vector<16xi1>, vector<16xf32>
      %exp3A_133 = math.exp %select_n3A_132 : vector<16xf32>
      %swap3A_134 = arith.constant 32 : index
      %swap3A_135 = tpu.vector_load %arg11[%swap3A_134] {strides = array<i32>} : memref<128xf32, #tpu.memory_space<vmem>>, vector<16xf32>,
      tpu.vector_store %arg11[%swap3A_134], %exp3A_133 {strides = array<i32>} : memref<128xf32, #tpu.memory_space<vmem>>, vector<16xf32>,
      %get3A_136 = arith.index_cast %add3A_65 : i32 to index
      %get3A_137 = arith.constant 48 : index
      %get3A_138 = tpu.vector_load %arg10[%get3A_136, %get3A_137] {strides = array<i32>} : memref<162x128xi32, #tpu.memory_space<vmem>>, vector<16xi32>,
      %shift_right_logical3A_139 = arith.constant 14 : i32
      %shift_right_logical3A_140 = vector.broadcast %shift_right_logical3A_139 : i32 to vector<16xi32>
      %shift_right_logical3A_141 = arith.shrui %get3A_138, %shift_right_logical3A_140 : vector<16xi32>
      %and3A_142 = arith.constant 16383 : i32
      %and3A_143 = vector.broadcast %and3A_142 : i32 to vector<16xi32>
      %and3A_144 = arith.andi %get3A_138, %and3A_143 : vector<16xi32>
      %swap3A_145 = arith.constant 48 : index
      %swap3A_146 = tpu.vector_load %arg13[%swap3A_145] {strides = array<i32>} : memref<128xi32, #tpu.memory_space<vmem>>, vector<16xi32>,
      tpu.vector_store %arg13[%swap3A_145], %shift_right_logical3A_141 {strides = array<i32>} : memref<128xi32, #tpu.memory_space<vmem>>, vector<16xi32>,
      %swap3A_147 = arith.constant 48 : index
      %swap3A_148 = tpu.vector_load %arg15[%swap3A_147] {strides = array<i32>} : memref<128xi32, #tpu.memory_space<vmem>>, vector<16xi32>,
      tpu.vector_store %arg15[%swap3A_147], %and3A_144 {strides = array<i32>} : memref<128xi32, #tpu.memory_space<vmem>>, vector<16xi32>,
      %gather3A_149 = tpu.vector_load_idx %arg8[%shift_right_logical3A_141] : memref<10240xf32, #tpu.memory_space<vmem>>[vector<16xi32>], vector<16xf32>,
      %gather3A_150 = tpu.vector_load_idx %arg9[%and3A_144] : memref<10240xf32, #tpu.memory_space<vmem>>[vector<16xi32>], vector<16xf32>,
      %add3A_151 = arith.addf %gather3A_149, %gather3A_150 : vector<16xf32>
      %ge3A_152 = arith.constant 0.000000e+00 : f32
      %ge3A_153 = vector.broadcast %ge3A_152 : f32 to vector<16xf32>
      %ge3A_154 = arith.cmpf oge, %add3A_151, %ge3A_153 : vector<16xf32>
      %mul3A_155 = arith.constant 2.000000e-01 : f32
      %mul3A_156 = vector.broadcast %mul3A_155 : f32 to vector<16xf32>
      %mul3A_157 = arith.mulf %add3A_151, %mul3A_156 : vector<16xf32>
      %select_n3A_158 = arith.select %ge3A_154, %add3A_151, %mul3A_157 : vector<16xi1>, vector<16xf32>
      %exp3A_159 = math.exp %select_n3A_158 : vector<16xf32>
      %swap3A_160 = arith.constant 48 : index
      %swap3A_161 = tpu.vector_load %arg11[%swap3A_160] {strides = array<i32>} : memref<128xf32, #tpu.memory_space<vmem>>, vector<16xf32>,
      tpu.vector_store %arg11[%swap3A_160], %exp3A_159 {strides = array<i32>} : memref<128xf32, #tpu.memory_space<vmem>>, vector<16xf32>,
      %get3A_162 = arith.index_cast %add3A_65 : i32 to index
      %get3A_163 = arith.constant 64 : index
      %get3A_164 = tpu.vector_load %arg10[%get3A_162, %get3A_163] {strides = array<i32>} : memref<162x128xi32, #tpu.memory_space<vmem>>, vector<16xi32>,
      %shift_right_logical3A_165 = arith.constant 14 : i32
      %shift_right_logical3A_166 = vector.broadcast %shift_right_logical3A_165 : i32 to vector<16xi32>
      %shift_right_logical3A_167 = arith.shrui %get3A_164, %shift_right_logical3A_166 : vector<16xi32>
      %and3A_168 = arith.constant 16383 : i32
      %and3A_169 = vector.broadcast %and3A_168 : i32 to vector<16xi32>
      %and3A_170 = arith.andi %get3A_164, %and3A_169 : vector<16xi32>
      %swap3A_171 = arith.constant 64 : index
      %swap3A_172 = tpu.vector_load %arg13[%swap3A_171] {strides = array<i32>} : memref<128xi32, #tpu.memory_space<vmem>>, vector<16xi32>,
      tpu.vector_store %arg13[%swap3A_171], %shift_right_logical3A_167 {strides = array<i32>} : memref<128xi32, #tpu.memory_space<vmem>>, vector<16xi32>,
      %swap3A_173 = arith.constant 64 : index
      %swap3A_174 = tpu.vector_load %arg15[%swap3A_173] {strides = array<i32>} : memref<128xi32, #tpu.memory_space<vmem>>, vector<16xi32>,
      tpu.vector_store %arg15[%swap3A_173], %and3A_170 {strides = array<i32>} : memref<128xi32, #tpu.memory_space<vmem>>, vector<16xi32>,
      %gather3A_175 = tpu.vector_load_idx %arg8[%shift_right_logical3A_167] : memref<10240xf32, #tpu.memory_space<vmem>>[vector<16xi32>], vector<16xf32>,
      %gather3A_176 = tpu.vector_load_idx %arg9[%and3A_170] : memref<10240xf32, #tpu.memory_space<vmem>>[vector<16xi32>], vector<16xf32>,
      %add3A_177 = arith.addf %gather3A_175, %gather3A_176 : vector<16xf32>
      %ge3A_178 = arith.constant 0.000000e+00 : f32
      %ge3A_179 = vector.broadcast %ge3A_178 : f32 to vector<16xf32>
      %ge3A_180 = arith.cmpf oge, %add3A_177, %ge3A_179 : vector<16xf32>
      %mul3A_181 = arith.constant 2.000000e-01 : f32
      %mul3A_182 = vector.broadcast %mul3A_181 : f32 to vector<16xf32>
      %mul3A_183 = arith.mulf %add3A_177, %mul3A_182 : vector<16xf32>
      %select_n3A_184 = arith.select %ge3A_180, %add3A_177, %mul3A_183 : vector<16xi1>, vector<16xf32>
      %exp3A_185 = math.exp %select_n3A_184 : vector<16xf32>
      %swap3A_186 = arith.constant 64 : index
      %swap3A_187 = tpu.vector_load %arg11[%swap3A_186] {strides = array<i32>} : memref<128xf32, #tpu.memory_space<vmem>>, vector<16xf32>,
      tpu.vector_store %arg11[%swap3A_186], %exp3A_185 {strides = array<i32>} : memref<128xf32, #tpu.memory_space<vmem>>, vector<16xf32>,
      %get3A_188 = arith.index_cast %add3A_65 : i32 to index
      %get3A_189 = arith.constant 80 : index
      %get3A_190 = tpu.vector_load %arg10[%get3A_188, %get3A_189] {strides = array<i32>} : memref<162x128xi32, #tpu.memory_space<vmem>>, vector<16xi32>,
      %shift_right_logical3A_191 = arith.constant 14 : i32
      %shift_right_logical3A_192 = vector.broadcast %shift_right_logical3A_191 : i32 to vector<16xi32>
      %shift_right_logical3A_193 = arith.shrui %get3A_190, %shift_right_logical3A_192 : vector<16xi32>
      %and3A_194 = arith.constant 16383 : i32
      %and3A_195 = vector.broadcast %and3A_194 : i32 to vector<16xi32>
      %and3A_196 = arith.andi %get3A_190, %and3A_195 : vector<16xi32>
      %swap3A_197 = arith.constant 80 : index
      %swap3A_198 = tpu.vector_load %arg13[%swap3A_197] {strides = array<i32>} : memref<128xi32, #tpu.memory_space<vmem>>, vector<16xi32>,
      tpu.vector_store %arg13[%swap3A_197], %shift_right_logical3A_193 {strides = array<i32>} : memref<128xi32, #tpu.memory_space<vmem>>, vector<16xi32>,
      %swap3A_199 = arith.constant 80 : index
      %swap3A_200 = tpu.vector_load %arg15[%swap3A_199] {strides = array<i32>} : memref<128xi32, #tpu.memory_space<vmem>>, vector<16xi32>,
      tpu.vector_store %arg15[%swap3A_199], %and3A_196 {strides = array<i32>} : memref<128xi32, #tpu.memory_space<vmem>>, vector<16xi32>,
      %gather3A_201 = tpu.vector_load_idx %arg8[%shift_right_logical3A_193] : memref<10240xf32, #tpu.memory_space<vmem>>[vector<16xi32>], vector<16xf32>,
      %gather3A_202 = tpu.vector_load_idx %arg9[%and3A_196] : memref<10240xf32, #tpu.memory_space<vmem>>[vector<16xi32>], vector<16xf32>,
      %add3A_203 = arith.addf %gather3A_201, %gather3A_202 : vector<16xf32>
      %ge3A_204 = arith.constant 0.000000e+00 : f32
      %ge3A_205 = vector.broadcast %ge3A_204 : f32 to vector<16xf32>
      %ge3A_206 = arith.cmpf oge, %add3A_203, %ge3A_205 : vector<16xf32>
      %mul3A_207 = arith.constant 2.000000e-01 : f32
      %mul3A_208 = vector.broadcast %mul3A_207 : f32 to vector<16xf32>
      %mul3A_209 = arith.mulf %add3A_203, %mul3A_208 : vector<16xf32>
      %select_n3A_210 = arith.select %ge3A_206, %add3A_203, %mul3A_209 : vector<16xi1>, vector<16xf32>
      %exp3A_211 = math.exp %select_n3A_210 : vector<16xf32>
      %swap3A_212 = arith.constant 80 : index
      %swap3A_213 = tpu.vector_load %arg11[%swap3A_212] {strides = array<i32>} : memref<128xf32, #tpu.memory_space<vmem>>, vector<16xf32>,
      tpu.vector_store %arg11[%swap3A_212], %exp3A_211 {strides = array<i32>} : memref<128xf32, #tpu.memory_space<vmem>>, vector<16xf32>,
      %get3A_214 = arith.index_cast %add3A_65 : i32 to index
      %get3A_215 = arith.constant 96 : index
      %get3A_216 = tpu.vector_load %arg10[%get3A_214, %get3A_215] {strides = array<i32>} : memref<162x128xi32, #tpu.memory_space<vmem>>, vector<16xi32>,
      %shift_right_logical3A_217 = arith.constant 14 : i32
      %shift_right_logical3A_218 = vector.broadcast %shift_right_logical3A_217 : i32 to vector<16xi32>
      %shift_right_logical3A_219 = arith.shrui %get3A_216, %shift_right_logical3A_218 : vector<16xi32>
      %and3A_220 = arith.constant 16383 : i32
      %and3A_221 = vector.broadcast %and3A_220 : i32 to vector<16xi32>
      %and3A_222 = arith.andi %get3A_216, %and3A_221 : vector<16xi32>
      %swap3A_223 = arith.constant 96 : index
      %swap3A_224 = tpu.vector_load %arg13[%swap3A_223] {strides = array<i32>} : memref<128xi32, #tpu.memory_space<vmem>>, vector<16xi32>,
      tpu.vector_store %arg13[%swap3A_223], %shift_right_logical3A_219 {strides = array<i32>} : memref<128xi32, #tpu.memory_space<vmem>>, vector<16xi32>,
      %swap3A_225 = arith.constant 96 : index
      %swap3A_226 = tpu.vector_load %arg15[%swap3A_225] {strides = array<i32>} : memref<128xi32, #tpu.memory_space<vmem>>, vector<16xi32>,
      tpu.vector_store %arg15[%swap3A_225], %and3A_222 {strides = array<i32>} : memref<128xi32, #tpu.memory_space<vmem>>, vector<16xi32>,
      %gather3A_227 = tpu.vector_load_idx %arg8[%shift_right_logical3A_219] : memref<10240xf32, #tpu.memory_space<vmem>>[vector<16xi32>], vector<16xf32>,
      %gather3A_228 = tpu.vector_load_idx %arg9[%and3A_222] : memref<10240xf32, #tpu.memory_space<vmem>>[vector<16xi32>], vector<16xf32>,
      %add3A_229 = arith.addf %gather3A_227, %gather3A_228 : vector<16xf32>
      %ge3A_230 = arith.constant 0.000000e+00 : f32
      %ge3A_231 = vector.broadcast %ge3A_230 : f32 to vector<16xf32>
      %ge3A_232 = arith.cmpf oge, %add3A_229, %ge3A_231 : vector<16xf32>
      %mul3A_233 = arith.constant 2.000000e-01 : f32
      %mul3A_234 = vector.broadcast %mul3A_233 : f32 to vector<16xf32>
      %mul3A_235 = arith.mulf %add3A_229, %mul3A_234 : vector<16xf32>
      %select_n3A_236 = arith.select %ge3A_232, %add3A_229, %mul3A_235 : vector<16xi1>, vector<16xf32>
      %exp3A_237 = math.exp %select_n3A_236 : vector<16xf32>
      %swap3A_238 = arith.constant 96 : index
      %swap3A_239 = tpu.vector_load %arg11[%swap3A_238] {strides = array<i32>} : memref<128xf32, #tpu.memory_space<vmem>>, vector<16xf32>,
      tpu.vector_store %arg11[%swap3A_238], %exp3A_237 {strides = array<i32>} : memref<128xf32, #tpu.memory_space<vmem>>, vector<16xf32>,
      %get3A_240 = arith.index_cast %add3A_65 : i32 to index
      %get3A_241 = arith.constant 112 : index
      %get3A_242 = tpu.vector_load %arg10[%get3A_240, %get3A_241] {strides = array<i32>} : memref<162x128xi32, #tpu.memory_space<vmem>>, vector<16xi32>,
      %shift_right_logical3A_243 = arith.constant 14 : i32
      %shift_right_logical3A_244 = vector.broadcast %shift_right_logical3A_243 : i32 to vector<16xi32>
      %shift_right_logical3A_245 = arith.shrui %get3A_242, %shift_right_logical3A_244 : vector<16xi32>
      %and3A_246 = arith.constant 16383 : i32
      %and3A_247 = vector.broadcast %and3A_246 : i32 to vector<16xi32>
      %and3A_248 = arith.andi %get3A_242, %and3A_247 : vector<16xi32>
      %swap3A_249 = arith.constant 112 : index
      %swap3A_250 = tpu.vector_load %arg13[%swap3A_249] {strides = array<i32>} : memref<128xi32, #tpu.memory_space<vmem>>, vector<16xi32>,
      tpu.vector_store %arg13[%swap3A_249], %shift_right_logical3A_245 {strides = array<i32>} : memref<128xi32, #tpu.memory_space<vmem>>, vector<16xi32>,
      %swap3A_251 = arith.constant 112 : index
      %swap3A_252 = tpu.vector_load %arg15[%swap3A_251] {strides = array<i32>} : memref<128xi32, #tpu.memory_space<vmem>>, vector<16xi32>,
      tpu.vector_store %arg15[%swap3A_251], %and3A_248 {strides = array<i32>} : memref<128xi32, #tpu.memory_space<vmem>>, vector<16xi32>,
      %gather3A_253 = tpu.vector_load_idx %arg8[%shift_right_logical3A_245] : memref<10240xf32, #tpu.memory_space<vmem>>[vector<16xi32>], vector<16xf32>,
      %gather3A_254 = tpu.vector_load_idx %arg9[%and3A_248] : memref<10240xf32, #tpu.memory_space<vmem>>[vector<16xi32>], vector<16xf32>,
      %add3A_255 = arith.addf %gather3A_253, %gather3A_254 : vector<16xf32>
      %ge3A_256 = arith.constant 0.000000e+00 : f32
      %ge3A_257 = vector.broadcast %ge3A_256 : f32 to vector<16xf32>
      %ge3A_258 = arith.cmpf oge, %add3A_255, %ge3A_257 : vector<16xf32>
      %mul3A_259 = arith.constant 2.000000e-01 : f32
      %mul3A_260 = vector.broadcast %mul3A_259 : f32 to vector<16xf32>
      %mul3A_261 = arith.mulf %add3A_255, %mul3A_260 : vector<16xf32>
      %select_n3A_262 = arith.select %ge3A_258, %add3A_255, %mul3A_261 : vector<16xi1>, vector<16xf32>
      %exp3A_263 = math.exp %select_n3A_262 : vector<16xf32>
      %swap3A_264 = arith.constant 112 : index
      %swap3A_265 = tpu.vector_load %arg11[%swap3A_264] {strides = array<i32>} : memref<128xf32, #tpu.memory_space<vmem>>, vector<16xf32>,
      tpu.vector_store %arg11[%swap3A_264], %exp3A_263 {strides = array<i32>} : memref<128xf32, #tpu.memory_space<vmem>>, vector<16xf32>,
      %dma_start3A = arith.constant 0 : i32
      %dma_start3A_266 = arith.constant 0 : i32
      %dma_start3A_267 = tpu.memref_slice %arg21[%dma_start3A, %dma_start3A_266] : memref<10240x32xf32, #tpu.memory_space<vmem_shared>> -> memref<10240x32xf32, #tpu.memory_space<vmem_shared>>
      tpu.enqueue_indirect_dma source(%dma_start3A_267 : memref<10240x32xf32, #tpu.memory_space<vmem_shared>>) target(%arg17 : memref<128x32xf32, #tpu.memory_space<vmem>>) offsets(%arg13 : memref<128xi32, #tpu.memory_space<vmem>>) semaphore(%arg24 : memref<!tpu.dma_semaphore, #tpu.memory_space<semaphore_mem>>)
      %add3A_268 = arith.constant 1 : i32
      %add3A_269 = arith.addi %mul3A_63, %add3A_268 : i32
      %get3A_270 = arith.index_cast %add3A_269 : i32 to index
      %get3A_271 = arith.constant 0 : index
      %get3A_272 = tpu.vector_load %arg10[%get3A_270, %get3A_271] {strides = array<i32>} : memref<162x128xi32, #tpu.memory_space<vmem>>, vector<16xi32>,
      %shift_right_logical3A_273 = arith.constant 14 : i32
      %shift_right_logical3A_274 = vector.broadcast %shift_right_logical3A_273 : i32 to vector<16xi32>
      %shift_right_logical3A_275 = arith.shrui %get3A_272, %shift_right_logical3A_274 : vector<16xi32>
      %and3A_276 = arith.constant 16383 : i32
      %and3A_277 = vector.broadcast %and3A_276 : i32 to vector<16xi32>
      %and3A_278 = arith.andi %get3A_272, %and3A_277 : vector<16xi32>
      %swap3A_279 = arith.constant 0 : index
      %swap3A_280 = tpu.vector_load %arg14[%swap3A_279] {strides = array<i32>} : memref<128xi32, #tpu.memory_space<vmem>>, vector<16xi32>,
      tpu.vector_store %arg14[%swap3A_279], %shift_right_logical3A_275 {strides = array<i32>} : memref<128xi32, #tpu.memory_space<vmem>>, vector<16xi32>,
      %swap3A_281 = arith.constant 0 : index
      %swap3A_282 = tpu.vector_load %arg16[%swap3A_281] {strides = array<i32>} : memref<128xi32, #tpu.memory_space<vmem>>, vector<16xi32>,
      tpu.vector_store %arg16[%swap3A_281], %and3A_278 {strides = array<i32>} : memref<128xi32, #tpu.memory_space<vmem>>, vector<16xi32>,
      %gather3A_283 = tpu.vector_load_idx %arg8[%shift_right_logical3A_275] : memref<10240xf32, #tpu.memory_space<vmem>>[vector<16xi32>], vector<16xf32>,
      %gather3A_284 = tpu.vector_load_idx %arg9[%and3A_278] : memref<10240xf32, #tpu.memory_space<vmem>>[vector<16xi32>], vector<16xf32>,
      %add3A_285 = arith.addf %gather3A_283, %gather3A_284 : vector<16xf32>
      %ge3A_286 = arith.constant 0.000000e+00 : f32
      %ge3A_287 = vector.broadcast %ge3A_286 : f32 to vector<16xf32>
      %ge3A_288 = arith.cmpf oge, %add3A_285, %ge3A_287 : vector<16xf32>
      %mul3A_289 = arith.constant 2.000000e-01 : f32
      %mul3A_290 = vector.broadcast %mul3A_289 : f32 to vector<16xf32>
      %mul3A_291 = arith.mulf %add3A_285, %mul3A_290 : vector<16xf32>
      %select_n3A_292 = arith.select %ge3A_288, %add3A_285, %mul3A_291 : vector<16xi1>, vector<16xf32>
      %exp3A_293 = math.exp %select_n3A_292 : vector<16xf32>
      %swap3A_294 = arith.constant 0 : index
      %swap3A_295 = tpu.vector_load %arg12[%swap3A_294] {strides = array<i32>} : memref<128xf32, #tpu.memory_space<vmem>>, vector<16xf32>,
      tpu.vector_store %arg12[%swap3A_294], %exp3A_293 {strides = array<i32>} : memref<128xf32, #tpu.memory_space<vmem>>, vector<16xf32>,
      %get3A_296 = arith.index_cast %add3A_269 : i32 to index
      %get3A_297 = arith.constant 16 : index
      %get3A_298 = tpu.vector_load %arg10[%get3A_296, %get3A_297] {strides = array<i32>} : memref<162x128xi32, #tpu.memory_space<vmem>>, vector<16xi32>,
      %shift_right_logical3A_299 = arith.constant 14 : i32
      %shift_right_logical3A_300 = vector.broadcast %shift_right_logical3A_299 : i32 to vector<16xi32>
      %shift_right_logical3A_301 = arith.shrui %get3A_298, %shift_right_logical3A_300 : vector<16xi32>
      %and3A_302 = arith.constant 16383 : i32
      %and3A_303 = vector.broadcast %and3A_302 : i32 to vector<16xi32>
      %and3A_304 = arith.andi %get3A_298, %and3A_303 : vector<16xi32>
      %swap3A_305 = arith.constant 16 : index
      %swap3A_306 = tpu.vector_load %arg14[%swap3A_305] {strides = array<i32>} : memref<128xi32, #tpu.memory_space<vmem>>, vector<16xi32>,
      tpu.vector_store %arg14[%swap3A_305], %shift_right_logical3A_301 {strides = array<i32>} : memref<128xi32, #tpu.memory_space<vmem>>, vector<16xi32>,
      %swap3A_307 = arith.constant 16 : index
      %swap3A_308 = tpu.vector_load %arg16[%swap3A_307] {strides = array<i32>} : memref<128xi32, #tpu.memory_space<vmem>>, vector<16xi32>,
      tpu.vector_store %arg16[%swap3A_307], %and3A_304 {strides = array<i32>} : memref<128xi32, #tpu.memory_space<vmem>>, vector<16xi32>,
      %gather3A_309 = tpu.vector_load_idx %arg8[%shift_right_logical3A_301] : memref<10240xf32, #tpu.memory_space<vmem>>[vector<16xi32>], vector<16xf32>,
      %gather3A_310 = tpu.vector_load_idx %arg9[%and3A_304] : memref<10240xf32, #tpu.memory_space<vmem>>[vector<16xi32>], vector<16xf32>,
      %add3A_311 = arith.addf %gather3A_309, %gather3A_310 : vector<16xf32>
      %ge3A_312 = arith.constant 0.000000e+00 : f32
      %ge3A_313 = vector.broadcast %ge3A_312 : f32 to vector<16xf32>
      %ge3A_314 = arith.cmpf oge, %add3A_311, %ge3A_313 : vector<16xf32>
      %mul3A_315 = arith.constant 2.000000e-01 : f32
      %mul3A_316 = vector.broadcast %mul3A_315 : f32 to vector<16xf32>
      %mul3A_317 = arith.mulf %add3A_311, %mul3A_316 : vector<16xf32>
      %select_n3A_318 = arith.select %ge3A_314, %add3A_311, %mul3A_317 : vector<16xi1>, vector<16xf32>
      %exp3A_319 = math.exp %select_n3A_318 : vector<16xf32>
      %swap3A_320 = arith.constant 16 : index
      %swap3A_321 = tpu.vector_load %arg12[%swap3A_320] {strides = array<i32>} : memref<128xf32, #tpu.memory_space<vmem>>, vector<16xf32>,
      tpu.vector_store %arg12[%swap3A_320], %exp3A_319 {strides = array<i32>} : memref<128xf32, #tpu.memory_space<vmem>>, vector<16xf32>,
      %get3A_322 = arith.index_cast %add3A_269 : i32 to index
      %get3A_323 = arith.constant 32 : index
      %get3A_324 = tpu.vector_load %arg10[%get3A_322, %get3A_323] {strides = array<i32>} : memref<162x128xi32, #tpu.memory_space<vmem>>, vector<16xi32>,
      %shift_right_logical3A_325 = arith.constant 14 : i32
      %shift_right_logical3A_326 = vector.broadcast %shift_right_logical3A_325 : i32 to vector<16xi32>
      %shift_right_logical3A_327 = arith.shrui %get3A_324, %shift_right_logical3A_326 : vector<16xi32>
      %and3A_328 = arith.constant 16383 : i32
      %and3A_329 = vector.broadcast %and3A_328 : i32 to vector<16xi32>
      %and3A_330 = arith.andi %get3A_324, %and3A_329 : vector<16xi32>
      %swap3A_331 = arith.constant 32 : index
      %swap3A_332 = tpu.vector_load %arg14[%swap3A_331] {strides = array<i32>} : memref<128xi32, #tpu.memory_space<vmem>>, vector<16xi32>,
      tpu.vector_store %arg14[%swap3A_331], %shift_right_logical3A_327 {strides = array<i32>} : memref<128xi32, #tpu.memory_space<vmem>>, vector<16xi32>,
      %swap3A_333 = arith.constant 32 : index
      %swap3A_334 = tpu.vector_load %arg16[%swap3A_333] {strides = array<i32>} : memref<128xi32, #tpu.memory_space<vmem>>, vector<16xi32>,
      tpu.vector_store %arg16[%swap3A_333], %and3A_330 {strides = array<i32>} : memref<128xi32, #tpu.memory_space<vmem>>, vector<16xi32>,
      %gather3A_335 = tpu.vector_load_idx %arg8[%shift_right_logical3A_327] : memref<10240xf32, #tpu.memory_space<vmem>>[vector<16xi32>], vector<16xf32>,
      %gather3A_336 = tpu.vector_load_idx %arg9[%and3A_330] : memref<10240xf32, #tpu.memory_space<vmem>>[vector<16xi32>], vector<16xf32>,
      %add3A_337 = arith.addf %gather3A_335, %gather3A_336 : vector<16xf32>
      %ge3A_338 = arith.constant 0.000000e+00 : f32
      %ge3A_339 = vector.broadcast %ge3A_338 : f32 to vector<16xf32>
      %ge3A_340 = arith.cmpf oge, %add3A_337, %ge3A_339 : vector<16xf32>
      %mul3A_341 = arith.constant 2.000000e-01 : f32
      %mul3A_342 = vector.broadcast %mul3A_341 : f32 to vector<16xf32>
      %mul3A_343 = arith.mulf %add3A_337, %mul3A_342 : vector<16xf32>
      %select_n3A_344 = arith.select %ge3A_340, %add3A_337, %mul3A_343 : vector<16xi1>, vector<16xf32>
      %exp3A_345 = math.exp %select_n3A_344 : vector<16xf32>
      %swap3A_346 = arith.constant 32 : index
      %swap3A_347 = tpu.vector_load %arg12[%swap3A_346] {strides = array<i32>} : memref<128xf32, #tpu.memory_space<vmem>>, vector<16xf32>,
      tpu.vector_store %arg12[%swap3A_346], %exp3A_345 {strides = array<i32>} : memref<128xf32, #tpu.memory_space<vmem>>, vector<16xf32>,
      %get3A_348 = arith.index_cast %add3A_269 : i32 to index
      %get3A_349 = arith.constant 48 : index
      %get3A_350 = tpu.vector_load %arg10[%get3A_348, %get3A_349] {strides = array<i32>} : memref<162x128xi32, #tpu.memory_space<vmem>>, vector<16xi32>,
      %shift_right_logical3A_351 = arith.constant 14 : i32
      %shift_right_logical3A_352 = vector.broadcast %shift_right_logical3A_351 : i32 to vector<16xi32>
      %shift_right_logical3A_353 = arith.shrui %get3A_350, %shift_right_logical3A_352 : vector<16xi32>
      %and3A_354 = arith.constant 16383 : i32
      %and3A_355 = vector.broadcast %and3A_354 : i32 to vector<16xi32>
      %and3A_356 = arith.andi %get3A_350, %and3A_355 : vector<16xi32>
      %swap3A_357 = arith.constant 48 : index
      %swap3A_358 = tpu.vector_load %arg14[%swap3A_357] {strides = array<i32>} : memref<128xi32, #tpu.memory_space<vmem>>, vector<16xi32>,
      tpu.vector_store %arg14[%swap3A_357], %shift_right_logical3A_353 {strides = array<i32>} : memref<128xi32, #tpu.memory_space<vmem>>, vector<16xi32>,
      %swap3A_359 = arith.constant 48 : index
      %swap3A_360 = tpu.vector_load %arg16[%swap3A_359] {strides = array<i32>} : memref<128xi32, #tpu.memory_space<vmem>>, vector<16xi32>,
      tpu.vector_store %arg16[%swap3A_359], %and3A_356 {strides = array<i32>} : memref<128xi32, #tpu.memory_space<vmem>>, vector<16xi32>,
      %gather3A_361 = tpu.vector_load_idx %arg8[%shift_right_logical3A_353] : memref<10240xf32, #tpu.memory_space<vmem>>[vector<16xi32>], vector<16xf32>,
      %gather3A_362 = tpu.vector_load_idx %arg9[%and3A_356] : memref<10240xf32, #tpu.memory_space<vmem>>[vector<16xi32>], vector<16xf32>,
      %add3A_363 = arith.addf %gather3A_361, %gather3A_362 : vector<16xf32>
      %ge3A_364 = arith.constant 0.000000e+00 : f32
      %ge3A_365 = vector.broadcast %ge3A_364 : f32 to vector<16xf32>
      %ge3A_366 = arith.cmpf oge, %add3A_363, %ge3A_365 : vector<16xf32>
      %mul3A_367 = arith.constant 2.000000e-01 : f32
      %mul3A_368 = vector.broadcast %mul3A_367 : f32 to vector<16xf32>
      %mul3A_369 = arith.mulf %add3A_363, %mul3A_368 : vector<16xf32>
      %select_n3A_370 = arith.select %ge3A_366, %add3A_363, %mul3A_369 : vector<16xi1>, vector<16xf32>
      %exp3A_371 = math.exp %select_n3A_370 : vector<16xf32>
      %swap3A_372 = arith.constant 48 : index
      %swap3A_373 = tpu.vector_load %arg12[%swap3A_372] {strides = array<i32>} : memref<128xf32, #tpu.memory_space<vmem>>, vector<16xf32>,
      tpu.vector_store %arg12[%swap3A_372], %exp3A_371 {strides = array<i32>} : memref<128xf32, #tpu.memory_space<vmem>>, vector<16xf32>,
      %get3A_374 = arith.index_cast %add3A_269 : i32 to index
      %get3A_375 = arith.constant 64 : index
      %get3A_376 = tpu.vector_load %arg10[%get3A_374, %get3A_375] {strides = array<i32>} : memref<162x128xi32, #tpu.memory_space<vmem>>, vector<16xi32>,
      %shift_right_logical3A_377 = arith.constant 14 : i32
      %shift_right_logical3A_378 = vector.broadcast %shift_right_logical3A_377 : i32 to vector<16xi32>
      %shift_right_logical3A_379 = arith.shrui %get3A_376, %shift_right_logical3A_378 : vector<16xi32>
      %and3A_380 = arith.constant 16383 : i32
      %and3A_381 = vector.broadcast %and3A_380 : i32 to vector<16xi32>
      %and3A_382 = arith.andi %get3A_376, %and3A_381 : vector<16xi32>
      %swap3A_383 = arith.constant 64 : index
      %swap3A_384 = tpu.vector_load %arg14[%swap3A_383] {strides = array<i32>} : memref<128xi32, #tpu.memory_space<vmem>>, vector<16xi32>,
      tpu.vector_store %arg14[%swap3A_383], %shift_right_logical3A_379 {strides = array<i32>} : memref<128xi32, #tpu.memory_space<vmem>>, vector<16xi32>,
      %swap3A_385 = arith.constant 64 : index
      %swap3A_386 = tpu.vector_load %arg16[%swap3A_385] {strides = array<i32>} : memref<128xi32, #tpu.memory_space<vmem>>, vector<16xi32>,
      tpu.vector_store %arg16[%swap3A_385], %and3A_382 {strides = array<i32>} : memref<128xi32, #tpu.memory_space<vmem>>, vector<16xi32>,
      %gather3A_387 = tpu.vector_load_idx %arg8[%shift_right_logical3A_379] : memref<10240xf32, #tpu.memory_space<vmem>>[vector<16xi32>], vector<16xf32>,
      %gather3A_388 = tpu.vector_load_idx %arg9[%and3A_382] : memref<10240xf32, #tpu.memory_space<vmem>>[vector<16xi32>], vector<16xf32>,
      %add3A_389 = arith.addf %gather3A_387, %gather3A_388 : vector<16xf32>
      %ge3A_390 = arith.constant 0.000000e+00 : f32
      %ge3A_391 = vector.broadcast %ge3A_390 : f32 to vector<16xf32>
      %ge3A_392 = arith.cmpf oge, %add3A_389, %ge3A_391 : vector<16xf32>
      %mul3A_393 = arith.constant 2.000000e-01 : f32
      %mul3A_394 = vector.broadcast %mul3A_393 : f32 to vector<16xf32>
      %mul3A_395 = arith.mulf %add3A_389, %mul3A_394 : vector<16xf32>
      %select_n3A_396 = arith.select %ge3A_392, %add3A_389, %mul3A_395 : vector<16xi1>, vector<16xf32>
      %exp3A_397 = math.exp %select_n3A_396 : vector<16xf32>
      %swap3A_398 = arith.constant 64 : index
      %swap3A_399 = tpu.vector_load %arg12[%swap3A_398] {strides = array<i32>} : memref<128xf32, #tpu.memory_space<vmem>>, vector<16xf32>,
      tpu.vector_store %arg12[%swap3A_398], %exp3A_397 {strides = array<i32>} : memref<128xf32, #tpu.memory_space<vmem>>, vector<16xf32>,
      %get3A_400 = arith.index_cast %add3A_269 : i32 to index
      %get3A_401 = arith.constant 80 : index
      %get3A_402 = tpu.vector_load %arg10[%get3A_400, %get3A_401] {strides = array<i32>} : memref<162x128xi32, #tpu.memory_space<vmem>>, vector<16xi32>,
      %shift_right_logical3A_403 = arith.constant 14 : i32
      %shift_right_logical3A_404 = vector.broadcast %shift_right_logical3A_403 : i32 to vector<16xi32>
      %shift_right_logical3A_405 = arith.shrui %get3A_402, %shift_right_logical3A_404 : vector<16xi32>
      %and3A_406 = arith.constant 16383 : i32
      %and3A_407 = vector.broadcast %and3A_406 : i32 to vector<16xi32>
      %and3A_408 = arith.andi %get3A_402, %and3A_407 : vector<16xi32>
      %swap3A_409 = arith.constant 80 : index
      %swap3A_410 = tpu.vector_load %arg14[%swap3A_409] {strides = array<i32>} : memref<128xi32, #tpu.memory_space<vmem>>, vector<16xi32>,
      tpu.vector_store %arg14[%swap3A_409], %shift_right_logical3A_405 {strides = array<i32>} : memref<128xi32, #tpu.memory_space<vmem>>, vector<16xi32>,
      %swap3A_411 = arith.constant 80 : index
      %swap3A_412 = tpu.vector_load %arg16[%swap3A_411] {strides = array<i32>} : memref<128xi32, #tpu.memory_space<vmem>>, vector<16xi32>,
      tpu.vector_store %arg16[%swap3A_411], %and3A_408 {strides = array<i32>} : memref<128xi32, #tpu.memory_space<vmem>>, vector<16xi32>,
      %gather3A_413 = tpu.vector_load_idx %arg8[%shift_right_logical3A_405] : memref<10240xf32, #tpu.memory_space<vmem>>[vector<16xi32>], vector<16xf32>,
      %gather3A_414 = tpu.vector_load_idx %arg9[%and3A_408] : memref<10240xf32, #tpu.memory_space<vmem>>[vector<16xi32>], vector<16xf32>,
      %add3A_415 = arith.addf %gather3A_413, %gather3A_414 : vector<16xf32>
      %ge3A_416 = arith.constant 0.000000e+00 : f32
      %ge3A_417 = vector.broadcast %ge3A_416 : f32 to vector<16xf32>
      %ge3A_418 = arith.cmpf oge, %add3A_415, %ge3A_417 : vector<16xf32>
      %mul3A_419 = arith.constant 2.000000e-01 : f32
      %mul3A_420 = vector.broadcast %mul3A_419 : f32 to vector<16xf32>
      %mul3A_421 = arith.mulf %add3A_415, %mul3A_420 : vector<16xf32>
      %select_n3A_422 = arith.select %ge3A_418, %add3A_415, %mul3A_421 : vector<16xi1>, vector<16xf32>
      %exp3A_423 = math.exp %select_n3A_422 : vector<16xf32>
      %swap3A_424 = arith.constant 80 : index
      %swap3A_425 = tpu.vector_load %arg12[%swap3A_424] {strides = array<i32>} : memref<128xf32, #tpu.memory_space<vmem>>, vector<16xf32>,
      tpu.vector_store %arg12[%swap3A_424], %exp3A_423 {strides = array<i32>} : memref<128xf32, #tpu.memory_space<vmem>>, vector<16xf32>,
      %get3A_426 = arith.index_cast %add3A_269 : i32 to index
      %get3A_427 = arith.constant 96 : index
      %get3A_428 = tpu.vector_load %arg10[%get3A_426, %get3A_427] {strides = array<i32>} : memref<162x128xi32, #tpu.memory_space<vmem>>, vector<16xi32>,
      %shift_right_logical3A_429 = arith.constant 14 : i32
      %shift_right_logical3A_430 = vector.broadcast %shift_right_logical3A_429 : i32 to vector<16xi32>
      %shift_right_logical3A_431 = arith.shrui %get3A_428, %shift_right_logical3A_430 : vector<16xi32>
      %and3A_432 = arith.constant 16383 : i32
      %and3A_433 = vector.broadcast %and3A_432 : i32 to vector<16xi32>
      %and3A_434 = arith.andi %get3A_428, %and3A_433 : vector<16xi32>
      %swap3A_435 = arith.constant 96 : index
      %swap3A_436 = tpu.vector_load %arg14[%swap3A_435] {strides = array<i32>} : memref<128xi32, #tpu.memory_space<vmem>>, vector<16xi32>,
      tpu.vector_store %arg14[%swap3A_435], %shift_right_logical3A_431 {strides = array<i32>} : memref<128xi32, #tpu.memory_space<vmem>>, vector<16xi32>,
      %swap3A_437 = arith.constant 96 : index
      %swap3A_438 = tpu.vector_load %arg16[%swap3A_437] {strides = array<i32>} : memref<128xi32, #tpu.memory_space<vmem>>, vector<16xi32>,
      tpu.vector_store %arg16[%swap3A_437], %and3A_434 {strides = array<i32>} : memref<128xi32, #tpu.memory_space<vmem>>, vector<16xi32>,
      %gather3A_439 = tpu.vector_load_idx %arg8[%shift_right_logical3A_431] : memref<10240xf32, #tpu.memory_space<vmem>>[vector<16xi32>], vector<16xf32>,
      %gather3A_440 = tpu.vector_load_idx %arg9[%and3A_434] : memref<10240xf32, #tpu.memory_space<vmem>>[vector<16xi32>], vector<16xf32>,
      %add3A_441 = arith.addf %gather3A_439, %gather3A_440 : vector<16xf32>
      %ge3A_442 = arith.constant 0.000000e+00 : f32
      %ge3A_443 = vector.broadcast %ge3A_442 : f32 to vector<16xf32>
      %ge3A_444 = arith.cmpf oge, %add3A_441, %ge3A_443 : vector<16xf32>
      %mul3A_445 = arith.constant 2.000000e-01 : f32
      %mul3A_446 = vector.broadcast %mul3A_445 : f32 to vector<16xf32>
      %mul3A_447 = arith.mulf %add3A_441, %mul3A_446 : vector<16xf32>
      %select_n3A_448 = arith.select %ge3A_444, %add3A_441, %mul3A_447 : vector<16xi1>, vector<16xf32>
      %exp3A_449 = math.exp %select_n3A_448 : vector<16xf32>
      %swap3A_450 = arith.constant 96 : index
      %swap3A_451 = tpu.vector_load %arg12[%swap3A_450] {strides = array<i32>} : memref<128xf32, #tpu.memory_space<vmem>>, vector<16xf32>,
      tpu.vector_store %arg12[%swap3A_450], %exp3A_449 {strides = array<i32>} : memref<128xf32, #tpu.memory_space<vmem>>, vector<16xf32>,
      %get3A_452 = arith.index_cast %add3A_269 : i32 to index
      %get3A_453 = arith.constant 112 : index
      %get3A_454 = tpu.vector_load %arg10[%get3A_452, %get3A_453] {strides = array<i32>} : memref<162x128xi32, #tpu.memory_space<vmem>>, vector<16xi32>,
      %shift_right_logical3A_455 = arith.constant 14 : i32
      %shift_right_logical3A_456 = vector.broadcast %shift_right_logical3A_455 : i32 to vector<16xi32>
      %shift_right_logical3A_457 = arith.shrui %get3A_454, %shift_right_logical3A_456 : vector<16xi32>
      %and3A_458 = arith.constant 16383 : i32
      %and3A_459 = vector.broadcast %and3A_458 : i32 to vector<16xi32>
      %and3A_460 = arith.andi %get3A_454, %and3A_459 : vector<16xi32>
      %swap3A_461 = arith.constant 112 : index
      %swap3A_462 = tpu.vector_load %arg14[%swap3A_461] {strides = array<i32>} : memref<128xi32, #tpu.memory_space<vmem>>, vector<16xi32>,
      tpu.vector_store %arg14[%swap3A_461], %shift_right_logical3A_457 {strides = array<i32>} : memref<128xi32, #tpu.memory_space<vmem>>, vector<16xi32>,
      %swap3A_463 = arith.constant 112 : index
      %swap3A_464 = tpu.vector_load %arg16[%swap3A_463] {strides = array<i32>} : memref<128xi32, #tpu.memory_space<vmem>>, vector<16xi32>,
      tpu.vector_store %arg16[%swap3A_463], %and3A_460 {strides = array<i32>} : memref<128xi32, #tpu.memory_space<vmem>>, vector<16xi32>,
      %gather3A_465 = tpu.vector_load_idx %arg8[%shift_right_logical3A_457] : memref<10240xf32, #tpu.memory_space<vmem>>[vector<16xi32>], vector<16xf32>,
      %gather3A_466 = tpu.vector_load_idx %arg9[%and3A_460] : memref<10240xf32, #tpu.memory_space<vmem>>[vector<16xi32>], vector<16xf32>,
      %add3A_467 = arith.addf %gather3A_465, %gather3A_466 : vector<16xf32>
      %ge3A_468 = arith.constant 0.000000e+00 : f32
      %ge3A_469 = vector.broadcast %ge3A_468 : f32 to vector<16xf32>
      %ge3A_470 = arith.cmpf oge, %add3A_467, %ge3A_469 : vector<16xf32>
      %mul3A_471 = arith.constant 2.000000e-01 : f32
      %mul3A_472 = vector.broadcast %mul3A_471 : f32 to vector<16xf32>
      %mul3A_473 = arith.mulf %add3A_467, %mul3A_472 : vector<16xf32>
      %select_n3A_474 = arith.select %ge3A_470, %add3A_467, %mul3A_473 : vector<16xi1>, vector<16xf32>
      %exp3A_475 = math.exp %select_n3A_474 : vector<16xf32>
      %swap3A_476 = arith.constant 112 : index
      %swap3A_477 = tpu.vector_load %arg12[%swap3A_476] {strides = array<i32>} : memref<128xf32, #tpu.memory_space<vmem>>, vector<16xf32>,
      tpu.vector_store %arg12[%swap3A_476], %exp3A_475 {strides = array<i32>} : memref<128xf32, #tpu.memory_space<vmem>>, vector<16xf32>,
      %dma_start3A_478 = arith.constant 0 : i32
      %dma_start3A_479 = arith.constant 0 : i32
      %dma_start3A_480 = tpu.memref_slice %arg21[%dma_start3A_478, %dma_start3A_479] : memref<10240x32xf32, #tpu.memory_space<vmem_shared>> -> memref<10240x32xf32, #tpu.memory_space<vmem_shared>>
      tpu.enqueue_indirect_dma source(%dma_start3A_480 : memref<10240x32xf32, #tpu.memory_space<vmem_shared>>) target(%arg18 : memref<128x32xf32, #tpu.memory_space<vmem>>) offsets(%arg14 : memref<128xi32, #tpu.memory_space<vmem>>) semaphore(%arg25 : memref<!tpu.dma_semaphore, #tpu.memory_space<semaphore_mem>>)
      %dma_wait3A = arith.constant 0 : i32
      %dma_wait3A_481 = arith.constant 0 : i32
      %dma_wait3A_482 = tpu.memref_slice %arg21[%dma_wait3A, %dma_wait3A_481] : memref<10240x32xf32, #tpu.memory_space<vmem_shared>> -> memref<10240x32xf32, #tpu.memory_space<vmem_shared>>
      tpu.wait_indirect_dma semaphore(%arg24 : memref<!tpu.dma_semaphore, #tpu.memory_space<semaphore_mem>>) src(%dma_wait3A_482 : memref<10240x32xf32, #tpu.memory_space<vmem_shared>>) dst(%arg17 : memref<128x32xf32, #tpu.memory_space<vmem>>)
      %parallel_loop3A = arith.constant 0 : i32
      %parallel_loop3A_483 = arith.constant 128 : i32
      %parallel_loop3A_484 = arith.constant 1 : i32
      scf.for %parallel_loop3A_513 = %parallel_loop3A to %parallel_loop3A_483 step %parallel_loop3A_484  : i32 {
        %parallel_loop3A_514 = vector.broadcast %parallel_loop3A_513 : i32 to vector<16xi32>
        %parallel_loop3A_515 = tpu.vector_load_idx %arg11[%parallel_loop3A_514] : memref<128xf32, #tpu.memory_space<vmem>>[vector<16xi32>], vector<16xf32>,
        %parallel_loop3A_516 = arith.index_cast %parallel_loop3A_513 : i32 to index
        %parallel_loop3A_517 = arith.constant 0 : index
        %parallel_loop3A_518 = tpu.vector_load %arg17[%parallel_loop3A_516, %parallel_loop3A_517] {strides = array<i32>} : memref<128x32xf32, #tpu.memory_space<vmem>>, vector<16xf32>,
        %parallel_loop3A_519 = arith.mulf %parallel_loop3A_518, %parallel_loop3A_515 : vector<16xf32>
        %parallel_loop3A_520 = arith.index_cast %parallel_loop3A_513 : i32 to index
        %parallel_loop3A_521 = arith.constant 0 : index
        %parallel_loop3A_522 = tpu.vector_load %arg19[%parallel_loop3A_520, %parallel_loop3A_521] {strides = array<i32>} : memref<128x32xf32, #tpu.memory_space<vmem>>, vector<16xf32>,
        tpu.vector_store %arg19[%parallel_loop3A_520, %parallel_loop3A_521], %parallel_loop3A_519 {strides = array<i32>} : memref<128x32xf32, #tpu.memory_space<vmem>>, vector<16xf32>,
        %parallel_loop3A_523 = arith.index_cast %parallel_loop3A_513 : i32 to index
        %parallel_loop3A_524 = arith.constant 16 : index
        %parallel_loop3A_525 = tpu.vector_load %arg17[%parallel_loop3A_523, %parallel_loop3A_524] {strides = array<i32>} : memref<128x32xf32, #tpu.memory_space<vmem>>, vector<16xf32>,
        %parallel_loop3A_526 = arith.mulf %parallel_loop3A_525, %parallel_loop3A_515 : vector<16xf32>
        %parallel_loop3A_527 = arith.index_cast %parallel_loop3A_513 : i32 to index
        %parallel_loop3A_528 = arith.constant 16 : index
        %parallel_loop3A_529 = tpu.vector_load %arg19[%parallel_loop3A_527, %parallel_loop3A_528] {strides = array<i32>} : memref<128x32xf32, #tpu.memory_space<vmem>>, vector<16xf32>,
        tpu.vector_store %arg19[%parallel_loop3A_527, %parallel_loop3A_528], %parallel_loop3A_526 {strides = array<i32>} : memref<128x32xf32, #tpu.memory_space<vmem>>, vector<16xf32>,
      } {sc.loop_unroll_factor = 8 : i64, sc.parallel_access}
      %dma_start3A_485 = arith.constant 0 : i32
      %dma_start3A_486 = arith.constant 0 : i32
      %dma_start3A_487 = tpu.memref_slice %arg22[%dma_start3A_485, %dma_start3A_486] : memref<10240x32xf32, #tpu.memory_space<vmem_shared>> -> memref<10240x32xf32, #tpu.memory_space<vmem_shared>>
      tpu.enqueue_indirect_dma source(%arg19 : memref<128x32xf32, #tpu.memory_space<vmem>>) target(%dma_start3A_487 : memref<10240x32xf32, #tpu.memory_space<vmem_shared>>) offsets(%arg15 : memref<128xi32, #tpu.memory_space<vmem>>) semaphore(%arg26 : memref<!tpu.dma_semaphore, #tpu.memory_space<semaphore_mem>>) {add = true}
      %eq3A_488 = arith.constant 0 : i32
      %eq3A_489 = arith.cmpi eq, %arg0, %eq3A_488 : i32
      %convert_element_type3A_490 = arith.extui %eq3A_489 : i1 to i32
      %cond3A_491 = arith.constant 0 : i32
      %cond3A_492 = arith.cmpi ne, %convert_element_type3A_490, %cond3A_491 : i32
      scf.if %cond3A_492 {
        "tpu.region"() ({
          %run_scoped3A = tpu.sem_alloc : memref<!tpu.dma_semaphore, #tpu.memory_space<semaphore_mem>>
          %dma_start3A_513 = arith.constant 0 : i32
          %dma_start3A_514 = tpu.memref_slice %arg23[%dma_start3A_513] : memref<10240xf32, #tpu.memory_space<vmem_shared>> -> memref<10240xf32, #tpu.memory_space<vmem_shared>>
          tpu.enqueue_indirect_dma source(%arg11 : memref<128xf32, #tpu.memory_space<vmem>>) target(%dma_start3A_514 : memref<10240xf32, #tpu.memory_space<vmem_shared>>) offsets(%arg15 : memref<128xi32, #tpu.memory_space<vmem>>) semaphore(%run_scoped3A : memref<!tpu.dma_semaphore, #tpu.memory_space<semaphore_mem>>) {add = true}
          %dma_wait3A_515 = arith.constant 0 : i32
          %dma_wait3A_516 = tpu.memref_slice %arg23[%dma_wait3A_515] : memref<10240xf32, #tpu.memory_space<vmem_shared>> -> memref<10240xf32, #tpu.memory_space<vmem_shared>>
          tpu.wait_indirect_dma semaphore(%run_scoped3A : memref<!tpu.dma_semaphore, #tpu.memory_space<semaphore_mem>>) src(%arg11 : memref<128xf32, #tpu.memory_space<vmem>>) dst(%dma_wait3A_516 : memref<10240xf32, #tpu.memory_space<vmem_shared>>)
          tpu.yield
        }) : () -> ()
      } else {
      }
      %dma_wait3A_493 = arith.constant 0 : i32
      %dma_wait3A_494 = arith.constant 0 : i32
      %dma_wait3A_495 = tpu.memref_slice %arg21[%dma_wait3A_493, %dma_wait3A_494] : memref<10240x32xf32, #tpu.memory_space<vmem_shared>> -> memref<10240x32xf32, #tpu.memory_space<vmem_shared>>
      tpu.wait_indirect_dma semaphore(%arg25 : memref<!tpu.dma_semaphore, #tpu.memory_space<semaphore_mem>>) src(%dma_wait3A_495 : memref<10240x32xf32, #tpu.memory_space<vmem_shared>>) dst(%arg18 : memref<128x32xf32, #tpu.memory_space<vmem>>)
      %parallel_loop3A_496 = arith.constant 0 : i32
      %parallel_loop3A_497 = arith.constant 128 : i32
      %parallel_loop3A_498 = arith.constant 1 : i32
      scf.for %parallel_loop3A_513 = %parallel_loop3A_496 to %parallel_loop3A_497 step %parallel_loop3A_498  : i32 {
        %parallel_loop3A_514 = vector.broadcast %parallel_loop3A_513 : i32 to vector<16xi32>
        %parallel_loop3A_515 = tpu.vector_load_idx %arg12[%parallel_loop3A_514] : memref<128xf32, #tpu.memory_space<vmem>>[vector<16xi32>], vector<16xf32>,
        %parallel_loop3A_516 = arith.index_cast %parallel_loop3A_513 : i32 to index
        %parallel_loop3A_517 = arith.constant 0 : index
        %parallel_loop3A_518 = tpu.vector_load %arg18[%parallel_loop3A_516, %parallel_loop3A_517] {strides = array<i32>} : memref<128x32xf32, #tpu.memory_space<vmem>>, vector<16xf32>,
        %parallel_loop3A_519 = arith.mulf %parallel_loop3A_518, %parallel_loop3A_515 : vector<16xf32>
        %parallel_loop3A_520 = arith.index_cast %parallel_loop3A_513 : i32 to index
        %parallel_loop3A_521 = arith.constant 0 : index
        %parallel_loop3A_522 = tpu.vector_load %arg20[%parallel_loop3A_520, %parallel_loop3A_521] {strides = array<i32>} : memref<128x32xf32, #tpu.memory_space<vmem>>, vector<16xf32>,
        tpu.vector_store %arg20[%parallel_loop3A_520, %parallel_loop3A_521], %parallel_loop3A_519 {strides = array<i32>} : memref<128x32xf32, #tpu.memory_space<vmem>>, vector<16xf32>,
        %parallel_loop3A_523 = arith.index_cast %parallel_loop3A_513 : i32 to index
        %parallel_loop3A_524 = arith.constant 16 : index
        %parallel_loop3A_525 = tpu.vector_load %arg18[%parallel_loop3A_523, %parallel_loop3A_524] {strides = array<i32>} : memref<128x32xf32, #tpu.memory_space<vmem>>, vector<16xf32>,
        %parallel_loop3A_526 = arith.mulf %parallel_loop3A_525, %parallel_loop3A_515 : vector<16xf32>
        %parallel_loop3A_527 = arith.index_cast %parallel_loop3A_513 : i32 to index
        %parallel_loop3A_528 = arith.constant 16 : index
        %parallel_loop3A_529 = tpu.vector_load %arg20[%parallel_loop3A_527, %parallel_loop3A_528] {strides = array<i32>} : memref<128x32xf32, #tpu.memory_space<vmem>>, vector<16xf32>,
        tpu.vector_store %arg20[%parallel_loop3A_527, %parallel_loop3A_528], %parallel_loop3A_526 {strides = array<i32>} : memref<128x32xf32, #tpu.memory_space<vmem>>, vector<16xf32>,
      } {sc.loop_unroll_factor = 8 : i64, sc.parallel_access}
      %dma_start3A_499 = arith.constant 0 : i32
      %dma_start3A_500 = arith.constant 0 : i32
      %dma_start3A_501 = tpu.memref_slice %arg22[%dma_start3A_499, %dma_start3A_500] : memref<10240x32xf32, #tpu.memory_space<vmem_shared>> -> memref<10240x32xf32, #tpu.memory_space<vmem_shared>>
      tpu.enqueue_indirect_dma source(%arg20 : memref<128x32xf32, #tpu.memory_space<vmem>>) target(%dma_start3A_501 : memref<10240x32xf32, #tpu.memory_space<vmem_shared>>) offsets(%arg16 : memref<128xi32, #tpu.memory_space<vmem>>) semaphore(%arg27 : memref<!tpu.dma_semaphore, #tpu.memory_space<semaphore_mem>>) {add = true}
      %eq3A_502 = arith.constant 0 : i32
      %eq3A_503 = arith.cmpi eq, %arg0, %eq3A_502 : i32
      %convert_element_type3A_504 = arith.extui %eq3A_503 : i1 to i32
      %cond3A_505 = arith.constant 0 : i32
      %cond3A_506 = arith.cmpi ne, %convert_element_type3A_504, %cond3A_505 : i32
      scf.if %cond3A_506 {
        "tpu.region"() ({
          %run_scoped3A = tpu.sem_alloc : memref<!tpu.dma_semaphore, #tpu.memory_space<semaphore_mem>>
          %dma_start3A_513 = arith.constant 0 : i32
          %dma_start3A_514 = tpu.memref_slice %arg23[%dma_start3A_513] : memref<10240xf32, #tpu.memory_space<vmem_shared>> -> memref<10240xf32, #tpu.memory_space<vmem_shared>>
          tpu.enqueue_indirect_dma source(%arg12 : memref<128xf32, #tpu.memory_space<vmem>>) target(%dma_start3A_514 : memref<10240xf32, #tpu.memory_space<vmem_shared>>) offsets(%arg16 : memref<128xi32, #tpu.memory_space<vmem>>) semaphore(%run_scoped3A : memref<!tpu.dma_semaphore, #tpu.memory_space<semaphore_mem>>) {add = true}
          %dma_wait3A_515 = arith.constant 0 : i32
          %dma_wait3A_516 = tpu.memref_slice %arg23[%dma_wait3A_515] : memref<10240xf32, #tpu.memory_space<vmem_shared>> -> memref<10240xf32, #tpu.memory_space<vmem_shared>>
          tpu.wait_indirect_dma semaphore(%run_scoped3A : memref<!tpu.dma_semaphore, #tpu.memory_space<semaphore_mem>>) src(%arg12 : memref<128xf32, #tpu.memory_space<vmem>>) dst(%dma_wait3A_516 : memref<10240xf32, #tpu.memory_space<vmem_shared>>)
          tpu.yield
        }) : () -> ()
      } else {
      }
      %dma_wait3A_507 = arith.constant 0 : i32
      %dma_wait3A_508 = arith.constant 0 : i32
      %dma_wait3A_509 = tpu.memref_slice %arg22[%dma_wait3A_507, %dma_wait3A_508] : memref<10240x32xf32, #tpu.memory_space<vmem_shared>> -> memref<10240x32xf32, #tpu.memory_space<vmem_shared>>
      tpu.wait_indirect_dma semaphore(%arg26 : memref<!tpu.dma_semaphore, #tpu.memory_space<semaphore_mem>>) src(%arg19 : memref<128x32xf32, #tpu.memory_space<vmem>>) dst(%dma_wait3A_509 : memref<10240x32xf32, #tpu.memory_space<vmem_shared>>)
      %dma_wait3A_510 = arith.constant 0 : i32
      %dma_wait3A_511 = arith.constant 0 : i32
      %dma_wait3A_512 = tpu.memref_slice %arg22[%dma_wait3A_510, %dma_wait3A_511] : memref<10240x32xf32, #tpu.memory_space<vmem_shared>> -> memref<10240x32xf32, #tpu.memory_space<vmem_shared>>
      tpu.wait_indirect_dma semaphore(%arg27 : memref<!tpu.dma_semaphore, #tpu.memory_space<semaphore_mem>>) src(%arg20 : memref<128x32xf32, #tpu.memory_space<vmem>>) dst(%dma_wait3A_512 : memref<10240x32xf32, #tpu.memory_space<vmem_shared>>)
    }
    %scan3A_37 = arith.constant 81 : i32
    %barrier3A_38 = arith.constant 0 : index
    tpu.barrier barrier_id(%barrier3A_38)
    %add3A_39 = arith.constant 0 : i32
    %add3A_40 = arith.addi %mul3A_0, %add3A_39 : i32
    %add3A_41 = arith.constant 0 : i32
    %add3A_42 = arith.addi %mul3A_0, %add3A_41 : i32
    "tpu.region"() ({
      %run_scoped3A = tpu.sem_alloc : memref<!tpu.dma_semaphore, #tpu.memory_space<semaphore_mem>>
      %dma_start3A = arith.constant 0 : i32
      %dma_start3A_61 = tpu.memref_slice %arg6[%arg0, %add3A_42, %dma_start3A] : memref<2x10240x32xf32, #tpu.memory_space<hbm>> -> memref<1x128x32xf32, #tpu.memory_space<hbm>>
      %dma_start3A_62 = tpu.memref_squeeze %dma_start3A_61 : memref<1x128x32xf32, #tpu.memory_space<hbm>> -> memref<128x32xf32, #tpu.memory_space<hbm>>
      %dma_start3A_63 = arith.constant 0 : i32
      %dma_start3A_64 = tpu.memref_slice %arg22[%add3A_40, %dma_start3A_63] : memref<10240x32xf32, #tpu.memory_space<vmem_shared>> -> memref<128x32xf32, #tpu.memory_space<vmem_shared>>
      tpu.enqueue_dma source(%dma_start3A_64 : memref<128x32xf32, #tpu.memory_space<vmem_shared>>) target(%dma_start3A_62 : memref<128x32xf32, #tpu.memory_space<hbm>>) target_semaphore(%run_scoped3A : memref<!tpu.dma_semaphore, #tpu.memory_space<semaphore_mem>>)
      %dma_wait3A = arith.constant 0 : i32
      %dma_wait3A_65 = tpu.memref_slice %arg6[%arg0, %add3A_42, %dma_wait3A] : memref<2x10240x32xf32, #tpu.memory_space<hbm>> -> memref<1x128x32xf32, #tpu.memory_space<hbm>>
      %dma_wait3A_66 = tpu.memref_squeeze %dma_wait3A_65 : memref<1x128x32xf32, #tpu.memory_space<hbm>> -> memref<128x32xf32, #tpu.memory_space<hbm>>
      %dma_wait3A_67 = arith.constant 0 : i32
      %dma_wait3A_68 = tpu.memref_slice %arg22[%add3A_40, %dma_wait3A_67] : memref<10240x32xf32, #tpu.memory_space<vmem_shared>> -> memref<128x32xf32, #tpu.memory_space<vmem_shared>>
      tpu.wait_dma2 semaphore(%run_scoped3A : memref<!tpu.dma_semaphore, #tpu.memory_space<semaphore_mem>>) src(%dma_wait3A_68 : memref<128x32xf32, #tpu.memory_space<vmem_shared>>) dst(%dma_wait3A_66 : memref<128x32xf32, #tpu.memory_space<hbm>>)
      tpu.yield
    }) : () -> ()
    %add3A_43 = arith.constant 128 : i32
    %add3A_44 = arith.addi %mul3A_0, %add3A_43 : i32
    %add3A_45 = arith.constant 128 : i32
    %add3A_46 = arith.addi %mul3A_0, %add3A_45 : i32
    "tpu.region"() ({
      %run_scoped3A = tpu.sem_alloc : memref<!tpu.dma_semaphore, #tpu.memory_space<semaphore_mem>>
      %dma_start3A = arith.constant 0 : i32
      %dma_start3A_61 = tpu.memref_slice %arg6[%arg0, %add3A_46, %dma_start3A] : memref<2x10240x32xf32, #tpu.memory_space<hbm>> -> memref<1x128x32xf32, #tpu.memory_space<hbm>>
      %dma_start3A_62 = tpu.memref_squeeze %dma_start3A_61 : memref<1x128x32xf32, #tpu.memory_space<hbm>> -> memref<128x32xf32, #tpu.memory_space<hbm>>
      %dma_start3A_63 = arith.constant 0 : i32
      %dma_start3A_64 = tpu.memref_slice %arg22[%add3A_44, %dma_start3A_63] : memref<10240x32xf32, #tpu.memory_space<vmem_shared>> -> memref<128x32xf32, #tpu.memory_space<vmem_shared>>
      tpu.enqueue_dma source(%dma_start3A_64 : memref<128x32xf32, #tpu.memory_space<vmem_shared>>) target(%dma_start3A_62 : memref<128x32xf32, #tpu.memory_space<hbm>>) target_semaphore(%run_scoped3A : memref<!tpu.dma_semaphore, #tpu.memory_space<semaphore_mem>>)
      %dma_wait3A = arith.constant 0 : i32
      %dma_wait3A_65 = tpu.memref_slice %arg6[%arg0, %add3A_46, %dma_wait3A] : memref<2x10240x32xf32, #tpu.memory_space<hbm>> -> memref<1x128x32xf32, #tpu.memory_space<hbm>>
      %dma_wait3A_66 = tpu.memref_squeeze %dma_wait3A_65 : memref<1x128x32xf32, #tpu.memory_space<hbm>> -> memref<128x32xf32, #tpu.memory_space<hbm>>
      %dma_wait3A_67 = arith.constant 0 : i32
      %dma_wait3A_68 = tpu.memref_slice %arg22[%add3A_44, %dma_wait3A_67] : memref<10240x32xf32, #tpu.memory_space<vmem_shared>> -> memref<128x32xf32, #tpu.memory_space<vmem_shared>>
      tpu.wait_dma2 semaphore(%run_scoped3A : memref<!tpu.dma_semaphore, #tpu.memory_space<semaphore_mem>>) src(%dma_wait3A_68 : memref<128x32xf32, #tpu.memory_space<vmem_shared>>) dst(%dma_wait3A_66 : memref<128x32xf32, #tpu.memory_space<hbm>>)
      tpu.yield
    }) : () -> ()
    %add3A_47 = arith.constant 256 : i32
    %add3A_48 = arith.addi %mul3A_0, %add3A_47 : i32
    %add3A_49 = arith.constant 256 : i32
    %add3A_50 = arith.addi %mul3A_0, %add3A_49 : i32
    "tpu.region"() ({
      %run_scoped3A = tpu.sem_alloc : memref<!tpu.dma_semaphore, #tpu.memory_space<semaphore_mem>>
      %dma_start3A = arith.constant 0 : i32
      %dma_start3A_61 = tpu.memref_slice %arg6[%arg0, %add3A_50, %dma_start3A] : memref<2x10240x32xf32, #tpu.memory_space<hbm>> -> memref<1x128x32xf32, #tpu.memory_space<hbm>>
      %dma_start3A_62 = tpu.memref_squeeze %dma_start3A_61 : memref<1x128x32xf32, #tpu.memory_space<hbm>> -> memref<128x32xf32, #tpu.memory_space<hbm>>
      %dma_start3A_63 = arith.constant 0 : i32
      %dma_start3A_64 = tpu.memref_slice %arg22[%add3A_48, %dma_start3A_63] : memref<10240x32xf32, #tpu.memory_space<vmem_shared>> -> memref<128x32xf32, #tpu.memory_space<vmem_shared>>
      tpu.enqueue_dma source(%dma_start3A_64 : memref<128x32xf32, #tpu.memory_space<vmem_shared>>) target(%dma_start3A_62 : memref<128x32xf32, #tpu.memory_space<hbm>>) target_semaphore(%run_scoped3A : memref<!tpu.dma_semaphore, #tpu.memory_space<semaphore_mem>>)
      %dma_wait3A = arith.constant 0 : i32
      %dma_wait3A_65 = tpu.memref_slice %arg6[%arg0, %add3A_50, %dma_wait3A] : memref<2x10240x32xf32, #tpu.memory_space<hbm>> -> memref<1x128x32xf32, #tpu.memory_space<hbm>>
      %dma_wait3A_66 = tpu.memref_squeeze %dma_wait3A_65 : memref<1x128x32xf32, #tpu.memory_space<hbm>> -> memref<128x32xf32, #tpu.memory_space<hbm>>
      %dma_wait3A_67 = arith.constant 0 : i32
      %dma_wait3A_68 = tpu.memref_slice %arg22[%add3A_48, %dma_wait3A_67] : memref<10240x32xf32, #tpu.memory_space<vmem_shared>> -> memref<128x32xf32, #tpu.memory_space<vmem_shared>>
      tpu.wait_dma2 semaphore(%run_scoped3A : memref<!tpu.dma_semaphore, #tpu.memory_space<semaphore_mem>>) src(%dma_wait3A_68 : memref<128x32xf32, #tpu.memory_space<vmem_shared>>) dst(%dma_wait3A_66 : memref<128x32xf32, #tpu.memory_space<hbm>>)
      tpu.yield
    }) : () -> ()
    %add3A_51 = arith.constant 384 : i32
    %add3A_52 = arith.addi %mul3A_0, %add3A_51 : i32
    %add3A_53 = arith.constant 384 : i32
    %add3A_54 = arith.addi %mul3A_0, %add3A_53 : i32
    "tpu.region"() ({
      %run_scoped3A = tpu.sem_alloc : memref<!tpu.dma_semaphore, #tpu.memory_space<semaphore_mem>>
      %dma_start3A = arith.constant 0 : i32
      %dma_start3A_61 = tpu.memref_slice %arg6[%arg0, %add3A_54, %dma_start3A] : memref<2x10240x32xf32, #tpu.memory_space<hbm>> -> memref<1x128x32xf32, #tpu.memory_space<hbm>>
      %dma_start3A_62 = tpu.memref_squeeze %dma_start3A_61 : memref<1x128x32xf32, #tpu.memory_space<hbm>> -> memref<128x32xf32, #tpu.memory_space<hbm>>
      %dma_start3A_63 = arith.constant 0 : i32
      %dma_start3A_64 = tpu.memref_slice %arg22[%add3A_52, %dma_start3A_63] : memref<10240x32xf32, #tpu.memory_space<vmem_shared>> -> memref<128x32xf32, #tpu.memory_space<vmem_shared>>
      tpu.enqueue_dma source(%dma_start3A_64 : memref<128x32xf32, #tpu.memory_space<vmem_shared>>) target(%dma_start3A_62 : memref<128x32xf32, #tpu.memory_space<hbm>>) target_semaphore(%run_scoped3A : memref<!tpu.dma_semaphore, #tpu.memory_space<semaphore_mem>>)
      %dma_wait3A = arith.constant 0 : i32
      %dma_wait3A_65 = tpu.memref_slice %arg6[%arg0, %add3A_54, %dma_wait3A] : memref<2x10240x32xf32, #tpu.memory_space<hbm>> -> memref<1x128x32xf32, #tpu.memory_space<hbm>>
      %dma_wait3A_66 = tpu.memref_squeeze %dma_wait3A_65 : memref<1x128x32xf32, #tpu.memory_space<hbm>> -> memref<128x32xf32, #tpu.memory_space<hbm>>
      %dma_wait3A_67 = arith.constant 0 : i32
      %dma_wait3A_68 = tpu.memref_slice %arg22[%add3A_52, %dma_wait3A_67] : memref<10240x32xf32, #tpu.memory_space<vmem_shared>> -> memref<128x32xf32, #tpu.memory_space<vmem_shared>>
      tpu.wait_dma2 semaphore(%run_scoped3A : memref<!tpu.dma_semaphore, #tpu.memory_space<semaphore_mem>>) src(%dma_wait3A_68 : memref<128x32xf32, #tpu.memory_space<vmem_shared>>) dst(%dma_wait3A_66 : memref<128x32xf32, #tpu.memory_space<hbm>>)
      tpu.yield
    }) : () -> ()
    %add3A_55 = arith.constant 512 : i32
    %add3A_56 = arith.addi %mul3A_0, %add3A_55 : i32
    %add3A_57 = arith.constant 512 : i32
    %add3A_58 = arith.addi %mul3A_0, %add3A_57 : i32
    "tpu.region"() ({
      %run_scoped3A = tpu.sem_alloc : memref<!tpu.dma_semaphore, #tpu.memory_space<semaphore_mem>>
      %dma_start3A = arith.constant 0 : i32
      %dma_start3A_61 = tpu.memref_slice %arg6[%arg0, %add3A_58, %dma_start3A] : memref<2x10240x32xf32, #tpu.memory_space<hbm>> -> memref<1x128x32xf32, #tpu.memory_space<hbm>>
      %dma_start3A_62 = tpu.memref_squeeze %dma_start3A_61 : memref<1x128x32xf32, #tpu.memory_space<hbm>> -> memref<128x32xf32, #tpu.memory_space<hbm>>
      %dma_start3A_63 = arith.constant 0 : i32
      %dma_start3A_64 = tpu.memref_slice %arg22[%add3A_56, %dma_start3A_63] : memref<10240x32xf32, #tpu.memory_space<vmem_shared>> -> memref<128x32xf32, #tpu.memory_space<vmem_shared>>
      tpu.enqueue_dma source(%dma_start3A_64 : memref<128x32xf32, #tpu.memory_space<vmem_shared>>) target(%dma_start3A_62 : memref<128x32xf32, #tpu.memory_space<hbm>>) target_semaphore(%run_scoped3A : memref<!tpu.dma_semaphore, #tpu.memory_space<semaphore_mem>>)
      %dma_wait3A = arith.constant 0 : i32
      %dma_wait3A_65 = tpu.memref_slice %arg6[%arg0, %add3A_58, %dma_wait3A] : memref<2x10240x32xf32, #tpu.memory_space<hbm>> -> memref<1x128x32xf32, #tpu.memory_space<hbm>>
      %dma_wait3A_66 = tpu.memref_squeeze %dma_wait3A_65 : memref<1x128x32xf32, #tpu.memory_space<hbm>> -> memref<128x32xf32, #tpu.memory_space<hbm>>
      %dma_wait3A_67 = arith.constant 0 : i32
      %dma_wait3A_68 = tpu.memref_slice %arg22[%add3A_56, %dma_wait3A_67] : memref<10240x32xf32, #tpu.memory_space<vmem_shared>> -> memref<128x32xf32, #tpu.memory_space<vmem_shared>>
      tpu.wait_dma2 semaphore(%run_scoped3A : memref<!tpu.dma_semaphore, #tpu.memory_space<semaphore_mem>>) src(%dma_wait3A_68 : memref<128x32xf32, #tpu.memory_space<vmem_shared>>) dst(%dma_wait3A_66 : memref<128x32xf32, #tpu.memory_space<hbm>>)
      tpu.yield
    }) : () -> ()
    %eq3A = arith.constant 0 : i32
    %eq3A_59 = arith.cmpi eq, %arg0, %eq3A : i32
    %convert_element_type3A = arith.extui %eq3A_59 : i1 to i32
    %cond3A = arith.constant 0 : i32
    %cond3A_60 = arith.cmpi ne, %convert_element_type3A, %cond3A : i32
    scf.if %cond3A_60 {
      "tpu.region"() ({
        %run_scoped3A = tpu.sem_alloc : memref<!tpu.dma_semaphore, #tpu.memory_space<semaphore_mem>>
        %dma_start3A = tpu.memref_slice %arg7[%mul3A_0] : memref<10240xf32, #tpu.memory_space<hbm>> -> memref<640xf32, #tpu.memory_space<hbm>>
        %dma_start3A_61 = tpu.memref_slice %arg23[%mul3A_0] : memref<10240xf32, #tpu.memory_space<vmem_shared>> -> memref<640xf32, #tpu.memory_space<vmem_shared>>
        tpu.enqueue_dma source(%dma_start3A_61 : memref<640xf32, #tpu.memory_space<vmem_shared>>) target(%dma_start3A : memref<640xf32, #tpu.memory_space<hbm>>) target_semaphore(%run_scoped3A : memref<!tpu.dma_semaphore, #tpu.memory_space<semaphore_mem>>)
        %dma_wait3A = tpu.memref_slice %arg7[%mul3A_0] : memref<10240xf32, #tpu.memory_space<hbm>> -> memref<640xf32, #tpu.memory_space<hbm>>
        %dma_wait3A_62 = tpu.memref_slice %arg23[%mul3A_0] : memref<10240xf32, #tpu.memory_space<vmem_shared>> -> memref<640xf32, #tpu.memory_space<vmem_shared>>
        tpu.wait_dma2 semaphore(%run_scoped3A : memref<!tpu.dma_semaphore, #tpu.memory_space<semaphore_mem>>) src(%dma_wait3A_62 : memref<640xf32, #tpu.memory_space<vmem_shared>>) dst(%dma_wait3A : memref<640xf32, #tpu.memory_space<hbm>>)
        tpu.yield
      }) : () -> ()
    } else {
    }
    return
  }
}

#map = affine_map<(d0, d1) -> (0, 0, 0)>
#map1 = affine_map<(d0, d1) -> (0)>
module attributes {stable_mosaic.version = 14 : i64} {
  func.func @_sc_edge_body(%arg0: i32, %arg1: i32, %arg2: memref<2x10240x32xf32, #tpu.memory_space<hbm>>, %arg3: memref<10240xf32, #tpu.memory_space<hbm>>, %arg4: memref<10240xf32, #tpu.memory_space<hbm>>, %arg5: memref<16x162x128xi32, #tpu.memory_space<hbm>>, %arg6: memref<2x10240x32xf32, #tpu.memory_space<hbm>>, %arg7: memref<10240xf32, #tpu.memory_space<hbm>>, %arg8: memref<10240xf32, #tpu.memory_space<vmem>>, %arg9: memref<10240xf32, #tpu.memory_space<vmem>>, %arg10: memref<162x128xi32, #tpu.memory_space<vmem>>, %arg11: memref<128xf32, #tpu.memory_space<vmem>>, %arg12: memref<128xf32, #tpu.memory_space<vmem>>, %arg13: memref<128xi32, #tpu.memory_space<vmem>>, %arg14: memref<128xi32, #tpu.memory_space<vmem>>, %arg15: memref<128xi32, #tpu.memory_space<vmem>>, %arg16: memref<128xi32, #tpu.memory_space<vmem>>, %arg17: memref<128x32xf32, #tpu.memory_space<vmem>>, %arg18: memref<128x32xf32, #tpu.memory_space<vmem>>, %arg19: memref<128x32xf32, #tpu.memory_space<vmem>>, %arg20: memref<128x32xf32, #tpu.memory_space<vmem>>, %arg21: memref<10240x32xf32, #tpu.memory_space<vmem_shared>>, %arg22: memref<10240x32xf32, #tpu.memory_space<vmem_shared>>, %arg23: memref<10240xf32, #tpu.memory_space<vmem_shared>>, %arg24: memref<!tpu.dma_semaphore, #tpu.memory_space<semaphore_mem>>, %arg25: memref<!tpu.dma_semaphore, #tpu.memory_space<semaphore_mem>>, %arg26: memref<!tpu.dma_semaphore, #tpu.memory_space<semaphore_mem>>, %arg27: memref<!tpu.dma_semaphore, #tpu.memory_space<semaphore_mem>>) attributes {dimension_semantics = [#tpu.dimension_semantics<core_parallel>, #tpu.dimension_semantics<subcore_parallel>], iteration_bounds = array<i64: 2, 16>, scalar_prefetch = 0 : i64, scratch_operands = 20 : i64, tpu.core_type = #tpu.core_type<sc_vector_subcore>, window_params = [{transform_indices = #map}, {transform_indices = #map1}, {transform_indices = #map1}, {transform_indices = #map}, {transform_indices = #map}, {transform_indices = #map1}]} {
    "tpu.region"() ({
      %run_scoped3A = tpu.sem_alloc : memref<!tpu.dma_semaphore, #tpu.memory_space<semaphore_mem>>
      tpu.enqueue_dma source(%arg3 : memref<10240xf32, #tpu.memory_space<hbm>>) target(%arg8 : memref<10240xf32, #tpu.memory_space<vmem>>) target_semaphore(%run_scoped3A : memref<!tpu.dma_semaphore, #tpu.memory_space<semaphore_mem>>)
      tpu.wait_dma2 semaphore(%run_scoped3A : memref<!tpu.dma_semaphore, #tpu.memory_space<semaphore_mem>>) src(%arg3 : memref<10240xf32, #tpu.memory_space<hbm>>) dst(%arg8 : memref<10240xf32, #tpu.memory_space<vmem>>)
      tpu.yield
    }) : () -> ()
    "tpu.region"() ({
      %run_scoped3A = tpu.sem_alloc : memref<!tpu.dma_semaphore, #tpu.memory_space<semaphore_mem>>
      tpu.enqueue_dma source(%arg4 : memref<10240xf32, #tpu.memory_space<hbm>>) target(%arg9 : memref<10240xf32, #tpu.memory_space<vmem>>) target_semaphore(%run_scoped3A : memref<!tpu.dma_semaphore, #tpu.memory_space<semaphore_mem>>)
      tpu.wait_dma2 semaphore(%run_scoped3A : memref<!tpu.dma_semaphore, #tpu.memory_space<semaphore_mem>>) src(%arg4 : memref<10240xf32, #tpu.memory_space<hbm>>) dst(%arg9 : memref<10240xf32, #tpu.memory_space<vmem>>)
      tpu.yield
    }) : () -> ()
    "tpu.region"() ({
      %run_scoped3A = tpu.sem_alloc : memref<!tpu.dma_semaphore, #tpu.memory_space<semaphore_mem>>
      %dma_start3A = arith.constant 0 : i32
      %dma_start3A_61 = arith.constant 0 : i32
      %dma_start3A_62 = tpu.memref_slice %arg5[%arg1, %dma_start3A, %dma_start3A_61] : memref<16x162x128xi32, #tpu.memory_space<hbm>> -> memref<1x162x128xi32, #tpu.memory_space<hbm>>
      %dma_start3A_63 = tpu.memref_squeeze %dma_start3A_62 : memref<1x162x128xi32, #tpu.memory_space<hbm>> -> memref<162x128xi32, #tpu.memory_space<hbm>>
      %dma_start3A_64 = arith.constant 0 : i32
      %dma_start3A_65 = arith.constant 0 : i32
      %dma_start3A_66 = tpu.memref_slice %arg5[%arg1, %dma_start3A_64, %dma_start3A_65] : memref<16x162x128xi32, #tpu.memory_space<hbm>> -> memref<1x162x128xi32, #tpu.memory_space<hbm>>
      %dma_start3A_67 = tpu.memref_squeeze %dma_start3A_66 : memref<1x162x128xi32, #tpu.memory_space<hbm>> -> memref<162x128xi32, #tpu.memory_space<hbm>>
      tpu.enqueue_dma source(%dma_start3A_67 : memref<162x128xi32, #tpu.memory_space<hbm>>) target(%arg10 : memref<162x128xi32, #tpu.memory_space<vmem>>) target_semaphore(%run_scoped3A : memref<!tpu.dma_semaphore, #tpu.memory_space<semaphore_mem>>)
      %dma_wait3A = arith.constant 0 : i32
      %dma_wait3A_68 = arith.constant 0 : i32
      %dma_wait3A_69 = tpu.memref_slice %arg5[%arg1, %dma_wait3A, %dma_wait3A_68] : memref<16x162x128xi32, #tpu.memory_space<hbm>> -> memref<1x162x128xi32, #tpu.memory_space<hbm>>
      %dma_wait3A_70 = tpu.memref_squeeze %dma_wait3A_69 : memref<1x162x128xi32, #tpu.memory_space<hbm>> -> memref<162x128xi32, #tpu.memory_space<hbm>>
      %dma_wait3A_71 = arith.constant 0 : i32
      %dma_wait3A_72 = arith.constant 0 : i32
      %dma_wait3A_73 = tpu.memref_slice %arg5[%arg1, %dma_wait3A_71, %dma_wait3A_72] : memref<16x162x128xi32, #tpu.memory_space<hbm>> -> memref<1x162x128xi32, #tpu.memory_space<hbm>>
      %dma_wait3A_74 = tpu.memref_squeeze %dma_wait3A_73 : memref<1x162x128xi32, #tpu.memory_space<hbm>> -> memref<162x128xi32, #tpu.memory_space<hbm>>
      tpu.wait_dma2 semaphore(%run_scoped3A : memref<!tpu.dma_semaphore, #tpu.memory_space<semaphore_mem>>) src(%dma_wait3A_74 : memref<162x128xi32, #tpu.memory_space<hbm>>) dst(%arg10 : memref<162x128xi32, #tpu.memory_space<vmem>>)
      tpu.yield
    }) : () -> ()
    %mul3A = arith.constant 640 : i32
    %mul3A_0 = arith.muli %arg1, %mul3A : i32
    "tpu.region"() ({
      %run_scoped3A = tpu.sem_alloc : memref<!tpu.dma_semaphore, #tpu.memory_space<semaphore_mem>>
      %dma_start3A = arith.constant 0 : i32
      %dma_start3A_61 = tpu.memref_slice %arg21[%mul3A_0, %dma_start3A] : memref<10240x32xf32, #tpu.memory_space<vmem_shared>> -> memref<640x32xf32, #tpu.memory_space<vmem_shared>>
      %dma_start3A_62 = arith.constant 0 : i32
      %dma_start3A_63 = tpu.memref_slice %arg2[%arg0, %mul3A_0, %dma_start3A_62] : memref<2x10240x32xf32, #tpu.memory_space<hbm>> -> memref<1x640x32xf32, #tpu.memory_space<hbm>>
      %dma_start3A_64 = tpu.memref_squeeze %dma_start3A_63 : memref<1x640x32xf32, #tpu.memory_space<hbm>> -> memref<640x32xf32, #tpu.memory_space<hbm>>
      tpu.enqueue_dma source(%dma_start3A_64 : memref<640x32xf32, #tpu.memory_space<hbm>>) target(%dma_start3A_61 : memref<640x32xf32, #tpu.memory_space<vmem_shared>>) target_semaphore(%run_scoped3A : memref<!tpu.dma_semaphore, #tpu.memory_space<semaphore_mem>>)
      %dma_wait3A = arith.constant 0 : i32
      %dma_wait3A_65 = tpu.memref_slice %arg21[%mul3A_0, %dma_wait3A] : memref<10240x32xf32, #tpu.memory_space<vmem_shared>> -> memref<640x32xf32, #tpu.memory_space<vmem_shared>>
      %dma_wait3A_66 = arith.constant 0 : i32
      %dma_wait3A_67 = tpu.memref_slice %arg2[%arg0, %mul3A_0, %dma_wait3A_66] : memref<2x10240x32xf32, #tpu.memory_space<hbm>> -> memref<1x640x32xf32, #tpu.memory_space<hbm>>
      %dma_wait3A_68 = tpu.memref_squeeze %dma_wait3A_67 : memref<1x640x32xf32, #tpu.memory_space<hbm>> -> memref<640x32xf32, #tpu.memory_space<hbm>>
      tpu.wait_dma2 semaphore(%run_scoped3A : memref<!tpu.dma_semaphore, #tpu.memory_space<semaphore_mem>>) src(%dma_wait3A_68 : memref<640x32xf32, #tpu.memory_space<hbm>>) dst(%dma_wait3A_65 : memref<640x32xf32, #tpu.memory_space<vmem_shared>>)
      tpu.yield
    }) : () -> ()
    %broadcast_in_dim3A = arith.constant 0.000000e+00 : f32
    %broadcast_in_dim3A_1 = vector.broadcast %broadcast_in_dim3A : f32 to vector<16xf32>
    %scan3A = arith.constant 0 : i32
    %scan3A_2 = arith.constant 0 : i32
    %scan3A_3 = arith.constant 128 : i32
    %scan3A_4 = arith.addi %scan3A_2, %scan3A_3 : i32
    %scan3A_5 = arith.constant 1 : i32
    scf.for %scan3A_61 = %scan3A_2 to %scan3A_4 step %scan3A_5  : i32 {
      %swap3A = arith.index_cast %scan3A_61 : i32 to index
      %swap3A_62 = arith.constant 0 : index
      %swap3A_63 = tpu.vector_load %arg19[%swap3A, %swap3A_62] {strides = array<i32>} : memref<128x32xf32, #tpu.memory_space<vmem>>, vector<16xf32>,
      tpu.vector_store %arg19[%swap3A, %swap3A_62], %broadcast_in_dim3A_1 {strides = array<i32>} : memref<128x32xf32, #tpu.memory_space<vmem>>, vector<16xf32>,
      %swap3A_64 = arith.index_cast %scan3A_61 : i32 to index
      %swap3A_65 = arith.constant 16 : index
      %swap3A_66 = tpu.vector_load %arg19[%swap3A_64, %swap3A_65] {strides = array<i32>} : memref<128x32xf32, #tpu.memory_space<vmem>>, vector<16xf32>,
      tpu.vector_store %arg19[%swap3A_64, %swap3A_65], %broadcast_in_dim3A_1 {strides = array<i32>} : memref<128x32xf32, #tpu.memory_space<vmem>>, vector<16xf32>,
    }
    %scan3A_6 = arith.constant 128 : i32
    %scan3A_7 = arith.constant 0 : i32
    %scan3A_8 = arith.constant 0 : i32
    %scan3A_9 = arith.constant 8 : i32
    %scan3A_10 = arith.addi %scan3A_8, %scan3A_9 : i32
    %scan3A_11 = arith.constant 1 : i32
    scf.for %scan3A_61 = %scan3A_8 to %scan3A_10 step %scan3A_11  : i32 {
      %mul3A_62 = arith.constant 16 : i32
      %mul3A_63 = arith.muli %scan3A_61, %mul3A_62 : i32
      %swap3A = arith.index_cast %mul3A_63 : i32 to index
      %swap3A_64 = tpu.vector_load %arg11[%swap3A] {strides = array<i32>} : memref<128xf32, #tpu.memory_space<vmem>>, vector<16xf32>,
      tpu.vector_store %arg11[%swap3A], %broadcast_in_dim3A_1 {strides = array<i32>} : memref<128xf32, #tpu.memory_space<vmem>>, vector<16xf32>,
    }
    %scan3A_12 = arith.constant 8 : i32
    %add3A = arith.constant 0 : i32
    %add3A_13 = arith.addi %mul3A_0, %add3A : i32
    "tpu.region"() ({
      %run_scoped3A = tpu.sem_alloc : memref<!tpu.dma_semaphore, #tpu.memory_space<semaphore_mem>>
      %dma_start3A = arith.constant 0 : i32
      %dma_start3A_61 = tpu.memref_slice %arg22[%add3A_13, %dma_start3A] : memref<10240x32xf32, #tpu.memory_space<vmem_shared>> -> memref<128x32xf32, #tpu.memory_space<vmem_shared>>
      %dma_start3A_62 = arith.constant 0 : i32
      %dma_start3A_63 = tpu.memref_slice %arg22[%add3A_13, %dma_start3A_62] : memref<10240x32xf32, #tpu.memory_space<vmem_shared>> -> memref<128x32xf32, #tpu.memory_space<vmem_shared>>
      tpu.enqueue_dma source(%arg19 : memref<128x32xf32, #tpu.memory_space<vmem>>) target(%dma_start3A_63 : memref<128x32xf32, #tpu.memory_space<vmem_shared>>) target_semaphore(%run_scoped3A : memref<!tpu.dma_semaphore, #tpu.memory_space<semaphore_mem>>)
      %dma_wait3A = arith.constant 0 : i32
      %dma_wait3A_64 = tpu.memref_slice %arg22[%add3A_13, %dma_wait3A] : memref<10240x32xf32, #tpu.memory_space<vmem_shared>> -> memref<128x32xf32, #tpu.memory_space<vmem_shared>>
      %dma_wait3A_65 = arith.constant 0 : i32
      %dma_wait3A_66 = tpu.memref_slice %arg22[%add3A_13, %dma_wait3A_65] : memref<10240x32xf32, #tpu.memory_space<vmem_shared>> -> memref<128x32xf32, #tpu.memory_space<vmem_shared>>
      tpu.wait_dma2 semaphore(%run_scoped3A : memref<!tpu.dma_semaphore, #tpu.memory_space<semaphore_mem>>) src(%arg19 : memref<128x32xf32, #tpu.memory_space<vmem>>) dst(%dma_wait3A_66 : memref<128x32xf32, #tpu.memory_space<vmem_shared>>)
      tpu.yield
    }) : () -> ()
    %add3A_14 = arith.constant 0 : i32
    %add3A_15 = arith.addi %mul3A_0, %add3A_14 : i32
    "tpu.region"() ({
      %run_scoped3A = tpu.sem_alloc : memref<!tpu.dma_semaphore, #tpu.memory_space<semaphore_mem>>
      %dma_start3A = tpu.memref_slice %arg23[%add3A_15] : memref<10240xf32, #tpu.memory_space<vmem_shared>> -> memref<128xf32, #tpu.memory_space<vmem_shared>>
      %dma_start3A_61 = tpu.memref_slice %arg23[%add3A_15] : memref<10240xf32, #tpu.memory_space<vmem_shared>> -> memref<128xf32, #tpu.memory_space<vmem_shared>>
      tpu.enqueue_dma source(%arg11 : memref<128xf32, #tpu.memory_space<vmem>>) target(%dma_start3A_61 : memref<128xf32, #tpu.memory_space<vmem_shared>>) target_semaphore(%run_scoped3A : memref<!tpu.dma_semaphore, #tpu.memory_space<semaphore_mem>>)
      %dma_wait3A = tpu.memref_slice %arg23[%add3A_15] : memref<10240xf32, #tpu.memory_space<vmem_shared>> -> memref<128xf32, #tpu.memory_space<vmem_shared>>
      %dma_wait3A_62 = tpu.memref_slice %arg23[%add3A_15] : memref<10240xf32, #tpu.memory_space<vmem_shared>> -> memref<128xf32, #tpu.memory_space<vmem_shared>>
      tpu.wait_dma2 semaphore(%run_scoped3A : memref<!tpu.dma_semaphore, #tpu.memory_space<semaphore_mem>>) src(%arg11 : memref<128xf32, #tpu.memory_space<vmem>>) dst(%dma_wait3A_62 : memref<128xf32, #tpu.memory_space<vmem_shared>>)
      tpu.yield
    }) : () -> ()
    %add3A_16 = arith.constant 128 : i32
    %add3A_17 = arith.addi %mul3A_0, %add3A_16 : i32
    "tpu.region"() ({
      %run_scoped3A = tpu.sem_alloc : memref<!tpu.dma_semaphore, #tpu.memory_space<semaphore_mem>>
      %dma_start3A = arith.constant 0 : i32
      %dma_start3A_61 = tpu.memref_slice %arg22[%add3A_17, %dma_start3A] : memref<10240x32xf32, #tpu.memory_space<vmem_shared>> -> memref<128x32xf32, #tpu.memory_space<vmem_shared>>
      %dma_start3A_62 = arith.constant 0 : i32
      %dma_start3A_63 = tpu.memref_slice %arg22[%add3A_17, %dma_start3A_62] : memref<10240x32xf32, #tpu.memory_space<vmem_shared>> -> memref<128x32xf32, #tpu.memory_space<vmem_shared>>
      tpu.enqueue_dma source(%arg19 : memref<128x32xf32, #tpu.memory_space<vmem>>) target(%dma_start3A_63 : memref<128x32xf32, #tpu.memory_space<vmem_shared>>) target_semaphore(%run_scoped3A : memref<!tpu.dma_semaphore, #tpu.memory_space<semaphore_mem>>)
      %dma_wait3A = arith.constant 0 : i32
      %dma_wait3A_64 = tpu.memref_slice %arg22[%add3A_17, %dma_wait3A] : memref<10240x32xf32, #tpu.memory_space<vmem_shared>> -> memref<128x32xf32, #tpu.memory_space<vmem_shared>>
      %dma_wait3A_65 = arith.constant 0 : i32
      %dma_wait3A_66 = tpu.memref_slice %arg22[%add3A_17, %dma_wait3A_65] : memref<10240x32xf32, #tpu.memory_space<vmem_shared>> -> memref<128x32xf32, #tpu.memory_space<vmem_shared>>
      tpu.wait_dma2 semaphore(%run_scoped3A : memref<!tpu.dma_semaphore, #tpu.memory_space<semaphore_mem>>) src(%arg19 : memref<128x32xf32, #tpu.memory_space<vmem>>) dst(%dma_wait3A_66 : memref<128x32xf32, #tpu.memory_space<vmem_shared>>)
      tpu.yield
    }) : () -> ()
    %add3A_18 = arith.constant 128 : i32
    %add3A_19 = arith.addi %mul3A_0, %add3A_18 : i32
    "tpu.region"() ({
      %run_scoped3A = tpu.sem_alloc : memref<!tpu.dma_semaphore, #tpu.memory_space<semaphore_mem>>
      %dma_start3A = tpu.memref_slice %arg23[%add3A_19] : memref<10240xf32, #tpu.memory_space<vmem_shared>> -> memref<128xf32, #tpu.memory_space<vmem_shared>>
      %dma_start3A_61 = tpu.memref_slice %arg23[%add3A_19] : memref<10240xf32, #tpu.memory_space<vmem_shared>> -> memref<128xf32, #tpu.memory_space<vmem_shared>>
      tpu.enqueue_dma source(%arg11 : memref<128xf32, #tpu.memory_space<vmem>>) target(%dma_start3A_61 : memref<128xf32, #tpu.memory_space<vmem_shared>>) target_semaphore(%run_scoped3A : memref<!tpu.dma_semaphore, #tpu.memory_space<semaphore_mem>>)
      %dma_wait3A = tpu.memref_slice %arg23[%add3A_19] : memref<10240xf32, #tpu.memory_space<vmem_shared>> -> memref<128xf32, #tpu.memory_space<vmem_shared>>
      %dma_wait3A_62 = tpu.memref_slice %arg23[%add3A_19] : memref<10240xf32, #tpu.memory_space<vmem_shared>> -> memref<128xf32, #tpu.memory_space<vmem_shared>>
      tpu.wait_dma2 semaphore(%run_scoped3A : memref<!tpu.dma_semaphore, #tpu.memory_space<semaphore_mem>>) src(%arg11 : memref<128xf32, #tpu.memory_space<vmem>>) dst(%dma_wait3A_62 : memref<128xf32, #tpu.memory_space<vmem_shared>>)
      tpu.yield
    }) : () -> ()
    %add3A_20 = arith.constant 256 : i32
    %add3A_21 = arith.addi %mul3A_0, %add3A_20 : i32
    "tpu.region"() ({
      %run_scoped3A = tpu.sem_alloc : memref<!tpu.dma_semaphore, #tpu.memory_space<semaphore_mem>>
      %dma_start3A = arith.constant 0 : i32
      %dma_start3A_61 = tpu.memref_slice %arg22[%add3A_21, %dma_start3A] : memref<10240x32xf32, #tpu.memory_space<vmem_shared>> -> memref<128x32xf32, #tpu.memory_space<vmem_shared>>
      %dma_start3A_62 = arith.constant 0 : i32
      %dma_start3A_63 = tpu.memref_slice %arg22[%add3A_21, %dma_start3A_62] : memref<10240x32xf32, #tpu.memory_space<vmem_shared>> -> memref<128x32xf32, #tpu.memory_space<vmem_shared>>
      tpu.enqueue_dma source(%arg19 : memref<128x32xf32, #tpu.memory_space<vmem>>) target(%dma_start3A_63 : memref<128x32xf32, #tpu.memory_space<vmem_shared>>) target_semaphore(%run_scoped3A : memref<!tpu.dma_semaphore, #tpu.memory_space<semaphore_mem>>)
      %dma_wait3A = arith.constant 0 : i32
      %dma_wait3A_64 = tpu.memref_slice %arg22[%add3A_21, %dma_wait3A] : memref<10240x32xf32, #tpu.memory_space<vmem_shared>> -> memref<128x32xf32, #tpu.memory_space<vmem_shared>>
      %dma_wait3A_65 = arith.constant 0 : i32
      %dma_wait3A_66 = tpu.memref_slice %arg22[%add3A_21, %dma_wait3A_65] : memref<10240x32xf32, #tpu.memory_space<vmem_shared>> -> memref<128x32xf32, #tpu.memory_space<vmem_shared>>
      tpu.wait_dma2 semaphore(%run_scoped3A : memref<!tpu.dma_semaphore, #tpu.memory_space<semaphore_mem>>) src(%arg19 : memref<128x32xf32, #tpu.memory_space<vmem>>) dst(%dma_wait3A_66 : memref<128x32xf32, #tpu.memory_space<vmem_shared>>)
      tpu.yield
    }) : () -> ()
    %add3A_22 = arith.constant 256 : i32
    %add3A_23 = arith.addi %mul3A_0, %add3A_22 : i32
    "tpu.region"() ({
      %run_scoped3A = tpu.sem_alloc : memref<!tpu.dma_semaphore, #tpu.memory_space<semaphore_mem>>
      %dma_start3A = tpu.memref_slice %arg23[%add3A_23] : memref<10240xf32, #tpu.memory_space<vmem_shared>> -> memref<128xf32, #tpu.memory_space<vmem_shared>>
      %dma_start3A_61 = tpu.memref_slice %arg23[%add3A_23] : memref<10240xf32, #tpu.memory_space<vmem_shared>> -> memref<128xf32, #tpu.memory_space<vmem_shared>>
      tpu.enqueue_dma source(%arg11 : memref<128xf32, #tpu.memory_space<vmem>>) target(%dma_start3A_61 : memref<128xf32, #tpu.memory_space<vmem_shared>>) target_semaphore(%run_scoped3A : memref<!tpu.dma_semaphore, #tpu.memory_space<semaphore_mem>>)
      %dma_wait3A = tpu.memref_slice %arg23[%add3A_23] : memref<10240xf32, #tpu.memory_space<vmem_shared>> -> memref<128xf32, #tpu.memory_space<vmem_shared>>
      %dma_wait3A_62 = tpu.memref_slice %arg23[%add3A_23] : memref<10240xf32, #tpu.memory_space<vmem_shared>> -> memref<128xf32, #tpu.memory_space<vmem_shared>>
      tpu.wait_dma2 semaphore(%run_scoped3A : memref<!tpu.dma_semaphore, #tpu.memory_space<semaphore_mem>>) src(%arg11 : memref<128xf32, #tpu.memory_space<vmem>>) dst(%dma_wait3A_62 : memref<128xf32, #tpu.memory_space<vmem_shared>>)
      tpu.yield
    }) : () -> ()
    %add3A_24 = arith.constant 384 : i32
    %add3A_25 = arith.addi %mul3A_0, %add3A_24 : i32
    "tpu.region"() ({
      %run_scoped3A = tpu.sem_alloc : memref<!tpu.dma_semaphore, #tpu.memory_space<semaphore_mem>>
      %dma_start3A = arith.constant 0 : i32
      %dma_start3A_61 = tpu.memref_slice %arg22[%add3A_25, %dma_start3A] : memref<10240x32xf32, #tpu.memory_space<vmem_shared>> -> memref<128x32xf32, #tpu.memory_space<vmem_shared>>
      %dma_start3A_62 = arith.constant 0 : i32
      %dma_start3A_63 = tpu.memref_slice %arg22[%add3A_25, %dma_start3A_62] : memref<10240x32xf32, #tpu.memory_space<vmem_shared>> -> memref<128x32xf32, #tpu.memory_space<vmem_shared>>
      tpu.enqueue_dma source(%arg19 : memref<128x32xf32, #tpu.memory_space<vmem>>) target(%dma_start3A_63 : memref<128x32xf32, #tpu.memory_space<vmem_shared>>) target_semaphore(%run_scoped3A : memref<!tpu.dma_semaphore, #tpu.memory_space<semaphore_mem>>)
      %dma_wait3A = arith.constant 0 : i32
      %dma_wait3A_64 = tpu.memref_slice %arg22[%add3A_25, %dma_wait3A] : memref<10240x32xf32, #tpu.memory_space<vmem_shared>> -> memref<128x32xf32, #tpu.memory_space<vmem_shared>>
      %dma_wait3A_65 = arith.constant 0 : i32
      %dma_wait3A_66 = tpu.memref_slice %arg22[%add3A_25, %dma_wait3A_65] : memref<10240x32xf32, #tpu.memory_space<vmem_shared>> -> memref<128x32xf32, #tpu.memory_space<vmem_shared>>
      tpu.wait_dma2 semaphore(%run_scoped3A : memref<!tpu.dma_semaphore, #tpu.memory_space<semaphore_mem>>) src(%arg19 : memref<128x32xf32, #tpu.memory_space<vmem>>) dst(%dma_wait3A_66 : memref<128x32xf32, #tpu.memory_space<vmem_shared>>)
      tpu.yield
    }) : () -> ()
    %add3A_26 = arith.constant 384 : i32
    %add3A_27 = arith.addi %mul3A_0, %add3A_26 : i32
    "tpu.region"() ({
      %run_scoped3A = tpu.sem_alloc : memref<!tpu.dma_semaphore, #tpu.memory_space<semaphore_mem>>
      %dma_start3A = tpu.memref_slice %arg23[%add3A_27] : memref<10240xf32, #tpu.memory_space<vmem_shared>> -> memref<128xf32, #tpu.memory_space<vmem_shared>>
      %dma_start3A_61 = tpu.memref_slice %arg23[%add3A_27] : memref<10240xf32, #tpu.memory_space<vmem_shared>> -> memref<128xf32, #tpu.memory_space<vmem_shared>>
      tpu.enqueue_dma source(%arg11 : memref<128xf32, #tpu.memory_space<vmem>>) target(%dma_start3A_61 : memref<128xf32, #tpu.memory_space<vmem_shared>>) target_semaphore(%run_scoped3A : memref<!tpu.dma_semaphore, #tpu.memory_space<semaphore_mem>>)
      %dma_wait3A = tpu.memref_slice %arg23[%add3A_27] : memref<10240xf32, #tpu.memory_space<vmem_shared>> -> memref<128xf32, #tpu.memory_space<vmem_shared>>
      %dma_wait3A_62 = tpu.memref_slice %arg23[%add3A_27] : memref<10240xf32, #tpu.memory_space<vmem_shared>> -> memref<128xf32, #tpu.memory_space<vmem_shared>>
      tpu.wait_dma2 semaphore(%run_scoped3A : memref<!tpu.dma_semaphore, #tpu.memory_space<semaphore_mem>>) src(%arg11 : memref<128xf32, #tpu.memory_space<vmem>>) dst(%dma_wait3A_62 : memref<128xf32, #tpu.memory_space<vmem_shared>>)
      tpu.yield
    }) : () -> ()
    %add3A_28 = arith.constant 512 : i32
    %add3A_29 = arith.addi %mul3A_0, %add3A_28 : i32
    "tpu.region"() ({
      %run_scoped3A = tpu.sem_alloc : memref<!tpu.dma_semaphore, #tpu.memory_space<semaphore_mem>>
      %dma_start3A = arith.constant 0 : i32
      %dma_start3A_61 = tpu.memref_slice %arg22[%add3A_29, %dma_start3A] : memref<10240x32xf32, #tpu.memory_space<vmem_shared>> -> memref<128x32xf32, #tpu.memory_space<vmem_shared>>
      %dma_start3A_62 = arith.constant 0 : i32
      %dma_start3A_63 = tpu.memref_slice %arg22[%add3A_29, %dma_start3A_62] : memref<10240x32xf32, #tpu.memory_space<vmem_shared>> -> memref<128x32xf32, #tpu.memory_space<vmem_shared>>
      tpu.enqueue_dma source(%arg19 : memref<128x32xf32, #tpu.memory_space<vmem>>) target(%dma_start3A_63 : memref<128x32xf32, #tpu.memory_space<vmem_shared>>) target_semaphore(%run_scoped3A : memref<!tpu.dma_semaphore, #tpu.memory_space<semaphore_mem>>)
      %dma_wait3A = arith.constant 0 : i32
      %dma_wait3A_64 = tpu.memref_slice %arg22[%add3A_29, %dma_wait3A] : memref<10240x32xf32, #tpu.memory_space<vmem_shared>> -> memref<128x32xf32, #tpu.memory_space<vmem_shared>>
      %dma_wait3A_65 = arith.constant 0 : i32
      %dma_wait3A_66 = tpu.memref_slice %arg22[%add3A_29, %dma_wait3A_65] : memref<10240x32xf32, #tpu.memory_space<vmem_shared>> -> memref<128x32xf32, #tpu.memory_space<vmem_shared>>
      tpu.wait_dma2 semaphore(%run_scoped3A : memref<!tpu.dma_semaphore, #tpu.memory_space<semaphore_mem>>) src(%arg19 : memref<128x32xf32, #tpu.memory_space<vmem>>) dst(%dma_wait3A_66 : memref<128x32xf32, #tpu.memory_space<vmem_shared>>)
      tpu.yield
    }) : () -> ()
    %add3A_30 = arith.constant 512 : i32
    %add3A_31 = arith.addi %mul3A_0, %add3A_30 : i32
    "tpu.region"() ({
      %run_scoped3A = tpu.sem_alloc : memref<!tpu.dma_semaphore, #tpu.memory_space<semaphore_mem>>
      %dma_start3A = tpu.memref_slice %arg23[%add3A_31] : memref<10240xf32, #tpu.memory_space<vmem_shared>> -> memref<128xf32, #tpu.memory_space<vmem_shared>>
      %dma_start3A_61 = tpu.memref_slice %arg23[%add3A_31] : memref<10240xf32, #tpu.memory_space<vmem_shared>> -> memref<128xf32, #tpu.memory_space<vmem_shared>>
      tpu.enqueue_dma source(%arg11 : memref<128xf32, #tpu.memory_space<vmem>>) target(%dma_start3A_61 : memref<128xf32, #tpu.memory_space<vmem_shared>>) target_semaphore(%run_scoped3A : memref<!tpu.dma_semaphore, #tpu.memory_space<semaphore_mem>>)
      %dma_wait3A = tpu.memref_slice %arg23[%add3A_31] : memref<10240xf32, #tpu.memory_space<vmem_shared>> -> memref<128xf32, #tpu.memory_space<vmem_shared>>
      %dma_wait3A_62 = tpu.memref_slice %arg23[%add3A_31] : memref<10240xf32, #tpu.memory_space<vmem_shared>> -> memref<128xf32, #tpu.memory_space<vmem_shared>>
      tpu.wait_dma2 semaphore(%run_scoped3A : memref<!tpu.dma_semaphore, #tpu.memory_space<semaphore_mem>>) src(%arg11 : memref<128xf32, #tpu.memory_space<vmem>>) dst(%dma_wait3A_62 : memref<128xf32, #tpu.memory_space<vmem_shared>>)
      tpu.yield
    }) : () -> ()
    %barrier3A = arith.constant 0 : index
    tpu.barrier barrier_id(%barrier3A)
    %scan3A_32 = arith.constant 0 : i32
    %scan3A_33 = arith.constant 0 : i32
    %scan3A_34 = arith.constant 81 : i32
    %scan3A_35 = arith.addi %scan3A_33, %scan3A_34 : i32
    %scan3A_36 = arith.constant 1 : i32
    scf.for %scan3A_61 = %scan3A_33 to %scan3A_35 step %scan3A_36  : i32 {
      %mul3A_62 = arith.constant 2 : i32
      %mul3A_63 = arith.muli %scan3A_61, %mul3A_62 : i32
      %add3A_64 = arith.constant 0 : i32
      %add3A_65 = arith.addi %mul3A_63, %add3A_64 : i32
      %get3A = arith.index_cast %add3A_65 : i32 to index
      %get3A_66 = arith.constant 0 : index
      %get3A_67 = tpu.vector_load %arg10[%get3A, %get3A_66] {strides = array<i32>} : memref<162x128xi32, #tpu.memory_space<vmem>>, vector<16xi32>,
      %shift_right_logical3A = arith.constant 14 : i32
      %shift_right_logical3A_68 = vector.broadcast %shift_right_logical3A : i32 to vector<16xi32>
      %shift_right_logical3A_69 = arith.shrui %get3A_67, %shift_right_logical3A_68 : vector<16xi32>
      %and3A = arith.constant 16383 : i32
      %and3A_70 = vector.broadcast %and3A : i32 to vector<16xi32>
      %and3A_71 = arith.andi %get3A_67, %and3A_70 : vector<16xi32>
      %swap3A = arith.constant 0 : index
      %swap3A_72 = tpu.vector_load %arg13[%swap3A] {strides = array<i32>} : memref<128xi32, #tpu.memory_space<vmem>>, vector<16xi32>,
      tpu.vector_store %arg13[%swap3A], %shift_right_logical3A_69 {strides = array<i32>} : memref<128xi32, #tpu.memory_space<vmem>>, vector<16xi32>,
      %swap3A_73 = arith.constant 0 : index
      %swap3A_74 = tpu.vector_load %arg15[%swap3A_73] {strides = array<i32>} : memref<128xi32, #tpu.memory_space<vmem>>, vector<16xi32>,
      tpu.vector_store %arg15[%swap3A_73], %and3A_71 {strides = array<i32>} : memref<128xi32, #tpu.memory_space<vmem>>, vector<16xi32>,
      %gather3A = tpu.vector_load_idx %arg8[%shift_right_logical3A_69] : memref<10240xf32, #tpu.memory_space<vmem>>[vector<16xi32>], vector<16xf32>,
      %gather3A_75 = tpu.vector_load_idx %arg9[%and3A_71] : memref<10240xf32, #tpu.memory_space<vmem>>[vector<16xi32>], vector<16xf32>,
      %add3A_76 = arith.addf %gather3A, %gather3A_75 : vector<16xf32>
      %ge3A = arith.constant 0.000000e+00 : f32
      %ge3A_77 = vector.broadcast %ge3A : f32 to vector<16xf32>
      %ge3A_78 = arith.cmpf oge, %add3A_76, %ge3A_77 : vector<16xf32>
      %mul3A_79 = arith.constant 2.000000e-01 : f32
      %mul3A_80 = vector.broadcast %mul3A_79 : f32 to vector<16xf32>
      %mul3A_81 = arith.mulf %add3A_76, %mul3A_80 : vector<16xf32>
      %select_n3A = arith.select %ge3A_78, %add3A_76, %mul3A_81 : vector<16xi1>, vector<16xf32>
      %exp3A = math.exp %select_n3A : vector<16xf32>
      %swap3A_82 = arith.constant 0 : index
      %swap3A_83 = tpu.vector_load %arg11[%swap3A_82] {strides = array<i32>} : memref<128xf32, #tpu.memory_space<vmem>>, vector<16xf32>,
      tpu.vector_store %arg11[%swap3A_82], %exp3A {strides = array<i32>} : memref<128xf32, #tpu.memory_space<vmem>>, vector<16xf32>,
      %get3A_84 = arith.index_cast %add3A_65 : i32 to index
      %get3A_85 = arith.constant 16 : index
      %get3A_86 = tpu.vector_load %arg10[%get3A_84, %get3A_85] {strides = array<i32>} : memref<162x128xi32, #tpu.memory_space<vmem>>, vector<16xi32>,
      %shift_right_logical3A_87 = arith.constant 14 : i32
      %shift_right_logical3A_88 = vector.broadcast %shift_right_logical3A_87 : i32 to vector<16xi32>
      %shift_right_logical3A_89 = arith.shrui %get3A_86, %shift_right_logical3A_88 : vector<16xi32>
      %and3A_90 = arith.constant 16383 : i32
      %and3A_91 = vector.broadcast %and3A_90 : i32 to vector<16xi32>
      %and3A_92 = arith.andi %get3A_86, %and3A_91 : vector<16xi32>
      %swap3A_93 = arith.constant 16 : index
      %swap3A_94 = tpu.vector_load %arg13[%swap3A_93] {strides = array<i32>} : memref<128xi32, #tpu.memory_space<vmem>>, vector<16xi32>,
      tpu.vector_store %arg13[%swap3A_93], %shift_right_logical3A_89 {strides = array<i32>} : memref<128xi32, #tpu.memory_space<vmem>>, vector<16xi32>,
      %swap3A_95 = arith.constant 16 : index
      %swap3A_96 = tpu.vector_load %arg15[%swap3A_95] {strides = array<i32>} : memref<128xi32, #tpu.memory_space<vmem>>, vector<16xi32>,
      tpu.vector_store %arg15[%swap3A_95], %and3A_92 {strides = array<i32>} : memref<128xi32, #tpu.memory_space<vmem>>, vector<16xi32>,
      %gather3A_97 = tpu.vector_load_idx %arg8[%shift_right_logical3A_89] : memref<10240xf32, #tpu.memory_space<vmem>>[vector<16xi32>], vector<16xf32>,
      %gather3A_98 = tpu.vector_load_idx %arg9[%and3A_92] : memref<10240xf32, #tpu.memory_space<vmem>>[vector<16xi32>], vector<16xf32>,
      %add3A_99 = arith.addf %gather3A_97, %gather3A_98 : vector<16xf32>
      %ge3A_100 = arith.constant 0.000000e+00 : f32
      %ge3A_101 = vector.broadcast %ge3A_100 : f32 to vector<16xf32>
      %ge3A_102 = arith.cmpf oge, %add3A_99, %ge3A_101 : vector<16xf32>
      %mul3A_103 = arith.constant 2.000000e-01 : f32
      %mul3A_104 = vector.broadcast %mul3A_103 : f32 to vector<16xf32>
      %mul3A_105 = arith.mulf %add3A_99, %mul3A_104 : vector<16xf32>
      %select_n3A_106 = arith.select %ge3A_102, %add3A_99, %mul3A_105 : vector<16xi1>, vector<16xf32>
      %exp3A_107 = math.exp %select_n3A_106 : vector<16xf32>
      %swap3A_108 = arith.constant 16 : index
      %swap3A_109 = tpu.vector_load %arg11[%swap3A_108] {strides = array<i32>} : memref<128xf32, #tpu.memory_space<vmem>>, vector<16xf32>,
      tpu.vector_store %arg11[%swap3A_108], %exp3A_107 {strides = array<i32>} : memref<128xf32, #tpu.memory_space<vmem>>, vector<16xf32>,
      %get3A_110 = arith.index_cast %add3A_65 : i32 to index
      %get3A_111 = arith.constant 32 : index
      %get3A_112 = tpu.vector_load %arg10[%get3A_110, %get3A_111] {strides = array<i32>} : memref<162x128xi32, #tpu.memory_space<vmem>>, vector<16xi32>,
      %shift_right_logical3A_113 = arith.constant 14 : i32
      %shift_right_logical3A_114 = vector.broadcast %shift_right_logical3A_113 : i32 to vector<16xi32>
      %shift_right_logical3A_115 = arith.shrui %get3A_112, %shift_right_logical3A_114 : vector<16xi32>
      %and3A_116 = arith.constant 16383 : i32
      %and3A_117 = vector.broadcast %and3A_116 : i32 to vector<16xi32>
      %and3A_118 = arith.andi %get3A_112, %and3A_117 : vector<16xi32>
      %swap3A_119 = arith.constant 32 : index
      %swap3A_120 = tpu.vector_load %arg13[%swap3A_119] {strides = array<i32>} : memref<128xi32, #tpu.memory_space<vmem>>, vector<16xi32>,
      tpu.vector_store %arg13[%swap3A_119], %shift_right_logical3A_115 {strides = array<i32>} : memref<128xi32, #tpu.memory_space<vmem>>, vector<16xi32>,
      %swap3A_121 = arith.constant 32 : index
      %swap3A_122 = tpu.vector_load %arg15[%swap3A_121] {strides = array<i32>} : memref<128xi32, #tpu.memory_space<vmem>>, vector<16xi32>,
      tpu.vector_store %arg15[%swap3A_121], %and3A_118 {strides = array<i32>} : memref<128xi32, #tpu.memory_space<vmem>>, vector<16xi32>,
      %gather3A_123 = tpu.vector_load_idx %arg8[%shift_right_logical3A_115] : memref<10240xf32, #tpu.memory_space<vmem>>[vector<16xi32>], vector<16xf32>,
      %gather3A_124 = tpu.vector_load_idx %arg9[%and3A_118] : memref<10240xf32, #tpu.memory_space<vmem>>[vector<16xi32>], vector<16xf32>,
      %add3A_125 = arith.addf %gather3A_123, %gather3A_124 : vector<16xf32>
      %ge3A_126 = arith.constant 0.000000e+00 : f32
      %ge3A_127 = vector.broadcast %ge3A_126 : f32 to vector<16xf32>
      %ge3A_128 = arith.cmpf oge, %add3A_125, %ge3A_127 : vector<16xf32>
      %mul3A_129 = arith.constant 2.000000e-01 : f32
      %mul3A_130 = vector.broadcast %mul3A_129 : f32 to vector<16xf32>
      %mul3A_131 = arith.mulf %add3A_125, %mul3A_130 : vector<16xf32>
      %select_n3A_132 = arith.select %ge3A_128, %add3A_125, %mul3A_131 : vector<16xi1>, vector<16xf32>
      %exp3A_133 = math.exp %select_n3A_132 : vector<16xf32>
      %swap3A_134 = arith.constant 32 : index
      %swap3A_135 = tpu.vector_load %arg11[%swap3A_134] {strides = array<i32>} : memref<128xf32, #tpu.memory_space<vmem>>, vector<16xf32>,
      tpu.vector_store %arg11[%swap3A_134], %exp3A_133 {strides = array<i32>} : memref<128xf32, #tpu.memory_space<vmem>>, vector<16xf32>,
      %get3A_136 = arith.index_cast %add3A_65 : i32 to index
      %get3A_137 = arith.constant 48 : index
      %get3A_138 = tpu.vector_load %arg10[%get3A_136, %get3A_137] {strides = array<i32>} : memref<162x128xi32, #tpu.memory_space<vmem>>, vector<16xi32>,
      %shift_right_logical3A_139 = arith.constant 14 : i32
      %shift_right_logical3A_140 = vector.broadcast %shift_right_logical3A_139 : i32 to vector<16xi32>
      %shift_right_logical3A_141 = arith.shrui %get3A_138, %shift_right_logical3A_140 : vector<16xi32>
      %and3A_142 = arith.constant 16383 : i32
      %and3A_143 = vector.broadcast %and3A_142 : i32 to vector<16xi32>
      %and3A_144 = arith.andi %get3A_138, %and3A_143 : vector<16xi32>
      %swap3A_145 = arith.constant 48 : index
      %swap3A_146 = tpu.vector_load %arg13[%swap3A_145] {strides = array<i32>} : memref<128xi32, #tpu.memory_space<vmem>>, vector<16xi32>,
      tpu.vector_store %arg13[%swap3A_145], %shift_right_logical3A_141 {strides = array<i32>} : memref<128xi32, #tpu.memory_space<vmem>>, vector<16xi32>,
      %swap3A_147 = arith.constant 48 : index
      %swap3A_148 = tpu.vector_load %arg15[%swap3A_147] {strides = array<i32>} : memref<128xi32, #tpu.memory_space<vmem>>, vector<16xi32>,
      tpu.vector_store %arg15[%swap3A_147], %and3A_144 {strides = array<i32>} : memref<128xi32, #tpu.memory_space<vmem>>, vector<16xi32>,
      %gather3A_149 = tpu.vector_load_idx %arg8[%shift_right_logical3A_141] : memref<10240xf32, #tpu.memory_space<vmem>>[vector<16xi32>], vector<16xf32>,
      %gather3A_150 = tpu.vector_load_idx %arg9[%and3A_144] : memref<10240xf32, #tpu.memory_space<vmem>>[vector<16xi32>], vector<16xf32>,
      %add3A_151 = arith.addf %gather3A_149, %gather3A_150 : vector<16xf32>
      %ge3A_152 = arith.constant 0.000000e+00 : f32
      %ge3A_153 = vector.broadcast %ge3A_152 : f32 to vector<16xf32>
      %ge3A_154 = arith.cmpf oge, %add3A_151, %ge3A_153 : vector<16xf32>
      %mul3A_155 = arith.constant 2.000000e-01 : f32
      %mul3A_156 = vector.broadcast %mul3A_155 : f32 to vector<16xf32>
      %mul3A_157 = arith.mulf %add3A_151, %mul3A_156 : vector<16xf32>
      %select_n3A_158 = arith.select %ge3A_154, %add3A_151, %mul3A_157 : vector<16xi1>, vector<16xf32>
      %exp3A_159 = math.exp %select_n3A_158 : vector<16xf32>
      %swap3A_160 = arith.constant 48 : index
      %swap3A_161 = tpu.vector_load %arg11[%swap3A_160] {strides = array<i32>} : memref<128xf32, #tpu.memory_space<vmem>>, vector<16xf32>,
      tpu.vector_store %arg11[%swap3A_160], %exp3A_159 {strides = array<i32>} : memref<128xf32, #tpu.memory_space<vmem>>, vector<16xf32>,
      %get3A_162 = arith.index_cast %add3A_65 : i32 to index
      %get3A_163 = arith.constant 64 : index
      %get3A_164 = tpu.vector_load %arg10[%get3A_162, %get3A_163] {strides = array<i32>} : memref<162x128xi32, #tpu.memory_space<vmem>>, vector<16xi32>,
      %shift_right_logical3A_165 = arith.constant 14 : i32
      %shift_right_logical3A_166 = vector.broadcast %shift_right_logical3A_165 : i32 to vector<16xi32>
      %shift_right_logical3A_167 = arith.shrui %get3A_164, %shift_right_logical3A_166 : vector<16xi32>
      %and3A_168 = arith.constant 16383 : i32
      %and3A_169 = vector.broadcast %and3A_168 : i32 to vector<16xi32>
      %and3A_170 = arith.andi %get3A_164, %and3A_169 : vector<16xi32>
      %swap3A_171 = arith.constant 64 : index
      %swap3A_172 = tpu.vector_load %arg13[%swap3A_171] {strides = array<i32>} : memref<128xi32, #tpu.memory_space<vmem>>, vector<16xi32>,
      tpu.vector_store %arg13[%swap3A_171], %shift_right_logical3A_167 {strides = array<i32>} : memref<128xi32, #tpu.memory_space<vmem>>, vector<16xi32>,
      %swap3A_173 = arith.constant 64 : index
      %swap3A_174 = tpu.vector_load %arg15[%swap3A_173] {strides = array<i32>} : memref<128xi32, #tpu.memory_space<vmem>>, vector<16xi32>,
      tpu.vector_store %arg15[%swap3A_173], %and3A_170 {strides = array<i32>} : memref<128xi32, #tpu.memory_space<vmem>>, vector<16xi32>,
      %gather3A_175 = tpu.vector_load_idx %arg8[%shift_right_logical3A_167] : memref<10240xf32, #tpu.memory_space<vmem>>[vector<16xi32>], vector<16xf32>,
      %gather3A_176 = tpu.vector_load_idx %arg9[%and3A_170] : memref<10240xf32, #tpu.memory_space<vmem>>[vector<16xi32>], vector<16xf32>,
      %add3A_177 = arith.addf %gather3A_175, %gather3A_176 : vector<16xf32>
      %ge3A_178 = arith.constant 0.000000e+00 : f32
      %ge3A_179 = vector.broadcast %ge3A_178 : f32 to vector<16xf32>
      %ge3A_180 = arith.cmpf oge, %add3A_177, %ge3A_179 : vector<16xf32>
      %mul3A_181 = arith.constant 2.000000e-01 : f32
      %mul3A_182 = vector.broadcast %mul3A_181 : f32 to vector<16xf32>
      %mul3A_183 = arith.mulf %add3A_177, %mul3A_182 : vector<16xf32>
      %select_n3A_184 = arith.select %ge3A_180, %add3A_177, %mul3A_183 : vector<16xi1>, vector<16xf32>
      %exp3A_185 = math.exp %select_n3A_184 : vector<16xf32>
      %swap3A_186 = arith.constant 64 : index
      %swap3A_187 = tpu.vector_load %arg11[%swap3A_186] {strides = array<i32>} : memref<128xf32, #tpu.memory_space<vmem>>, vector<16xf32>,
      tpu.vector_store %arg11[%swap3A_186], %exp3A_185 {strides = array<i32>} : memref<128xf32, #tpu.memory_space<vmem>>, vector<16xf32>,
      %get3A_188 = arith.index_cast %add3A_65 : i32 to index
      %get3A_189 = arith.constant 80 : index
      %get3A_190 = tpu.vector_load %arg10[%get3A_188, %get3A_189] {strides = array<i32>} : memref<162x128xi32, #tpu.memory_space<vmem>>, vector<16xi32>,
      %shift_right_logical3A_191 = arith.constant 14 : i32
      %shift_right_logical3A_192 = vector.broadcast %shift_right_logical3A_191 : i32 to vector<16xi32>
      %shift_right_logical3A_193 = arith.shrui %get3A_190, %shift_right_logical3A_192 : vector<16xi32>
      %and3A_194 = arith.constant 16383 : i32
      %and3A_195 = vector.broadcast %and3A_194 : i32 to vector<16xi32>
      %and3A_196 = arith.andi %get3A_190, %and3A_195 : vector<16xi32>
      %swap3A_197 = arith.constant 80 : index
      %swap3A_198 = tpu.vector_load %arg13[%swap3A_197] {strides = array<i32>} : memref<128xi32, #tpu.memory_space<vmem>>, vector<16xi32>,
      tpu.vector_store %arg13[%swap3A_197], %shift_right_logical3A_193 {strides = array<i32>} : memref<128xi32, #tpu.memory_space<vmem>>, vector<16xi32>,
      %swap3A_199 = arith.constant 80 : index
      %swap3A_200 = tpu.vector_load %arg15[%swap3A_199] {strides = array<i32>} : memref<128xi32, #tpu.memory_space<vmem>>, vector<16xi32>,
      tpu.vector_store %arg15[%swap3A_199], %and3A_196 {strides = array<i32>} : memref<128xi32, #tpu.memory_space<vmem>>, vector<16xi32>,
      %gather3A_201 = tpu.vector_load_idx %arg8[%shift_right_logical3A_193] : memref<10240xf32, #tpu.memory_space<vmem>>[vector<16xi32>], vector<16xf32>,
      %gather3A_202 = tpu.vector_load_idx %arg9[%and3A_196] : memref<10240xf32, #tpu.memory_space<vmem>>[vector<16xi32>], vector<16xf32>,
      %add3A_203 = arith.addf %gather3A_201, %gather3A_202 : vector<16xf32>
      %ge3A_204 = arith.constant 0.000000e+00 : f32
      %ge3A_205 = vector.broadcast %ge3A_204 : f32 to vector<16xf32>
      %ge3A_206 = arith.cmpf oge, %add3A_203, %ge3A_205 : vector<16xf32>
      %mul3A_207 = arith.constant 2.000000e-01 : f32
      %mul3A_208 = vector.broadcast %mul3A_207 : f32 to vector<16xf32>
      %mul3A_209 = arith.mulf %add3A_203, %mul3A_208 : vector<16xf32>
      %select_n3A_210 = arith.select %ge3A_206, %add3A_203, %mul3A_209 : vector<16xi1>, vector<16xf32>
      %exp3A_211 = math.exp %select_n3A_210 : vector<16xf32>
      %swap3A_212 = arith.constant 80 : index
      %swap3A_213 = tpu.vector_load %arg11[%swap3A_212] {strides = array<i32>} : memref<128xf32, #tpu.memory_space<vmem>>, vector<16xf32>,
      tpu.vector_store %arg11[%swap3A_212], %exp3A_211 {strides = array<i32>} : memref<128xf32, #tpu.memory_space<vmem>>, vector<16xf32>,
      %get3A_214 = arith.index_cast %add3A_65 : i32 to index
      %get3A_215 = arith.constant 96 : index
      %get3A_216 = tpu.vector_load %arg10[%get3A_214, %get3A_215] {strides = array<i32>} : memref<162x128xi32, #tpu.memory_space<vmem>>, vector<16xi32>,
      %shift_right_logical3A_217 = arith.constant 14 : i32
      %shift_right_logical3A_218 = vector.broadcast %shift_right_logical3A_217 : i32 to vector<16xi32>
      %shift_right_logical3A_219 = arith.shrui %get3A_216, %shift_right_logical3A_218 : vector<16xi32>
      %and3A_220 = arith.constant 16383 : i32
      %and3A_221 = vector.broadcast %and3A_220 : i32 to vector<16xi32>
      %and3A_222 = arith.andi %get3A_216, %and3A_221 : vector<16xi32>
      %swap3A_223 = arith.constant 96 : index
      %swap3A_224 = tpu.vector_load %arg13[%swap3A_223] {strides = array<i32>} : memref<128xi32, #tpu.memory_space<vmem>>, vector<16xi32>,
      tpu.vector_store %arg13[%swap3A_223], %shift_right_logical3A_219 {strides = array<i32>} : memref<128xi32, #tpu.memory_space<vmem>>, vector<16xi32>,
      %swap3A_225 = arith.constant 96 : index
      %swap3A_226 = tpu.vector_load %arg15[%swap3A_225] {strides = array<i32>} : memref<128xi32, #tpu.memory_space<vmem>>, vector<16xi32>,
      tpu.vector_store %arg15[%swap3A_225], %and3A_222 {strides = array<i32>} : memref<128xi32, #tpu.memory_space<vmem>>, vector<16xi32>,
      %gather3A_227 = tpu.vector_load_idx %arg8[%shift_right_logical3A_219] : memref<10240xf32, #tpu.memory_space<vmem>>[vector<16xi32>], vector<16xf32>,
      %gather3A_228 = tpu.vector_load_idx %arg9[%and3A_222] : memref<10240xf32, #tpu.memory_space<vmem>>[vector<16xi32>], vector<16xf32>,
      %add3A_229 = arith.addf %gather3A_227, %gather3A_228 : vector<16xf32>
      %ge3A_230 = arith.constant 0.000000e+00 : f32
      %ge3A_231 = vector.broadcast %ge3A_230 : f32 to vector<16xf32>
      %ge3A_232 = arith.cmpf oge, %add3A_229, %ge3A_231 : vector<16xf32>
      %mul3A_233 = arith.constant 2.000000e-01 : f32
      %mul3A_234 = vector.broadcast %mul3A_233 : f32 to vector<16xf32>
      %mul3A_235 = arith.mulf %add3A_229, %mul3A_234 : vector<16xf32>
      %select_n3A_236 = arith.select %ge3A_232, %add3A_229, %mul3A_235 : vector<16xi1>, vector<16xf32>
      %exp3A_237 = math.exp %select_n3A_236 : vector<16xf32>
      %swap3A_238 = arith.constant 96 : index
      %swap3A_239 = tpu.vector_load %arg11[%swap3A_238] {strides = array<i32>} : memref<128xf32, #tpu.memory_space<vmem>>, vector<16xf32>,
      tpu.vector_store %arg11[%swap3A_238], %exp3A_237 {strides = array<i32>} : memref<128xf32, #tpu.memory_space<vmem>>, vector<16xf32>,
      %get3A_240 = arith.index_cast %add3A_65 : i32 to index
      %get3A_241 = arith.constant 112 : index
      %get3A_242 = tpu.vector_load %arg10[%get3A_240, %get3A_241] {strides = array<i32>} : memref<162x128xi32, #tpu.memory_space<vmem>>, vector<16xi32>,
      %shift_right_logical3A_243 = arith.constant 14 : i32
      %shift_right_logical3A_244 = vector.broadcast %shift_right_logical3A_243 : i32 to vector<16xi32>
      %shift_right_logical3A_245 = arith.shrui %get3A_242, %shift_right_logical3A_244 : vector<16xi32>
      %and3A_246 = arith.constant 16383 : i32
      %and3A_247 = vector.broadcast %and3A_246 : i32 to vector<16xi32>
      %and3A_248 = arith.andi %get3A_242, %and3A_247 : vector<16xi32>
      %swap3A_249 = arith.constant 112 : index
      %swap3A_250 = tpu.vector_load %arg13[%swap3A_249] {strides = array<i32>} : memref<128xi32, #tpu.memory_space<vmem>>, vector<16xi32>,
      tpu.vector_store %arg13[%swap3A_249], %shift_right_logical3A_245 {strides = array<i32>} : memref<128xi32, #tpu.memory_space<vmem>>, vector<16xi32>,
      %swap3A_251 = arith.constant 112 : index
      %swap3A_252 = tpu.vector_load %arg15[%swap3A_251] {strides = array<i32>} : memref<128xi32, #tpu.memory_space<vmem>>, vector<16xi32>,
      tpu.vector_store %arg15[%swap3A_251], %and3A_248 {strides = array<i32>} : memref<128xi32, #tpu.memory_space<vmem>>, vector<16xi32>,
      %gather3A_253 = tpu.vector_load_idx %arg8[%shift_right_logical3A_245] : memref<10240xf32, #tpu.memory_space<vmem>>[vector<16xi32>], vector<16xf32>,
      %gather3A_254 = tpu.vector_load_idx %arg9[%and3A_248] : memref<10240xf32, #tpu.memory_space<vmem>>[vector<16xi32>], vector<16xf32>,
      %add3A_255 = arith.addf %gather3A_253, %gather3A_254 : vector<16xf32>
      %ge3A_256 = arith.constant 0.000000e+00 : f32
      %ge3A_257 = vector.broadcast %ge3A_256 : f32 to vector<16xf32>
      %ge3A_258 = arith.cmpf oge, %add3A_255, %ge3A_257 : vector<16xf32>
      %mul3A_259 = arith.constant 2.000000e-01 : f32
      %mul3A_260 = vector.broadcast %mul3A_259 : f32 to vector<16xf32>
      %mul3A_261 = arith.mulf %add3A_255, %mul3A_260 : vector<16xf32>
      %select_n3A_262 = arith.select %ge3A_258, %add3A_255, %mul3A_261 : vector<16xi1>, vector<16xf32>
      %exp3A_263 = math.exp %select_n3A_262 : vector<16xf32>
      %swap3A_264 = arith.constant 112 : index
      %swap3A_265 = tpu.vector_load %arg11[%swap3A_264] {strides = array<i32>} : memref<128xf32, #tpu.memory_space<vmem>>, vector<16xf32>,
      tpu.vector_store %arg11[%swap3A_264], %exp3A_263 {strides = array<i32>} : memref<128xf32, #tpu.memory_space<vmem>>, vector<16xf32>,
      %dma_start3A = arith.constant 0 : i32
      %dma_start3A_266 = arith.constant 0 : i32
      %dma_start3A_267 = tpu.memref_slice %arg21[%dma_start3A, %dma_start3A_266] : memref<10240x32xf32, #tpu.memory_space<vmem_shared>> -> memref<10240x32xf32, #tpu.memory_space<vmem_shared>>
      tpu.enqueue_indirect_dma source(%dma_start3A_267 : memref<10240x32xf32, #tpu.memory_space<vmem_shared>>) target(%arg17 : memref<128x32xf32, #tpu.memory_space<vmem>>) offsets(%arg13 : memref<128xi32, #tpu.memory_space<vmem>>) semaphore(%arg24 : memref<!tpu.dma_semaphore, #tpu.memory_space<semaphore_mem>>)
      %add3A_268 = arith.constant 1 : i32
      %add3A_269 = arith.addi %mul3A_63, %add3A_268 : i32
      %get3A_270 = arith.index_cast %add3A_269 : i32 to index
      %get3A_271 = arith.constant 0 : index
      %get3A_272 = tpu.vector_load %arg10[%get3A_270, %get3A_271] {strides = array<i32>} : memref<162x128xi32, #tpu.memory_space<vmem>>, vector<16xi32>,
      %shift_right_logical3A_273 = arith.constant 14 : i32
      %shift_right_logical3A_274 = vector.broadcast %shift_right_logical3A_273 : i32 to vector<16xi32>
      %shift_right_logical3A_275 = arith.shrui %get3A_272, %shift_right_logical3A_274 : vector<16xi32>
      %and3A_276 = arith.constant 16383 : i32
      %and3A_277 = vector.broadcast %and3A_276 : i32 to vector<16xi32>
      %and3A_278 = arith.andi %get3A_272, %and3A_277 : vector<16xi32>
      %swap3A_279 = arith.constant 0 : index
      %swap3A_280 = tpu.vector_load %arg14[%swap3A_279] {strides = array<i32>} : memref<128xi32, #tpu.memory_space<vmem>>, vector<16xi32>,
      tpu.vector_store %arg14[%swap3A_279], %shift_right_logical3A_275 {strides = array<i32>} : memref<128xi32, #tpu.memory_space<vmem>>, vector<16xi32>,
      %swap3A_281 = arith.constant 0 : index
      %swap3A_282 = tpu.vector_load %arg16[%swap3A_281] {strides = array<i32>} : memref<128xi32, #tpu.memory_space<vmem>>, vector<16xi32>,
      tpu.vector_store %arg16[%swap3A_281], %and3A_278 {strides = array<i32>} : memref<128xi32, #tpu.memory_space<vmem>>, vector<16xi32>,
      %gather3A_283 = tpu.vector_load_idx %arg8[%shift_right_logical3A_275] : memref<10240xf32, #tpu.memory_space<vmem>>[vector<16xi32>], vector<16xf32>,
      %gather3A_284 = tpu.vector_load_idx %arg9[%and3A_278] : memref<10240xf32, #tpu.memory_space<vmem>>[vector<16xi32>], vector<16xf32>,
      %add3A_285 = arith.addf %gather3A_283, %gather3A_284 : vector<16xf32>
      %ge3A_286 = arith.constant 0.000000e+00 : f32
      %ge3A_287 = vector.broadcast %ge3A_286 : f32 to vector<16xf32>
      %ge3A_288 = arith.cmpf oge, %add3A_285, %ge3A_287 : vector<16xf32>
      %mul3A_289 = arith.constant 2.000000e-01 : f32
      %mul3A_290 = vector.broadcast %mul3A_289 : f32 to vector<16xf32>
      %mul3A_291 = arith.mulf %add3A_285, %mul3A_290 : vector<16xf32>
      %select_n3A_292 = arith.select %ge3A_288, %add3A_285, %mul3A_291 : vector<16xi1>, vector<16xf32>
      %exp3A_293 = math.exp %select_n3A_292 : vector<16xf32>
      %swap3A_294 = arith.constant 0 : index
      %swap3A_295 = tpu.vector_load %arg12[%swap3A_294] {strides = array<i32>} : memref<128xf32, #tpu.memory_space<vmem>>, vector<16xf32>,
      tpu.vector_store %arg12[%swap3A_294], %exp3A_293 {strides = array<i32>} : memref<128xf32, #tpu.memory_space<vmem>>, vector<16xf32>,
      %get3A_296 = arith.index_cast %add3A_269 : i32 to index
      %get3A_297 = arith.constant 16 : index
      %get3A_298 = tpu.vector_load %arg10[%get3A_296, %get3A_297] {strides = array<i32>} : memref<162x128xi32, #tpu.memory_space<vmem>>, vector<16xi32>,
      %shift_right_logical3A_299 = arith.constant 14 : i32
      %shift_right_logical3A_300 = vector.broadcast %shift_right_logical3A_299 : i32 to vector<16xi32>
      %shift_right_logical3A_301 = arith.shrui %get3A_298, %shift_right_logical3A_300 : vector<16xi32>
      %and3A_302 = arith.constant 16383 : i32
      %and3A_303 = vector.broadcast %and3A_302 : i32 to vector<16xi32>
      %and3A_304 = arith.andi %get3A_298, %and3A_303 : vector<16xi32>
      %swap3A_305 = arith.constant 16 : index
      %swap3A_306 = tpu.vector_load %arg14[%swap3A_305] {strides = array<i32>} : memref<128xi32, #tpu.memory_space<vmem>>, vector<16xi32>,
      tpu.vector_store %arg14[%swap3A_305], %shift_right_logical3A_301 {strides = array<i32>} : memref<128xi32, #tpu.memory_space<vmem>>, vector<16xi32>,
      %swap3A_307 = arith.constant 16 : index
      %swap3A_308 = tpu.vector_load %arg16[%swap3A_307] {strides = array<i32>} : memref<128xi32, #tpu.memory_space<vmem>>, vector<16xi32>,
      tpu.vector_store %arg16[%swap3A_307], %and3A_304 {strides = array<i32>} : memref<128xi32, #tpu.memory_space<vmem>>, vector<16xi32>,
      %gather3A_309 = tpu.vector_load_idx %arg8[%shift_right_logical3A_301] : memref<10240xf32, #tpu.memory_space<vmem>>[vector<16xi32>], vector<16xf32>,
      %gather3A_310 = tpu.vector_load_idx %arg9[%and3A_304] : memref<10240xf32, #tpu.memory_space<vmem>>[vector<16xi32>], vector<16xf32>,
      %add3A_311 = arith.addf %gather3A_309, %gather3A_310 : vector<16xf32>
      %ge3A_312 = arith.constant 0.000000e+00 : f32
      %ge3A_313 = vector.broadcast %ge3A_312 : f32 to vector<16xf32>
      %ge3A_314 = arith.cmpf oge, %add3A_311, %ge3A_313 : vector<16xf32>
      %mul3A_315 = arith.constant 2.000000e-01 : f32
      %mul3A_316 = vector.broadcast %mul3A_315 : f32 to vector<16xf32>
      %mul3A_317 = arith.mulf %add3A_311, %mul3A_316 : vector<16xf32>
      %select_n3A_318 = arith.select %ge3A_314, %add3A_311, %mul3A_317 : vector<16xi1>, vector<16xf32>
      %exp3A_319 = math.exp %select_n3A_318 : vector<16xf32>
      %swap3A_320 = arith.constant 16 : index
      %swap3A_321 = tpu.vector_load %arg12[%swap3A_320] {strides = array<i32>} : memref<128xf32, #tpu.memory_space<vmem>>, vector<16xf32>,
      tpu.vector_store %arg12[%swap3A_320], %exp3A_319 {strides = array<i32>} : memref<128xf32, #tpu.memory_space<vmem>>, vector<16xf32>,
      %get3A_322 = arith.index_cast %add3A_269 : i32 to index
      %get3A_323 = arith.constant 32 : index
      %get3A_324 = tpu.vector_load %arg10[%get3A_322, %get3A_323] {strides = array<i32>} : memref<162x128xi32, #tpu.memory_space<vmem>>, vector<16xi32>,
      %shift_right_logical3A_325 = arith.constant 14 : i32
      %shift_right_logical3A_326 = vector.broadcast %shift_right_logical3A_325 : i32 to vector<16xi32>
      %shift_right_logical3A_327 = arith.shrui %get3A_324, %shift_right_logical3A_326 : vector<16xi32>
      %and3A_328 = arith.constant 16383 : i32
      %and3A_329 = vector.broadcast %and3A_328 : i32 to vector<16xi32>
      %and3A_330 = arith.andi %get3A_324, %and3A_329 : vector<16xi32>
      %swap3A_331 = arith.constant 32 : index
      %swap3A_332 = tpu.vector_load %arg14[%swap3A_331] {strides = array<i32>} : memref<128xi32, #tpu.memory_space<vmem>>, vector<16xi32>,
      tpu.vector_store %arg14[%swap3A_331], %shift_right_logical3A_327 {strides = array<i32>} : memref<128xi32, #tpu.memory_space<vmem>>, vector<16xi32>,
      %swap3A_333 = arith.constant 32 : index
      %swap3A_334 = tpu.vector_load %arg16[%swap3A_333] {strides = array<i32>} : memref<128xi32, #tpu.memory_space<vmem>>, vector<16xi32>,
      tpu.vector_store %arg16[%swap3A_333], %and3A_330 {strides = array<i32>} : memref<128xi32, #tpu.memory_space<vmem>>, vector<16xi32>,
      %gather3A_335 = tpu.vector_load_idx %arg8[%shift_right_logical3A_327] : memref<10240xf32, #tpu.memory_space<vmem>>[vector<16xi32>], vector<16xf32>,
      %gather3A_336 = tpu.vector_load_idx %arg9[%and3A_330] : memref<10240xf32, #tpu.memory_space<vmem>>[vector<16xi32>], vector<16xf32>,
      %add3A_337 = arith.addf %gather3A_335, %gather3A_336 : vector<16xf32>
      %ge3A_338 = arith.constant 0.000000e+00 : f32
      %ge3A_339 = vector.broadcast %ge3A_338 : f32 to vector<16xf32>
      %ge3A_340 = arith.cmpf oge, %add3A_337, %ge3A_339 : vector<16xf32>
      %mul3A_341 = arith.constant 2.000000e-01 : f32
      %mul3A_342 = vector.broadcast %mul3A_341 : f32 to vector<16xf32>
      %mul3A_343 = arith.mulf %add3A_337, %mul3A_342 : vector<16xf32>
      %select_n3A_344 = arith.select %ge3A_340, %add3A_337, %mul3A_343 : vector<16xi1>, vector<16xf32>
      %exp3A_345 = math.exp %select_n3A_344 : vector<16xf32>
      %swap3A_346 = arith.constant 32 : index
      %swap3A_347 = tpu.vector_load %arg12[%swap3A_346] {strides = array<i32>} : memref<128xf32, #tpu.memory_space<vmem>>, vector<16xf32>,
      tpu.vector_store %arg12[%swap3A_346], %exp3A_345 {strides = array<i32>} : memref<128xf32, #tpu.memory_space<vmem>>, vector<16xf32>,
      %get3A_348 = arith.index_cast %add3A_269 : i32 to index
      %get3A_349 = arith.constant 48 : index
      %get3A_350 = tpu.vector_load %arg10[%get3A_348, %get3A_349] {strides = array<i32>} : memref<162x128xi32, #tpu.memory_space<vmem>>, vector<16xi32>,
      %shift_right_logical3A_351 = arith.constant 14 : i32
      %shift_right_logical3A_352 = vector.broadcast %shift_right_logical3A_351 : i32 to vector<16xi32>
      %shift_right_logical3A_353 = arith.shrui %get3A_350, %shift_right_logical3A_352 : vector<16xi32>
      %and3A_354 = arith.constant 16383 : i32
      %and3A_355 = vector.broadcast %and3A_354 : i32 to vector<16xi32>
      %and3A_356 = arith.andi %get3A_350, %and3A_355 : vector<16xi32>
      %swap3A_357 = arith.constant 48 : index
      %swap3A_358 = tpu.vector_load %arg14[%swap3A_357] {strides = array<i32>} : memref<128xi32, #tpu.memory_space<vmem>>, vector<16xi32>,
      tpu.vector_store %arg14[%swap3A_357], %shift_right_logical3A_353 {strides = array<i32>} : memref<128xi32, #tpu.memory_space<vmem>>, vector<16xi32>,
      %swap3A_359 = arith.constant 48 : index
      %swap3A_360 = tpu.vector_load %arg16[%swap3A_359] {strides = array<i32>} : memref<128xi32, #tpu.memory_space<vmem>>, vector<16xi32>,
      tpu.vector_store %arg16[%swap3A_359], %and3A_356 {strides = array<i32>} : memref<128xi32, #tpu.memory_space<vmem>>, vector<16xi32>,
      %gather3A_361 = tpu.vector_load_idx %arg8[%shift_right_logical3A_353] : memref<10240xf32, #tpu.memory_space<vmem>>[vector<16xi32>], vector<16xf32>,
      %gather3A_362 = tpu.vector_load_idx %arg9[%and3A_356] : memref<10240xf32, #tpu.memory_space<vmem>>[vector<16xi32>], vector<16xf32>,
      %add3A_363 = arith.addf %gather3A_361, %gather3A_362 : vector<16xf32>
      %ge3A_364 = arith.constant 0.000000e+00 : f32
      %ge3A_365 = vector.broadcast %ge3A_364 : f32 to vector<16xf32>
      %ge3A_366 = arith.cmpf oge, %add3A_363, %ge3A_365 : vector<16xf32>
      %mul3A_367 = arith.constant 2.000000e-01 : f32
      %mul3A_368 = vector.broadcast %mul3A_367 : f32 to vector<16xf32>
      %mul3A_369 = arith.mulf %add3A_363, %mul3A_368 : vector<16xf32>
      %select_n3A_370 = arith.select %ge3A_366, %add3A_363, %mul3A_369 : vector<16xi1>, vector<16xf32>
      %exp3A_371 = math.exp %select_n3A_370 : vector<16xf32>
      %swap3A_372 = arith.constant 48 : index
      %swap3A_373 = tpu.vector_load %arg12[%swap3A_372] {strides = array<i32>} : memref<128xf32, #tpu.memory_space<vmem>>, vector<16xf32>,
      tpu.vector_store %arg12[%swap3A_372], %exp3A_371 {strides = array<i32>} : memref<128xf32, #tpu.memory_space<vmem>>, vector<16xf32>,
      %get3A_374 = arith.index_cast %add3A_269 : i32 to index
      %get3A_375 = arith.constant 64 : index
      %get3A_376 = tpu.vector_load %arg10[%get3A_374, %get3A_375] {strides = array<i32>} : memref<162x128xi32, #tpu.memory_space<vmem>>, vector<16xi32>,
      %shift_right_logical3A_377 = arith.constant 14 : i32
      %shift_right_logical3A_378 = vector.broadcast %shift_right_logical3A_377 : i32 to vector<16xi32>
      %shift_right_logical3A_379 = arith.shrui %get3A_376, %shift_right_logical3A_378 : vector<16xi32>
      %and3A_380 = arith.constant 16383 : i32
      %and3A_381 = vector.broadcast %and3A_380 : i32 to vector<16xi32>
      %and3A_382 = arith.andi %get3A_376, %and3A_381 : vector<16xi32>
      %swap3A_383 = arith.constant 64 : index
      %swap3A_384 = tpu.vector_load %arg14[%swap3A_383] {strides = array<i32>} : memref<128xi32, #tpu.memory_space<vmem>>, vector<16xi32>,
      tpu.vector_store %arg14[%swap3A_383], %shift_right_logical3A_379 {strides = array<i32>} : memref<128xi32, #tpu.memory_space<vmem>>, vector<16xi32>,
      %swap3A_385 = arith.constant 64 : index
      %swap3A_386 = tpu.vector_load %arg16[%swap3A_385] {strides = array<i32>} : memref<128xi32, #tpu.memory_space<vmem>>, vector<16xi32>,
      tpu.vector_store %arg16[%swap3A_385], %and3A_382 {strides = array<i32>} : memref<128xi32, #tpu.memory_space<vmem>>, vector<16xi32>,
      %gather3A_387 = tpu.vector_load_idx %arg8[%shift_right_logical3A_379] : memref<10240xf32, #tpu.memory_space<vmem>>[vector<16xi32>], vector<16xf32>,
      %gather3A_388 = tpu.vector_load_idx %arg9[%and3A_382] : memref<10240xf32, #tpu.memory_space<vmem>>[vector<16xi32>], vector<16xf32>,
      %add3A_389 = arith.addf %gather3A_387, %gather3A_388 : vector<16xf32>
      %ge3A_390 = arith.constant 0.000000e+00 : f32
      %ge3A_391 = vector.broadcast %ge3A_390 : f32 to vector<16xf32>
      %ge3A_392 = arith.cmpf oge, %add3A_389, %ge3A_391 : vector<16xf32>
      %mul3A_393 = arith.constant 2.000000e-01 : f32
      %mul3A_394 = vector.broadcast %mul3A_393 : f32 to vector<16xf32>
      %mul3A_395 = arith.mulf %add3A_389, %mul3A_394 : vector<16xf32>
      %select_n3A_396 = arith.select %ge3A_392, %add3A_389, %mul3A_395 : vector<16xi1>, vector<16xf32>
      %exp3A_397 = math.exp %select_n3A_396 : vector<16xf32>
      %swap3A_398 = arith.constant 64 : index
      %swap3A_399 = tpu.vector_load %arg12[%swap3A_398] {strides = array<i32>} : memref<128xf32, #tpu.memory_space<vmem>>, vector<16xf32>,
      tpu.vector_store %arg12[%swap3A_398], %exp3A_397 {strides = array<i32>} : memref<128xf32, #tpu.memory_space<vmem>>, vector<16xf32>,
      %get3A_400 = arith.index_cast %add3A_269 : i32 to index
      %get3A_401 = arith.constant 80 : index
      %get3A_402 = tpu.vector_load %arg10[%get3A_400, %get3A_401] {strides = array<i32>} : memref<162x128xi32, #tpu.memory_space<vmem>>, vector<16xi32>,
      %shift_right_logical3A_403 = arith.constant 14 : i32
      %shift_right_logical3A_404 = vector.broadcast %shift_right_logical3A_403 : i32 to vector<16xi32>
      %shift_right_logical3A_405 = arith.shrui %get3A_402, %shift_right_logical3A_404 : vector<16xi32>
      %and3A_406 = arith.constant 16383 : i32
      %and3A_407 = vector.broadcast %and3A_406 : i32 to vector<16xi32>
      %and3A_408 = arith.andi %get3A_402, %and3A_407 : vector<16xi32>
      %swap3A_409 = arith.constant 80 : index
      %swap3A_410 = tpu.vector_load %arg14[%swap3A_409] {strides = array<i32>} : memref<128xi32, #tpu.memory_space<vmem>>, vector<16xi32>,
      tpu.vector_store %arg14[%swap3A_409], %shift_right_logical3A_405 {strides = array<i32>} : memref<128xi32, #tpu.memory_space<vmem>>, vector<16xi32>,
      %swap3A_411 = arith.constant 80 : index
      %swap3A_412 = tpu.vector_load %arg16[%swap3A_411] {strides = array<i32>} : memref<128xi32, #tpu.memory_space<vmem>>, vector<16xi32>,
      tpu.vector_store %arg16[%swap3A_411], %and3A_408 {strides = array<i32>} : memref<128xi32, #tpu.memory_space<vmem>>, vector<16xi32>,
      %gather3A_413 = tpu.vector_load_idx %arg8[%shift_right_logical3A_405] : memref<10240xf32, #tpu.memory_space<vmem>>[vector<16xi32>], vector<16xf32>,
      %gather3A_414 = tpu.vector_load_idx %arg9[%and3A_408] : memref<10240xf32, #tpu.memory_space<vmem>>[vector<16xi32>], vector<16xf32>,
      %add3A_415 = arith.addf %gather3A_413, %gather3A_414 : vector<16xf32>
      %ge3A_416 = arith.constant 0.000000e+00 : f32
      %ge3A_417 = vector.broadcast %ge3A_416 : f32 to vector<16xf32>
      %ge3A_418 = arith.cmpf oge, %add3A_415, %ge3A_417 : vector<16xf32>
      %mul3A_419 = arith.constant 2.000000e-01 : f32
      %mul3A_420 = vector.broadcast %mul3A_419 : f32 to vector<16xf32>
      %mul3A_421 = arith.mulf %add3A_415, %mul3A_420 : vector<16xf32>
      %select_n3A_422 = arith.select %ge3A_418, %add3A_415, %mul3A_421 : vector<16xi1>, vector<16xf32>
      %exp3A_423 = math.exp %select_n3A_422 : vector<16xf32>
      %swap3A_424 = arith.constant 80 : index
      %swap3A_425 = tpu.vector_load %arg12[%swap3A_424] {strides = array<i32>} : memref<128xf32, #tpu.memory_space<vmem>>, vector<16xf32>,
      tpu.vector_store %arg12[%swap3A_424], %exp3A_423 {strides = array<i32>} : memref<128xf32, #tpu.memory_space<vmem>>, vector<16xf32>,
      %get3A_426 = arith.index_cast %add3A_269 : i32 to index
      %get3A_427 = arith.constant 96 : index
      %get3A_428 = tpu.vector_load %arg10[%get3A_426, %get3A_427] {strides = array<i32>} : memref<162x128xi32, #tpu.memory_space<vmem>>, vector<16xi32>,
      %shift_right_logical3A_429 = arith.constant 14 : i32
      %shift_right_logical3A_430 = vector.broadcast %shift_right_logical3A_429 : i32 to vector<16xi32>
      %shift_right_logical3A_431 = arith.shrui %get3A_428, %shift_right_logical3A_430 : vector<16xi32>
      %and3A_432 = arith.constant 16383 : i32
      %and3A_433 = vector.broadcast %and3A_432 : i32 to vector<16xi32>
      %and3A_434 = arith.andi %get3A_428, %and3A_433 : vector<16xi32>
      %swap3A_435 = arith.constant 96 : index
      %swap3A_436 = tpu.vector_load %arg14[%swap3A_435] {strides = array<i32>} : memref<128xi32, #tpu.memory_space<vmem>>, vector<16xi32>,
      tpu.vector_store %arg14[%swap3A_435], %shift_right_logical3A_431 {strides = array<i32>} : memref<128xi32, #tpu.memory_space<vmem>>, vector<16xi32>,
      %swap3A_437 = arith.constant 96 : index
      %swap3A_438 = tpu.vector_load %arg16[%swap3A_437] {strides = array<i32>} : memref<128xi32, #tpu.memory_space<vmem>>, vector<16xi32>,
      tpu.vector_store %arg16[%swap3A_437], %and3A_434 {strides = array<i32>} : memref<128xi32, #tpu.memory_space<vmem>>, vector<16xi32>,
      %gather3A_439 = tpu.vector_load_idx %arg8[%shift_right_logical3A_431] : memref<10240xf32, #tpu.memory_space<vmem>>[vector<16xi32>], vector<16xf32>,
      %gather3A_440 = tpu.vector_load_idx %arg9[%and3A_434] : memref<10240xf32, #tpu.memory_space<vmem>>[vector<16xi32>], vector<16xf32>,
      %add3A_441 = arith.addf %gather3A_439, %gather3A_440 : vector<16xf32>
      %ge3A_442 = arith.constant 0.000000e+00 : f32
      %ge3A_443 = vector.broadcast %ge3A_442 : f32 to vector<16xf32>
      %ge3A_444 = arith.cmpf oge, %add3A_441, %ge3A_443 : vector<16xf32>
      %mul3A_445 = arith.constant 2.000000e-01 : f32
      %mul3A_446 = vector.broadcast %mul3A_445 : f32 to vector<16xf32>
      %mul3A_447 = arith.mulf %add3A_441, %mul3A_446 : vector<16xf32>
      %select_n3A_448 = arith.select %ge3A_444, %add3A_441, %mul3A_447 : vector<16xi1>, vector<16xf32>
      %exp3A_449 = math.exp %select_n3A_448 : vector<16xf32>
      %swap3A_450 = arith.constant 96 : index
      %swap3A_451 = tpu.vector_load %arg12[%swap3A_450] {strides = array<i32>} : memref<128xf32, #tpu.memory_space<vmem>>, vector<16xf32>,
      tpu.vector_store %arg12[%swap3A_450], %exp3A_449 {strides = array<i32>} : memref<128xf32, #tpu.memory_space<vmem>>, vector<16xf32>,
      %get3A_452 = arith.index_cast %add3A_269 : i32 to index
      %get3A_453 = arith.constant 112 : index
      %get3A_454 = tpu.vector_load %arg10[%get3A_452, %get3A_453] {strides = array<i32>} : memref<162x128xi32, #tpu.memory_space<vmem>>, vector<16xi32>,
      %shift_right_logical3A_455 = arith.constant 14 : i32
      %shift_right_logical3A_456 = vector.broadcast %shift_right_logical3A_455 : i32 to vector<16xi32>
      %shift_right_logical3A_457 = arith.shrui %get3A_454, %shift_right_logical3A_456 : vector<16xi32>
      %and3A_458 = arith.constant 16383 : i32
      %and3A_459 = vector.broadcast %and3A_458 : i32 to vector<16xi32>
      %and3A_460 = arith.andi %get3A_454, %and3A_459 : vector<16xi32>
      %swap3A_461 = arith.constant 112 : index
      %swap3A_462 = tpu.vector_load %arg14[%swap3A_461] {strides = array<i32>} : memref<128xi32, #tpu.memory_space<vmem>>, vector<16xi32>,
      tpu.vector_store %arg14[%swap3A_461], %shift_right_logical3A_457 {strides = array<i32>} : memref<128xi32, #tpu.memory_space<vmem>>, vector<16xi32>,
      %swap3A_463 = arith.constant 112 : index
      %swap3A_464 = tpu.vector_load %arg16[%swap3A_463] {strides = array<i32>} : memref<128xi32, #tpu.memory_space<vmem>>, vector<16xi32>,
      tpu.vector_store %arg16[%swap3A_463], %and3A_460 {strides = array<i32>} : memref<128xi32, #tpu.memory_space<vmem>>, vector<16xi32>,
      %gather3A_465 = tpu.vector_load_idx %arg8[%shift_right_logical3A_457] : memref<10240xf32, #tpu.memory_space<vmem>>[vector<16xi32>], vector<16xf32>,
      %gather3A_466 = tpu.vector_load_idx %arg9[%and3A_460] : memref<10240xf32, #tpu.memory_space<vmem>>[vector<16xi32>], vector<16xf32>,
      %add3A_467 = arith.addf %gather3A_465, %gather3A_466 : vector<16xf32>
      %ge3A_468 = arith.constant 0.000000e+00 : f32
      %ge3A_469 = vector.broadcast %ge3A_468 : f32 to vector<16xf32>
      %ge3A_470 = arith.cmpf oge, %add3A_467, %ge3A_469 : vector<16xf32>
      %mul3A_471 = arith.constant 2.000000e-01 : f32
      %mul3A_472 = vector.broadcast %mul3A_471 : f32 to vector<16xf32>
      %mul3A_473 = arith.mulf %add3A_467, %mul3A_472 : vector<16xf32>
      %select_n3A_474 = arith.select %ge3A_470, %add3A_467, %mul3A_473 : vector<16xi1>, vector<16xf32>
      %exp3A_475 = math.exp %select_n3A_474 : vector<16xf32>
      %swap3A_476 = arith.constant 112 : index
      %swap3A_477 = tpu.vector_load %arg12[%swap3A_476] {strides = array<i32>} : memref<128xf32, #tpu.memory_space<vmem>>, vector<16xf32>,
      tpu.vector_store %arg12[%swap3A_476], %exp3A_475 {strides = array<i32>} : memref<128xf32, #tpu.memory_space<vmem>>, vector<16xf32>,
      %dma_start3A_478 = arith.constant 0 : i32
      %dma_start3A_479 = arith.constant 0 : i32
      %dma_start3A_480 = tpu.memref_slice %arg21[%dma_start3A_478, %dma_start3A_479] : memref<10240x32xf32, #tpu.memory_space<vmem_shared>> -> memref<10240x32xf32, #tpu.memory_space<vmem_shared>>
      tpu.enqueue_indirect_dma source(%dma_start3A_480 : memref<10240x32xf32, #tpu.memory_space<vmem_shared>>) target(%arg18 : memref<128x32xf32, #tpu.memory_space<vmem>>) offsets(%arg14 : memref<128xi32, #tpu.memory_space<vmem>>) semaphore(%arg25 : memref<!tpu.dma_semaphore, #tpu.memory_space<semaphore_mem>>)
      %dma_wait3A = arith.constant 0 : i32
      %dma_wait3A_481 = arith.constant 0 : i32
      %dma_wait3A_482 = tpu.memref_slice %arg21[%dma_wait3A, %dma_wait3A_481] : memref<10240x32xf32, #tpu.memory_space<vmem_shared>> -> memref<10240x32xf32, #tpu.memory_space<vmem_shared>>
      tpu.wait_indirect_dma semaphore(%arg24 : memref<!tpu.dma_semaphore, #tpu.memory_space<semaphore_mem>>) src(%dma_wait3A_482 : memref<10240x32xf32, #tpu.memory_space<vmem_shared>>) dst(%arg17 : memref<128x32xf32, #tpu.memory_space<vmem>>)
      %parallel_loop3A = arith.constant 0 : i32
      %parallel_loop3A_483 = arith.constant 128 : i32
      %parallel_loop3A_484 = arith.constant 1 : i32
      scf.for %parallel_loop3A_513 = %parallel_loop3A to %parallel_loop3A_483 step %parallel_loop3A_484  : i32 {
        %parallel_loop3A_514 = vector.broadcast %parallel_loop3A_513 : i32 to vector<16xi32>
        %parallel_loop3A_515 = tpu.vector_load_idx %arg11[%parallel_loop3A_514] : memref<128xf32, #tpu.memory_space<vmem>>[vector<16xi32>], vector<16xf32>,
        %parallel_loop3A_516 = arith.index_cast %parallel_loop3A_513 : i32 to index
        %parallel_loop3A_517 = arith.constant 0 : index
        %parallel_loop3A_518 = tpu.vector_load %arg17[%parallel_loop3A_516, %parallel_loop3A_517] {strides = array<i32>} : memref<128x32xf32, #tpu.memory_space<vmem>>, vector<16xf32>,
        %parallel_loop3A_519 = arith.mulf %parallel_loop3A_518, %parallel_loop3A_515 : vector<16xf32>
        %parallel_loop3A_520 = arith.index_cast %parallel_loop3A_513 : i32 to index
        %parallel_loop3A_521 = arith.constant 0 : index
        %parallel_loop3A_522 = tpu.vector_load %arg19[%parallel_loop3A_520, %parallel_loop3A_521] {strides = array<i32>} : memref<128x32xf32, #tpu.memory_space<vmem>>, vector<16xf32>,
        tpu.vector_store %arg19[%parallel_loop3A_520, %parallel_loop3A_521], %parallel_loop3A_519 {strides = array<i32>} : memref<128x32xf32, #tpu.memory_space<vmem>>, vector<16xf32>,
        %parallel_loop3A_523 = arith.index_cast %parallel_loop3A_513 : i32 to index
        %parallel_loop3A_524 = arith.constant 16 : index
        %parallel_loop3A_525 = tpu.vector_load %arg17[%parallel_loop3A_523, %parallel_loop3A_524] {strides = array<i32>} : memref<128x32xf32, #tpu.memory_space<vmem>>, vector<16xf32>,
        %parallel_loop3A_526 = arith.mulf %parallel_loop3A_525, %parallel_loop3A_515 : vector<16xf32>
        %parallel_loop3A_527 = arith.index_cast %parallel_loop3A_513 : i32 to index
        %parallel_loop3A_528 = arith.constant 16 : index
        %parallel_loop3A_529 = tpu.vector_load %arg19[%parallel_loop3A_527, %parallel_loop3A_528] {strides = array<i32>} : memref<128x32xf32, #tpu.memory_space<vmem>>, vector<16xf32>,
        tpu.vector_store %arg19[%parallel_loop3A_527, %parallel_loop3A_528], %parallel_loop3A_526 {strides = array<i32>} : memref<128x32xf32, #tpu.memory_space<vmem>>, vector<16xf32>,
      } {sc.loop_unroll_factor = 8 : i64, sc.parallel_access}
      %dma_start3A_485 = arith.constant 0 : i32
      %dma_start3A_486 = arith.constant 0 : i32
      %dma_start3A_487 = tpu.memref_slice %arg22[%dma_start3A_485, %dma_start3A_486] : memref<10240x32xf32, #tpu.memory_space<vmem_shared>> -> memref<10240x32xf32, #tpu.memory_space<vmem_shared>>
      tpu.enqueue_indirect_dma source(%arg19 : memref<128x32xf32, #tpu.memory_space<vmem>>) target(%dma_start3A_487 : memref<10240x32xf32, #tpu.memory_space<vmem_shared>>) offsets(%arg15 : memref<128xi32, #tpu.memory_space<vmem>>) semaphore(%arg26 : memref<!tpu.dma_semaphore, #tpu.memory_space<semaphore_mem>>) {add = true}
      %eq3A_488 = arith.constant 0 : i32
      %eq3A_489 = arith.cmpi eq, %arg0, %eq3A_488 : i32
      %convert_element_type3A_490 = arith.extui %eq3A_489 : i1 to i32
      %cond3A_491 = arith.constant 0 : i32
      %cond3A_492 = arith.cmpi ne, %convert_element_type3A_490, %cond3A_491 : i32
      scf.if %cond3A_492 {
        "tpu.region"() ({
          %run_scoped3A = tpu.sem_alloc : memref<!tpu.dma_semaphore, #tpu.memory_space<semaphore_mem>>
          %dma_start3A_513 = arith.constant 0 : i32
          %dma_start3A_514 = tpu.memref_slice %arg23[%dma_start3A_513] : memref<10240xf32, #tpu.memory_space<vmem_shared>> -> memref<10240xf32, #tpu.memory_space<vmem_shared>>
          tpu.enqueue_indirect_dma source(%arg11 : memref<128xf32, #tpu.memory_space<vmem>>) target(%dma_start3A_514 : memref<10240xf32, #tpu.memory_space<vmem_shared>>) offsets(%arg15 : memref<128xi32, #tpu.memory_space<vmem>>) semaphore(%run_scoped3A : memref<!tpu.dma_semaphore, #tpu.memory_space<semaphore_mem>>) {add = true}
          %dma_wait3A_515 = arith.constant 0 : i32
          %dma_wait3A_516 = tpu.memref_slice %arg23[%dma_wait3A_515] : memref<10240xf32, #tpu.memory_space<vmem_shared>> -> memref<10240xf32, #tpu.memory_space<vmem_shared>>
          tpu.wait_indirect_dma semaphore(%run_scoped3A : memref<!tpu.dma_semaphore, #tpu.memory_space<semaphore_mem>>) src(%arg11 : memref<128xf32, #tpu.memory_space<vmem>>) dst(%dma_wait3A_516 : memref<10240xf32, #tpu.memory_space<vmem_shared>>)
          tpu.yield
        }) : () -> ()
      } else {
      }
      %dma_wait3A_493 = arith.constant 0 : i32
      %dma_wait3A_494 = arith.constant 0 : i32
      %dma_wait3A_495 = tpu.memref_slice %arg21[%dma_wait3A_493, %dma_wait3A_494] : memref<10240x32xf32, #tpu.memory_space<vmem_shared>> -> memref<10240x32xf32, #tpu.memory_space<vmem_shared>>
      tpu.wait_indirect_dma semaphore(%arg25 : memref<!tpu.dma_semaphore, #tpu.memory_space<semaphore_mem>>) src(%dma_wait3A_495 : memref<10240x32xf32, #tpu.memory_space<vmem_shared>>) dst(%arg18 : memref<128x32xf32, #tpu.memory_space<vmem>>)
      %parallel_loop3A_496 = arith.constant 0 : i32
      %parallel_loop3A_497 = arith.constant 128 : i32
      %parallel_loop3A_498 = arith.constant 1 : i32
      scf.for %parallel_loop3A_513 = %parallel_loop3A_496 to %parallel_loop3A_497 step %parallel_loop3A_498  : i32 {
        %parallel_loop3A_514 = vector.broadcast %parallel_loop3A_513 : i32 to vector<16xi32>
        %parallel_loop3A_515 = tpu.vector_load_idx %arg12[%parallel_loop3A_514] : memref<128xf32, #tpu.memory_space<vmem>>[vector<16xi32>], vector<16xf32>,
        %parallel_loop3A_516 = arith.index_cast %parallel_loop3A_513 : i32 to index
        %parallel_loop3A_517 = arith.constant 0 : index
        %parallel_loop3A_518 = tpu.vector_load %arg18[%parallel_loop3A_516, %parallel_loop3A_517] {strides = array<i32>} : memref<128x32xf32, #tpu.memory_space<vmem>>, vector<16xf32>,
        %parallel_loop3A_519 = arith.mulf %parallel_loop3A_518, %parallel_loop3A_515 : vector<16xf32>
        %parallel_loop3A_520 = arith.index_cast %parallel_loop3A_513 : i32 to index
        %parallel_loop3A_521 = arith.constant 0 : index
        %parallel_loop3A_522 = tpu.vector_load %arg20[%parallel_loop3A_520, %parallel_loop3A_521] {strides = array<i32>} : memref<128x32xf32, #tpu.memory_space<vmem>>, vector<16xf32>,
        tpu.vector_store %arg20[%parallel_loop3A_520, %parallel_loop3A_521], %parallel_loop3A_519 {strides = array<i32>} : memref<128x32xf32, #tpu.memory_space<vmem>>, vector<16xf32>,
        %parallel_loop3A_523 = arith.index_cast %parallel_loop3A_513 : i32 to index
        %parallel_loop3A_524 = arith.constant 16 : index
        %parallel_loop3A_525 = tpu.vector_load %arg18[%parallel_loop3A_523, %parallel_loop3A_524] {strides = array<i32>} : memref<128x32xf32, #tpu.memory_space<vmem>>, vector<16xf32>,
        %parallel_loop3A_526 = arith.mulf %parallel_loop3A_525, %parallel_loop3A_515 : vector<16xf32>
        %parallel_loop3A_527 = arith.index_cast %parallel_loop3A_513 : i32 to index
        %parallel_loop3A_528 = arith.constant 16 : index
        %parallel_loop3A_529 = tpu.vector_load %arg20[%parallel_loop3A_527, %parallel_loop3A_528] {strides = array<i32>} : memref<128x32xf32, #tpu.memory_space<vmem>>, vector<16xf32>,
        tpu.vector_store %arg20[%parallel_loop3A_527, %parallel_loop3A_528], %parallel_loop3A_526 {strides = array<i32>} : memref<128x32xf32, #tpu.memory_space<vmem>>, vector<16xf32>,
      } {sc.loop_unroll_factor = 8 : i64, sc.parallel_access}
      %dma_start3A_499 = arith.constant 0 : i32
      %dma_start3A_500 = arith.constant 0 : i32
      %dma_start3A_501 = tpu.memref_slice %arg22[%dma_start3A_499, %dma_start3A_500] : memref<10240x32xf32, #tpu.memory_space<vmem_shared>> -> memref<10240x32xf32, #tpu.memory_space<vmem_shared>>
      tpu.enqueue_indirect_dma source(%arg20 : memref<128x32xf32, #tpu.memory_space<vmem>>) target(%dma_start3A_501 : memref<10240x32xf32, #tpu.memory_space<vmem_shared>>) offsets(%arg16 : memref<128xi32, #tpu.memory_space<vmem>>) semaphore(%arg27 : memref<!tpu.dma_semaphore, #tpu.memory_space<semaphore_mem>>) {add = true}
      %eq3A_502 = arith.constant 0 : i32
      %eq3A_503 = arith.cmpi eq, %arg0, %eq3A_502 : i32
      %convert_element_type3A_504 = arith.extui %eq3A_503 : i1 to i32
      %cond3A_505 = arith.constant 0 : i32
      %cond3A_506 = arith.cmpi ne, %convert_element_type3A_504, %cond3A_505 : i32
      scf.if %cond3A_506 {
        "tpu.region"() ({
          %run_scoped3A = tpu.sem_alloc : memref<!tpu.dma_semaphore, #tpu.memory_space<semaphore_mem>>
          %dma_start3A_513 = arith.constant 0 : i32
          %dma_start3A_514 = tpu.memref_slice %arg23[%dma_start3A_513] : memref<10240xf32, #tpu.memory_space<vmem_shared>> -> memref<10240xf32, #tpu.memory_space<vmem_shared>>
          tpu.enqueue_indirect_dma source(%arg12 : memref<128xf32, #tpu.memory_space<vmem>>) target(%dma_start3A_514 : memref<10240xf32, #tpu.memory_space<vmem_shared>>) offsets(%arg16 : memref<128xi32, #tpu.memory_space<vmem>>) semaphore(%run_scoped3A : memref<!tpu.dma_semaphore, #tpu.memory_space<semaphore_mem>>) {add = true}
          %dma_wait3A_515 = arith.constant 0 : i32
          %dma_wait3A_516 = tpu.memref_slice %arg23[%dma_wait3A_515] : memref<10240xf32, #tpu.memory_space<vmem_shared>> -> memref<10240xf32, #tpu.memory_space<vmem_shared>>
          tpu.wait_indirect_dma semaphore(%run_scoped3A : memref<!tpu.dma_semaphore, #tpu.memory_space<semaphore_mem>>) src(%arg12 : memref<128xf32, #tpu.memory_space<vmem>>) dst(%dma_wait3A_516 : memref<10240xf32, #tpu.memory_space<vmem_shared>>)
          tpu.yield
        }) : () -> ()
      } else {
      }
      %dma_wait3A_507 = arith.constant 0 : i32
      %dma_wait3A_508 = arith.constant 0 : i32
      %dma_wait3A_509 = tpu.memref_slice %arg22[%dma_wait3A_507, %dma_wait3A_508] : memref<10240x32xf32, #tpu.memory_space<vmem_shared>> -> memref<10240x32xf32, #tpu.memory_space<vmem_shared>>
      tpu.wait_indirect_dma semaphore(%arg26 : memref<!tpu.dma_semaphore, #tpu.memory_space<semaphore_mem>>) src(%arg19 : memref<128x32xf32, #tpu.memory_space<vmem>>) dst(%dma_wait3A_509 : memref<10240x32xf32, #tpu.memory_space<vmem_shared>>)
      %dma_wait3A_510 = arith.constant 0 : i32
      %dma_wait3A_511 = arith.constant 0 : i32
      %dma_wait3A_512 = tpu.memref_slice %arg22[%dma_wait3A_510, %dma_wait3A_511] : memref<10240x32xf32, #tpu.memory_space<vmem_shared>> -> memref<10240x32xf32, #tpu.memory_space<vmem_shared>>
      tpu.wait_indirect_dma semaphore(%arg27 : memref<!tpu.dma_semaphore, #tpu.memory_space<semaphore_mem>>) src(%arg20 : memref<128x32xf32, #tpu.memory_space<vmem>>) dst(%dma_wait3A_512 : memref<10240x32xf32, #tpu.memory_space<vmem_shared>>)
    }
    %scan3A_37 = arith.constant 81 : i32
    %barrier3A_38 = arith.constant 0 : index
    tpu.barrier barrier_id(%barrier3A_38)
    %add3A_39 = arith.constant 0 : i32
    %add3A_40 = arith.addi %mul3A_0, %add3A_39 : i32
    %add3A_41 = arith.constant 0 : i32
    %add3A_42 = arith.addi %mul3A_0, %add3A_41 : i32
    "tpu.region"() ({
      %run_scoped3A = tpu.sem_alloc : memref<!tpu.dma_semaphore, #tpu.memory_space<semaphore_mem>>
      %dma_start3A = arith.constant 0 : i32
      %dma_start3A_61 = tpu.memref_slice %arg6[%arg0, %add3A_42, %dma_start3A] : memref<2x10240x32xf32, #tpu.memory_space<hbm>> -> memref<1x128x32xf32, #tpu.memory_space<hbm>>
      %dma_start3A_62 = tpu.memref_squeeze %dma_start3A_61 : memref<1x128x32xf32, #tpu.memory_space<hbm>> -> memref<128x32xf32, #tpu.memory_space<hbm>>
      %dma_start3A_63 = arith.constant 0 : i32
      %dma_start3A_64 = tpu.memref_slice %arg22[%add3A_40, %dma_start3A_63] : memref<10240x32xf32, #tpu.memory_space<vmem_shared>> -> memref<128x32xf32, #tpu.memory_space<vmem_shared>>
      tpu.enqueue_dma source(%dma_start3A_64 : memref<128x32xf32, #tpu.memory_space<vmem_shared>>) target(%dma_start3A_62 : memref<128x32xf32, #tpu.memory_space<hbm>>) target_semaphore(%run_scoped3A : memref<!tpu.dma_semaphore, #tpu.memory_space<semaphore_mem>>)
      %dma_wait3A = arith.constant 0 : i32
      %dma_wait3A_65 = tpu.memref_slice %arg6[%arg0, %add3A_42, %dma_wait3A] : memref<2x10240x32xf32, #tpu.memory_space<hbm>> -> memref<1x128x32xf32, #tpu.memory_space<hbm>>
      %dma_wait3A_66 = tpu.memref_squeeze %dma_wait3A_65 : memref<1x128x32xf32, #tpu.memory_space<hbm>> -> memref<128x32xf32, #tpu.memory_space<hbm>>
      %dma_wait3A_67 = arith.constant 0 : i32
      %dma_wait3A_68 = tpu.memref_slice %arg22[%add3A_40, %dma_wait3A_67] : memref<10240x32xf32, #tpu.memory_space<vmem_shared>> -> memref<128x32xf32, #tpu.memory_space<vmem_shared>>
      tpu.wait_dma2 semaphore(%run_scoped3A : memref<!tpu.dma_semaphore, #tpu.memory_space<semaphore_mem>>) src(%dma_wait3A_68 : memref<128x32xf32, #tpu.memory_space<vmem_shared>>) dst(%dma_wait3A_66 : memref<128x32xf32, #tpu.memory_space<hbm>>)
      tpu.yield
    }) : () -> ()
    %add3A_43 = arith.constant 128 : i32
    %add3A_44 = arith.addi %mul3A_0, %add3A_43 : i32
    %add3A_45 = arith.constant 128 : i32
    %add3A_46 = arith.addi %mul3A_0, %add3A_45 : i32
    "tpu.region"() ({
      %run_scoped3A = tpu.sem_alloc : memref<!tpu.dma_semaphore, #tpu.memory_space<semaphore_mem>>
      %dma_start3A = arith.constant 0 : i32
      %dma_start3A_61 = tpu.memref_slice %arg6[%arg0, %add3A_46, %dma_start3A] : memref<2x10240x32xf32, #tpu.memory_space<hbm>> -> memref<1x128x32xf32, #tpu.memory_space<hbm>>
      %dma_start3A_62 = tpu.memref_squeeze %dma_start3A_61 : memref<1x128x32xf32, #tpu.memory_space<hbm>> -> memref<128x32xf32, #tpu.memory_space<hbm>>
      %dma_start3A_63 = arith.constant 0 : i32
      %dma_start3A_64 = tpu.memref_slice %arg22[%add3A_44, %dma_start3A_63] : memref<10240x32xf32, #tpu.memory_space<vmem_shared>> -> memref<128x32xf32, #tpu.memory_space<vmem_shared>>
      tpu.enqueue_dma source(%dma_start3A_64 : memref<128x32xf32, #tpu.memory_space<vmem_shared>>) target(%dma_start3A_62 : memref<128x32xf32, #tpu.memory_space<hbm>>) target_semaphore(%run_scoped3A : memref<!tpu.dma_semaphore, #tpu.memory_space<semaphore_mem>>)
      %dma_wait3A = arith.constant 0 : i32
      %dma_wait3A_65 = tpu.memref_slice %arg6[%arg0, %add3A_46, %dma_wait3A] : memref<2x10240x32xf32, #tpu.memory_space<hbm>> -> memref<1x128x32xf32, #tpu.memory_space<hbm>>
      %dma_wait3A_66 = tpu.memref_squeeze %dma_wait3A_65 : memref<1x128x32xf32, #tpu.memory_space<hbm>> -> memref<128x32xf32, #tpu.memory_space<hbm>>
      %dma_wait3A_67 = arith.constant 0 : i32
      %dma_wait3A_68 = tpu.memref_slice %arg22[%add3A_44, %dma_wait3A_67] : memref<10240x32xf32, #tpu.memory_space<vmem_shared>> -> memref<128x32xf32, #tpu.memory_space<vmem_shared>>
      tpu.wait_dma2 semaphore(%run_scoped3A : memref<!tpu.dma_semaphore, #tpu.memory_space<semaphore_mem>>) src(%dma_wait3A_68 : memref<128x32xf32, #tpu.memory_space<vmem_shared>>) dst(%dma_wait3A_66 : memref<128x32xf32, #tpu.memory_space<hbm>>)
      tpu.yield
    }) : () -> ()
    %add3A_47 = arith.constant 256 : i32
    %add3A_48 = arith.addi %mul3A_0, %add3A_47 : i32
    %add3A_49 = arith.constant 256 : i32
    %add3A_50 = arith.addi %mul3A_0, %add3A_49 : i32
    "tpu.region"() ({
      %run_scoped3A = tpu.sem_alloc : memref<!tpu.dma_semaphore, #tpu.memory_space<semaphore_mem>>
      %dma_start3A = arith.constant 0 : i32
      %dma_start3A_61 = tpu.memref_slice %arg6[%arg0, %add3A_50, %dma_start3A] : memref<2x10240x32xf32, #tpu.memory_space<hbm>> -> memref<1x128x32xf32, #tpu.memory_space<hbm>>
      %dma_start3A_62 = tpu.memref_squeeze %dma_start3A_61 : memref<1x128x32xf32, #tpu.memory_space<hbm>> -> memref<128x32xf32, #tpu.memory_space<hbm>>
      %dma_start3A_63 = arith.constant 0 : i32
      %dma_start3A_64 = tpu.memref_slice %arg22[%add3A_48, %dma_start3A_63] : memref<10240x32xf32, #tpu.memory_space<vmem_shared>> -> memref<128x32xf32, #tpu.memory_space<vmem_shared>>
      tpu.enqueue_dma source(%dma_start3A_64 : memref<128x32xf32, #tpu.memory_space<vmem_shared>>) target(%dma_start3A_62 : memref<128x32xf32, #tpu.memory_space<hbm>>) target_semaphore(%run_scoped3A : memref<!tpu.dma_semaphore, #tpu.memory_space<semaphore_mem>>)
      %dma_wait3A = arith.constant 0 : i32
      %dma_wait3A_65 = tpu.memref_slice %arg6[%arg0, %add3A_50, %dma_wait3A] : memref<2x10240x32xf32, #tpu.memory_space<hbm>> -> memref<1x128x32xf32, #tpu.memory_space<hbm>>
      %dma_wait3A_66 = tpu.memref_squeeze %dma_wait3A_65 : memref<1x128x32xf32, #tpu.memory_space<hbm>> -> memref<128x32xf32, #tpu.memory_space<hbm>>
      %dma_wait3A_67 = arith.constant 0 : i32
      %dma_wait3A_68 = tpu.memref_slice %arg22[%add3A_48, %dma_wait3A_67] : memref<10240x32xf32, #tpu.memory_space<vmem_shared>> -> memref<128x32xf32, #tpu.memory_space<vmem_shared>>
      tpu.wait_dma2 semaphore(%run_scoped3A : memref<!tpu.dma_semaphore, #tpu.memory_space<semaphore_mem>>) src(%dma_wait3A_68 : memref<128x32xf32, #tpu.memory_space<vmem_shared>>) dst(%dma_wait3A_66 : memref<128x32xf32, #tpu.memory_space<hbm>>)
      tpu.yield
    }) : () -> ()
    %add3A_51 = arith.constant 384 : i32
    %add3A_52 = arith.addi %mul3A_0, %add3A_51 : i32
    %add3A_53 = arith.constant 384 : i32
    %add3A_54 = arith.addi %mul3A_0, %add3A_53 : i32
    "tpu.region"() ({
      %run_scoped3A = tpu.sem_alloc : memref<!tpu.dma_semaphore, #tpu.memory_space<semaphore_mem>>
      %dma_start3A = arith.constant 0 : i32
      %dma_start3A_61 = tpu.memref_slice %arg6[%arg0, %add3A_54, %dma_start3A] : memref<2x10240x32xf32, #tpu.memory_space<hbm>> -> memref<1x128x32xf32, #tpu.memory_space<hbm>>
      %dma_start3A_62 = tpu.memref_squeeze %dma_start3A_61 : memref<1x128x32xf32, #tpu.memory_space<hbm>> -> memref<128x32xf32, #tpu.memory_space<hbm>>
      %dma_start3A_63 = arith.constant 0 : i32
      %dma_start3A_64 = tpu.memref_slice %arg22[%add3A_52, %dma_start3A_63] : memref<10240x32xf32, #tpu.memory_space<vmem_shared>> -> memref<128x32xf32, #tpu.memory_space<vmem_shared>>
      tpu.enqueue_dma source(%dma_start3A_64 : memref<128x32xf32, #tpu.memory_space<vmem_shared>>) target(%dma_start3A_62 : memref<128x32xf32, #tpu.memory_space<hbm>>) target_semaphore(%run_scoped3A : memref<!tpu.dma_semaphore, #tpu.memory_space<semaphore_mem>>)
      %dma_wait3A = arith.constant 0 : i32
      %dma_wait3A_65 = tpu.memref_slice %arg6[%arg0, %add3A_54, %dma_wait3A] : memref<2x10240x32xf32, #tpu.memory_space<hbm>> -> memref<1x128x32xf32, #tpu.memory_space<hbm>>
      %dma_wait3A_66 = tpu.memref_squeeze %dma_wait3A_65 : memref<1x128x32xf32, #tpu.memory_space<hbm>> -> memref<128x32xf32, #tpu.memory_space<hbm>>
      %dma_wait3A_67 = arith.constant 0 : i32
      %dma_wait3A_68 = tpu.memref_slice %arg22[%add3A_52, %dma_wait3A_67] : memref<10240x32xf32, #tpu.memory_space<vmem_shared>> -> memref<128x32xf32, #tpu.memory_space<vmem_shared>>
      tpu.wait_dma2 semaphore(%run_scoped3A : memref<!tpu.dma_semaphore, #tpu.memory_space<semaphore_mem>>) src(%dma_wait3A_68 : memref<128x32xf32, #tpu.memory_space<vmem_shared>>) dst(%dma_wait3A_66 : memref<128x32xf32, #tpu.memory_space<hbm>>)
      tpu.yield
    }) : () -> ()
    %add3A_55 = arith.constant 512 : i32
    %add3A_56 = arith.addi %mul3A_0, %add3A_55 : i32
    %add3A_57 = arith.constant 512 : i32
    %add3A_58 = arith.addi %mul3A_0, %add3A_57 : i32
    "tpu.region"() ({
      %run_scoped3A = tpu.sem_alloc : memref<!tpu.dma_semaphore, #tpu.memory_space<semaphore_mem>>
      %dma_start3A = arith.constant 0 : i32
      %dma_start3A_61 = tpu.memref_slice %arg6[%arg0, %add3A_58, %dma_start3A] : memref<2x10240x32xf32, #tpu.memory_space<hbm>> -> memref<1x128x32xf32, #tpu.memory_space<hbm>>
      %dma_start3A_62 = tpu.memref_squeeze %dma_start3A_61 : memref<1x128x32xf32, #tpu.memory_space<hbm>> -> memref<128x32xf32, #tpu.memory_space<hbm>>
      %dma_start3A_63 = arith.constant 0 : i32
      %dma_start3A_64 = tpu.memref_slice %arg22[%add3A_56, %dma_start3A_63] : memref<10240x32xf32, #tpu.memory_space<vmem_shared>> -> memref<128x32xf32, #tpu.memory_space<vmem_shared>>
      tpu.enqueue_dma source(%dma_start3A_64 : memref<128x32xf32, #tpu.memory_space<vmem_shared>>) target(%dma_start3A_62 : memref<128x32xf32, #tpu.memory_space<hbm>>) target_semaphore(%run_scoped3A : memref<!tpu.dma_semaphore, #tpu.memory_space<semaphore_mem>>)
      %dma_wait3A = arith.constant 0 : i32
      %dma_wait3A_65 = tpu.memref_slice %arg6[%arg0, %add3A_58, %dma_wait3A] : memref<2x10240x32xf32, #tpu.memory_space<hbm>> -> memref<1x128x32xf32, #tpu.memory_space<hbm>>
      %dma_wait3A_66 = tpu.memref_squeeze %dma_wait3A_65 : memref<1x128x32xf32, #tpu.memory_space<hbm>> -> memref<128x32xf32, #tpu.memory_space<hbm>>
      %dma_wait3A_67 = arith.constant 0 : i32
      %dma_wait3A_68 = tpu.memref_slice %arg22[%add3A_56, %dma_wait3A_67] : memref<10240x32xf32, #tpu.memory_space<vmem_shared>> -> memref<128x32xf32, #tpu.memory_space<vmem_shared>>
      tpu.wait_dma2 semaphore(%run_scoped3A : memref<!tpu.dma_semaphore, #tpu.memory_space<semaphore_mem>>) src(%dma_wait3A_68 : memref<128x32xf32, #tpu.memory_space<vmem_shared>>) dst(%dma_wait3A_66 : memref<128x32xf32, #tpu.memory_space<hbm>>)
      tpu.yield
    }) : () -> ()
    %eq3A = arith.constant 0 : i32
    %eq3A_59 = arith.cmpi eq, %arg0, %eq3A : i32
    %convert_element_type3A = arith.extui %eq3A_59 : i1 to i32
    %cond3A = arith.constant 0 : i32
    %cond3A_60 = arith.cmpi ne, %convert_element_type3A, %cond3A : i32
    scf.if %cond3A_60 {
      "tpu.region"() ({
        %run_scoped3A = tpu.sem_alloc : memref<!tpu.dma_semaphore, #tpu.memory_space<semaphore_mem>>
        %dma_start3A = tpu.memref_slice %arg7[%mul3A_0] : memref<10240xf32, #tpu.memory_space<hbm>> -> memref<640xf32, #tpu.memory_space<hbm>>
        %dma_start3A_61 = tpu.memref_slice %arg23[%mul3A_0] : memref<10240xf32, #tpu.memory_space<vmem_shared>> -> memref<640xf32, #tpu.memory_space<vmem_shared>>
        tpu.enqueue_dma source(%dma_start3A_61 : memref<640xf32, #tpu.memory_space<vmem_shared>>) target(%dma_start3A : memref<640xf32, #tpu.memory_space<hbm>>) target_semaphore(%run_scoped3A : memref<!tpu.dma_semaphore, #tpu.memory_space<semaphore_mem>>)
        %dma_wait3A = tpu.memref_slice %arg7[%mul3A_0] : memref<10240xf32, #tpu.memory_space<hbm>> -> memref<640xf32, #tpu.memory_space<hbm>>
        %dma_wait3A_62 = tpu.memref_slice %arg23[%mul3A_0] : memref<10240xf32, #tpu.memory_space<vmem_shared>> -> memref<640xf32, #tpu.memory_space<vmem_shared>>
        tpu.wait_dma2 semaphore(%run_scoped3A : memref<!tpu.dma_semaphore, #tpu.memory_space<semaphore_mem>>) src(%dma_wait3A_62 : memref<640xf32, #tpu.memory_space<vmem_shared>>) dst(%dma_wait3A : memref<640xf32, #tpu.memory_space<hbm>>)
        tpu.yield
      }) : () -> ()
    } else {
    }
    return
  }
}

module attributes {stable_mosaic.version = 14 : i64} {
  func.func @_tc_pre_body(%arg0: memref<10240x128xf32, #tpu.memory_space<vmem>>, %arg1: memref<128x64xf32, #tpu.memory_space<vmem>>, %arg2: memref<64x1xf32, #tpu.memory_space<vmem>>, %arg3: memref<64x1xf32, #tpu.memory_space<vmem>>, %arg4: memref<2x10240x32xf32, #tpu.memory_space<vmem>>, %arg5: memref<10240x1xf32, #tpu.memory_space<vmem>>, %arg6: memref<10240x1xf32, #tpu.memory_space<vmem>>) attributes {dimension_semantics = [], scalar_prefetch = 0 : i64, scratch_operands = 0 : i64, tpu.core_type = #tpu.core_type<tc>} {
    %get3A = arith.constant 0 : index
    %get3A_0 = arith.constant 0 : index
    %get3A_1 = vector.load %arg0[%get3A, %get3A_0] : memref<10240x128xf32, #tpu.memory_space<vmem>>, vector<10240x128xf32>
    %get3A_2 = arith.constant 0 : index
    %get3A_3 = arith.constant 0 : index
    %get3A_4 = vector.load %arg1[%get3A_2, %get3A_3] : memref<128x64xf32, #tpu.memory_space<vmem>>, vector<128x64xf32>
    %dot_general3A = arith.constant dense<0.000000e+00> : vector<10240x64xf32>
    %dot_general3A_5 = tpu.matmul %get3A_1, %get3A_4, %dot_general3A {dimension_numbers = #tpu.dot_dimension_numbers<[1], [0], [0], [1], [0, 0, 1, 1], [], []>, transpose_lhs_hint = false} : vector<10240x128xf32>, vector<128x64xf32>, vector<10240x64xf32> -> vector<10240x64xf32>
    %slice3A = vector.extract_strided_slice %dot_general3A_5 {offsets = [0, 0], sizes = [10240, 32], strides = [1, 1]} : vector<10240x64xf32> to vector<10240x32xf32>
    %slice3A_6 = vector.extract_strided_slice %dot_general3A_5 {offsets = [0, 32], sizes = [10240, 32], strides = [1, 1]} : vector<10240x64xf32> to vector<10240x32xf32>
    %stack3A = vector.shape_cast %slice3A : vector<10240x32xf32> to vector<1x10240x32xf32>
    %stack3A_7 = vector.shape_cast %slice3A_6 : vector<10240x32xf32> to vector<1x10240x32xf32>
    %stack3A_8 = tpu.concatenate %stack3A, %stack3A_7 in 0 : vector<1x10240x32xf32>, vector<1x10240x32xf32> -> vector<2x10240x32xf32>
    %swap3A = arith.constant 0 : index
    %swap3A_9 = arith.constant 0 : index
    %swap3A_10 = arith.constant 0 : index
    %swap3A_11 = vector.load %arg4[%swap3A, %swap3A_9, %swap3A_10] : memref<2x10240x32xf32, #tpu.memory_space<vmem>>, vector<2x10240x32xf32>
    tpu.vector_store %arg4[%swap3A, %swap3A_9, %swap3A_10], %stack3A_8 {strides = array<i32>} : memref<2x10240x32xf32, #tpu.memory_space<vmem>>, vector<2x10240x32xf32>,
    %get3A_12 = arith.constant 0 : index
    %get3A_13 = arith.constant 0 : index
    %get3A_14 = vector.load %arg2[%get3A_12, %get3A_13] : memref<64x1xf32, #tpu.memory_space<vmem>>, vector<64x1xf32>
    %dot_general3A_15 = arith.constant dense<0.000000e+00> : vector<10240x1xf32>
    %dot_general3A_16 = tpu.matmul %dot_general3A_5, %get3A_14, %dot_general3A_15 {dimension_numbers = #tpu.dot_dimension_numbers<[1], [0], [0], [1], [0, 0, 1, 1], [], []>, transpose_lhs_hint = false} : vector<10240x64xf32>, vector<64x1xf32>, vector<10240x1xf32> -> vector<10240x1xf32>
    %swap3A_17 = arith.constant 0 : index
    %swap3A_18 = arith.constant 0 : index
    %swap3A_19 = vector.load %arg5[%swap3A_17, %swap3A_18] : memref<10240x1xf32, #tpu.memory_space<vmem>>, vector<10240x1xf32>
    tpu.vector_store %arg5[%swap3A_17, %swap3A_18], %dot_general3A_16 {strides = array<i32>} : memref<10240x1xf32, #tpu.memory_space<vmem>>, vector<10240x1xf32>,
    %get3A_20 = arith.constant 0 : index
    %get3A_21 = arith.constant 0 : index
    %get3A_22 = vector.load %arg3[%get3A_20, %get3A_21] : memref<64x1xf32, #tpu.memory_space<vmem>>, vector<64x1xf32>
    %dot_general3A_23 = arith.constant dense<0.000000e+00> : vector<10240x1xf32>
    %dot_general3A_24 = tpu.matmul %dot_general3A_5, %get3A_22, %dot_general3A_23 {dimension_numbers = #tpu.dot_dimension_numbers<[1], [0], [0], [1], [0, 0, 1, 1], [], []>, transpose_lhs_hint = false} : vector<10240x64xf32>, vector<64x1xf32>, vector<10240x1xf32> -> vector<10240x1xf32>
    %swap3A_25 = arith.constant 0 : index
    %swap3A_26 = arith.constant 0 : index
    %swap3A_27 = vector.load %arg6[%swap3A_25, %swap3A_26] : memref<10240x1xf32, #tpu.memory_space<vmem>>, vector<10240x1xf32>
    tpu.vector_store %arg6[%swap3A_25, %swap3A_26], %dot_general3A_24 {strides = array<i32>} : memref<10240x1xf32, #tpu.memory_space<vmem>>, vector<10240x1xf32>,
    return
  }
}

module attributes {stable_mosaic.version = 14 : i64} {
  func.func @_tc_mid_body(%arg0: memref<2x10240x32xf32, #tpu.memory_space<vmem>>, %arg1: memref<10240x1xf32, #tpu.memory_space<vmem>>, %arg2: memref<1x64xf32, #tpu.memory_space<vmem>>, %arg3: memref<1x64xf32, #tpu.memory_space<vmem>>, %arg4: memref<1x64xf32, #tpu.memory_space<vmem>>, %arg5: memref<64x64xf32, #tpu.memory_space<vmem>>, %arg6: memref<64x1xf32, #tpu.memory_space<vmem>>, %arg7: memref<64x1xf32, #tpu.memory_space<vmem>>, %arg8: memref<2x10240x32xf32, #tpu.memory_space<vmem>>, %arg9: memref<10240x1xf32, #tpu.memory_space<vmem>>, %arg10: memref<10240x1xf32, #tpu.memory_space<vmem>>) attributes {dimension_semantics = [], scalar_prefetch = 0 : i64, scratch_operands = 0 : i64, tpu.core_type = #tpu.core_type<tc>} {
    %get3A = arith.constant 0 : index
    %get3A_0 = arith.constant 0 : index
    %get3A_1 = arith.constant 0 : index
    %get3A_2 = vector.load %arg0[%get3A, %get3A_0, %get3A_1] : memref<2x10240x32xf32, #tpu.memory_space<vmem>>, vector<2x10240x32xf32>
    %get3A_3 = arith.constant 0 : index
    %get3A_4 = arith.constant 0 : index
    %get3A_5 = vector.load %arg1[%get3A_3, %get3A_4] : memref<10240x1xf32, #tpu.memory_space<vmem>>, vector<10240x1xf32>
    %get3A_6 = arith.constant 0 : index
    %get3A_7 = arith.constant 0 : index
    %get3A_8 = vector.load %arg2[%get3A_6, %get3A_7] : memref<1x64xf32, #tpu.memory_space<vmem>>, vector<1x64xf32>
    %get3A_9 = arith.constant 0 : index
    %get3A_10 = arith.constant 0 : index
    %get3A_11 = vector.load %arg3[%get3A_9, %get3A_10] : memref<1x64xf32, #tpu.memory_space<vmem>>, vector<1x64xf32>
    %get3A_12 = arith.constant 0 : index
    %get3A_13 = arith.constant 0 : index
    %get3A_14 = vector.load %arg4[%get3A_12, %get3A_13] : memref<1x64xf32, #tpu.memory_space<vmem>>, vector<1x64xf32>
    %slice3A = vector.extract_strided_slice %get3A_2 {offsets = [0, 0, 0], sizes = [1, 10240, 32], strides = [1, 1, 1]} : vector<2x10240x32xf32> to vector<1x10240x32xf32>
    %squeeze3A = vector.shape_cast %slice3A : vector<1x10240x32xf32> to vector<10240x32xf32>
    %slice3A_15 = vector.extract_strided_slice %get3A_2 {offsets = [1, 0, 0], sizes = [1, 10240, 32], strides = [1, 1, 1]} : vector<2x10240x32xf32> to vector<1x10240x32xf32>
    %squeeze3A_16 = vector.shape_cast %slice3A_15 : vector<1x10240x32xf32> to vector<10240x32xf32>
    %concatenate3A = tpu.concatenate %squeeze3A, %squeeze3A_16 in 1 : vector<10240x32xf32>, vector<10240x32xf32> -> vector<10240x64xf32>
    %add3A = arith.constant 1.000000e-16 : f32
    %add3A_17 = vector.broadcast %add3A : f32 to vector<10240x1xf32>
    %add3A_18 = arith.addf %get3A_5, %add3A_17 : vector<10240x1xf32>
    %div3A = vector.broadcast %add3A_18 : vector<10240x1xf32> to vector<10240x64xf32>
    %div3A_19 = arith.divf %concatenate3A, %div3A : vector<10240x64xf32>
    %add3A_20 = vector.broadcast %get3A_8 : vector<1x64xf32> to vector<10240x64xf32>
    %add3A_21 = arith.addf %div3A_19, %add3A_20 : vector<10240x64xf32>
    %iota3A = tpu.iota {dimensions = array<i32: 0>} : vector<10240x1xi32>
    %lt3A = arith.constant 10000 : i32
    %lt3A_22 = vector.broadcast %lt3A : i32 to vector<10240x1xi32>
    %lt3A_23 = arith.cmpi slt, %iota3A, %lt3A_22 : vector<10240x1xi32>
    %jit3A = arith.constant 0.000000e+00 : f32
    %broadcast_in_dim3A = vector.shape_cast %lt3A_23 : vector<10240x1xi1> to vector<10240x1xi1>
    %broadcast_in_dim3A_24 = vector.broadcast %broadcast_in_dim3A : vector<10240x1xi1> to vector<10240x64xi1>
    %broadcast_in_dim3A_25 = vector.broadcast %jit3A : f32 to vector<10240x64xf32>
    %select_n3A = arith.select %broadcast_in_dim3A_24, %add3A_21, %broadcast_in_dim3A_25 : vector<10240x64xi1>, vector<10240x64xf32>
    %reduce_sum3A = arith.constant dense<0.000000e+00> : vector<64xf32>
    %reduce_sum3A_26 = vector.multi_reduction <add>, %select_n3A, %reduce_sum3A [0] : vector<10240x64xf32> to vector<64xf32>
    %broadcast_in_dim3A_27 = vector.shape_cast %reduce_sum3A_26 : vector<64xf32> to vector<1x64xf32>
    %mul3A = arith.constant 9.99999974E-5 : f32
    %mul3A_28 = vector.broadcast %mul3A : f32 to vector<1x64xf32>
    %mul3A_29 = arith.mulf %broadcast_in_dim3A_27, %mul3A_28 : vector<1x64xf32>
    %sub3A = vector.broadcast %mul3A_29 : vector<1x64xf32> to vector<10240x64xf32>
    %sub3A_30 = arith.subf %select_n3A, %sub3A : vector<10240x64xf32>
    %jit3A_31 = arith.constant 0.000000e+00 : f32
    %broadcast_in_dim3A_32 = vector.shape_cast %lt3A_23 : vector<10240x1xi1> to vector<10240x1xi1>
    %broadcast_in_dim3A_33 = vector.broadcast %broadcast_in_dim3A_32 : vector<10240x1xi1> to vector<10240x64xi1>
    %broadcast_in_dim3A_34 = vector.broadcast %jit3A_31 : f32 to vector<10240x64xf32>
    %select_n3A_35 = arith.select %broadcast_in_dim3A_33, %sub3A_30, %broadcast_in_dim3A_34 : vector<10240x64xi1>, vector<10240x64xf32>
    %mul3A_36 = arith.mulf %select_n3A_35, %select_n3A_35 : vector<10240x64xf32>
    %reduce_sum3A_37 = arith.constant dense<0.000000e+00> : vector<64xf32>
    %reduce_sum3A_38 = vector.multi_reduction <add>, %mul3A_36, %reduce_sum3A_37 [0] : vector<10240x64xf32> to vector<64xf32>
    %broadcast_in_dim3A_39 = vector.shape_cast %reduce_sum3A_38 : vector<64xf32> to vector<1x64xf32>
    %mul3A_40 = arith.constant 9.99999974E-5 : f32
    %mul3A_41 = vector.broadcast %mul3A_40 : f32 to vector<1x64xf32>
    %mul3A_42 = arith.mulf %broadcast_in_dim3A_39, %mul3A_41 : vector<1x64xf32>
    %mul3A_43 = vector.broadcast %get3A_11 : vector<1x64xf32> to vector<10240x64xf32>
    %mul3A_44 = arith.mulf %mul3A_43, %select_n3A_35 : vector<10240x64xf32>
    %add3A_45 = arith.constant 9.99999974E-6 : f32
    %add3A_46 = vector.broadcast %add3A_45 : f32 to vector<1x64xf32>
    %add3A_47 = arith.addf %mul3A_42, %add3A_46 : vector<1x64xf32>
    %rsqrt3A = math.rsqrt %add3A_47 : vector<1x64xf32>
    %mul3A_48 = vector.broadcast %rsqrt3A : vector<1x64xf32> to vector<10240x64xf32>
    %mul3A_49 = arith.mulf %mul3A_44, %mul3A_48 : vector<10240x64xf32>
    %add3A_50 = vector.broadcast %get3A_14 : vector<1x64xf32> to vector<10240x64xf32>
    %add3A_51 = arith.addf %mul3A_49, %add3A_50 : vector<10240x64xf32>
    %max3A = arith.constant 0.000000e+00 : f32
    %max3A_52 = vector.broadcast %max3A : f32 to vector<10240x64xf32>
    %max3A_53 = arith.maximumf %add3A_51, %max3A_52 : vector<10240x64xf32>
    %jit3A_54 = arith.constant 0.000000e+00 : f32
    %broadcast_in_dim3A_55 = vector.shape_cast %lt3A_23 : vector<10240x1xi1> to vector<10240x1xi1>
    %broadcast_in_dim3A_56 = vector.broadcast %broadcast_in_dim3A_55 : vector<10240x1xi1> to vector<10240x64xi1>
    %broadcast_in_dim3A_57 = vector.broadcast %jit3A_54 : f32 to vector<10240x64xf32>
    %select_n3A_58 = arith.select %broadcast_in_dim3A_56, %max3A_53, %broadcast_in_dim3A_57 : vector<10240x64xi1>, vector<10240x64xf32>
    %get3A_59 = arith.constant 0 : index
    %get3A_60 = arith.constant 0 : index
    %get3A_61 = vector.load %arg5[%get3A_59, %get3A_60] : memref<64x64xf32, #tpu.memory_space<vmem>>, vector<64x64xf32>
    %dot_general3A = arith.constant dense<0.000000e+00> : vector<10240x64xf32>
    %dot_general3A_62 = tpu.matmul %select_n3A_58, %get3A_61, %dot_general3A {dimension_numbers = #tpu.dot_dimension_numbers<[1], [0], [0], [1], [0, 0, 1, 1], [], []>, transpose_lhs_hint = false} : vector<10240x64xf32>, vector<64x64xf32>, vector<10240x64xf32> -> vector<10240x64xf32>
    %slice3A_63 = vector.extract_strided_slice %dot_general3A_62 {offsets = [0, 0], sizes = [10240, 32], strides = [1, 1]} : vector<10240x64xf32> to vector<10240x32xf32>
    %slice3A_64 = vector.extract_strided_slice %dot_general3A_62 {offsets = [0, 32], sizes = [10240, 32], strides = [1, 1]} : vector<10240x64xf32> to vector<10240x32xf32>
    %stack3A = vector.shape_cast %slice3A_63 : vector<10240x32xf32> to vector<1x10240x32xf32>
    %stack3A_65 = vector.shape_cast %slice3A_64 : vector<10240x32xf32> to vector<1x10240x32xf32>
    %stack3A_66 = tpu.concatenate %stack3A, %stack3A_65 in 0 : vector<1x10240x32xf32>, vector<1x10240x32xf32> -> vector<2x10240x32xf32>
    %swap3A = arith.constant 0 : index
    %swap3A_67 = arith.constant 0 : index
    %swap3A_68 = arith.constant 0 : index
    %swap3A_69 = vector.load %arg8[%swap3A, %swap3A_67, %swap3A_68] : memref<2x10240x32xf32, #tpu.memory_space<vmem>>, vector<2x10240x32xf32>
    tpu.vector_store %arg8[%swap3A, %swap3A_67, %swap3A_68], %stack3A_66 {strides = array<i32>} : memref<2x10240x32xf32, #tpu.memory_space<vmem>>, vector<2x10240x32xf32>,
    %get3A_70 = arith.constant 0 : index
    %get3A_71 = arith.constant 0 : index
    %get3A_72 = vector.load %arg6[%get3A_70, %get3A_71] : memref<64x1xf32, #tpu.memory_space<vmem>>, vector<64x1xf32>
    %dot_general3A_73 = arith.constant dense<0.000000e+00> : vector<10240x1xf32>
    %dot_general3A_74 = tpu.matmul %dot_general3A_62, %get3A_72, %dot_general3A_73 {dimension_numbers = #tpu.dot_dimension_numbers<[1], [0], [0], [1], [0, 0, 1, 1], [], []>, transpose_lhs_hint = false} : vector<10240x64xf32>, vector<64x1xf32>, vector<10240x1xf32> -> vector<10240x1xf32>
    %swap3A_75 = arith.constant 0 : index
    %swap3A_76 = arith.constant 0 : index
    %swap3A_77 = vector.load %arg9[%swap3A_75, %swap3A_76] : memref<10240x1xf32, #tpu.memory_space<vmem>>, vector<10240x1xf32>
    tpu.vector_store %arg9[%swap3A_75, %swap3A_76], %dot_general3A_74 {strides = array<i32>} : memref<10240x1xf32, #tpu.memory_space<vmem>>, vector<10240x1xf32>,
    %get3A_78 = arith.constant 0 : index
    %get3A_79 = arith.constant 0 : index
    %get3A_80 = vector.load %arg7[%get3A_78, %get3A_79] : memref<64x1xf32, #tpu.memory_space<vmem>>, vector<64x1xf32>
    %dot_general3A_81 = arith.constant dense<0.000000e+00> : vector<10240x1xf32>
    %dot_general3A_82 = tpu.matmul %dot_general3A_62, %get3A_80, %dot_general3A_81 {dimension_numbers = #tpu.dot_dimension_numbers<[1], [0], [0], [1], [0, 0, 1, 1], [], []>, transpose_lhs_hint = false} : vector<10240x64xf32>, vector<64x1xf32>, vector<10240x1xf32> -> vector<10240x1xf32>
    %swap3A_83 = arith.constant 0 : index
    %swap3A_84 = arith.constant 0 : index
    %swap3A_85 = vector.load %arg10[%swap3A_83, %swap3A_84] : memref<10240x1xf32, #tpu.memory_space<vmem>>, vector<10240x1xf32>
    tpu.vector_store %arg10[%swap3A_83, %swap3A_84], %dot_general3A_82 {strides = array<i32>} : memref<10240x1xf32, #tpu.memory_space<vmem>>, vector<10240x1xf32>,
    return
  }
}

module attributes {stable_mosaic.version = 14 : i64} {
  func.func @_tc_tail_body(%arg0: memref<2x10240x32xf32, #tpu.memory_space<vmem>>, %arg1: memref<10240x1xf32, #tpu.memory_space<vmem>>, %arg2: memref<1x64xf32, #tpu.memory_space<vmem>>, %arg3: memref<1x64xf32, #tpu.memory_space<vmem>>, %arg4: memref<1x64xf32, #tpu.memory_space<vmem>>, %arg5: memref<1x10240xi32, #tpu.memory_space<vmem>>, %arg6: memref<10240x64xf32, #tpu.memory_space<vmem>>, %arg7: memref<64x64xf32, #tpu.memory_space<vmem>>) attributes {dimension_semantics = [], scalar_prefetch = 0 : i64, scratch_operands = 0 : i64, tpu.core_type = #tpu.core_type<tc>} {
    %get3A = arith.constant 0 : index
    %get3A_0 = arith.constant 0 : index
    %get3A_1 = arith.constant 0 : index
    %get3A_2 = vector.load %arg0[%get3A, %get3A_0, %get3A_1] : memref<2x10240x32xf32, #tpu.memory_space<vmem>>, vector<2x10240x32xf32>
    %get3A_3 = arith.constant 0 : index
    %get3A_4 = arith.constant 0 : index
    %get3A_5 = vector.load %arg1[%get3A_3, %get3A_4] : memref<10240x1xf32, #tpu.memory_space<vmem>>, vector<10240x1xf32>
    %get3A_6 = arith.constant 0 : index
    %get3A_7 = arith.constant 0 : index
    %get3A_8 = vector.load %arg2[%get3A_6, %get3A_7] : memref<1x64xf32, #tpu.memory_space<vmem>>, vector<1x64xf32>
    %get3A_9 = arith.constant 0 : index
    %get3A_10 = arith.constant 0 : index
    %get3A_11 = vector.load %arg3[%get3A_9, %get3A_10] : memref<1x64xf32, #tpu.memory_space<vmem>>, vector<1x64xf32>
    %get3A_12 = arith.constant 0 : index
    %get3A_13 = arith.constant 0 : index
    %get3A_14 = vector.load %arg4[%get3A_12, %get3A_13] : memref<1x64xf32, #tpu.memory_space<vmem>>, vector<1x64xf32>
    %slice3A = vector.extract_strided_slice %get3A_2 {offsets = [0, 0, 0], sizes = [1, 10240, 32], strides = [1, 1, 1]} : vector<2x10240x32xf32> to vector<1x10240x32xf32>
    %squeeze3A = vector.shape_cast %slice3A : vector<1x10240x32xf32> to vector<10240x32xf32>
    %slice3A_15 = vector.extract_strided_slice %get3A_2 {offsets = [1, 0, 0], sizes = [1, 10240, 32], strides = [1, 1, 1]} : vector<2x10240x32xf32> to vector<1x10240x32xf32>
    %squeeze3A_16 = vector.shape_cast %slice3A_15 : vector<1x10240x32xf32> to vector<10240x32xf32>
    %concatenate3A = tpu.concatenate %squeeze3A, %squeeze3A_16 in 1 : vector<10240x32xf32>, vector<10240x32xf32> -> vector<10240x64xf32>
    %add3A = arith.constant 1.000000e-16 : f32
    %add3A_17 = vector.broadcast %add3A : f32 to vector<10240x1xf32>
    %add3A_18 = arith.addf %get3A_5, %add3A_17 : vector<10240x1xf32>
    %div3A = vector.broadcast %add3A_18 : vector<10240x1xf32> to vector<10240x64xf32>
    %div3A_19 = arith.divf %concatenate3A, %div3A : vector<10240x64xf32>
    %add3A_20 = vector.broadcast %get3A_8 : vector<1x64xf32> to vector<10240x64xf32>
    %add3A_21 = arith.addf %div3A_19, %add3A_20 : vector<10240x64xf32>
    %iota3A = tpu.iota {dimensions = array<i32: 0>} : vector<10240x1xi32>
    %lt3A = arith.constant 10000 : i32
    %lt3A_22 = vector.broadcast %lt3A : i32 to vector<10240x1xi32>
    %lt3A_23 = arith.cmpi slt, %iota3A, %lt3A_22 : vector<10240x1xi32>
    %jit3A = arith.constant 0.000000e+00 : f32
    %broadcast_in_dim3A = vector.shape_cast %lt3A_23 : vector<10240x1xi1> to vector<10240x1xi1>
    %broadcast_in_dim3A_24 = vector.broadcast %broadcast_in_dim3A : vector<10240x1xi1> to vector<10240x64xi1>
    %broadcast_in_dim3A_25 = vector.broadcast %jit3A : f32 to vector<10240x64xf32>
    %select_n3A = arith.select %broadcast_in_dim3A_24, %add3A_21, %broadcast_in_dim3A_25 : vector<10240x64xi1>, vector<10240x64xf32>
    %reduce_sum3A = arith.constant dense<0.000000e+00> : vector<64xf32>
    %reduce_sum3A_26 = vector.multi_reduction <add>, %select_n3A, %reduce_sum3A [0] : vector<10240x64xf32> to vector<64xf32>
    %broadcast_in_dim3A_27 = vector.shape_cast %reduce_sum3A_26 : vector<64xf32> to vector<1x64xf32>
    %mul3A = arith.constant 9.99999974E-5 : f32
    %mul3A_28 = vector.broadcast %mul3A : f32 to vector<1x64xf32>
    %mul3A_29 = arith.mulf %broadcast_in_dim3A_27, %mul3A_28 : vector<1x64xf32>
    %sub3A = vector.broadcast %mul3A_29 : vector<1x64xf32> to vector<10240x64xf32>
    %sub3A_30 = arith.subf %select_n3A, %sub3A : vector<10240x64xf32>
    %jit3A_31 = arith.constant 0.000000e+00 : f32
    %broadcast_in_dim3A_32 = vector.shape_cast %lt3A_23 : vector<10240x1xi1> to vector<10240x1xi1>
    %broadcast_in_dim3A_33 = vector.broadcast %broadcast_in_dim3A_32 : vector<10240x1xi1> to vector<10240x64xi1>
    %broadcast_in_dim3A_34 = vector.broadcast %jit3A_31 : f32 to vector<10240x64xf32>
    %select_n3A_35 = arith.select %broadcast_in_dim3A_33, %sub3A_30, %broadcast_in_dim3A_34 : vector<10240x64xi1>, vector<10240x64xf32>
    %mul3A_36 = arith.mulf %select_n3A_35, %select_n3A_35 : vector<10240x64xf32>
    %reduce_sum3A_37 = arith.constant dense<0.000000e+00> : vector<64xf32>
    %reduce_sum3A_38 = vector.multi_reduction <add>, %mul3A_36, %reduce_sum3A_37 [0] : vector<10240x64xf32> to vector<64xf32>
    %broadcast_in_dim3A_39 = vector.shape_cast %reduce_sum3A_38 : vector<64xf32> to vector<1x64xf32>
    %mul3A_40 = arith.constant 9.99999974E-5 : f32
    %mul3A_41 = vector.broadcast %mul3A_40 : f32 to vector<1x64xf32>
    %mul3A_42 = arith.mulf %broadcast_in_dim3A_39, %mul3A_41 : vector<1x64xf32>
    %mul3A_43 = vector.broadcast %get3A_11 : vector<1x64xf32> to vector<10240x64xf32>
    %mul3A_44 = arith.mulf %mul3A_43, %select_n3A_35 : vector<10240x64xf32>
    %add3A_45 = arith.constant 9.99999974E-6 : f32
    %add3A_46 = vector.broadcast %add3A_45 : f32 to vector<1x64xf32>
    %add3A_47 = arith.addf %mul3A_42, %add3A_46 : vector<1x64xf32>
    %rsqrt3A = math.rsqrt %add3A_47 : vector<1x64xf32>
    %mul3A_48 = vector.broadcast %rsqrt3A : vector<1x64xf32> to vector<10240x64xf32>
    %mul3A_49 = arith.mulf %mul3A_44, %mul3A_48 : vector<10240x64xf32>
    %add3A_50 = vector.broadcast %get3A_14 : vector<1x64xf32> to vector<10240x64xf32>
    %add3A_51 = arith.addf %mul3A_49, %add3A_50 : vector<10240x64xf32>
    %max3A = arith.constant 0.000000e+00 : f32
    %max3A_52 = vector.broadcast %max3A : f32 to vector<10240x64xf32>
    %max3A_53 = arith.maximumf %add3A_51, %max3A_52 : vector<10240x64xf32>
    %jit3A_54 = arith.constant 0.000000e+00 : f32
    %broadcast_in_dim3A_55 = vector.shape_cast %lt3A_23 : vector<10240x1xi1> to vector<10240x1xi1>
    %broadcast_in_dim3A_56 = vector.broadcast %broadcast_in_dim3A_55 : vector<10240x1xi1> to vector<10240x64xi1>
    %broadcast_in_dim3A_57 = vector.broadcast %jit3A_54 : f32 to vector<10240x64xf32>
    %select_n3A_58 = arith.select %broadcast_in_dim3A_56, %max3A_53, %broadcast_in_dim3A_57 : vector<10240x64xi1>, vector<10240x64xf32>
    %swap3A = arith.constant 0 : index
    %swap3A_59 = arith.constant 0 : index
    %swap3A_60 = vector.load %arg6[%swap3A, %swap3A_59] : memref<10240x64xf32, #tpu.memory_space<vmem>>, vector<10240x64xf32>
    tpu.vector_store %arg6[%swap3A, %swap3A_59], %select_n3A_58 {strides = array<i32>} : memref<10240x64xf32, #tpu.memory_space<vmem>>, vector<10240x64xf32>,
    %iota3A_61 = tpu.iota {dimensions = array<i32: 0>} : vector<64x10240xi32>
    %get3A_62 = arith.constant 0 : index
    %get3A_63 = arith.constant 0 : index
    %get3A_64 = vector.load %arg5[%get3A_62, %get3A_63] : memref<1x10240xi32, #tpu.memory_space<vmem>>, vector<1x10240xi32>
    %eq3A = vector.broadcast %get3A_64 : vector<1x10240xi32> to vector<64x10240xi32>
    %eq3A_65 = arith.cmpi eq, %iota3A_61, %eq3A : vector<64x10240xi32>
    %convert_element_type3A = arith.extui %eq3A_65 : vector<64x10240xi1> to vector<64x10240xi32>
    %convert_element_type3A_66 = arith.sitofp %convert_element_type3A : vector<64x10240xi32> to vector<64x10240xf32>
    %dot_general3A = arith.constant dense<0.000000e+00> : vector<64x64xf32>
    %dot_general3A_67 = tpu.matmul %convert_element_type3A_66, %select_n3A_58, %dot_general3A {dimension_numbers = #tpu.dot_dimension_numbers<[1], [0], [0], [1], [0, 0, 1, 1], [], []>, transpose_lhs_hint = false} : vector<64x10240xf32>, vector<10240x64xf32>, vector<64x64xf32> -> vector<64x64xf32>
    %reduce_sum3A_68 = arith.constant dense<0.000000e+00> : vector<64xf32>
    %reduce_sum3A_69 = vector.multi_reduction <add>, %convert_element_type3A_66, %reduce_sum3A_68 [1] : vector<64x10240xf32> to vector<64xf32>
    %broadcast_in_dim3A_70 = vector.shape_cast %reduce_sum3A_69 : vector<64xf32> to vector<64x1xf32>
    %max3A_71 = arith.constant 1.000000e+00 : f32
    %max3A_72 = vector.broadcast %max3A_71 : f32 to vector<64x1xf32>
    %max3A_73 = arith.maximumf %broadcast_in_dim3A_70, %max3A_72 : vector<64x1xf32>
    %div3A_74 = vector.broadcast %max3A_73 : vector<64x1xf32> to vector<64x64xf32>
    %div3A_75 = arith.divf %dot_general3A_67, %div3A_74 : vector<64x64xf32>
    %swap3A_76 = arith.constant 0 : index
    %swap3A_77 = arith.constant 0 : index
    %swap3A_78 = vector.load %arg7[%swap3A_76, %swap3A_77] : memref<64x64xf32, #tpu.memory_space<vmem>>, vector<64x64xf32>
    tpu.vector_store %arg7[%swap3A_76, %swap3A_77], %div3A_75 {strides = array<i32>} : memref<64x64xf32, #tpu.memory_space<vmem>>, vector<64x64xf32>,
    return
  }
}

</mosaic_0001>

<sc_bundles>
// kernel: kernel.12.cloned.1.call-start
scs
__scs_entry_jumppad:
0x0: {  	(pc) =	sbr.rel $0x88, $3  }
0x1: {  	(tag) =	ssettag $0x0;
	lr =	simm.s32 $0x1  }
0x2: {  	[smem:$0x3F8C] =	sst lr;
	_ =	strace $0xD0000000  }
0x3: {  	_ = 	snop  }
0x4: {  	_ = 	snop  }
0x5: {  	_ = 	snop  }
0x6: {  	_ = 	snop  }
0x7: {  	_ = 	snop  }
__scs_overlays_trampoline_lowered:
0x8: {  	[smem:$0x3F9B] =	sst s0  }
0x9: {  	[smem:$0x3F9C] =	sst s1  }
0xa: {  	[smem:$0x3F9D] =	sst s2  }
0xb: {  	[smem:$0x3F9E] =	sst s3  }
0xc: {  	[smem:$0x3F9F] =	sst s4  }
0xd: {  	[smem:$0x3FA0] =	sst s5  }
0xe: {  	[smem:$0x3FA1] =	sst s6  }
0xf: {  	[smem:$0x3FA2] =	sst s7  }
0x10: {  	[smem:$0x3FA3] =	sst s8  }
0x11: {  	[smem:$0x3FA4] =	sst s9;
	s0 =	simm.s32 @!p0 $0x0  }
0x12: {  	s1 =	sld [smem:$0x3F8A];
	s0 =	simm.s32 @p0 $0x1  }
0x13: {  	[smem:$0x3FA5] =	sst s0;
	s0 =	simm.s32 @!p1 $0x0  }
0x14: {  	s2 =	sld [smem:$0x3F89];
	s0 =	simm.s32 @p1 $0x1  }
0x15: {  	[smem:$0x3FA6] =	sst s0;
	s0 =	simm.s32 @!p2 $0x0  }
0x16: {  	s3 =	sld [smem:$0x3FDB];
	s0 =	simm.s32 @p2 $0x1  }
0x17: {  	s4 =	simm.s32 $0x1BF5;
	[smem:$0x3FA8] =	sst s0  }
0x18: {  	s0 =	sld [smem:$0x3F8B];
	_ =	swait.ge [sflag:s4], $0x0  }
0x19: {  	s7 =	sld [smem:$0x3F8C]  }
0x1a: {  	s8 =	sadd.s32 $0xFFFFE003, lr  }
0x1b: {  	s9 =	sadd.s32 $0xFFFFFEF7, lr;
	s5 =	simm.s32 $0xFFFFFFFF;
	p2 =	slt.u32 s8, $0xFFFFF086  }
0x1c: {  	p1 =	slt.u32 s9, $0xF7A;
	s5 =	simm.s32 @!p2 $0x0  }
0x1d: {  	s5 =	simm.s32 @p1 $0x1;
	p0 =	seq.s32 s7, s2  }
0x1e: {  	s7 =	smul.u32 @!p0 $0xF7A, s2;
	p2 =	seq.s32 @!p0 s5, $0x0  }
0x1f: {  	s9 =	smul.u32 $0xF7A, s1;
	s8 =	simm.s32 @!p0 $0x1BF5;
	p2 =	por !p2, p0  }
0x20: {  	[sflag:s8] =	ssyncset.s32 @!p0 $0xFFFFF086;
	s6 =	sadd.s32 @!p0 s3, s7;
	s7 =	simm.s32 @!p0 $0x108  }
0x21: {  	s3 =	sadd.s32 s3, s9;
	s6 =	sadd.s32 @!p0 $0x88, s6;
	s7 =	simm.s32 @p2 $0x1082  }
0x22: {  	[simem:s7], [sflag:s8] =	dma.local @!p0 [hbm:s6], $0xF7A  }
0x23: {  	s9 =	sor.u32 $0xD0000000, s2;
	s6 =	simm.s32 $0x108;
	_ =	swait.ge @!p0 [sflag:s8], $0x0  }
0x24: {  	s3 =	sadd.s32 $0x88, s3;
	s6 =	simm.s32 @!p1 $0x1082;
	[sflag:s4] =	ssyncset.s32 $0xFFFFF086  }
0x25: {  	[simem:s6], [sflag:s4] =	dma.local [hbm:s3], $0xF7A  }
0x26: {  	[smem:$0x3F8C] =	sst s1;
	(tag) =	ssettag s2;
	_ =	strace s9  }
0x27: {  	s1 =	sld [smem:$0x3F9C]  }
0x28: {  	s2 =	sld [smem:$0x3F9D]  }
0x29: {  	s4 =	sld [smem:$0x3F9F]  }
0x2a: {  	p0 =	seq.s32 s5, $0x0;
	s5 =	sld [smem:$0x3FA0]  }
0x2b: {  	s6 =	sld [smem:$0x3FA1]  }
0x2c: {  	s7 =	sld [smem:$0x3FA2]  }
0x2d: {  	s3 =	simm.s32 $0x108;
	s8 =	sld [smem:$0x3FA3]  }
0x2e: {  	s3 =	simm.s32 @!p0 $0x1082;
	s9 =	sld [smem:$0x3FA4]  }
0x2f: {  	lr =	sadd.s32 s0, s3;
	s0 =	sld [smem:$0x3F9B]  }
0x30: {  	s3 =	sld [smem:$0x3F9E]  }
0x31: {  	[smem:$0x3FA7] =	sst s10  }
0x32: {  	s10 =	sld [smem:$0x3FA5];
	_ =	sdelay $0x3  }
0x33: {  	p0 =	seq.s32 s10, $0x1;
	s10 =	sld [smem:$0x3FA7];
	_ =	sdelay $0x3  }
0x34: {  	[smem:$0x3FA7] =	sst s10  }
0x35: {  	s10 =	sld [smem:$0x3FA6];
	_ =	sdelay $0x3  }
0x36: {  	p1 =	seq.s32 s10, $0x1;
	s10 =	sld [smem:$0x3FA7];
	_ =	sdelay $0x3  }
0x37: {  	[smem:$0x3FA7] =	sst s10  }
0x38: {  	s10 =	sld [smem:$0x3FA8]  }
0x39: {  	_ = 	snop;
	(pc) =	sbr.ind lr, $3  }
0x3a: {  	_ = 	snop  }
0x3b: {  	_ = 	snop  }
0x3c: {  	p2 =	seq.s32 s10, $0x1;
	s10 =	sld [smem:$0x3FA7]  }
0x3d: {  	_ =	shalt  }
0x3e: {  	_ =	shalt  }
0x3f: {  	_ =	shalt  }
0x40: {  	_ =	shalt  }
0x41: {  	_ =	shalt  }
0x42: {  	_ =	shalt  }
0x43: {  	_ =	shalt  }
0x44: {  	_ =	shalt  }
0x45: {  	_ =	shalt  }
0x46: {  	_ =	shalt  }
0x47: {  	_ =	shalt  }
0x48: {  	_ =	shalt  }
0x49: {  	_ =	shalt  }
0x4a: {  	_ =	shalt  }
0x4b: {  	_ =	shalt  }
0x4c: {  	_ =	shalt  }
0x4d: {  	_ =	shalt  }
0x4e: {  	_ =	shalt  }
0x4f: {  	_ =	shalt  }
0x50: {  	_ =	shalt  }
0x51: {  	_ =	shalt  }
0x52: {  	_ =	shalt  }
0x53: {  	_ =	shalt  }
0x54: {  	_ =	shalt  }
0x55: {  	_ =	shalt  }
0x56: {  	_ =	shalt  }
0x57: {  	_ =	shalt  }
0x58: {  	_ =	shalt  }
0x59: {  	_ =	shalt  }
0x5a: {  	_ =	shalt  }
0x5b: {  	_ =	shalt  }
0x5c: {  	_ =	shalt  }
0x5d: {  	_ =	shalt  }
0x5e: {  	_ =	shalt  }
0x5f: {  	_ =	shalt  }
0x60: {  	_ =	shalt  }
0x61: {  	_ =	shalt  }
0x62: {  	_ =	shalt  }
0x63: {  	_ =	shalt  }
0x64: {  	_ =	shalt  }
0x65: {  	_ =	shalt  }
0x66: {  	_ =	shalt  }
0x67: {  	_ =	shalt  }
0x68: {  	_ =	shalt  }
0x69: {  	_ =	shalt  }
0x6a: {  	_ =	shalt  }
0x6b: {  	_ =	shalt  }
0x6c: {  	_ =	shalt  }
0x6d: {  	_ =	shalt  }
0x6e: {  	_ =	shalt  }
0x6f: {  	_ =	shalt  }
0x70: {  	_ =	shalt  }
0x71: {  	_ =	shalt  }
0x72: {  	_ =	shalt  }
0x73: {  	_ =	shalt  }
0x74: {  	_ =	shalt  }
0x75: {  	_ =	shalt  }
0x76: {  	_ =	shalt  }
0x77: {  	_ =	shalt  }
0x78: {  	_ =	shalt  }
0x79: {  	_ =	shalt  }
0x7a: {  	_ =	shalt  }
0x7b: {  	_ =	shalt  }
0x7c: {  	_ =	shalt  }
0x7d: {  	_ =	shalt  }
0x7e: {  	_ =	shalt  }
0x7f: {  	_ =	shalt  }
0x80: {  	_ =	shalt  }
0x81: {  	_ =	shalt  }
0x82: {  	_ =	shalt  }
0x83: {  	_ =	shalt  }
0x84: {  	_ =	shalt  }
0x85: {  	_ =	shalt  }
0x86: {  	_ =	shalt  }
0x87: {  	_ =	shalt  }
.Lfunc_end0:
.L_simem_size_0:
called_computation.1_lowered:
.L_overlay_start_0:
0x88: {  	s2 =	sld [smem:$0x3FD9]  }
0x89: {  	s3 =	sld [smem:$0x3FFE];
	_ =	sdelay $0x1  }
0x8a: {  	s1 =	srdreg.scid  }
0x8b: {  	s0 =	sand.u32 $0x1, s1  }
0x8c: {  	s14 =	sshll.u32 s0, $0xA;
	s2 =	sadd.s32 s3, s2  }
0x8d: {  	s2 =	sadd.s32 s2, s14  }
0x8e: {  	[smem:$0x3FB3] =	sst s2  }
0x8f: {  	_ = 	snop  }
0x90: {  	s2 =	sld [smem:$0x3FD0];
	_ =	sdelay $0x2  }
0x91: {  	s15 =	simm.s32 $0xA;
	s4 =	simm.s32 $0x10  }
0x92: {  	[smem:s4], [sflag:s15] =	dma.local [hbm:s2], $0x1  }
0x93: {  	_ =	swait.eq [sflag:s15], $0x1  }
0x94: {  	[sflag:s15] =	ssyncset.done $0x0  }
0x95: {  	[sflag:s15] =	ssyncadd.s32 $0xFFFFFFFF  }
0x96: {  	s16 =	sld [smem:$0x10];
	(tm) =	ssettm $0x1  }
0x97: {  	s17 =	sld [smem:$0x3FFB];
	_ =	sdelay $0x3  }
0x98: {  	_ =	strace s17  }
0x99: {  	s3 =	sld [smem:$0x3FFC];
	_ =	sdelay $0x3  }
0x9a: {  	_ =	strace s3  }
0x9b: {  	s3 =	sld [smem:$0x3FFD];
	_ =	sdelay $0x3  }
0x9c: {  	_ =	strace s3  }
0x9d: {  	_ =	strace $0x8FFFFFFF  }
0x9e: {  	s18 =	sld [smem:$0x3FDB];
	_ =	sdelay $0x1  }
0x9f: {  	s19 =	simm.s32 $_scs_section_size  }
0xa0: {  	s5 =	simm.s32 $_size__tile_overlayer_lowered;
	s6 =	simm.s32 $_tile_overlayer_lowered  }
0xa1: {  	s22 =	simm.s32 $0x1BFF;
	s21 =	sshll.u32 s6, $0x1;
	s3 =	sadd.s32 s19, s18  }
0xa2: {  	s7 =	simm.s32 $0x0;
	s20 =	sshll.u32 s5, $0x1;
	s5 =	sadd.s32 s21, s3  }
0xa3: {  	[timem:s7], [sflag:s22] =	dma.local [hbm:s5], s20  }
0xa4: {  	_ =	swait.ge [sflag:s22], s20  }
0xa5: {  	s4 =	ssub.s32 $0x0, s20;
	[sflag:s22] =	ssyncset.done $0x0  }
0xa6: {  	[sflag:s22] =	ssyncadd.s32 s4;
	_ =	sdelay $0x1  }
0xa7: {  	s23 =	simm.s32 $0x1B8B  }
0xa8: {  	_ =	swait.ge [sflag:s23], $0x1  }
0xa9: {  	[sflag:s23] =	ssyncset.done $0x0  }
0xaa: {  	s25 =	simm.s32 $0x1B8E;
	s24 =	sld [smem:$0x3FFE];
	[sflag:s23] =	ssyncadd.s32 $0xFFFFFFFF  }
0xab: {  	s26 =	simm.s32 $execute0_lowered;
	[smem:$0x3FD2] =	sst s25  }
0xac: {  	s5 =	sshll.u32 s26, $0x1;
	_ =	strace $0x80000049;
	[dreg:$0x1] =	wrdreg $0xFFFFFFFF  }
0xad: {  	s28 =	simm.s32 $_size_execute0_lowered;
	s3 =	sadd.s32 s3, s5;
	[dreg:$0x0] =	wrdreg $0x0  }
0xae: {  	s5 =	sshll.u32 s28, $0x1;
	[dreg:$0x2] =	wrdreg s3  }
0xaf: {  	[dreg:$0x3] =	wrdreg s5  }
0xb0: {  	[dreg:$0x4] =	wrdreg $0xC0  }
0xb1: {  	_ =	task [dreg:s7], $0x5FFFF  }
0xb2: {  	[dreg:$0x1] =	wrdreg $0xFFFFFFFF  }
0xb3: {  	[dreg:$0x0] =	wrdreg $0x60  }
0xb4: {  	[dreg:$0x2] =	wrdreg s24  }
0xb5: {  	[dreg:$0x3] =	wrdreg s16  }
0xb6: {  	[dreg:$0x4] =	wrdreg $0xE4000  }
0xb7: {  	[dreg:$0x5] =	wrdreg $0x134000  }
0xb8: {  	[dreg:$0x6] =	wrdreg $0x184000  }
0xb9: {  	[dreg:$0x7] =	wrdreg $0x9  }
0xba: {  	_ =	task.clear_ibuf [dreg:s7], $0x8FFFF;
	_ =	strace $0x90000049  }
0xbb: {  	s29 =	simm.s32 $0x9;
	_ =	strace $0x8000004B  }
0xbc: {  	_ =	swait.ge [sflag:s29], $0x1  }
0xbd: {  	[sflag:s29] =	ssyncadd.s32 $0xFFFFFFFF  }
0xbe: {  	_ =	strace $0x9000004B  }
0xbf: {  	_ =	sfence  }
0xc0: {  	s30 =	sld [smem:$0x0];
	_ =	sdelay $0x2  }
0xc1: {  	s31 =	sshll.u32 s1, $0xD;
	s1 =	sshrl.u32 s1, $0x2  }
0xc2: {  	s3 =	sand.u32 $0x4000, s31;
	s1 =	sadd.s32 s1, s30  }
0xc3: {  	s0 =	sor.u32 s3, s0;
	s1 =	sshll.u32 s1, $0x11  }
0xc4: {  	s0 =	sor.u32 s1, s0  }
0xc5: {  	s0 =	sadd.s32 $0x8F2B, s0  }
0xc6: {  	[sflag:s0] =	ssyncadd.remote.s32 $0x1  }
0xc7: {  	_ =	sfence.sel $0xFFFF  }
0xc8: {  	[dreg:$0x0] =	wrdreg $0xFFFFFFFF;
	(pc) =	sbr.abs _section_cstart, $3  }
0xc9: {  	[dreg:$0x1] =	wrdreg $0xFFFFFFFF  }
0xca: {  	_ =	task.clear_ibuf [dreg:s7], $0x2FFFF;
	_ =	strace $0x9FFFFFFF  }
0xcb: {  	(tm) =	ssettm $0x7FFFFFFF  }
tec
execute0_lowered:
.L_overlay_start_1:
0x0: {  	(tag) =	ssettag $0x1  }
0x1: {  	s0 =	rddreg [dreg:$0x0]  }
0x2: {  	s2 =	rddreg [dreg:$0x1]  }
0x3: {  	s1 =	rddreg [dreg:$0x2]  }
0x4: {  	s3 =	rddreg [dreg:$0x3];
	s5 =	srdreg.scid  }
0x5: {  	s13 =	stileid.u32;
	s4 =	rddreg [dreg:$0x4]  }
0x6: {  	s8 =	simm.s32 $0x0;
	s29 =	simm.s32 $0x5;
	s6 =	smul.u32 $0x5000, s13  }
0x7: {  	s30 =	simm.s32 $0x2800;
	s31 =	simm.s32 $0xA100;
	s9 =	smul.u32 $0x280, s13  }
0x8: {  	s5 =	sand.u32 $0x1, s5;
	[smem:$0x7FF] =	sst s8;
	s13 =	smul.u32 $0xA20, s13  }
0x9: {  	s11 =	sadd.s32 $0x16E00, s0;
	s7 =	smul.u32 $0x50000, s5;
	s10 =	ssub.s32 $0x2, s5  }
0xa: {  	_ =	strace $0x8000004A;
	p0 =	sne.s32 s5, $0x0;
	s12 =	sshrl.u32 s10, $0x1  }
0xb: {  	s14 =	sshrl.u32 s9, $0x3;
	s2 =	sadd.s32 s2, s13;
	s13 =	sadd.s32 $0x100, s9  }
0xc: {  	s16 =	sadd.s32 $0x180, s9;
	s20 =	sadd.s32 $0x200, s9;
	s25 =	sadd.s32 s6, s7  }
0xd: {  	s10 =	ssub.s32 s10, s12;
	s12 =	sadd.s32 $0x80, s9;
	[dreg:$0x6] =	wrdreg s2  }
0xe: {  	s15 =	sshll.u32 s13, $0x5;
	s18 =	sshll.u32 s16, $0x5;
	s22 =	sshll.u32 s20, $0x5  }
0xf: {  	s8 =	sshrl.u32 s25, $0x3;
	s2 =	sshll.u32 s12, $0x5;
	s26 =	sadd.s32 s7, s15  }
0x10: {  	s19 =	sadd.s32 s7, s18;
	s25 =	sadd.s32 s14, s0;
	s14 =	sadd.s32 s12, s4  }
0x11: {  	s28 =	sadd.s32 s18, s3;
	s18 =	sadd.s32 s16, s4;
	s12 =	simm.s32 $0x2  }
0x12: {  	s17 =	sadd.s32 s7, s2;
	s7 =	sadd.s32 s7, s22;
	[dreg:$0x11] =	wrdreg s14  }
0x13: {  	s5 =	sshrl.u32 s19, $0x3;
	s23 =	sadd.s32 s11, s8;
	[dreg:$0x15] =	wrdreg s18  }
0x14: {  	s24 =	sadd.s32 s8, s0;
	s22 =	sadd.s32 s22, s3;
	[dreg:$0xb] =	wrdreg s23  }
0x15: {  	s19 =	sadd.s32 s9, s4;
	s9 =	simm.s32 $0xB400;
	[dreg:$0x16] =	wrdreg s22  }
0x16: {  	s14 =	simm.s32 $0xA380;
	s5 =	sadd.s32 s11, s5;
	[dreg:$0xf] =	wrdreg s19  }
0x17: {  	s18 =	simm.s32 $0xD400;
	s8 =	sadd.s32 $0x2200, s24;
	[dreg:$0x9] =	wrdreg s5  }
0x18: {  	s17 =	sshrl.u32 s17, $0x3;
	s23 =	sadd.s32 s20, s4;
	[dreg:$0xe] =	wrdreg s8  }
0x19: {  	s7 =	sshrl.u32 s7, $0x3;
	s24 =	sadd.s32 $0x2AE00, s25;
	[dreg:$0x17] =	wrdreg s23  }
0x1a: {  	s25 =	smax.u32 s10, $0x1;
	s10 =	simm.s32 $0x1;
	[dreg:$0x18] =	wrdreg s24  }
0x1b: {  	s20 =	simm.s32 $0x3;
	s17 =	sadd.s32 s11, s17;
	[dreg:$0x19] =	wrdreg s25  }
0x1c: {  	s22 =	simm.s32 $0x4;
	s21 =	sadd.s32 s11, s7;
	[dreg:$0x7] =	wrdreg s17  }
0x1d: {  	s17 =	sshrl.u32 s26, $0x3;
	[dreg:$0xa] =	wrdreg s21;
	s26 =	sadd.s32 $0x16200, s0  }
0x1e: {  	s7 =	simm.s32 $0xA400;
	s0 =	sadd.s32 $0x16800, s0;
	[dreg:$0xc] =	wrdreg s26  }
0x1f: {  	s8 =	simm.s32 $0xA280;
	s21 =	sadd.s32 s2, s3;
	[dreg:$0xd] =	wrdreg s0  }
0x20: {  	s24 =	simm.s32 $0x0;
	s17 =	sadd.s32 s11, s17;
	[dreg:$0x12] =	wrdreg s21  }
0x21: {  	s26 =	sadd.s32 s15, s3;
	s15 =	sadd.s32 s13, s4;
	[dreg:$0x8] =	wrdreg s17  }
0x22: {  	s2 =	simm.s32 $0xC400;
	s11 =	sadd.s32 s6, s1;
	[dreg:$0x13] =	wrdreg s15  }
0x23: {  	s13 =	simm.s32 $0xA180;
	s0 =	sshrl.u32 s11, $0x3;
	[dreg:$0x14] =	wrdreg s26  }
0x24: {  	v1 =	vimm.s32 $0x0;
	vm0 =	vcmask $0x300;
	s17 =	sadd.s32 s6, s3;
	s6 =	simm.s32 $0xA200;
	[dreg:$0x1a] =	wrdreg s0  }
0x25: {  	v0 =	vimm.f32 $0.0e+00;
	v1 =	vsel vm0, $0x3, v1;
	s11 =	simm.s32 $0xA300;
	s0 =	simm.s32 $0x80;
	[dreg:$0x10] =	wrdreg s17  }
.LBB2_1:
0x26: {  	s5 =	simm.s32 $0x0;
	s15 =	rddreg [dreg:$0xc]  }
0x27: {  	[tilespmem:s5], [sflag:$0x5] =	stream.linear.gather [hbm4b:s15+s5], $0x2800, $0x38;
	[tilespmem:$0x18680] =	vst v63  }
0x28: {  	_ =	swait.ge [sflag:s29], $0x2800  }
0x29: {  	[sflag:s29] =	ssyncset.done $0x0  }
0x2a: {  	s23 =	rddreg [dreg:$0xd];
	[sflag:s29] =	ssyncadd.s32 $0xFFFFD800  }
0x2b: {  	[tilespmem:s30], [sflag:$0x5] =	stream.linear.gather [hbm4b:s23+s5], $0x2800, $0x38;
	[tilespmem:$0x18680] =	vst v63  }
0x2c: {  	_ =	swait.ge [sflag:s29], $0x2800  }
0x2d: {  	[sflag:s29] =	ssyncset.done $0x0  }
0x2e: {  	s16 =	simm.s32 $0x5000;
	s25 =	rddreg [dreg:$0x6];
	[sflag:s29] =	ssyncadd.s32 $0xFFFFD800  }
0x2f: {  	[tilespmem:s16], [sflag:$0x5] =	stream.linear.gather [hbm4b:s25+s5], $0x5100, $0x38;
	[tilespmem:$0x18680] =	vst v63  }
0x30: {  	s15 =	stileid.u32;
	_ =	swait.ge [sflag:s29], $0x5100  }
0x31: {  	s5 =	sshll.u32 s15, $0x6;
	[sflag:s29] =	ssyncset.done $0x0;
	s16 =	rddreg [dreg:$0xe]  }
0x32: {  	s25 =	sor.u32 $0x1C05, s5;
	s23 =	rddreg [dreg:$0x1a];
	[sflag:s29] =	ssyncadd.s32 $0xFFFFAF00  }
0x33: {  	[spmem:s23], [sflag:s25] =	dma.local [hbm:s16], $0xA00  }
0x34: {  	_ =	swait.ge [sflag:s29], $0xA00  }
0x35: {  	[sflag:s29] =	ssyncset.done $0x0  }
0x36: {  	s15 =	simm.s32 $0x0;
	s5 =	simm.s32 $0x80;
	[sflag:s29] =	ssyncadd.s32 $0xFFFFF600  }
.LBB2_2:
0x37: {  	p1 =	sne.s32 s5, $0x3F80;
	[tilespmem:s15+$0xC400] =	vst v0;
	s16 =	smov.u32 s5;
	s5 =	sadd.s32 $0x80, s5  }
.Ltmp0:
0x38: {  	[tilespmem:s15+$0xC410] =	vst v0;
	(pc) =	sbr.rel @p1 .LBB2_2-.Ltmp0, $2  }
0x39: {  	_ =	sdelay $0x2  }
0x3a: {  	s15 =	sshra.s32 s16, $0x2  }
0x3b: {  	[tilespmem:s15+$0xC400] =	vst v0  }
0x3c: {  	[tilespmem:s15+$0xC410] =	vst v0  }
0x3d: {  	[tilespmem:$0xA100] =	vst v0  }
0x3e: {  	[tilespmem:$0xA110] =	vst v0  }
0x3f: {  	[tilespmem:$0xA120] =	vst v0  }
0x40: {  	[tilespmem:$0xA130] =	vst v0  }
0x41: {  	[tilespmem:$0xA140] =	vst v0  }
0x42: {  	[tilespmem:$0xA150] =	vst v0  }
0x43: {  	[tilespmem:$0xA160] =	vst v0  }
0x44: {  	[tilespmem:$0xA170] =	vst v0  }
0x45: {  	[spmem:s17] =	stream.linear.scatter [tilespmem:s2], [sflag:$0x5], $0x1000, $0x38;
	[tilespmem:$0x18680] =	vst v63  }
0x46: {  	_ =	swait.ge [sflag:s29], $0x1000  }
0x47: {  	[sflag:s29] =	ssyncset.done $0x0  }
0x48: {  	[sflag:s29] =	ssyncadd.s32 $0xFFFFF000  }
0x49: {  	[spmem:s19] =	stream.linear.scatter [tilespmem:s31], [sflag:$0x5], $0x80, $0x38;
	[tilespmem:$0x18680] =	vst v63  }
0x4a: {  	_ =	swait.ge [sflag:s29], $0x80  }
0x4b: {  	[sflag:s29] =	ssyncset.done $0x0  }
0x4c: {  	[sflag:s29] =	ssyncadd.s32 $0xFFFFFF80  }
0x4d: {  	[spmem:s21] =	stream.linear.scatter [tilespmem:s2], [sflag:$0x5], $0x1000, $0x38;
	[tilespmem:$0x18680] =	vst v63  }
0x4e: {  	_ =	swait.ge [sflag:s29], $0x1000  }
0x4f: {  	[sflag:s29] =	ssyncset.done $0x0  }
0x50: {  	s5 =	rddreg [dreg:$0x11];
	[sflag:s29] =	ssyncadd.s32 $0xFFFFF000  }
0x51: {  	[spmem:s5] =	stream.linear.scatter [tilespmem:s31], [sflag:$0x5], $0x80, $0x38;
	[tilespmem:$0x18680] =	vst v63  }
0x52: {  	_ =	swait.ge [sflag:s29], $0x80  }
0x53: {  	[sflag:s29] =	ssyncset.done $0x0  }
0x54: {  	[sflag:s29] =	ssyncadd.s32 $0xFFFFFF80  }
0x55: {  	[spmem:s26] =	stream.linear.scatter [tilespmem:s2], [sflag:$0x5], $0x1000, $0x38;
	[tilespmem:$0x18680] =	vst v63  }
0x56: {  	_ =	swait.ge [sflag:s29], $0x1000  }
0x57: {  	[sflag:s29] =	ssyncset.done $0x0  }
0x58: {  	s17 =	rddreg [dreg:$0x13];
	[sflag:s29] =	ssyncadd.s32 $0xFFFFF000  }
0x59: {  	[spmem:s17] =	stream.linear.scatter [tilespmem:s31], [sflag:$0x5], $0x80, $0x38;
	[tilespmem:$0x18680] =	vst v63  }
0x5a: {  	_ =	swait.ge [sflag:s29], $0x80  }
0x5b: {  	[sflag:s29] =	ssyncset.done $0x0  }
0x5c: {  	[sflag:s29] =	ssyncadd.s32 $0xFFFFFF80  }
0x5d: {  	[spmem:s28] =	stream.linear.scatter [tilespmem:s2], [sflag:$0x5], $0x1000, $0x38;
	[tilespmem:$0x18680] =	vst v63  }
0x5e: {  	_ =	swait.ge [sflag:s29], $0x1000  }
0x5f: {  	[sflag:s29] =	ssyncset.done $0x0  }
0x60: {  	s19 =	rddreg [dreg:$0x15];
	[sflag:s29] =	ssyncadd.s32 $0xFFFFF000  }
0x61: {  	[spmem:s19] =	stream.linear.scatter [tilespmem:s31], [sflag:$0x5], $0x80, $0x38;
	[tilespmem:$0x18680] =	vst v63  }
0x62: {  	_ =	swait.ge [sflag:s29], $0x80  }
0x63: {  	[sflag:s29] =	ssyncset.done $0x0  }
0x64: {  	s21 =	rddreg [dreg:$0x16];
	[sflag:s29] =	ssyncadd.s32 $0xFFFFFF80  }
0x65: {  	[spmem:s21] =	stream.linear.scatter [tilespmem:s2], [sflag:$0x5], $0x1000, $0x38;
	[tilespmem:$0x18680] =	vst v63  }
0x66: {  	_ =	swait.ge [sflag:s29], $0x1000  }
0x67: {  	[sflag:s29] =	ssyncset.done $0x0  }
0x68: {  	s26 =	rddreg [dreg:$0x17];
	[sflag:s29] =	ssyncadd.s32 $0xFFFFF000  }
0x69: {  	[spmem:s26] =	stream.linear.scatter [tilespmem:s31], [sflag:$0x5], $0x80, $0x38;
	[tilespmem:$0x18680] =	vst v63  }
0x6a: {  	_ =	swait.ge [sflag:s29], $0x80  }
0x6b: {  	[sflag:s29] =	ssyncset.done $0x0  }
0x6c: {  	s23 =	smov.u32 s28;
	[sflag:s29] =	ssyncadd.s32 $0xFFFFFF80  }
0x6d: {  	s28 =	simm.s32 $0x0;
	s26 =	simm.s32 $0x0;
	[bflag:$0x0] =	sbarrier.arrive $0xFFFF  }
.LBB2_4:
0x6e: {  	s5 =	sshll.u32 s28, $0x8  }
0x6f: {  	s5 =	sand.u32 $0x3FFFFF00, s5  }
0x70: {  	v2 =	vld [tilespmem:s5+$0x5000];
	_ =	sdelay $0x4  }
0x71: {  	v3 =	vshrl.u32 v2, $0xE  }
0x72: {  	v2 =	vand.u32 $0x3FFF, v2;
	_ =	sdelay $0x1  }
0x73: {  	[tilespmem:$0xA200] =	vst v3  }
0x74: {  	[tilespmem:$0xA300] =	vst v2  }
0x75: {  	v3 =	vld.idx.msk [tilespmem:v3+s26+$0x0], $0xffff  }
0x76: {  	v2 =	vld.idx.msk [tilespmem:v2+s30+$0x0], $0xffff;
	_ =	sdelay $0x4  }
0x77: {  	v2 =	vadd.f32 v2, v3;
	_ =	sdelay $0x1  }
0x78: {  	v3 =	vmul.f32 $2.000000030e-01, v2  }
0x79: {  	vm0 =	vge.f32 v2, $0.0e+00  }
0x7a: {  	v2 =	vsel vm0, v2, v3  }
0x7b: {  	v2 =	vmul.f32 $1.442695020e+00, v2;
	_ =	sdelay $0x1  }
0x7c: {  	(erf) = vpow2.f32 v2;
	_ =	sdelay $0x8  }
0x7d: {  	v2 =	vpop (erf)  }
0x7e: {  	[tilespmem:$0xA100] =	vst v2  }
0x7f: {  	v2 =	vld [tilespmem:s5+$0x5010];
	_ =	sdelay $0x4  }
0x80: {  	v3 =	vshrl.u32 v2, $0xE  }
0x81: {  	v2 =	vand.u32 $0x3FFF, v2;
	_ =	sdelay $0x1  }
0x82: {  	[tilespmem:$0xA210] =	vst v3  }
0x83: {  	[tilespmem:$0xA310] =	vst v2  }
0x84: {  	v3 =	vld.idx.msk [tilespmem:v3+s26+$0x0], $0xffff  }
0x85: {  	v2 =	vld.idx.msk [tilespmem:v2+s30+$0x0], $0xffff;
	_ =	sdelay $0x4  }
0x86: {  	v2 =	vadd.f32 v2, v3;
	_ =	sdelay $0x1  }
0x87: {  	v3 =	vmul.f32 $2.000000030e-01, v2  }
0x88: {  	vm13 =	vge.f32 v2, $0.0e+00  }
0x89: {  	v2 =	vsel vm13, v2, v3  }
0x8a: {  	v2 =	vmul.f32 $1.442695020e+00, v2;
	_ =	sdelay $0x1  }
0x8b: {  	(erf) = vpow2.f32 v2;
	_ =	sdelay $0x8  }
0x8c: {  	v2 =	vpop (erf)  }
0x8d: {  	[tilespmem:$0xA110] =	vst v2  }
0x8e: {  	v2 =	vld [tilespmem:s5+$0x5020];
	_ =	sdelay $0x4  }
0x8f: {  	v3 =	vshrl.u32 v2, $0xE  }
0x90: {  	v2 =	vand.u32 $0x3FFF, v2;
	_ =	sdelay $0x1  }
0x91: {  	[tilespmem:$0xA220] =	vst v3  }
0x92: {  	[tilespmem:$0xA320] =	vst v2  }
0x93: {  	v3 =	vld.idx.msk [tilespmem:v3+s26+$0x0], $0xffff  }
0x94: {  	v2 =	vld.idx.msk [tilespmem:v2+s30+$0x0], $0xffff;
	_ =	sdelay $0x4  }
0x95: {  	v2 =	vadd.f32 v2, v3;
	_ =	sdelay $0x1  }
0x96: {  	v3 =	vmul.f32 $2.000000030e-01, v2  }
0x97: {  	vm14 =	vge.f32 v2, $0.0e+00  }
0x98: {  	v2 =	vsel vm14, v2, v3  }
0x99: {  	v2 =	vmul.f32 $1.442695020e+00, v2;
	_ =	sdelay $0x1  }
0x9a: {  	(erf) = vpow2.f32 v2;
	_ =	sdelay $0x8  }
0x9b: {  	v2 =	vpop (erf)  }
0x9c: {  	[tilespmem:$0xA120] =	vst v2  }
0x9d: {  	v2 =	vld [tilespmem:s5+$0x5030];
	_ =	sdelay $0x4  }
0x9e: {  	v3 =	vshrl.u32 v2, $0xE  }
0x9f: {  	v2 =	vand.u32 $0x3FFF, v2;
	_ =	sdelay $0x1  }
0xa0: {  	[tilespmem:$0xA230] =	vst v3  }
0xa1: {  	[tilespmem:$0xA330] =	vst v2  }
0xa2: {  	v3 =	vld.idx.msk [tilespmem:v3+s26+$0x0], $0xffff  }
0xa3: {  	v2 =	vld.idx.msk [tilespmem:v2+s30+$0x0], $0xffff;
	_ =	sdelay $0x4  }
0xa4: {  	v2 =	vadd.f32 v2, v3;
	_ =	sdelay $0x1  }
0xa5: {  	v3 =	vmul.f32 $2.000000030e-01, v2  }
0xa6: {  	vm15 =	vge.f32 v2, $0.0e+00  }
0xa7: {  	v2 =	vsel vm15, v2, v3  }
0xa8: {  	v2 =	vmul.f32 $1.442695020e+00, v2;
	_ =	sdelay $0x1  }
0xa9: {  	(erf) = vpow2.f32 v2;
	_ =	sdelay $0x8  }
0xaa: {  	v2 =	vpop (erf)  }
0xab: {  	[tilespmem:$0xA130] =	vst v2  }
0xac: {  	v2 =	vld [tilespmem:s5+$0x5040];
	_ =	sdelay $0x4  }
0xad: {  	v3 =	vshrl.u32 v2, $0xE  }
0xae: {  	v2 =	vand.u32 $0x3FFF, v2;
	_ =	sdelay $0x1  }
0xaf: {  	[tilespmem:$0xA240] =	vst v3  }
0xb0: {  	[tilespmem:$0xA340] =	vst v2  }
0xb1: {  	v3 =	vld.idx.msk [tilespmem:v3+s26+$0x0], $0xffff  }
0xb2: {  	v2 =	vld.idx.msk [tilespmem:v2+s30+$0x0], $0xffff;
	_ =	sdelay $0x4  }
0xb3: {  	v2 =	vadd.f32 v2, v3;
	_ =	sdelay $0x1  }
0xb4: {  	v3 =	vmul.f32 $2.000000030e-01, v2  }
0xb5: {  	vm4 =	vge.f32 v2, $0.0e+00  }
0xb6: {  	v2 =	vsel vm4, v2, v3  }
0xb7: {  	v2 =	vmul.f32 $1.442695020e+00, v2;
	_ =	sdelay $0x1  }
0xb8: {  	(erf) = vpow2.f32 v2;
	_ =	sdelay $0x8  }
0xb9: {  	v2 =	vpop (erf)  }
0xba: {  	[tilespmem:$0xA140] =	vst v2  }
0xbb: {  	v2 =	vld [tilespmem:s5+$0x5050];
	_ =	sdelay $0x4  }
0xbc: {  	v3 =	vshrl.u32 v2, $0xE  }
0xbd: {  	v2 =	vand.u32 $0x3FFF, v2;
	_ =	sdelay $0x1  }
0xbe: {  	[tilespmem:$0xA250] =	vst v3  }
0xbf: {  	[tilespmem:$0xA350] =	vst v2  }
0xc0: {  	v3 =	vld.idx.msk [tilespmem:v3+s26+$0x0], $0xffff  }
0xc1: {  	v2 =	vld.idx.msk [tilespmem:v2+s30+$0x0], $0xffff;
	_ =	sdelay $0x4  }
0xc2: {  	v2 =	vadd.f32 v2, v3;
	_ =	sdelay $0x1  }
0xc3: {  	v3 =	vmul.f32 $2.000000030e-01, v2  }
0xc4: {  	vm5 =	vge.f32 v2, $0.0e+00  }
0xc5: {  	v2 =	vsel vm5, v2, v3  }
0xc6: {  	v2 =	vmul.f32 $1.442695020e+00, v2;
	_ =	sdelay $0x1  }
0xc7: {  	(erf) = vpow2.f32 v2;
	_ =	sdelay $0x8  }
0xc8: {  	v2 =	vpop (erf)  }
0xc9: {  	[tilespmem:$0xA150] =	vst v2  }
0xca: {  	v2 =	vld [tilespmem:s5+$0x5060];
	_ =	sdelay $0x4  }
0xcb: {  	v3 =	vshrl.u32 v2, $0xE  }
0xcc: {  	v2 =	vand.u32 $0x3FFF, v2;
	_ =	sdelay $0x1  }
0xcd: {  	[tilespmem:$0xA260] =	vst v3  }
0xce: {  	[tilespmem:$0xA360] =	vst v2  }
0xcf: {  	v3 =	vld.idx.msk [tilespmem:v3+s26+$0x0], $0xffff  }
0xd0: {  	v2 =	vld.idx.msk [tilespmem:v2+s30+$0x0], $0xffff;
	_ =	sdelay $0x4  }
0xd1: {  	v2 =	vadd.f32 v2, v3;
	_ =	sdelay $0x1  }
0xd2: {  	v3 =	vmul.f32 $2.000000030e-01, v2  }
0xd3: {  	vm6 =	vge.f32 v2, $0.0e+00  }
0xd4: {  	v2 =	vsel vm6, v2, v3  }
0xd5: {  	v2 =	vmul.f32 $1.442695020e+00, v2;
	_ =	sdelay $0x1  }
0xd6: {  	(erf) = vpow2.f32 v2;
	_ =	sdelay $0x8  }
0xd7: {  	v2 =	vpop (erf)  }
0xd8: {  	[tilespmem:$0xA160] =	vst v2  }
0xd9: {  	v2 =	vld [tilespmem:s5+$0x5070];
	_ =	sdelay $0x4  }
0xda: {  	v3 =	vshrl.u32 v2, $0xE  }
0xdb: {  	v2 =	vand.u32 $0x3FFF, v2;
	_ =	sdelay $0x1  }
0xdc: {  	[tilespmem:$0xA270] =	vst v3  }
0xdd: {  	[tilespmem:$0xA370] =	vst v2  }
0xde: {  	v3 =	vld.idx.msk [tilespmem:v3+s26+$0x0], $0xffff  }
0xdf: {  	v2 =	vld.idx.msk [tilespmem:v2+s30+$0x0], $0xffff;
	_ =	sdelay $0x4  }
0xe0: {  	v2 =	vadd.f32 v2, v3;
	_ =	sdelay $0x1  }
0xe1: {  	v3 =	vmul.f32 $2.000000030e-01, v2  }
0xe2: {  	vm7 =	vge.f32 v2, $0.0e+00  }
0xe3: {  	v2 =	vsel vm7, v2, v3  }
0xe4: {  	v2 =	vmul.f32 $1.442695020e+00, v2;
	_ =	sdelay $0x1  }
0xe5: {  	(erf) = vpow2.f32 v2;
	_ =	sdelay $0x8  }
0xe6: {  	v2 =	vpop (erf)  }
0xe7: {  	[tilespmem:$0xA170] =	vst v2  }
0xe8: {  	[tilespmem:s7], [sflag:$0x1] =	stream.indirect.gather [spmem:s1], $0x20, s6, s0, $0xb8;
	[tilespmem:$0x18680] =	vst v63  }
0xe9: {  	v2 =	vld [tilespmem:s5+$0x5080];
	_ =	sdelay $0x4  }
0xea: {  	v3 =	vshrl.u32 v2, $0xE  }
0xeb: {  	v2 =	vand.u32 $0x3FFF, v2;
	_ =	sdelay $0x1  }
0xec: {  	[tilespmem:$0xA280] =	vst v3  }
0xed: {  	[tilespmem:$0xA380] =	vst v2  }
0xee: {  	v3 =	vld.idx.msk [tilespmem:v3+s26+$0x0], $0xffff  }
0xef: {  	v2 =	vld.idx.msk [tilespmem:v2+s30+$0x0], $0xffff;
	_ =	sdelay $0x4  }
0xf0: {  	v2 =	vadd.f32 v2, v3;
	_ =	sdelay $0x1  }
0xf1: {  	v3 =	vmul.f32 $2.000000030e-01, v2  }
0xf2: {  	vm8 =	vge.f32 v2, $0.0e+00  }
0xf3: {  	v2 =	vsel vm8, v2, v3  }
0xf4: {  	v2 =	vmul.f32 $1.442695020e+00, v2;
	_ =	sdelay $0x1  }
0xf5: {  	(erf) = vpow2.f32 v2;
	_ =	sdelay $0x8  }
0xf6: {  	v2 =	vpop (erf)  }
0xf7: {  	[tilespmem:$0xA180] =	vst v2  }
0xf8: {  	v2 =	vld [tilespmem:s5+$0x5090];
	_ =	sdelay $0x4  }
0xf9: {  	v3 =	vshrl.u32 v2, $0xE  }
0xfa: {  	v2 =	vand.u32 $0x3FFF, v2;
	_ =	sdelay $0x1  }
0xfb: {  	[tilespmem:$0xA290] =	vst v3  }
0xfc: {  	[tilespmem:$0xA390] =	vst v2  }
0xfd: {  	v3 =	vld.idx.msk [tilespmem:v3+s26+$0x0], $0xffff  }
0xfe: {  	v2 =	vld.idx.msk [tilespmem:v2+s30+$0x0], $0xffff;
	_ =	sdelay $0x4  }
0xff: {  	v2 =	vadd.f32 v2, v3;
	_ =	sdelay $0x1  }
0x100: {  	v3 =	vmul.f32 $2.000000030e-01, v2  }
0x101: {  	vm9 =	vge.f32 v2, $0.0e+00  }
0x102: {  	v2 =	vsel vm9, v2, v3  }
0x103: {  	v2 =	vmul.f32 $1.442695020e+00, v2;
	_ =	sdelay $0x1  }
0x104: {  	(erf) = vpow2.f32 v2;
	_ =	sdelay $0x8  }
0x105: {  	v2 =	vpop (erf)  }
0x106: {  	[tilespmem:$0xA190] =	vst v2  }
0x107: {  	v2 =	vld [tilespmem:s5+$0x50A0];
	_ =	sdelay $0x4  }
0x108: {  	v3 =	vshrl.u32 v2, $0xE  }
0x109: {  	v2 =	vand.u32 $0x3FFF, v2;
	_ =	sdelay $0x1  }
0x10a: {  	[tilespmem:$0xA2A0] =	vst v3  }
0x10b: {  	[tilespmem:$0xA3A0] =	vst v2  }
0x10c: {  	v3 =	vld.idx.msk [tilespmem:v3+s26+$0x0], $0xffff  }
0x10d: {  	v2 =	vld.idx.msk [tilespmem:v2+s30+$0x0], $0xffff;
	_ =	sdelay $0x4  }
0x10e: {  	v2 =	vadd.f32 v2, v3;
	_ =	sdelay $0x1  }
0x10f: {  	v3 =	vmul.f32 $2.000000030e-01, v2  }
0x110: {  	vm10 =	vge.f32 v2, $0.0e+00  }
0x111: {  	v2 =	vsel vm10, v2, v3  }
0x112: {  	v2 =	vmul.f32 $1.442695020e+00, v2;
	_ =	sdelay $0x1  }
0x113: {  	(erf) = vpow2.f32 v2;
	_ =	sdelay $0x8  }
0x114: {  	v2 =	vpop (erf)  }
0x115: {  	[tilespmem:$0xA1A0] =	vst v2  }
0x116: {  	v2 =	vld [tilespmem:s5+$0x50B0];
	_ =	sdelay $0x4  }
0x117: {  	v3 =	vshrl.u32 v2, $0xE  }
0x118: {  	v2 =	vand.u32 $0x3FFF, v2;
	_ =	sdelay $0x1  }
0x119: {  	[tilespmem:$0xA2B0] =	vst v3  }
0x11a: {  	[tilespmem:$0xA3B0] =	vst v2  }
0x11b: {  	v3 =	vld.idx.msk [tilespmem:v3+s26+$0x0], $0xffff  }
0x11c: {  	v2 =	vld.idx.msk [tilespmem:v2+s30+$0x0], $0xffff;
	_ =	sdelay $0x4  }
0x11d: {  	v2 =	vadd.f32 v2, v3;
	_ =	sdelay $0x1  }
0x11e: {  	v3 =	vmul.f32 $2.000000030e-01, v2  }
0x11f: {  	vm11 =	vge.f32 v2, $0.0e+00  }
0x120: {  	v2 =	vsel vm11, v2, v3  }
0x121: {  	v2 =	vmul.f32 $1.442695020e+00, v2;
	_ =	sdelay $0x1  }
0x122: {  	(erf) = vpow2.f32 v2;
	_ =	sdelay $0x8  }
0x123: {  	v2 =	vpop (erf)  }
0x124: {  	[tilespmem:$0xA1B0] =	vst v2  }
0x125: {  	v2 =	vld [tilespmem:s5+$0x50C0];
	_ =	sdelay $0x4  }
0x126: {  	v3 =	vshrl.u32 v2, $0xE  }
0x127: {  	v2 =	vand.u32 $0x3FFF, v2;
	_ =	sdelay $0x1  }
0x128: {  	[tilespmem:$0xA2C0] =	vst v3  }
0x129: {  	[tilespmem:$0xA3C0] =	vst v2  }
0x12a: {  	v3 =	vld.idx.msk [tilespmem:v3+s26+$0x0], $0xffff  }
0x12b: {  	v2 =	vld.idx.msk [tilespmem:v2+s30+$0x0], $0xffff;
	_ =	sdelay $0x4  }
0x12c: {  	v2 =	vadd.f32 v2, v3;
	_ =	sdelay $0x1  }
0x12d: {  	v3 =	vmul.f32 $2.000000030e-01, v2  }
0x12e: {  	vm12 =	vge.f32 v2, $0.0e+00  }
0x12f: {  	v2 =	vsel vm12, v2, v3  }
0x130: {  	v2 =	vmul.f32 $1.442695020e+00, v2;
	_ =	sdelay $0x1  }
0x131: {  	(erf) = vpow2.f32 v2;
	_ =	sdelay $0x8  }
0x132: {  	v2 =	vpop (erf)  }
0x133: {  	[tilespmem:$0xA1C0] =	vst v2  }
0x134: {  	v2 =	vld [tilespmem:s5+$0x50D0];
	_ =	sdelay $0x4  }
0x135: {  	v3 =	vshrl.u32 v2, $0xE  }
0x136: {  	v2 =	vand.u32 $0x3FFF, v2;
	_ =	sdelay $0x1  }
0x137: {  	[tilespmem:$0xA2D0] =	vst v3  }
0x138: {  	[tilespmem:$0xA3D0] =	vst v2  }
0x139: {  	v3 =	vld.idx.msk [tilespmem:v3+s26+$0x0], $0xffff  }
0x13a: {  	v2 =	vld.idx.msk [tilespmem:v2+s30+$0x0], $0xffff;
	_ =	sdelay $0x4  }
0x13b: {  	v2 =	vadd.f32 v2, v3;
	_ =	sdelay $0x1  }
0x13c: {  	v3 =	vmul.f32 $2.000000030e-01, v2  }
0x13d: {  	vm13 =	vge.f32 v2, $0.0e+00  }
0x13e: {  	v2 =	vsel vm13, v2, v3  }
0x13f: {  	v2 =	vmul.f32 $1.442695020e+00, v2;
	_ =	sdelay $0x1  }
0x140: {  	(erf) = vpow2.f32 v2;
	_ =	sdelay $0x8  }
0x141: {  	v2 =	vpop (erf)  }
0x142: {  	[tilespmem:$0xA1D0] =	vst v2  }
0x143: {  	v2 =	vld [tilespmem:s5+$0x50E0];
	_ =	sdelay $0x4  }
0x144: {  	v3 =	vshrl.u32 v2, $0xE  }
0x145: {  	v2 =	vand.u32 $0x3FFF, v2;
	_ =	sdelay $0x1  }
0x146: {  	[tilespmem:$0xA2E0] =	vst v3  }
0x147: {  	[tilespmem:$0xA3E0] =	vst v2  }
0x148: {  	v3 =	vld.idx.msk [tilespmem:v3+s26+$0x0], $0xffff  }
0x149: {  	v2 =	vld.idx.msk [tilespmem:v2+s30+$0x0], $0xffff;
	_ =	sdelay $0x4  }
0x14a: {  	v2 =	vadd.f32 v2, v3;
	_ =	sdelay $0x1  }
0x14b: {  	v3 =	vmul.f32 $2.000000030e-01, v2  }
0x14c: {  	vm14 =	vge.f32 v2, $0.0e+00  }
0x14d: {  	v2 =	vsel vm14, v2, v3  }
0x14e: {  	v2 =	vmul.f32 $1.442695020e+00, v2;
	_ =	sdelay $0x1  }
0x14f: {  	(erf) = vpow2.f32 v2;
	_ =	sdelay $0x8  }
0x150: {  	v2 =	vpop (erf)  }
0x151: {  	[tilespmem:$0xA1E0] =	vst v2  }
0x152: {  	v2 =	vld [tilespmem:s5+$0x50F0];
	_ =	sdelay $0x4  }
0x153: {  	v3 =	vshrl.u32 v2, $0xE  }
0x154: {  	v2 =	vand.u32 $0x3FFF, v2;
	_ =	sdelay $0x1  }
0x155: {  	[tilespmem:$0xA2F0] =	vst v3  }
0x156: {  	[tilespmem:$0xA3F0] =	vst v2  }
0x157: {  	v3 =	vld.idx.msk [tilespmem:v3+s26+$0x0], $0xffff  }
0x158: {  	v2 =	vld.idx.msk [tilespmem:v2+s30+$0x0], $0xffff;
	_ =	sdelay $0x4  }
0x159: {  	v2 =	vadd.f32 v2, v3;
	_ =	sdelay $0x1  }
0x15a: {  	v3 =	vmul.f32 $2.000000030e-01, v2  }
0x15b: {  	vm15 =	vge.f32 v2, $0.0e+00  }
0x15c: {  	v2 =	vsel vm15, v2, v3  }
0x15d: {  	v2 =	vmul.f32 $1.442695020e+00, v2;
	_ =	sdelay $0x1  }
0x15e: {  	(erf) = vpow2.f32 v2;
	_ =	sdelay $0x1  }
0x15f: {  	s15 =	simm.s32 $0x2  }
0x160: {  	s16 =	simm.s32 $0x3;
	s17 =	simm.s32 $0x4;
	s19 =	simm.s32 $0x5;
	v4 =	vmov s15  }
0x161: {  	v5 =	vmov s16;
	v6 =	vmov s17;
	v7 =	vmov s19  }
0x162: {  	s21 =	simm.s32 $0x1;
	v4 =	vshrl.u32 v4, $0x3;
	v5 =	vshrl.u32 v5, $0x3;
	v6 =	vshrl.u32 v6, $0x3  }
0x163: {  	v7 =	vshrl.u32 v7, $0x3;
	v3 =	vmov s21;
	v2 =	vmov s26  }
0x164: {  	v4 =	vshll.u32 v4, v1;
	v3 =	vshrl.u32 v3, $0x3;
	v2 =	vshrl.u32 v2, $0x3  }
0x165: {  	v5 =	vshll.u32 v5, v1;
	v3 =	vshll.u32 v3, v1;
	v2 =	vshll.u32 v2, v1  }
0x166: {  	v6 =	vshll.u32 v6, v1;
	v3 =	vadd.s32 $0x1, v3;
	v2 =	vbroadcast v2, $0x0;
	v9 =	vpop (erf)  }
0x167: {  	s16 =	simm.s32 $0x7;
	v7 =	vshll.u32 v7, v1;
	v4 =	vadd.s32 $0x2, v4;
	s21 =	simm.s32 $0x6;
	v3 =	vbroadcast v3, $0x0;
	[tilespmem:$0xA1F0] =	vst v9  }
0x168: {  	v5 =	vadd.s32 $0x3, v5;
	v6 =	vadd.s32 $0x4, v6;
	v4 =	vbroadcast v4, $0x0;
	[tilespmem:s9], [sflag:$0x2] =	stream.indirect.gather [spmem:s1], $0x20, s8, s0, $0xb8;
	[tilespmem:$0x18680] =	vst v63  }
0x169: {  	v5 =	vbroadcast v5, $0x0;
	v8 =	vmov s21;
	v9 =	vmov s16;
	_ =	swait.ge [sflag:s10], $0x1000  }
0x16a: {  	v10 =	vbroadcast v6, $0x0;
	v8 =	vshrl.u32 v8, $0x3;
	v6 =	vshrl.u32 v9, $0x3;
	[sflag:s10] =	ssyncset.done $0x0  }
0x16b: {  	v7 =	vadd.s32 $0x5, v7;
	v8 =	vshll.u32 v8, v1;
	v6 =	vshll.u32 v6, v1;
	[sflag:s10] =	ssyncadd.s32 $0xFFFFF000  }
0x16c: {  	v8 =	vadd.s32 $0x6, v8;
	v9 =	vbroadcast v7, $0x0;
	v6 =	vadd.s32 $0x7, v6;
	v7 =	vld.idx.msk [tilespmem:v2+s31+$0x0], $0xffff  }
0x16d: {  	v11 =	vbroadcast v6, $0x0;
	v2 =	vbroadcast v8, $0x0;
	v8 =	vld.idx.msk [tilespmem:v3+s31+$0x0], $0xffff  }
0x16e: {  	v6 =	vld.idx.msk [tilespmem:v4+s31+$0x0], $0xffff  }
0x16f: {  	v5 =	vld.idx.msk [tilespmem:v5+s31+$0x0], $0xffff  }
0x170: {  	s5 =	simm.s32 $0xA480;
	v4 =	vld.idx.msk [tilespmem:v10+s31+$0x0], $0xffff  }
0x171: {  	v15 =	vld [tilespmem:s5+$0xFFFFFF80]  }
0x172: {  	s19 =	simm.s32 $0x9;
	v3 =	vld.idx.msk [tilespmem:v9+s31+$0x0], $0xffff  }
0x173: {  	v12 =	vmov s19;
	s19 =	simm.s32 $0xD;
	v9 =	vld.idx.msk [tilespmem:v11+s31+$0x0], $0xffff  }
0x174: {  	v17 =	vmov s19;
	s21 =	simm.s32 $0xA;
	v11 =	vld [tilespmem:s5+$0x60]  }
0x175: {  	v12 =	vshrl.u32 v12, $0x3;
	v17 =	vshrl.u32 v17, $0x3;
	v13 =	vmov s21;
	s21 =	simm.s32 $0xE;
	v19 =	vld [tilespmem:s5+$0xFFFFFFA0]  }
0x176: {  	v12 =	vshll.u32 v12, v1;
	v18 =	vmov s21;
	v13 =	vshrl.u32 v13, $0x3;
	v20 =	vld [tilespmem:s5+$0xFFFFFFC0]  }
0x177: {  	s17 =	simm.s32 $0x8;
	v17 =	vshll.u32 v17, v1;
	v18 =	vshrl.u32 v18, $0x3;
	v13 =	vshll.u32 v13, v1;
	v21 =	vld [tilespmem:s5+$0xFFFFFFE0]  }
0x178: {  	v25 =	vshll.u32 v18, v1;
	v26 =	vadd.s32 $0x2, v13;
	v10 =	vmov s17;
	s17 =	simm.s32 $0xB;
	v22 =	vld [tilespmem:s5+$0x0]  }
0x179: {  	v23 =	vld [tilespmem:s5+$0x20];
	v10 =	vshrl.u32 v10, $0x3;
	v14 =	vmov s17;
	s17 =	simm.s32 $0xC;
	v11 =	vmul.f32 v11, v9  }
0x17a: {  	s15 =	simm.s32 $0xC480;
	v24 =	vld [tilespmem:s5+$0x40];
	v16 =	vmov s17;
	v10 =	vshll.u32 v10, v1;
	v15 =	vmul.f32 v15, v7  }
0x17b: {  	v14 =	vshrl.u32 v14, $0x3;
	v16 =	vshrl.u32 v16, $0x3;
	v19 =	vmul.f32 v19, v8;
	v2 =	vld.idx.msk [tilespmem:v2+s31+$0x0], $0xffff;
	[tilespmem:s15+$0x60] =	vst v11  }
0x17c: {  	v10 =	vbroadcast v10, $0x0;
	v14 =	vshll.u32 v14, v1;
	[tilespmem:s15+$0xFFFFFF80] =	vst v15;
	v15 =	vmul.f32 v20, v6;
	v11 =	vld [tilespmem:s5+$0x70]  }
0x17d: {  	v16 =	vshll.u32 v16, v1;
	v27 =	vmul.f32 v21, v5;
	v20 =	vadd.s32 $0x1, v12;
	[tilespmem:s15+$0xFFFFFFA0] =	vst v19;
	v12 =	vld [tilespmem:s5+$0xFFFFFF90]  }
0x17e: {  	v21 =	vadd.s32 $0x3, v14;
	v18 =	vadd.s32 $0x4, v16;
	v28 =	vmul.f32 v22, v4;
	v14 =	vld [tilespmem:s5+$0xFFFFFFB0];
	[tilespmem:s15+$0xFFFFFFC0] =	vst v15  }
0x17f: {  	v19 =	vadd.s32 $0x5, v17;
	[tilespmem:s15+$0xFFFFFFE0] =	vst v27;
	v22 =	vmul.f32 v23, v3;
	v16 =	vbroadcast v20, $0x0;
	v13 =	vld [tilespmem:s5+$0xFFFFFFD0]  }
0x180: {  	s16 =	simm.s32 $0x10;
	s17 =	simm.s32 $0xF;
	v17 =	vbroadcast v26, $0x0;
	[tilespmem:s15+$0x0] =	vst v28;
	v20 =	vadd.s32 $0x6, v25;
	v15 =	vld [tilespmem:s5+$0xFFFFFFF0];
	v23 =	vmul.f32 v24, v2  }
.LBB2_5:
0x181: {  	p1 =	slt.u32 s16, $0x78;
	v21 =	vbroadcast v21, $0x0;
	v24 =	vmov s17;
	v25 =	vld [tilespmem:s5+$0x10];
	[tilespmem:s15+$0x20] =	vst v22;
	v9 =	vmul.f32 v11, v9  }
0x182: {  	v11 =	vbroadcast v18, $0x0;
	v18 =	vshrl.u32 v24, $0x3;
	v12 =	vmul.f32 v12, v7;
	v22 =	vld [tilespmem:s5+$0x30];
	[tilespmem:s15+$0x40] =	vst v23  }
0x183: {  	v19 =	vbroadcast v19, $0x0;
	v18 =	vshll.u32 v18, v1;
	v14 =	vmul.f32 v14, v8;
	v23 =	vld [tilespmem:s5+$0x50];
	[tilespmem:s15+$0x70] =	vst v9  }
0x184: {  	v9 =	vbroadcast v20, $0x0;
	v7 =	vld.idx.msk [tilespmem:v10+s31+$0x0], $0xffff;
	v10 =	vadd.s32 $0x7, v18;
	[tilespmem:s15+$0xFFFFFF90] =	vst v12;
	v12 =	vmul.f32 v13, v6  }
0x185: {  	v8 =	vld.idx.msk [tilespmem:v16+s31+$0x0], $0xffff;
	v10 =	vbroadcast v10, $0x0;
	[tilespmem:s15+$0xFFFFFFB0] =	vst v14;
	v13 =	vmul.f32 v15, v5  }
0x186: {  	v6 =	vld.idx.msk [tilespmem:v17+s31+$0x0], $0xffff;
	[tilespmem:s15+$0xFFFFFFD0] =	vst v12;
	v12 =	vmul.f32 v25, v4  }
0x187: {  	v5 =	vld.idx.msk [tilespmem:v21+s31+$0x0], $0xffff;
	[tilespmem:s15+$0xFFFFFFF0] =	vst v13;
	v13 =	vmul.f32 v22, v3  }
0x188: {  	v4 =	vld.idx.msk [tilespmem:v11+s31+$0x0], $0xffff;
	[tilespmem:s15+$0x10] =	vst v12;
	v11 =	vmul.f32 v23, v2  }
0x189: {  	v3 =	vld.idx.msk [tilespmem:v19+s31+$0x0], $0xffff;
	[tilespmem:s15+$0x30] =	vst v13  }
0x18a: {  	v2 =	vld.idx.msk [tilespmem:v9+s31+$0x0], $0xffff;
	[tilespmem:s15+$0x50] =	vst v11  }
0x18b: {  	s5 =	sadd.s32 $0x100, s5;
	v11 =	vmov s16;
	v9 =	vld.idx.msk [tilespmem:v10+s31+$0x0], $0xffff  }
0x18c: {  	s17 =	sadd.s32 $0x1, s16;
	s19 =	sadd.s32 $0x2, s16;
	s21 =	sadd.s32 $0x3, s16;
	v10 =	vshrl.u32 v11, $0x3;
	v11 =	vld [tilespmem:s5+$0x60]  }
0x18d: {  	v14 =	vmov s21;
	s21 =	sadd.s32 $0x6, s16;
	v12 =	vmov s17;
	s17 =	sadd.s32 $0x4, s16;
	v13 =	vmov s19;
	s19 =	sadd.s32 $0x5, s16;
	v15 =	vld [tilespmem:s5+$0xFFFFFF80]  }
0x18e: {  	v18 =	vmov s21;
	v16 =	vmov s17;
	v17 =	vmov s19;
	v19 =	vld [tilespmem:s5+$0xFFFFFFA0]  }
0x18f: {  	v12 =	vshrl.u32 v12, $0x3;
	v13 =	vshrl.u32 v13, $0x3;
	v10 =	vshll.u32 v10, v1;
	v20 =	vld [tilespmem:s5+$0xFFFFFFC0]  }
0x190: {  	v14 =	vshrl.u32 v14, $0x3;
	v16 =	vshrl.u32 v16, $0x3;
	v17 =	vshrl.u32 v17, $0x3;
	v21 =	vld [tilespmem:s5+$0xFFFFFFE0]  }
0x191: {  	v18 =	vshrl.u32 v18, $0x3;
	v10 =	vbroadcast v10, $0x0;
	v22 =	vld [tilespmem:s5+$0x0];
	v11 =	vmul.f32 v11, v9  }
0x192: {  	v12 =	vshll.u32 v12, v1;
	s15 =	sadd.s32 $0x100, s15;
	v13 =	vshll.u32 v13, v1;
	v15 =	vmul.f32 v15, v7;
	v23 =	vld [tilespmem:s5+$0x20]  }
0x193: {  	v14 =	vshll.u32 v14, v1;
	v16 =	vshll.u32 v16, v1;
	v19 =	vmul.f32 v19, v8;
	v24 =	vld [tilespmem:s5+$0x40];
	[tilespmem:s15+$0x60] =	vst v11  }
.Ltmp1:
0x194: {  	v25 =	vshll.u32 v18, v1;
	v17 =	vshll.u32 v17, v1;
	[tilespmem:s15+$0xFFFFFF80] =	vst v15;
	v15 =	vmul.f32 v20, v6;
	v11 =	vld [tilespmem:s5+$0x70];
	(pc) =	sbr.rel @p1 .LBB2_5-.Ltmp1, $4  }
0x195: {  	v26 =	vadd.s32 $0x2, v13;
	v20 =	vadd.s32 $0x1, v12;
	v12 =	vld [tilespmem:s5+$0xFFFFFF90];
	[tilespmem:s15+$0xFFFFFFA0] =	vst v19;
	v27 =	vmul.f32 v21, v5  }
0x196: {  	v18 =	vadd.s32 $0x4, v16;
	v21 =	vadd.s32 $0x3, v14;
	v14 =	vld [tilespmem:s5+$0xFFFFFFB0];
	[tilespmem:s15+$0xFFFFFFC0] =	vst v15;
	v28 =	vmul.f32 v22, v4  }
0x197: {  	v16 =	vbroadcast v20, $0x0;
	v19 =	vadd.s32 $0x5, v17;
	v13 =	vld [tilespmem:s5+$0xFFFFFFD0];
	[tilespmem:s15+$0xFFFFFFE0] =	vst v27;
	v22 =	vmul.f32 v23, v3  }
0x198: {  	s17 =	sadd.s32 $0x7, s16;
	s16 =	sadd.s32 $0x8, s16;
	v17 =	vbroadcast v26, $0x0;
	v20 =	vadd.s32 $0x6, v25;
	v15 =	vld [tilespmem:s5+$0xFFFFFFF0];
	[tilespmem:s15+$0x0] =	vst v28;
	v23 =	vmul.f32 v24, v2  }
0x199: {  	_ =	sdelay $0x2  }
0x19a: {  	v25 =	vld [tilespmem:s5+$0x10]  }
0x19b: {  	v10 =	vld.idx.msk [tilespmem:v10+s31+$0x0], $0xffff  }
0x19c: {  	[tilespmem:s15+$0x20] =	vst v22;
	v16 =	vld.idx.msk [tilespmem:v16+s31+$0x0], $0xffff  }
0x19d: {  	v21 =	vbroadcast v21, $0x0;
	v61 =	vld [tilespmem:s5+$0x30]  }
0x19e: {  	v18 =	vbroadcast v18, $0x0;
	[tilespmem:s15+$0x40] =	vst v23;
	v17 =	vld.idx.msk [tilespmem:v17+s31+$0x0], $0xffff;
	v7 =	vmul.f32 v12, v7  }
0x19f: {  	v24 =	vmov s17;
	v19 =	vbroadcast v19, $0x0;
	s16 =	sadd.s32 $0x100, s5;
	v23 =	vld [tilespmem:s5+$0x50];
	v8 =	vmul.f32 v14, v8  }
0x1a0: {  	v22 =	vshrl.u32 v24, $0x3;
	[tilespmem:s15+$0xFFFFFF90] =	vst v7;
	v6 =	vmul.f32 v13, v6;
	v7 =	vld [tilespmem:s16+$0x60]  }
0x1a1: {  	v22 =	vshll.u32 v22, v1;
	[tilespmem:s15+$0xFFFFFFB0] =	vst v8;
	v8 =	vld [tilespmem:s16+$0xFFFFFF80]  }
0x1a2: {  	v22 =	vadd.s32 $0x7, v22;
	[tilespmem:s15+$0xFFFFFFD0] =	vst v6;
	v6 =	vld [tilespmem:s16+$0xFFFFFFA0]  }
0x1a3: {  	v9 =	vmul.f32 v11, v9;
	v22 =	vbroadcast v22, $0x0;
	v21 =	vld.idx.msk [tilespmem:v21+s31+$0x0], $0xffff  }
0x1a4: {  	v5 =	vmul.f32 v15, v5;
	v18 =	vld.idx.msk [tilespmem:v18+s31+$0x0], $0xffff  }
0x1a5: {  	[tilespmem:s15+$0x70] =	vst v9;
	v4 =	vmul.f32 v25, v4;
	v11 =	vld.idx.msk [tilespmem:v19+s31+$0x0], $0xffff  }
0x1a6: {  	v20 =	vbroadcast v20, $0x0;
	[tilespmem:s15+$0xFFFFFFF0] =	vst v5;
	v3 =	vmul.f32 v61, v3;
	v5 =	vld [tilespmem:s16+$0xFFFFFFC0]  }
0x1a7: {  	[tilespmem:s15+$0x10] =	vst v4;
	v2 =	vmul.f32 v23, v2;
	v4 =	vld [tilespmem:s16+$0xFFFFFFE0]  }
0x1a8: {  	[tilespmem:s15+$0x30] =	vst v3;
	v3 =	vld [tilespmem:s16+$0x0]  }
0x1a9: {  	[tilespmem:s15+$0x50] =	vst v2;
	v2 =	vmul.f32 v8, v10;
	v9 =	vld.idx.msk [tilespmem:v22+s31+$0x0], $0xffff  }
0x1aa: {  	v8 =	vld [tilespmem:s16+$0x20];
	s15 =	sadd.s32 $0x100, s15;
	v6 =	vmul.f32 v6, v16  }
0x1ab: {  	v13 =	vld [tilespmem:s16+$0x40];
	[tilespmem:s15+$0xFFFFFF80] =	vst v2;
	v2 =	vmul.f32 v5, v17  }
0x1ac: {  	v12 =	vld.idx.msk [tilespmem:v20+s31+$0x0], $0xffff;
	[tilespmem:s15+$0xFFFFFFA0] =	vst v6;
	v4 =	vmul.f32 v4, v21  }
0x1ad: {  	v6 =	vld [tilespmem:s16+$0xFFFFFFB0];
	[tilespmem:s15+$0xFFFFFFC0] =	vst v2  }
0x1ae: {  	v2 =	vmul.f32 v3, v18;
	v3 =	vld [tilespmem:s16+$0xFFFFFFD0];
	[tilespmem:s15+$0xFFFFFFE0] =	vst v4;
	v7 =	vmul.f32 v7, v9  }
0x1af: {  	v4 =	vmul.f32 v8, v11;
	v8 =	vld [tilespmem:s16+$0xFFFFFFF0]  }
0x1b0: {  	[tilespmem:s15+$0x60] =	vst v7;
	v7 =	vld [tilespmem:s16+$0xFFFFFF90]  }
0x1b1: {  	[tilespmem:s15+$0x0] =	vst v2;
	v2 =	vmul.f32 v13, v12;
	v5 =	vld [tilespmem:s16+$0x70]  }
0x1b2: {  	v13 =	vld [tilespmem:s16+$0x10]  }
0x1b3: {  	[tilespmem:s15+$0x40] =	vst v2;
	v2 =	vmul.f32 v6, v16  }
0x1b4: {  	[tilespmem:s15+$0x20] =	vst v4  }
0x1b5: {  	v6 =	vld [tilespmem:s16+$0x50];
	v3 =	vmul.f32 v3, v17;
	[tilespmem:s15+$0xFFFFFFB0] =	vst v2;
	v2 =	vmul.f32 v8, v21  }
0x1b6: {  	v4 =	vmul.f32 v5, v9;
	v5 =	vmul.f32 v7, v10;
	v7 =	vld [tilespmem:s16+$0x30]  }
0x1b7: {  	[tilespmem:s15+$0xFFFFFFD0] =	vst v3;
	v3 =	vmul.f32 v13, v18  }
0x1b8: {  	[tilespmem:s15+$0xFFFFFFF0] =	vst v2  }
0x1b9: {  	[tilespmem:s15+$0x10] =	vst v3  }
0x1ba: {  	v3 =	vmul.f32 v6, v12;
	[tilespmem:s15+$0x70] =	vst v4  }
0x1bb: {  	s5 =	simm.s32 $0x4;
	[tilespmem:s15+$0xFFFFFF90] =	vst v5;
	v2 =	vmul.f32 v7, v11  }
0x1bc: {  	s17 =	simm.s32 $0x0;
	s21 =	simm.s32 $0x3;
	v6 =	vmov s5;
	[tilespmem:s15+$0x50] =	vst v3  }
0x1bd: {  	s19 =	simm.s32 $0x1;
	s16 =	simm.s32 $0x2;
	v6 =	vshrl.u32 v6, $0x3;
	v4 =	vmov s17;
	v5 =	vmov s21;
	s21 =	simm.s32 $0x6;
	[tilespmem:s15+$0x30] =	vst v2  }
0x1be: {  	v3 =	vmov s16;
	v6 =	vshll.u32 v6, v1;
	v8 =	vmov s21;
	[spmem:s3] =	stream.indirect.scatter.add.f32 [tilespmem:s2], [sflag:$0x3], $0x20, s11, s0, $0xb8;
	[tilespmem:$0x18680] =	vst v63  }
0x1bf: {  	s5 =	simm.s32 @!p0 $0x80;
	s16 =	simm.s32 @!p0 $0xA100;
	v3 =	vshrl.u32 v3, $0x3;
	v2 =	vshrl.u32 v4, $0x3;
	v4 =	vmov s19;
	s15 =	simm.s32 @!p0 $0xA300  }
0x1c0: {  	v5 =	vshrl.u32 v5, $0x3;
	v6 =	vadd.s32 $0x4, v6;
	v4 =	vshrl.u32 v4, $0x3;
	[spmem:s4] =	stream.indirect.scatter.add.f32 @!p0 [tilespmem:s16], [sflag:$0x5], $0x1, s15, s5, $0xb8;
	[tilespmem:$0x18680] =	vst v63  }
0x1c1: {  	v8 =	vshrl.u32 v8, $0x3;
	v2 =	vshll.u32 v2, v1;
	v4 =	vshll.u32 v4, v1;
	s5 =	simm.s32 @!p0 $0x5  }
0x1c2: {  	v3 =	vshll.u32 v3, v1;
	v2 =	vbroadcast v2, $0x0;
	v4 =	vadd.s32 $0x1, v4;
	_ =	swait.ge @!p0 [sflag:s5], $0x80  }
0x1c3: {  	v5 =	vshll.u32 v5, v1;
	v3 =	vadd.s32 $0x2, v3;
	s19 =	simm.s32 $0x5;
	v4 =	vbroadcast v4, $0x0;
	[sflag:s5] =	ssyncset.done @!p0 $0x0  }
0x1c4: {  	v5 =	vadd.s32 $0x3, v5;
	v3 =	vbroadcast v3, $0x0;
	v7 =	vmov s19;
	s15 =	simm.s32 $0x7;
	[sflag:s5] =	ssyncadd.s32 @!p0 $0xFFFFFF80  }
0x1c5: {  	v5 =	vbroadcast v5, $0x0;
	v7 =	vshrl.u32 v7, $0x3;
	v9 =	vmov s15;
	_ =	swait.ge [sflag:s12], $0x1000  }
0x1c6: {  	v10 =	vbroadcast v6, $0x0;
	v7 =	vshll.u32 v7, v1;
	v6 =	vshrl.u32 v9, $0x3;
	[sflag:s12] =	ssyncset.done $0x0  }
0x1c7: {  	v8 =	vshll.u32 v8, v1;
	v7 =	vadd.s32 $0x5, v7;
	v6 =	vshll.u32 v6, v1;
	[sflag:s12] =	ssyncadd.s32 $0xFFFFF000  }
0x1c8: {  	v8 =	vadd.s32 $0x6, v8;
	v9 =	vbroadcast v7, $0x0;
	v6 =	vadd.s32 $0x7, v6;
	v7 =	vld.idx.msk [tilespmem:v2+s13+$0x0], $0xffff  }
0x1c9: {  	v11 =	vbroadcast v6, $0x0;
	v2 =	vbroadcast v8, $0x0;
	v8 =	vld.idx.msk [tilespmem:v4+s13+$0x0], $0xffff  }
0x1ca: {  	v6 =	vld.idx.msk [tilespmem:v3+s13+$0x0], $0xffff  }
0x1cb: {  	v5 =	vld.idx.msk [tilespmem:v5+s13+$0x0], $0xffff  }
0x1cc: {  	s5 =	simm.s32 $0xB480;
	v4 =	vld.idx.msk [tilespmem:v10+s13+$0x0], $0xffff  }
0x1cd: {  	v15 =	vld [tilespmem:s5+$0xFFFFFF80]  }
0x1ce: {  	v3 =	vld.idx.msk [tilespmem:v9+s13+$0x0], $0xffff  }
0x1cf: {  	s17 =	simm.s32 $0x9;
	s21 =	simm.s32 $0xB;
	v9 =	vld.idx.msk [tilespmem:v11+s13+$0x0], $0xffff  }
0x1d0: {  	v12 =	vmov s17;
	s17 =	simm.s32 $0xC;
	v14 =	vmov s21;
	s21 =	simm.s32 $0xE;
	v11 =	vld [tilespmem:s5+$0x60]  }
0x1d1: {  	v16 =	vmov s17;
	v12 =	vshrl.u32 v12, $0x3;
	v18 =	vmov s21;
	v19 =	vld [tilespmem:s5+$0xFFFFFFA0]  }
0x1d2: {  	v14 =	vshrl.u32 v14, $0x3;
	v16 =	vshrl.u32 v16, $0x3;
	v12 =	vshll.u32 v12, v1;
	v20 =	vld [tilespmem:s5+$0xFFFFFFC0]  }
0x1d3: {  	v18 =	vshrl.u32 v18, $0x3;
	v14 =	vshll.u32 v14, v1;
	v16 =	vshll.u32 v16, v1;
	s19 =	simm.s32 $0xA;
	v21 =	vld [tilespmem:s5+$0xFFFFFFE0]  }
0x1d4: {  	v63 =	vshll.u32 v18, v1;
	v18 =	vadd.s32 $0x4, v16;
	v13 =	vmov s19;
	s19 =	simm.s32 $0xD;
	v22 =	vld [tilespmem:s5+$0x0]  }
0x1d5: {  	v17 =	vmov s19;
	v13 =	vshrl.u32 v13, $0x3;
	v23 =	vld [tilespmem:s5+$0x20];
	v11 =	vmul.f32 v11, v9  }
0x1d6: {  	s16 =	simm.s32 $0x8;
	v17 =	vshrl.u32 v17, $0x3;
	s15 =	simm.s32 $0xD480;
	v13 =	vshll.u32 v13, v1;
	v62 =	vld [tilespmem:s5+$0x40];
	v15 =	vmul.f32 v15, v7  }
0x1d7: {  	v17 =	vshll.u32 v17, v1;
	v10 =	vmov s16;
	v19 =	vmul.f32 v19, v8;
	v2 =	vld.idx.msk [tilespmem:v2+s13+$0x0], $0xffff;
	[tilespmem:s15+$0x60] =	vst v11  }
0x1d8: {  	v26 =	vadd.s32 $0x2, v13;
	v10 =	vshrl.u32 v10, $0x3;
	[tilespmem:s15+$0xFFFFFF80] =	vst v15;
	v15 =	vmul.f32 v20, v6;
	v11 =	vld [tilespmem:s5+$0x70]  }
0x1d9: {  	v10 =	vshll.u32 v10, v1;
	v27 =	vmul.f32 v21, v5;
	v20 =	vadd.s32 $0x1, v12;
	[tilespmem:s15+$0xFFFFFFA0] =	vst v19;
	v12 =	vld [tilespmem:s5+$0xFFFFFF90]  }
0x1da: {  	v10 =	vbroadcast v10, $0x0;
	v21 =	vadd.s32 $0x3, v14;
	v28 =	vmul.f32 v22, v4;
	v14 =	vld [tilespmem:s5+$0xFFFFFFB0];
	[tilespmem:s15+$0xFFFFFFC0] =	vst v15  }
0x1db: {  	v22 =	vmul.f32 v23, v3;
	v19 =	vadd.s32 $0x5, v17;
	[tilespmem:s15+$0xFFFFFFE0] =	vst v27;
	v16 =	vbroadcast v20, $0x0;
	v13 =	vld [tilespmem:s5+$0xFFFFFFD0]  }
0x1dc: {  	s17 =	simm.s32 $0xF;
	s16 =	simm.s32 $0x10;
	v17 =	vbroadcast v26, $0x0;
	[tilespmem:s15+$0x0] =	vst v28;
	v20 =	vadd.s32 $0x6, v63;
	v15 =	vld [tilespmem:s5+$0xFFFFFFF0];
	v23 =	vmul.f32 v62, v2  }
.LBB2_7:
0x1dd: {  	p1 =	slt.u32 s16, $0x78;
	v21 =	vbroadcast v21, $0x0;
	v24 =	vmov s17;
	v25 =	vld [tilespmem:s5+$0x10];
	[tilespmem:s15+$0x20] =	vst v22;
	v9 =	vmul.f32 v11, v9  }
0x1de: {  	v11 =	vbroadcast v18, $0x0;
	v18 =	vshrl.u32 v24, $0x3;
	v12 =	vmul.f32 v12, v7;
	v22 =	vld [tilespmem:s5+$0x30];
	[tilespmem:s15+$0x40] =	vst v23  }
0x1df: {  	v19 =	vbroadcast v19, $0x0;
	v18 =	vshll.u32 v18, v1;
	v14 =	vmul.f32 v14, v8;
	v23 =	vld [tilespmem:s5+$0x50];
	[tilespmem:s15+$0x70] =	vst v9  }
0x1e0: {  	v9 =	vbroadcast v20, $0x0;
	v7 =	vld.idx.msk [tilespmem:v10+s13+$0x0], $0xffff;
	v10 =	vadd.s32 $0x7, v18;
	[tilespmem:s15+$0xFFFFFF90] =	vst v12;
	v12 =	vmul.f32 v13, v6  }
0x1e1: {  	v8 =	vld.idx.msk [tilespmem:v16+s13+$0x0], $0xffff;
	v10 =	vbroadcast v10, $0x0;
	[tilespmem:s15+$0xFFFFFFB0] =	vst v14;
	v13 =	vmul.f32 v15, v5  }
0x1e2: {  	v6 =	vld.idx.msk [tilespmem:v17+s13+$0x0], $0xffff;
	[tilespmem:s15+$0xFFFFFFD0] =	vst v12;
	v12 =	vmul.f32 v25, v4  }
0x1e3: {  	v5 =	vld.idx.msk [tilespmem:v21+s13+$0x0], $0xffff;
	[tilespmem:s15+$0xFFFFFFF0] =	vst v13;
	v13 =	vmul.f32 v22, v3  }
0x1e4: {  	v4 =	vld.idx.msk [tilespmem:v11+s13+$0x0], $0xffff;
	[tilespmem:s15+$0x10] =	vst v12;
	v11 =	vmul.f32 v23, v2  }
0x1e5: {  	v3 =	vld.idx.msk [tilespmem:v19+s13+$0x0], $0xffff;
	[tilespmem:s15+$0x30] =	vst v13  }
0x1e6: {  	v2 =	vld.idx.msk [tilespmem:v9+s13+$0x0], $0xffff;
	[tilespmem:s15+$0x50] =	vst v11  }
0x1e7: {  	s5 =	sadd.s32 $0x100, s5;
	v11 =	vmov s16;
	v9 =	vld.idx.msk [tilespmem:v10+s13+$0x0], $0xffff  }
0x1e8: {  	s17 =	sadd.s32 $0x1, s16;
	s19 =	sadd.s32 $0x2, s16;
	s21 =	sadd.s32 $0x3, s16;
	v10 =	vshrl.u32 v11, $0x3;
	v11 =	vld [tilespmem:s5+$0x60]  }
0x1e9: {  	v14 =	vmov s21;
	s21 =	sadd.s32 $0x6, s16;
	v12 =	vmov s17;
	s17 =	sadd.s32 $0x4, s16;
	v13 =	vmov s19;
	s19 =	sadd.s32 $0x5, s16;
	v15 =	vld [tilespmem:s5+$0xFFFFFF80]  }
0x1ea: {  	v18 =	vmov s21;
	v16 =	vmov s17;
	v17 =	vmov s19;
	v19 =	vld [tilespmem:s5+$0xFFFFFFA0]  }
0x1eb: {  	v12 =	vshrl.u32 v12, $0x3;
	v13 =	vshrl.u32 v13, $0x3;
	v10 =	vshll.u32 v10, v1;
	v20 =	vld [tilespmem:s5+$0xFFFFFFC0]  }
0x1ec: {  	v14 =	vshrl.u32 v14, $0x3;
	v16 =	vshrl.u32 v16, $0x3;
	v17 =	vshrl.u32 v17, $0x3;
	v21 =	vld [tilespmem:s5+$0xFFFFFFE0]  }
0x1ed: {  	v18 =	vshrl.u32 v18, $0x3;
	v10 =	vbroadcast v10, $0x0;
	v22 =	vld [tilespmem:s5+$0x0];
	v11 =	vmul.f32 v11, v9  }
0x1ee: {  	v12 =	vshll.u32 v12, v1;
	s15 =	sadd.s32 $0x100, s15;
	v13 =	vshll.u32 v13, v1;
	v15 =	vmul.f32 v15, v7;
	v23 =	vld [tilespmem:s5+$0x20]  }
0x1ef: {  	v14 =	vshll.u32 v14, v1;
	v16 =	vshll.u32 v16, v1;
	v19 =	vmul.f32 v19, v8;
	v24 =	vld [tilespmem:s5+$0x40];
	[tilespmem:s15+$0x60] =	vst v11  }
.Ltmp2:
0x1f0: {  	v25 =	vshll.u32 v18, v1;
	v17 =	vshll.u32 v17, v1;
	[tilespmem:s15+$0xFFFFFF80] =	vst v15;
	v15 =	vmul.f32 v20, v6;
	v11 =	vld [tilespmem:s5+$0x70];
	(pc) =	sbr.rel @p1 .LBB2_7-.Ltmp2, $4  }
0x1f1: {  	v26 =	vadd.s32 $0x2, v13;
	v20 =	vadd.s32 $0x1, v12;
	v12 =	vld [tilespmem:s5+$0xFFFFFF90];
	[tilespmem:s15+$0xFFFFFFA0] =	vst v19;
	v27 =	vmul.f32 v21, v5  }
0x1f2: {  	v18 =	vadd.s32 $0x4, v16;
	v21 =	vadd.s32 $0x3, v14;
	v14 =	vld [tilespmem:s5+$0xFFFFFFB0];
	[tilespmem:s15+$0xFFFFFFC0] =	vst v15;
	v28 =	vmul.f32 v22, v4  }
0x1f3: {  	v16 =	vbroadcast v20, $0x0;
	v19 =	vadd.s32 $0x5, v17;
	v13 =	vld [tilespmem:s5+$0xFFFFFFD0];
	[tilespmem:s15+$0xFFFFFFE0] =	vst v27;
	v22 =	vmul.f32 v23, v3  }
0x1f4: {  	s17 =	sadd.s32 $0x7, s16;
	s16 =	sadd.s32 $0x8, s16;
	v17 =	vbroadcast v26, $0x0;
	v20 =	vadd.s32 $0x6, v25;
	v15 =	vld [tilespmem:s5+$0xFFFFFFF0];
	[tilespmem:s15+$0x0] =	vst v28;
	v23 =	vmul.f32 v24, v2  }
0x1f5: {  	_ =	sdelay $0x2  }
0x1f6: {  	v25 =	vld [tilespmem:s5+$0x10]  }
0x1f7: {  	v10 =	vld.idx.msk [tilespmem:v10+s13+$0x0], $0xffff  }
0x1f8: {  	[tilespmem:s15+$0x20] =	vst v22;
	v16 =	vld.idx.msk [tilespmem:v16+s13+$0x0], $0xffff  }
0x1f9: {  	v44 =	vld [tilespmem:s5+$0x30]  }
0x1fa: {  	s19 =	sadd.s32 $0x100, s5;
	v17 =	vld.idx.msk [tilespmem:v17+s13+$0x0], $0xffff  }
0x1fb: {  	v48 =	vld [tilespmem:s19+$0x60]  }
0x1fc: {  	v49 =	vld [tilespmem:s19+$0xFFFFFF80]  }
0x1fd: {  	v21 =	vbroadcast v21, $0x0;
	v24 =	vmov s17;
	v50 =	vld [tilespmem:s19+$0xFFFFFFA0]  }
0x1fe: {  	v18 =	vbroadcast v18, $0x0;
	v9 =	vmul.f32 v11, v9;
	v43 =	vshrl.u32 v24, $0x3;
	[tilespmem:s15+$0x40] =	vst v23;
	v51 =	vld [tilespmem:s19+$0xFFFFFFC0]  }
0x1ff: {  	v7 =	vmul.f32 v12, v7;
	v22 =	vshll.u32 v43, v1;
	v23 =	vld [tilespmem:s5+$0x50]  }
0x200: {  	v19 =	vbroadcast v19, $0x0;
	v52 =	vld [tilespmem:s19+$0xFFFFFFE0];
	v8 =	vmul.f32 v14, v8;
	[tilespmem:s15+$0x70] =	vst v9;
	v22 =	vadd.s32 $0x7, v22  }
0x201: {  	v53 =	vld [tilespmem:s19+$0x20];
	[tilespmem:s15+$0xFFFFFF90] =	vst v7;
	v6 =	vmul.f32 v13, v6;
	v22 =	vbroadcast v22, $0x0  }
0x202: {  	v20 =	vbroadcast v20, $0x0;
	v54 =	vld [tilespmem:s19+$0x40];
	[tilespmem:s15+$0xFFFFFFB0] =	vst v8;
	v5 =	vmul.f32 v15, v5  }
0x203: {  	[tilespmem:s15+$0xFFFFFFD0] =	vst v6;
	v21 =	vld.idx.msk [tilespmem:v21+s13+$0x0], $0xffff;
	v3 =	vmul.f32 v44, v3  }
0x204: {  	v18 =	vld.idx.msk [tilespmem:v18+s13+$0x0], $0xffff;
	[tilespmem:s15+$0xFFFFFFF0] =	vst v5;
	v2 =	vmul.f32 v23, v2  }
0x205: {  	v4 =	vmul.f32 v25, v4;
	[tilespmem:s15+$0x30] =	vst v3;
	v3 =	vld [tilespmem:s19+$0x0]  }
0x206: {  	v45 =	vld.idx.msk [tilespmem:v19+s13+$0x0], $0xffff;
	[tilespmem:s15+$0x50] =	vst v2;
	v2 =	vmul.f32 v49, v10  }
0x207: {  	s21 =	sadd.s32 $0x100, s15;
	v6 =	vmul.f32 v50, v16;
	[tilespmem:s15+$0x10] =	vst v4;
	v47 =	vld.idx.msk [tilespmem:v22+s13+$0x0], $0xffff  }
0x208: {  	v46 =	vld.idx.msk [tilespmem:v20+s13+$0x0], $0xffff;
	[tilespmem:s21+$0xFFFFFF80] =	vst v2;
	v2 =	vmul.f32 v51, v17  }
0x209: {  	[tilespmem:s21+$0xFFFFFFA0] =	vst v6;
	v4 =	vmul.f32 v52, v21;
	v56 =	vld [tilespmem:s19+$0xFFFFFF90]  }
0x20a: {  	v6 =	vld [tilespmem:s19+$0xFFFFFFB0];
	[tilespmem:s21+$0xFFFFFFC0] =	vst v2;
	v2 =	vmul.f32 v3, v18  }
0x20b: {  	v57 =	vmul.f32 v53, v45;
	[tilespmem:s21+$0xFFFFFFE0] =	vst v4;
	v3 =	vld [tilespmem:s19+$0xFFFFFFD0]  }
0x20c: {  	v58 =	vld [tilespmem:s19+$0xFFFFFFF0];
	v7 =	vmul.f32 v48, v47;
	[tilespmem:s21+$0x0] =	vst v2  }
0x20d: {  	[tilespmem:s21+$0x20] =	vst v57;
	v2 =	vmul.f32 v54, v46;
	v59 =	vld [tilespmem:s19+$0x10]  }
0x20e: {  	v62 =	vld [tilespmem:s19+$0x30];
	[tilespmem:s21+$0x60] =	vst v7;
	v61 =	vmul.f32 v56, v10  }
0x20f: {  	[tilespmem:s21+$0x40] =	vst v2;
	v2 =	vmul.f32 v6, v16;
	v55 =	vld [tilespmem:s19+$0x70]  }
0x210: {  	v63 =	vld [tilespmem:s19+$0x50];
	[tilespmem:s21+$0xFFFFFF90] =	vst v61;
	v3 =	vmul.f32 v3, v17  }
0x211: {  	[tilespmem:s21+$0xFFFFFFB0] =	vst v2;
	v2 =	vmul.f32 v58, v21  }
0x212: {  	[tilespmem:s21+$0xFFFFFFD0] =	vst v3;
	v3 =	vmul.f32 v59, v18  }
0x213: {  	[tilespmem:s21+$0xFFFFFFF0] =	vst v2;
	v2 =	vmul.f32 v62, v45  }
0x214: {  	v60 =	vmul.f32 v55, v47;
	[tilespmem:s21+$0x10] =	vst v3  }
0x215: {  	v3 =	vmul.f32 v63, v46;
	[tilespmem:s21+$0x30] =	vst v2  }
0x216: {  	[tilespmem:s21+$0x70] =	vst v60  }
0x217: {  	[tilespmem:s21+$0x50] =	vst v3  }
0x218: {  	[spmem:s3] =	stream.indirect.scatter.add.f32 [tilespmem:s18], [sflag:$0x4], $0x20, s14, s0, $0xb8;
	[tilespmem:$0x18680] =	vst v63  }
0x219: {  	s16 =	simm.s32 @!p0 $0xA180;
	s5 =	simm.s32 @!p0 $0x80;
	s15 =	simm.s32 @!p0 $0xA380  }
0x21a: {  	[spmem:s4] =	stream.indirect.scatter.add.f32 @!p0 [tilespmem:s16], [sflag:$0x5], $0x1, s15, s5, $0xb8;
	[tilespmem:$0x18680] =	vst v63  }
0x21b: {  	s5 =	simm.s32 @!p0 $0x5  }
0x21c: {  	_ =	swait.ge @!p0 [sflag:s5], $0x80  }
0x21d: {  	[sflag:s5] =	ssyncset.done @!p0 $0x0  }
0x21e: {  	s28 =	sadd.s32 $0x1, s28;
	[sflag:s5] =	ssyncadd.s32 @!p0 $0xFFFFFF80  }
0x21f: {  	p1 =	sne.s32 s28, $0x51;
	_ =	swait.ge [sflag:s20], $0x1000  }
.Ltmp3:
0x220: {  	[sflag:s20] =	ssyncset.done $0x0;
	(pc) =	sbr.rel @p1 .LBB2_4-.Ltmp3, $4  }
0x221: {  	[sflag:s20] =	ssyncadd.s32 $0xFFFFF000  }
0x222: {  	_ =	swait.ge [sflag:s22], $0x1000  }
0x223: {  	[sflag:s22] =	ssyncset.done $0x0  }
0x224: {  	[sflag:s22] =	ssyncadd.s32 $0xFFFFF000  }
0x225: {  	[bflag:$0x0] =	sbarrier.arrive $0xFFFF  }
0x226: {  	s17 =	rddreg [dreg:$0x10]  }
0x227: {  	s16 =	rddreg [dreg:$0xb];
	s15 =	sshrl.u32 s17, $0x3  }
0x228: {  	[hbm:s16], [sflag:s25] =	dma.local [spmem:s15], $0x200  }
0x229: {  	_ =	swait.ge [sflag:s29], $0x200  }
0x22a: {  	[sflag:s29] =	ssyncset.done $0x0;
	s21 =	rddreg [dreg:$0x12]  }
0x22b: {  	s26 =	rddreg [dreg:$0x7];
	[sflag:s29] =	ssyncadd.s32 $0xFFFFFE00;
	s19 =	sshrl.u32 s21, $0x3  }
0x22c: {  	[hbm:s26], [sflag:s25] =	dma.local [spmem:s19], $0x200  }
0x22d: {  	_ =	swait.ge [sflag:s29], $0x200  }
0x22e: {  	[sflag:s29] =	ssyncset.done $0x0;
	s26 =	rddreg [dreg:$0x14]  }
0x22f: {  	s19 =	rddreg [dreg:$0x8];
	[sflag:s29] =	ssyncadd.s32 $0xFFFFFE00;
	s16 =	sshrl.u32 s26, $0x3  }
0x230: {  	[hbm:s19], [sflag:s25] =	dma.local [spmem:s16], $0x200  }
0x231: {  	_ =	swait.ge [sflag:s29], $0x200  }
0x232: {  	s28 =	smov.u32 s23;
	[sflag:s29] =	ssyncset.done $0x0  }
0x233: {  	s19 =	sshrl.u32 s23, $0x3;
	s23 =	rddreg [dreg:$0x9];
	[sflag:s29] =	ssyncadd.s32 $0xFFFFFE00  }
0x234: {  	[hbm:s23], [sflag:s25] =	dma.local [spmem:s19], $0x200  }
0x235: {  	_ =	swait.ge [sflag:s29], $0x200  }
0x236: {  	[sflag:s29] =	ssyncset.done $0x0;
	s19 =	rddreg [dreg:$0x16]  }
0x237: {  	s23 =	rddreg [dreg:$0xa];
	[sflag:s29] =	ssyncadd.s32 $0xFFFFFE00;
	s15 =	sshrl.u32 s19, $0x3  }
0x238: {  	[hbm:s23], [sflag:s25] =	dma.local [spmem:s15], $0x200  }
0x239: {  	_ =	swait.ge [sflag:s29], $0x200  }
0x23a: {  	[sflag:s29] =	ssyncset.done $0x0;
	s19 =	rddreg [dreg:$0xf]  }
0x23b: {  	s16 =	rddreg [dreg:$0x18];
	[sflag:s29] =	ssyncadd.s32 $0xFFFFFE00;
	s15 =	sshrl.u32 @!p0 s19, $0x3  }
0x23c: {  	[hbm:s16], [sflag:s25] =	dma.local @!p0 [spmem:s15], $0x50  }
0x23d: {  	_ =	swait.ge @!p0 [sflag:s5], $0x50  }
0x23e: {  	s24 =	sadd.s32 $0x1, s24;
	s25 =	rddreg [dreg:$0x19]  }
0x23f: {  	p1 =	sne.s32 s24, s25  }
.Ltmp4:
0x240: {  	_ = 	snop;
	(pc) =	sbr.rel @p1 .LBB2_1-.Ltmp4, $3  }
0x241: {  	_ =	sdelay $0x1  }
0x242: {  	[sflag:s5] =	ssyncset.done @!p0 $0x0  }
0x243: {  	[sflag:s5] =	ssyncadd.s32 @!p0 $0xFFFFFFB0  }
0x244: {  	_ =	sfence.sel $0x180000  }
0x245: {  	[bflag:$0x0] =	sbarrier.arrive $0xFFFF  }
0x246: {  	_ =	strace $0x9000004A  }
0x247: {  	s0 =	stileid.u32;
	[bflag:$0x2] =	sbarrier.arrive $0xFFFF  }
0x248: {  	p0 =	sne.s32 s0, $0x0;
	s0 =	rddreg [dreg:$0x5]  }
0x249: {  	s0 =	sadd.s32 @!p0 $0x100000, s0  }
0x24a: {  	[sflag:s0] =	ssyncadd.tile.s32 @!p0 $0x1;
	_ =	shalt  }
.Lfunc_end2:
_tile_overlayer_lowered:
.L_overlay_start_2:
0x24b: {  	(tag) =	ssettag $0x2  }
0x24c: {  	s0 =	rddreg [dreg:$0x0];
	s2 =	stileid.u32  }
0x24d: {  	s1 =	rddreg [dreg:$0x1];
	p0 =	sne.s32 s2, $0x0  }
0x24e: {  	s3 =	rddreg [dreg:$0x2];
	[bflag:$0x3] =	sbarrier.arrive $0xFFFF;
	s2 =	simm.s32 @!p0 $0x1C05  }
0x24f: {  	[timem:s3], [sflag:s2] =	dma.local @!p0 [hbm:s0], s1  }
0x250: {  	s0 =	simm.s32 @!p0 $0x5  }
0x251: {  	_ =	swait.ge @!p0 [sflag:s0], s1  }
0x252: {  	s1 =	ssub.s32 @!p0 $0x0, s1;
	[sflag:s0] =	ssyncset.done @!p0 $0x0  }
0x253: {  	[sflag:s0] =	ssyncadd.s32 @!p0 s1  }
0x254: {  	[bflag:$0x3] =	sbarrier.arrive $0xFFFF  }
0x255: {  	_ =	shalt  }

// kernel: kernel.15.cloned.1.call-start
scs
__scs_entry_jumppad:
0x0: {  	(pc) =	sbr.rel $0x88, $3  }
0x1: {  	(tag) =	ssettag $0x0;
	lr =	simm.s32 $0x1  }
0x2: {  	[smem:$0x3F8C] =	sst lr;
	_ =	strace $0xD0000000  }
0x3: {  	_ = 	snop  }
0x4: {  	_ = 	snop  }
0x5: {  	_ = 	snop  }
0x6: {  	_ = 	snop  }
0x7: {  	_ = 	snop  }
__scs_overlays_trampoline_lowered:
0x8: {  	[smem:$0x3F9B] =	sst s0  }
0x9: {  	[smem:$0x3F9C] =	sst s1  }
0xa: {  	[smem:$0x3F9D] =	sst s2  }
0xb: {  	[smem:$0x3F9E] =	sst s3  }
0xc: {  	[smem:$0x3F9F] =	sst s4  }
0xd: {  	[smem:$0x3FA0] =	sst s5  }
0xe: {  	[smem:$0x3FA1] =	sst s6  }
0xf: {  	[smem:$0x3FA2] =	sst s7  }
0x10: {  	[smem:$0x3FA3] =	sst s8  }
0x11: {  	[smem:$0x3FA4] =	sst s9;
	s0 =	simm.s32 @!p0 $0x0  }
0x12: {  	s1 =	sld [smem:$0x3F8A];
	s0 =	simm.s32 @p0 $0x1  }
0x13: {  	[smem:$0x3FA5] =	sst s0;
	s0 =	simm.s32 @!p1 $0x0  }
0x14: {  	s2 =	sld [smem:$0x3F89];
	s0 =	simm.s32 @p1 $0x1  }
0x15: {  	[smem:$0x3FA6] =	sst s0;
	s0 =	simm.s32 @!p2 $0x0  }
0x16: {  	s3 =	sld [smem:$0x3FDB];
	s0 =	simm.s32 @p2 $0x1  }
0x17: {  	s4 =	simm.s32 $0x1BF5;
	[smem:$0x3FA8] =	sst s0  }
0x18: {  	s0 =	sld [smem:$0x3F8B];
	_ =	swait.ge [sflag:s4], $0x0  }
0x19: {  	s7 =	sld [smem:$0x3F8C]  }
0x1a: {  	s8 =	sadd.s32 $0xFFFFE003, lr  }
0x1b: {  	s9 =	sadd.s32 $0xFFFFFEF7, lr;
	s5 =	simm.s32 $0xFFFFFFFF;
	p2 =	slt.u32 s8, $0xFFFFF086  }
0x1c: {  	p1 =	slt.u32 s9, $0xF7A;
	s5 =	simm.s32 @!p2 $0x0  }
0x1d: {  	s5 =	simm.s32 @p1 $0x1;
	p0 =	seq.s32 s7, s2  }
0x1e: {  	s7 =	smul.u32 @!p0 $0xF7A, s2;
	p2 =	seq.s32 @!p0 s5, $0x0  }
0x1f: {  	s9 =	smul.u32 $0xF7A, s1;
	s8 =	simm.s32 @!p0 $0x1BF5;
	p2 =	por !p2, p0  }
0x20: {  	[sflag:s8] =	ssyncset.s32 @!p0 $0xFFFFF086;
	s6 =	sadd.s32 @!p0 s3, s7;
	s7 =	simm.s32 @!p0 $0x108  }
0x21: {  	s3 =	sadd.s32 s3, s9;
	s6 =	sadd.s32 @!p0 $0x88, s6;
	s7 =	simm.s32 @p2 $0x1082  }
0x22: {  	[simem:s7], [sflag:s8] =	dma.local @!p0 [hbm:s6], $0xF7A  }
0x23: {  	s9 =	sor.u32 $0xD0000000, s2;
	s6 =	simm.s32 $0x108;
	_ =	swait.ge @!p0 [sflag:s8], $0x0  }
0x24: {  	s3 =	sadd.s32 $0x88, s3;
	s6 =	simm.s32 @!p1 $0x1082;
	[sflag:s4] =	ssyncset.s32 $0xFFFFF086  }
0x25: {  	[simem:s6], [sflag:s4] =	dma.local [hbm:s3], $0xF7A  }
0x26: {  	[smem:$0x3F8C] =	sst s1;
	(tag) =	ssettag s2;
	_ =	strace s9  }
0x27: {  	s1 =	sld [smem:$0x3F9C]  }
0x28: {  	s2 =	sld [smem:$0x3F9D]  }
0x29: {  	s4 =	sld [smem:$0x3F9F]  }
0x2a: {  	p0 =	seq.s32 s5, $0x0;
	s5 =	sld [smem:$0x3FA0]  }
0x2b: {  	s6 =	sld [smem:$0x3FA1]  }
0x2c: {  	s7 =	sld [smem:$0x3FA2]  }
0x2d: {  	s3 =	simm.s32 $0x108;
	s8 =	sld [smem:$0x3FA3]  }
0x2e: {  	s3 =	simm.s32 @!p0 $0x1082;
	s9 =	sld [smem:$0x3FA4]  }
0x2f: {  	lr =	sadd.s32 s0, s3;
	s0 =	sld [smem:$0x3F9B]  }
0x30: {  	s3 =	sld [smem:$0x3F9E]  }
0x31: {  	[smem:$0x3FA7] =	sst s10  }
0x32: {  	s10 =	sld [smem:$0x3FA5];
	_ =	sdelay $0x3  }
0x33: {  	p0 =	seq.s32 s10, $0x1;
	s10 =	sld [smem:$0x3FA7];
	_ =	sdelay $0x3  }
0x34: {  	[smem:$0x3FA7] =	sst s10  }
0x35: {  	s10 =	sld [smem:$0x3FA6];
	_ =	sdelay $0x3  }
0x36: {  	p1 =	seq.s32 s10, $0x1;
	s10 =	sld [smem:$0x3FA7];
	_ =	sdelay $0x3  }
0x37: {  	[smem:$0x3FA7] =	sst s10  }
0x38: {  	s10 =	sld [smem:$0x3FA8]  }
0x39: {  	_ = 	snop;
	(pc) =	sbr.ind lr, $3  }
0x3a: {  	_ = 	snop  }
0x3b: {  	_ = 	snop  }
0x3c: {  	p2 =	seq.s32 s10, $0x1;
	s10 =	sld [smem:$0x3FA7]  }
0x3d: {  	_ =	shalt  }
0x3e: {  	_ =	shalt  }
0x3f: {  	_ =	shalt  }
0x40: {  	_ =	shalt  }
0x41: {  	_ =	shalt  }
0x42: {  	_ =	shalt  }
0x43: {  	_ =	shalt  }
0x44: {  	_ =	shalt  }
0x45: {  	_ =	shalt  }
0x46: {  	_ =	shalt  }
0x47: {  	_ =	shalt  }
0x48: {  	_ =	shalt  }
0x49: {  	_ =	shalt  }
0x4a: {  	_ =	shalt  }
0x4b: {  	_ =	shalt  }
0x4c: {  	_ =	shalt  }
0x4d: {  	_ =	shalt  }
0x4e: {  	_ =	shalt  }
0x4f: {  	_ =	shalt  }
0x50: {  	_ =	shalt  }
0x51: {  	_ =	shalt  }
0x52: {  	_ =	shalt  }
0x53: {  	_ =	shalt  }
0x54: {  	_ =	shalt  }
0x55: {  	_ =	shalt  }
0x56: {  	_ =	shalt  }
0x57: {  	_ =	shalt  }
0x58: {  	_ =	shalt  }
0x59: {  	_ =	shalt  }
0x5a: {  	_ =	shalt  }
0x5b: {  	_ =	shalt  }
0x5c: {  	_ =	shalt  }
0x5d: {  	_ =	shalt  }
0x5e: {  	_ =	shalt  }
0x5f: {  	_ =	shalt  }
0x60: {  	_ =	shalt  }
0x61: {  	_ =	shalt  }
0x62: {  	_ =	shalt  }
0x63: {  	_ =	shalt  }
0x64: {  	_ =	shalt  }
0x65: {  	_ =	shalt  }
0x66: {  	_ =	shalt  }
0x67: {  	_ =	shalt  }
0x68: {  	_ =	shalt  }
0x69: {  	_ =	shalt  }
0x6a: {  	_ =	shalt  }
0x6b: {  	_ =	shalt  }
0x6c: {  	_ =	shalt  }
0x6d: {  	_ =	shalt  }
0x6e: {  	_ =	shalt  }
0x6f: {  	_ =	shalt  }
0x70: {  	_ =	shalt  }
0x71: {  	_ =	shalt  }
0x72: {  	_ =	shalt  }
0x73: {  	_ =	shalt  }
0x74: {  	_ =	shalt  }
0x75: {  	_ =	shalt  }
0x76: {  	_ =	shalt  }
0x77: {  	_ =	shalt  }
0x78: {  	_ =	shalt  }
0x79: {  	_ =	shalt  }
0x7a: {  	_ =	shalt  }
0x7b: {  	_ =	shalt  }
0x7c: {  	_ =	shalt  }
0x7d: {  	_ =	shalt  }
0x7e: {  	_ =	shalt  }
0x7f: {  	_ =	shalt  }
0x80: {  	_ =	shalt  }
0x81: {  	_ =	shalt  }
0x82: {  	_ =	shalt  }
0x83: {  	_ =	shalt  }
0x84: {  	_ =	shalt  }
0x85: {  	_ =	shalt  }
0x86: {  	_ =	shalt  }
0x87: {  	_ =	shalt  }
.Lfunc_end0:
.L_simem_size_0:
called_computation.2_lowered:
.L_overlay_start_0:
0x88: {  	s2 =	sld [smem:$0x3FD9]  }
0x89: {  	s3 =	sld [smem:$0x3FFE];
	_ =	sdelay $0x1  }
0x8a: {  	s1 =	srdreg.scid  }
0x8b: {  	s0 =	sand.u32 $0x1, s1  }
0x8c: {  	s14 =	sshll.u32 s0, $0xA;
	s2 =	sadd.s32 s3, s2  }
0x8d: {  	s2 =	sadd.s32 s2, s14  }
0x8e: {  	[smem:$0x3FB3] =	sst s2  }
0x8f: {  	_ = 	snop  }
0x90: {  	s2 =	sld [smem:$0x3FD0];
	_ =	sdelay $0x2  }
0x91: {  	s15 =	simm.s32 $0xA;
	s4 =	simm.s32 $0x10  }
0x92: {  	[smem:s4], [sflag:s15] =	dma.local [hbm:s2], $0x1  }
0x93: {  	_ =	swait.eq [sflag:s15], $0x1  }
0x94: {  	[sflag:s15] =	ssyncset.done $0x0  }
0x95: {  	[sflag:s15] =	ssyncadd.s32 $0xFFFFFFFF  }
0x96: {  	s16 =	sld [smem:$0x10];
	(tm) =	ssettm $0x1  }
0x97: {  	s17 =	sld [smem:$0x3FFB];
	_ =	sdelay $0x3  }
0x98: {  	_ =	strace s17  }
0x99: {  	s3 =	sld [smem:$0x3FFC];
	_ =	sdelay $0x3  }
0x9a: {  	_ =	strace s3  }
0x9b: {  	s3 =	sld [smem:$0x3FFD];
	_ =	sdelay $0x3  }
0x9c: {  	_ =	strace s3  }
0x9d: {  	_ =	strace $0x8FFFFFFF  }
0x9e: {  	s18 =	sld [smem:$0x3FDB];
	_ =	sdelay $0x1  }
0x9f: {  	s19 =	simm.s32 $_scs_section_size  }
0xa0: {  	s5 =	simm.s32 $_size__tile_overlayer_lowered;
	s6 =	simm.s32 $_tile_overlayer_lowered  }
0xa1: {  	s22 =	simm.s32 $0x1BFF;
	s21 =	sshll.u32 s6, $0x1;
	s3 =	sadd.s32 s19, s18  }
0xa2: {  	s7 =	simm.s32 $0x0;
	s20 =	sshll.u32 s5, $0x1;
	s5 =	sadd.s32 s21, s3  }
0xa3: {  	[timem:s7], [sflag:s22] =	dma.local [hbm:s5], s20  }
0xa4: {  	_ =	swait.ge [sflag:s22], s20  }
0xa5: {  	s4 =	ssub.s32 $0x0, s20;
	[sflag:s22] =	ssyncset.done $0x0  }
0xa6: {  	[sflag:s22] =	ssyncadd.s32 s4;
	_ =	sdelay $0x1  }
0xa7: {  	s23 =	simm.s32 $0x1B8B  }
0xa8: {  	_ =	swait.ge [sflag:s23], $0x1  }
0xa9: {  	[sflag:s23] =	ssyncset.done $0x0  }
0xaa: {  	s25 =	simm.s32 $0x1B8E;
	s24 =	sld [smem:$0x3FFE];
	[sflag:s23] =	ssyncadd.s32 $0xFFFFFFFF  }
0xab: {  	s26 =	simm.s32 $execute0_lowered;
	[smem:$0x3FD2] =	sst s25  }
0xac: {  	s5 =	sshll.u32 s26, $0x1;
	_ =	strace $0x8000004C;
	[dreg:$0x1] =	wrdreg $0xFFFFFFFF  }
0xad: {  	s28 =	simm.s32 $_size_execute0_lowered;
	s3 =	sadd.s32 s3, s5;
	[dreg:$0x0] =	wrdreg $0x0  }
0xae: {  	s5 =	sshll.u32 s28, $0x1;
	[dreg:$0x2] =	wrdreg s3  }
0xaf: {  	[dreg:$0x3] =	wrdreg s5  }
0xb0: {  	[dreg:$0x4] =	wrdreg $0xC0  }
0xb1: {  	_ =	task [dreg:s7], $0x5FFFF  }
0xb2: {  	[dreg:$0x1] =	wrdreg $0xFFFFFFFF  }
0xb3: {  	[dreg:$0x0] =	wrdreg $0x60  }
0xb4: {  	[dreg:$0x2] =	wrdreg s24  }
0xb5: {  	[dreg:$0x3] =	wrdreg s16  }
0xb6: {  	[dreg:$0x4] =	wrdreg $0xE4000  }
0xb7: {  	[dreg:$0x5] =	wrdreg $0x134000  }
0xb8: {  	[dreg:$0x6] =	wrdreg $0x184000  }
0xb9: {  	[dreg:$0x7] =	wrdreg $0x9  }
0xba: {  	_ =	task.clear_ibuf [dreg:s7], $0x8FFFF;
	_ =	strace $0x9000004C  }
0xbb: {  	s29 =	simm.s32 $0x9;
	_ =	strace $0x8000004E  }
0xbc: {  	_ =	swait.ge [sflag:s29], $0x1  }
0xbd: {  	[sflag:s29] =	ssyncadd.s32 $0xFFFFFFFF  }
0xbe: {  	_ =	strace $0x9000004E  }
0xbf: {  	_ =	sfence  }
0xc0: {  	s30 =	sld [smem:$0x0];
	_ =	sdelay $0x2  }
0xc1: {  	s31 =	sshll.u32 s1, $0xD;
	s1 =	sshrl.u32 s1, $0x2  }
0xc2: {  	s3 =	sand.u32 $0x4000, s31;
	s1 =	sadd.s32 s1, s30  }
0xc3: {  	s0 =	sor.u32 s3, s0;
	s1 =	sshll.u32 s1, $0x11  }
0xc4: {  	s0 =	sor.u32 s1, s0  }
0xc5: {  	s0 =	sadd.s32 $0x8F2B, s0  }
0xc6: {  	[sflag:s0] =	ssyncadd.remote.s32 $0x1  }
0xc7: {  	_ =	sfence.sel $0xFFFF  }
0xc8: {  	[dreg:$0x0] =	wrdreg $0xFFFFFFFF;
	(pc) =	sbr.abs _section_cstart, $3  }
0xc9: {  	[dreg:$0x1] =	wrdreg $0xFFFFFFFF  }
0xca: {  	_ =	task.clear_ibuf [dreg:s7], $0x2FFFF;
	_ =	strace $0x9FFFFFFF  }
0xcb: {  	(tm) =	ssettm $0x7FFFFFFF  }
tec
execute0_lowered:
.L_overlay_start_1:
0x0: {  	(tag) =	ssettag $0x1  }
0x1: {  	s0 =	rddreg [dreg:$0x0]  }
0x2: {  	s2 =	rddreg [dreg:$0x1]  }
0x3: {  	s1 =	rddreg [dreg:$0x2]  }
0x4: {  	s3 =	rddreg [dreg:$0x3];
	s5 =	srdreg.scid  }
0x5: {  	s13 =	stileid.u32;
	s4 =	rddreg [dreg:$0x4]  }
0x6: {  	s8 =	simm.s32 $0x0;
	s29 =	simm.s32 $0x5;
	s6 =	smul.u32 $0x5000, s13  }
0x7: {  	s30 =	simm.s32 $0x2800;
	s31 =	simm.s32 $0xA100;
	s9 =	smul.u32 $0x280, s13  }
0x8: {  	s5 =	sand.u32 $0x1, s5;
	[smem:$0x7FF] =	sst s8;
	s13 =	smul.u32 $0xA20, s13  }
0x9: {  	s11 =	sadd.s32 $0x16E00, s0;
	s7 =	smul.u32 $0x50000, s5;
	s10 =	ssub.s32 $0x2, s5  }
0xa: {  	_ =	strace $0x8000004D;
	p0 =	sne.s32 s5, $0x0;
	s12 =	sshrl.u32 s10, $0x1  }
0xb: {  	s14 =	sshrl.u32 s9, $0x3;
	s2 =	sadd.s32 s2, s13;
	s13 =	sadd.s32 $0x100, s9  }
0xc: {  	s16 =	sadd.s32 $0x180, s9;
	s20 =	sadd.s32 $0x200, s9;
	s25 =	sadd.s32 s6, s7  }
0xd: {  	s10 =	ssub.s32 s10, s12;
	s12 =	sadd.s32 $0x80, s9;
	[dreg:$0x6] =	wrdreg s2  }
0xe: {  	s15 =	sshll.u32 s13, $0x5;
	s18 =	sshll.u32 s16, $0x5;
	s22 =	sshll.u32 s20, $0x5  }
0xf: {  	s8 =	sshrl.u32 s25, $0x3;
	s2 =	sshll.u32 s12, $0x5;
	s26 =	sadd.s32 s7, s15  }
0x10: {  	s19 =	sadd.s32 s7, s18;
	s25 =	sadd.s32 s14, s0;
	s14 =	sadd.s32 s12, s4  }
0x11: {  	s28 =	sadd.s32 s18, s3;
	s18 =	sadd.s32 s16, s4;
	s12 =	simm.s32 $0x2  }
0x12: {  	s17 =	sadd.s32 s7, s2;
	s7 =	sadd.s32 s7, s22;
	[dreg:$0x11] =	wrdreg s14  }
0x13: {  	s5 =	sshrl.u32 s19, $0x3;
	s23 =	sadd.s32 s11, s8;
	[dreg:$0x15] =	wrdreg s18  }
0x14: {  	s24 =	sadd.s32 s8, s0;
	s22 =	sadd.s32 s22, s3;
	[dreg:$0xb] =	wrdreg s23  }
0x15: {  	s19 =	sadd.s32 s9, s4;
	s9 =	simm.s32 $0xB400;
	[dreg:$0x16] =	wrdreg s22  }
0x16: {  	s14 =	simm.s32 $0xA380;
	s5 =	sadd.s32 s11, s5;
	[dreg:$0xf] =	wrdreg s19  }
0x17: {  	s18 =	simm.s32 $0xD400;
	s8 =	sadd.s32 $0x2200, s24;
	[dreg:$0x9] =	wrdreg s5  }
0x18: {  	s17 =	sshrl.u32 s17, $0x3;
	s23 =	sadd.s32 s20, s4;
	[dreg:$0xe] =	wrdreg s8  }
0x19: {  	s7 =	sshrl.u32 s7, $0x3;
	s24 =	sadd.s32 $0x2AE00, s25;
	[dreg:$0x17] =	wrdreg s23  }
0x1a: {  	s25 =	smax.u32 s10, $0x1;
	s10 =	simm.s32 $0x1;
	[dreg:$0x18] =	wrdreg s24  }
0x1b: {  	s20 =	simm.s32 $0x3;
	s17 =	sadd.s32 s11, s17;
	[dreg:$0x19] =	wrdreg s25  }
0x1c: {  	s22 =	simm.s32 $0x4;
	s21 =	sadd.s32 s11, s7;
	[dreg:$0x7] =	wrdreg s17  }
0x1d: {  	s17 =	sshrl.u32 s26, $0x3;
	[dreg:$0xa] =	wrdreg s21;
	s26 =	sadd.s32 $0x16800, s0  }
0x1e: {  	s7 =	simm.s32 $0xA400;
	s0 =	sadd.s32 $0x16200, s0;
	[dreg:$0xc] =	wrdreg s26  }
0x1f: {  	s8 =	simm.s32 $0xA280;
	s21 =	sadd.s32 s2, s3;
	[dreg:$0xd] =	wrdreg s0  }
0x20: {  	s24 =	simm.s32 $0x0;
	s17 =	sadd.s32 s11, s17;
	[dreg:$0x12] =	wrdreg s21  }
0x21: {  	s26 =	sadd.s32 s15, s3;
	s15 =	sadd.s32 s13, s4;
	[dreg:$0x8] =	wrdreg s17  }
0x22: {  	s2 =	simm.s32 $0xC400;
	s11 =	sadd.s32 s6, s1;
	[dreg:$0x13] =	wrdreg s15  }
0x23: {  	s13 =	simm.s32 $0xA180;
	s0 =	sshrl.u32 s11, $0x3;
	[dreg:$0x14] =	wrdreg s26  }
0x24: {  	v1 =	vimm.s32 $0x0;
	vm0 =	vcmask $0x300;
	s17 =	sadd.s32 s6, s3;
	s6 =	simm.s32 $0xA200;
	[dreg:$0x1a] =	wrdreg s0  }
0x25: {  	v0 =	vimm.f32 $0.0e+00;
	v1 =	vsel vm0, $0x3, v1;
	s11 =	simm.s32 $0xA300;
	s0 =	simm.s32 $0x80;
	[dreg:$0x10] =	wrdreg s17  }
.LBB2_1:
0x26: {  	s5 =	simm.s32 $0x0;
	s15 =	rddreg [dreg:$0xc]  }
0x27: {  	[tilespmem:s5], [sflag:$0x5] =	stream.linear.gather [hbm4b:s15+s5], $0x2800, $0x38;
	[tilespmem:$0x18680] =	vst v63  }
0x28: {  	_ =	swait.ge [sflag:s29], $0x2800  }
0x29: {  	[sflag:s29] =	ssyncset.done $0x0  }
0x2a: {  	s23 =	rddreg [dreg:$0xd];
	[sflag:s29] =	ssyncadd.s32 $0xFFFFD800  }
0x2b: {  	[tilespmem:s30], [sflag:$0x5] =	stream.linear.gather [hbm4b:s23+s5], $0x2800, $0x38;
	[tilespmem:$0x18680] =	vst v63  }
0x2c: {  	_ =	swait.ge [sflag:s29], $0x2800  }
0x2d: {  	[sflag:s29] =	ssyncset.done $0x0  }
0x2e: {  	s16 =	simm.s32 $0x5000;
	s25 =	rddreg [dreg:$0x6];
	[sflag:s29] =	ssyncadd.s32 $0xFFFFD800  }
0x2f: {  	[tilespmem:s16], [sflag:$0x5] =	stream.linear.gather [hbm4b:s25+s5], $0x5100, $0x38;
	[tilespmem:$0x18680] =	vst v63  }
0x30: {  	s15 =	stileid.u32;
	_ =	swait.ge [sflag:s29], $0x5100  }
0x31: {  	s5 =	sshll.u32 s15, $0x6;
	[sflag:s29] =	ssyncset.done $0x0;
	s16 =	rddreg [dreg:$0xe]  }
0x32: {  	s25 =	sor.u32 $0x1C05, s5;
	s23 =	rddreg [dreg:$0x1a];
	[sflag:s29] =	ssyncadd.s32 $0xFFFFAF00  }
0x33: {  	[spmem:s23], [sflag:s25] =	dma.local [hbm:s16], $0xA00  }
0x34: {  	_ =	swait.ge [sflag:s29], $0xA00  }
0x35: {  	[sflag:s29] =	ssyncset.done $0x0  }
0x36: {  	s15 =	simm.s32 $0x0;
	s5 =	simm.s32 $0x80;
	[sflag:s29] =	ssyncadd.s32 $0xFFFFF600  }
.LBB2_2:
0x37: {  	p1 =	sne.s32 s5, $0x3F80;
	[tilespmem:s15+$0xC400] =	vst v0;
	s16 =	smov.u32 s5;
	s5 =	sadd.s32 $0x80, s5  }
.Ltmp0:
0x38: {  	[tilespmem:s15+$0xC410] =	vst v0;
	(pc) =	sbr.rel @p1 .LBB2_2-.Ltmp0, $2  }
0x39: {  	_ =	sdelay $0x2  }
0x3a: {  	s15 =	sshra.s32 s16, $0x2  }
0x3b: {  	[tilespmem:s15+$0xC400] =	vst v0  }
0x3c: {  	[tilespmem:s15+$0xC410] =	vst v0  }
0x3d: {  	[tilespmem:$0xA100] =	vst v0  }
0x3e: {  	[tilespmem:$0xA110] =	vst v0  }
0x3f: {  	[tilespmem:$0xA120] =	vst v0  }
0x40: {  	[tilespmem:$0xA130] =	vst v0  }
0x41: {  	[tilespmem:$0xA140] =	vst v0  }
0x42: {  	[tilespmem:$0xA150] =	vst v0  }
0x43: {  	[tilespmem:$0xA160] =	vst v0  }
0x44: {  	[tilespmem:$0xA170] =	vst v0  }
0x45: {  	[spmem:s17] =	stream.linear.scatter [tilespmem:s2], [sflag:$0x5], $0x1000, $0x38;
	[tilespmem:$0x18680] =	vst v63  }
0x46: {  	_ =	swait.ge [sflag:s29], $0x1000  }
0x47: {  	[sflag:s29] =	ssyncset.done $0x0  }
0x48: {  	[sflag:s29] =	ssyncadd.s32 $0xFFFFF000  }
0x49: {  	[spmem:s19] =	stream.linear.scatter [tilespmem:s31], [sflag:$0x5], $0x80, $0x38;
	[tilespmem:$0x18680] =	vst v63  }
0x4a: {  	_ =	swait.ge [sflag:s29], $0x80  }
0x4b: {  	[sflag:s29] =	ssyncset.done $0x0  }
0x4c: {  	[sflag:s29] =	ssyncadd.s32 $0xFFFFFF80  }
0x4d: {  	[spmem:s21] =	stream.linear.scatter [tilespmem:s2], [sflag:$0x5], $0x1000, $0x38;
	[tilespmem:$0x18680] =	vst v63  }
0x4e: {  	_ =	swait.ge [sflag:s29], $0x1000  }
0x4f: {  	[sflag:s29] =	ssyncset.done $0x0  }
0x50: {  	s5 =	rddreg [dreg:$0x11];
	[sflag:s29] =	ssyncadd.s32 $0xFFFFF000  }
0x51: {  	[spmem:s5] =	stream.linear.scatter [tilespmem:s31], [sflag:$0x5], $0x80, $0x38;
	[tilespmem:$0x18680] =	vst v63  }
0x52: {  	_ =	swait.ge [sflag:s29], $0x80  }
0x53: {  	[sflag:s29] =	ssyncset.done $0x0  }
0x54: {  	[sflag:s29] =	ssyncadd.s32 $0xFFFFFF80  }
0x55: {  	[spmem:s26] =	stream.linear.scatter [tilespmem:s2], [sflag:$0x5], $0x1000, $0x38;
	[tilespmem:$0x18680] =	vst v63  }
0x56: {  	_ =	swait.ge [sflag:s29], $0x1000  }
0x57: {  	[sflag:s29] =	ssyncset.done $0x0  }
0x58: {  	s17 =	rddreg [dreg:$0x13];
	[sflag:s29] =	ssyncadd.s32 $0xFFFFF000  }
0x59: {  	[spmem:s17] =	stream.linear.scatter [tilespmem:s31], [sflag:$0x5], $0x80, $0x38;
	[tilespmem:$0x18680] =	vst v63  }
0x5a: {  	_ =	swait.ge [sflag:s29], $0x80  }
0x5b: {  	[sflag:s29] =	ssyncset.done $0x0  }
0x5c: {  	[sflag:s29] =	ssyncadd.s32 $0xFFFFFF80  }
0x5d: {  	[spmem:s28] =	stream.linear.scatter [tilespmem:s2], [sflag:$0x5], $0x1000, $0x38;
	[tilespmem:$0x18680] =	vst v63  }
0x5e: {  	_ =	swait.ge [sflag:s29], $0x1000  }
0x5f: {  	[sflag:s29] =	ssyncset.done $0x0  }
0x60: {  	s19 =	rddreg [dreg:$0x15];
	[sflag:s29] =	ssyncadd.s32 $0xFFFFF000  }
0x61: {  	[spmem:s19] =	stream.linear.scatter [tilespmem:s31], [sflag:$0x5], $0x80, $0x38;
	[tilespmem:$0x18680] =	vst v63  }
0x62: {  	_ =	swait.ge [sflag:s29], $0x80  }
0x63: {  	[sflag:s29] =	ssyncset.done $0x0  }
0x64: {  	s21 =	rddreg [dreg:$0x16];
	[sflag:s29] =	ssyncadd.s32 $0xFFFFFF80  }
0x65: {  	[spmem:s21] =	stream.linear.scatter [tilespmem:s2], [sflag:$0x5], $0x1000, $0x38;
	[tilespmem:$0x18680] =	vst v63  }
0x66: {  	_ =	swait.ge [sflag:s29], $0x1000  }
0x67: {  	[sflag:s29] =	ssyncset.done $0x0  }
0x68: {  	s26 =	rddreg [dreg:$0x17];
	[sflag:s29] =	ssyncadd.s32 $0xFFFFF000  }
0x69: {  	[spmem:s26] =	stream.linear.scatter [tilespmem:s31], [sflag:$0x5], $0x80, $0x38;
	[tilespmem:$0x18680] =	vst v63  }
0x6a: {  	_ =	swait.ge [sflag:s29], $0x80  }
0x6b: {  	[sflag:s29] =	ssyncset.done $0x0  }
0x6c: {  	s23 =	smov.u32 s28;
	[sflag:s29] =	ssyncadd.s32 $0xFFFFFF80  }
0x6d: {  	s28 =	simm.s32 $0x0;
	s26 =	simm.s32 $0x0;
	[bflag:$0x0] =	sbarrier.arrive $0xFFFF  }
.LBB2_4:
0x6e: {  	s5 =	sshll.u32 s28, $0x8  }
0x6f: {  	s5 =	sand.u32 $0x3FFFFF00, s5  }
0x70: {  	v2 =	vld [tilespmem:s5+$0x5000];
	_ =	sdelay $0x4  }
0x71: {  	v3 =	vshrl.u32 v2, $0xE  }
0x72: {  	v2 =	vand.u32 $0x3FFF, v2;
	_ =	sdelay $0x1  }
0x73: {  	[tilespmem:$0xA200] =	vst v3  }
0x74: {  	[tilespmem:$0xA300] =	vst v2  }
0x75: {  	v3 =	vld.idx.msk [tilespmem:v3+s26+$0x0], $0xffff  }
0x76: {  	v2 =	vld.idx.msk [tilespmem:v2+s30+$0x0], $0xffff;
	_ =	sdelay $0x4  }
0x77: {  	v2 =	vadd.f32 v2, v3;
	_ =	sdelay $0x1  }
0x78: {  	v3 =	vmul.f32 $2.000000030e-01, v2  }
0x79: {  	vm0 =	vge.f32 v2, $0.0e+00  }
0x7a: {  	v2 =	vsel vm0, v2, v3  }
0x7b: {  	v2 =	vmul.f32 $1.442695020e+00, v2;
	_ =	sdelay $0x1  }
0x7c: {  	(erf) = vpow2.f32 v2;
	_ =	sdelay $0x8  }
0x7d: {  	v2 =	vpop (erf)  }
0x7e: {  	[tilespmem:$0xA100] =	vst v2  }
0x7f: {  	v2 =	vld [tilespmem:s5+$0x5010];
	_ =	sdelay $0x4  }
0x80: {  	v3 =	vshrl.u32 v2, $0xE  }
0x81: {  	v2 =	vand.u32 $0x3FFF, v2;
	_ =	sdelay $0x1  }
0x82: {  	[tilespmem:$0xA210] =	vst v3  }
0x83: {  	[tilespmem:$0xA310] =	vst v2  }
0x84: {  	v3 =	vld.idx.msk [tilespmem:v3+s26+$0x0], $0xffff  }
0x85: {  	v2 =	vld.idx.msk [tilespmem:v2+s30+$0x0], $0xffff;
	_ =	sdelay $0x4  }
0x86: {  	v2 =	vadd.f32 v2, v3;
	_ =	sdelay $0x1  }
0x87: {  	v3 =	vmul.f32 $2.000000030e-01, v2  }
0x88: {  	vm13 =	vge.f32 v2, $0.0e+00  }
0x89: {  	v2 =	vsel vm13, v2, v3  }
0x8a: {  	v2 =	vmul.f32 $1.442695020e+00, v2;
	_ =	sdelay $0x1  }
0x8b: {  	(erf) = vpow2.f32 v2;
	_ =	sdelay $0x8  }
0x8c: {  	v2 =	vpop (erf)  }
0x8d: {  	[tilespmem:$0xA110] =	vst v2  }
0x8e: {  	v2 =	vld [tilespmem:s5+$0x5020];
	_ =	sdelay $0x4  }
0x8f: {  	v3 =	vshrl.u32 v2, $0xE  }
0x90: {  	v2 =	vand.u32 $0x3FFF, v2;
	_ =	sdelay $0x1  }
0x91: {  	[tilespmem:$0xA220] =	vst v3  }
0x92: {  	[tilespmem:$0xA320] =	vst v2  }
0x93: {  	v3 =	vld.idx.msk [tilespmem:v3+s26+$0x0], $0xffff  }
0x94: {  	v2 =	vld.idx.msk [tilespmem:v2+s30+$0x0], $0xffff;
	_ =	sdelay $0x4  }
0x95: {  	v2 =	vadd.f32 v2, v3;
	_ =	sdelay $0x1  }
0x96: {  	v3 =	vmul.f32 $2.000000030e-01, v2  }
0x97: {  	vm14 =	vge.f32 v2, $0.0e+00  }
0x98: {  	v2 =	vsel vm14, v2, v3  }
0x99: {  	v2 =	vmul.f32 $1.442695020e+00, v2;
	_ =	sdelay $0x1  }
0x9a: {  	(erf) = vpow2.f32 v2;
	_ =	sdelay $0x8  }
0x9b: {  	v2 =	vpop (erf)  }
0x9c: {  	[tilespmem:$0xA120] =	vst v2  }
0x9d: {  	v2 =	vld [tilespmem:s5+$0x5030];
	_ =	sdelay $0x4  }
0x9e: {  	v3 =	vshrl.u32 v2, $0xE  }
0x9f: {  	v2 =	vand.u32 $0x3FFF, v2;
	_ =	sdelay $0x1  }
0xa0: {  	[tilespmem:$0xA230] =	vst v3  }
0xa1: {  	[tilespmem:$0xA330] =	vst v2  }
0xa2: {  	v3 =	vld.idx.msk [tilespmem:v3+s26+$0x0], $0xffff  }
0xa3: {  	v2 =	vld.idx.msk [tilespmem:v2+s30+$0x0], $0xffff;
	_ =	sdelay $0x4  }
0xa4: {  	v2 =	vadd.f32 v2, v3;
	_ =	sdelay $0x1  }
0xa5: {  	v3 =	vmul.f32 $2.000000030e-01, v2  }
0xa6: {  	vm15 =	vge.f32 v2, $0.0e+00  }
0xa7: {  	v2 =	vsel vm15, v2, v3  }
0xa8: {  	v2 =	vmul.f32 $1.442695020e+00, v2;
	_ =	sdelay $0x1  }
0xa9: {  	(erf) = vpow2.f32 v2;
	_ =	sdelay $0x8  }
0xaa: {  	v2 =	vpop (erf)  }
0xab: {  	[tilespmem:$0xA130] =	vst v2  }
0xac: {  	v2 =	vld [tilespmem:s5+$0x5040];
	_ =	sdelay $0x4  }
0xad: {  	v3 =	vshrl.u32 v2, $0xE  }
0xae: {  	v2 =	vand.u32 $0x3FFF, v2;
	_ =	sdelay $0x1  }
0xaf: {  	[tilespmem:$0xA240] =	vst v3  }
0xb0: {  	[tilespmem:$0xA340] =	vst v2  }
0xb1: {  	v3 =	vld.idx.msk [tilespmem:v3+s26+$0x0], $0xffff  }
0xb2: {  	v2 =	vld.idx.msk [tilespmem:v2+s30+$0x0], $0xffff;
	_ =	sdelay $0x4  }
0xb3: {  	v2 =	vadd.f32 v2, v3;
	_ =	sdelay $0x1  }
0xb4: {  	v3 =	vmul.f32 $2.000000030e-01, v2  }
0xb5: {  	vm4 =	vge.f32 v2, $0.0e+00  }
0xb6: {  	v2 =	vsel vm4, v2, v3  }
0xb7: {  	v2 =	vmul.f32 $1.442695020e+00, v2;
	_ =	sdelay $0x1  }
0xb8: {  	(erf) = vpow2.f32 v2;
	_ =	sdelay $0x8  }
0xb9: {  	v2 =	vpop (erf)  }
0xba: {  	[tilespmem:$0xA140] =	vst v2  }
0xbb: {  	v2 =	vld [tilespmem:s5+$0x5050];
	_ =	sdelay $0x4  }
0xbc: {  	v3 =	vshrl.u32 v2, $0xE  }
0xbd: {  	v2 =	vand.u32 $0x3FFF, v2;
	_ =	sdelay $0x1  }
0xbe: {  	[tilespmem:$0xA250] =	vst v3  }
0xbf: {  	[tilespmem:$0xA350] =	vst v2  }
0xc0: {  	v3 =	vld.idx.msk [tilespmem:v3+s26+$0x0], $0xffff  }
0xc1: {  	v2 =	vld.idx.msk [tilespmem:v2+s30+$0x0], $0xffff;
	_ =	sdelay $0x4  }
0xc2: {  	v2 =	vadd.f32 v2, v3;
	_ =	sdelay $0x1  }
0xc3: {  	v3 =	vmul.f32 $2.000000030e-01, v2  }
0xc4: {  	vm5 =	vge.f32 v2, $0.0e+00  }
0xc5: {  	v2 =	vsel vm5, v2, v3  }
0xc6: {  	v2 =	vmul.f32 $1.442695020e+00, v2;
	_ =	sdelay $0x1  }
0xc7: {  	(erf) = vpow2.f32 v2;
	_ =	sdelay $0x8  }
0xc8: {  	v2 =	vpop (erf)  }
0xc9: {  	[tilespmem:$0xA150] =	vst v2  }
0xca: {  	v2 =	vld [tilespmem:s5+$0x5060];
	_ =	sdelay $0x4  }
0xcb: {  	v3 =	vshrl.u32 v2, $0xE  }
0xcc: {  	v2 =	vand.u32 $0x3FFF, v2;
	_ =	sdelay $0x1  }
0xcd: {  	[tilespmem:$0xA260] =	vst v3  }
0xce: {  	[tilespmem:$0xA360] =	vst v2  }
0xcf: {  	v3 =	vld.idx.msk [tilespmem:v3+s26+$0x0], $0xffff  }
0xd0: {  	v2 =	vld.idx.msk [tilespmem:v2+s30+$0x0], $0xffff;
	_ =	sdelay $0x4  }
0xd1: {  	v2 =	vadd.f32 v2, v3;
	_ =	sdelay $0x1  }
0xd2: {  	v3 =	vmul.f32 $2.000000030e-01, v2  }
0xd3: {  	vm6 =	vge.f32 v2, $0.0e+00  }
0xd4: {  	v2 =	vsel vm6, v2, v3  }
0xd5: {  	v2 =	vmul.f32 $1.442695020e+00, v2;
	_ =	sdelay $0x1  }
0xd6: {  	(erf) = vpow2.f32 v2;
	_ =	sdelay $0x8  }
0xd7: {  	v2 =	vpop (erf)  }
0xd8: {  	[tilespmem:$0xA160] =	vst v2  }
0xd9: {  	v2 =	vld [tilespmem:s5+$0x5070];
	_ =	sdelay $0x4  }
0xda: {  	v3 =	vshrl.u32 v2, $0xE  }
0xdb: {  	v2 =	vand.u32 $0x3FFF, v2;
	_ =	sdelay $0x1  }
0xdc: {  	[tilespmem:$0xA270] =	vst v3  }
0xdd: {  	[tilespmem:$0xA370] =	vst v2  }
0xde: {  	v3 =	vld.idx.msk [tilespmem:v3+s26+$0x0], $0xffff  }
0xdf: {  	v2 =	vld.idx.msk [tilespmem:v2+s30+$0x0], $0xffff;
	_ =	sdelay $0x4  }
0xe0: {  	v2 =	vadd.f32 v2, v3;
	_ =	sdelay $0x1  }
0xe1: {  	v3 =	vmul.f32 $2.000000030e-01, v2  }
0xe2: {  	vm7 =	vge.f32 v2, $0.0e+00  }
0xe3: {  	v2 =	vsel vm7, v2, v3  }
0xe4: {  	v2 =	vmul.f32 $1.442695020e+00, v2;
	_ =	sdelay $0x1  }
0xe5: {  	(erf) = vpow2.f32 v2;
	_ =	sdelay $0x8  }
0xe6: {  	v2 =	vpop (erf)  }
0xe7: {  	[tilespmem:$0xA170] =	vst v2  }
0xe8: {  	[tilespmem:s7], [sflag:$0x1] =	stream.indirect.gather [spmem:s1], $0x20, s6, s0, $0xb8;
	[tilespmem:$0x18680] =	vst v63  }
0xe9: {  	v2 =	vld [tilespmem:s5+$0x5080];
	_ =	sdelay $0x4  }
0xea: {  	v3 =	vshrl.u32 v2, $0xE  }
0xeb: {  	v2 =	vand.u32 $0x3FFF, v2;
	_ =	sdelay $0x1  }
0xec: {  	[tilespmem:$0xA280] =	vst v3  }
0xed: {  	[tilespmem:$0xA380] =	vst v2  }
0xee: {  	v3 =	vld.idx.msk [tilespmem:v3+s26+$0x0], $0xffff  }
0xef: {  	v2 =	vld.idx.msk [tilespmem:v2+s30+$0x0], $0xffff;
	_ =	sdelay $0x4  }
0xf0: {  	v2 =	vadd.f32 v2, v3;
	_ =	sdelay $0x1  }
0xf1: {  	v3 =	vmul.f32 $2.000000030e-01, v2  }
0xf2: {  	vm8 =	vge.f32 v2, $0.0e+00  }
0xf3: {  	v2 =	vsel vm8, v2, v3  }
0xf4: {  	v2 =	vmul.f32 $1.442695020e+00, v2;
	_ =	sdelay $0x1  }
0xf5: {  	(erf) = vpow2.f32 v2;
	_ =	sdelay $0x8  }
0xf6: {  	v2 =	vpop (erf)  }
0xf7: {  	[tilespmem:$0xA180] =	vst v2  }
0xf8: {  	v2 =	vld [tilespmem:s5+$0x5090];
	_ =	sdelay $0x4  }
0xf9: {  	v3 =	vshrl.u32 v2, $0xE  }
0xfa: {  	v2 =	vand.u32 $0x3FFF, v2;
	_ =	sdelay $0x1  }
0xfb: {  	[tilespmem:$0xA290] =	vst v3  }
0xfc: {  	[tilespmem:$0xA390] =	vst v2  }
0xfd: {  	v3 =	vld.idx.msk [tilespmem:v3+s26+$0x0], $0xffff  }
0xfe: {  	v2 =	vld.idx.msk [tilespmem:v2+s30+$0x0], $0xffff;
	_ =	sdelay $0x4  }
0xff: {  	v2 =	vadd.f32 v2, v3;
	_ =	sdelay $0x1  }
0x100: {  	v3 =	vmul.f32 $2.000000030e-01, v2  }
0x101: {  	vm9 =	vge.f32 v2, $0.0e+00  }
0x102: {  	v2 =	vsel vm9, v2, v3  }
0x103: {  	v2 =	vmul.f32 $1.442695020e+00, v2;
	_ =	sdelay $0x1  }
0x104: {  	(erf) = vpow2.f32 v2;
	_ =	sdelay $0x8  }
0x105: {  	v2 =	vpop (erf)  }
0x106: {  	[tilespmem:$0xA190] =	vst v2  }
0x107: {  	v2 =	vld [tilespmem:s5+$0x50A0];
	_ =	sdelay $0x4  }
0x108: {  	v3 =	vshrl.u32 v2, $0xE  }
0x109: {  	v2 =	vand.u32 $0x3FFF, v2;
	_ =	sdelay $0x1  }
0x10a: {  	[tilespmem:$0xA2A0] =	vst v3  }
0x10b: {  	[tilespmem:$0xA3A0] =	vst v2  }
0x10c: {  	v3 =	vld.idx.msk [tilespmem:v3+s26+$0x0], $0xffff  }
0x10d: {  	v2 =	vld.idx.msk [tilespmem:v2+s30+$0x0], $0xffff;
	_ =	sdelay $0x4  }
0x10e: {  	v2 =	vadd.f32 v2, v3;
	_ =	sdelay $0x1  }
0x10f: {  	v3 =	vmul.f32 $2.000000030e-01, v2  }
0x110: {  	vm10 =	vge.f32 v2, $0.0e+00  }
0x111: {  	v2 =	vsel vm10, v2, v3  }
0x112: {  	v2 =	vmul.f32 $1.442695020e+00, v2;
	_ =	sdelay $0x1  }
0x113: {  	(erf) = vpow2.f32 v2;
	_ =	sdelay $0x8  }
0x114: {  	v2 =	vpop (erf)  }
0x115: {  	[tilespmem:$0xA1A0] =	vst v2  }
0x116: {  	v2 =	vld [tilespmem:s5+$0x50B0];
	_ =	sdelay $0x4  }
0x117: {  	v3 =	vshrl.u32 v2, $0xE  }
0x118: {  	v2 =	vand.u32 $0x3FFF, v2;
	_ =	sdelay $0x1  }
0x119: {  	[tilespmem:$0xA2B0] =	vst v3  }
0x11a: {  	[tilespmem:$0xA3B0] =	vst v2  }
0x11b: {  	v3 =	vld.idx.msk [tilespmem:v3+s26+$0x0], $0xffff  }
0x11c: {  	v2 =	vld.idx.msk [tilespmem:v2+s30+$0x0], $0xffff;
	_ =	sdelay $0x4  }
0x11d: {  	v2 =	vadd.f32 v2, v3;
	_ =	sdelay $0x1  }
0x11e: {  	v3 =	vmul.f32 $2.000000030e-01, v2  }
0x11f: {  	vm11 =	vge.f32 v2, $0.0e+00  }
0x120: {  	v2 =	vsel vm11, v2, v3  }
0x121: {  	v2 =	vmul.f32 $1.442695020e+00, v2;
	_ =	sdelay $0x1  }
0x122: {  	(erf) = vpow2.f32 v2;
	_ =	sdelay $0x8  }
0x123: {  	v2 =	vpop (erf)  }
0x124: {  	[tilespmem:$0xA1B0] =	vst v2  }
0x125: {  	v2 =	vld [tilespmem:s5+$0x50C0];
	_ =	sdelay $0x4  }
0x126: {  	v3 =	vshrl.u32 v2, $0xE  }
0x127: {  	v2 =	vand.u32 $0x3FFF, v2;
	_ =	sdelay $0x1  }
0x128: {  	[tilespmem:$0xA2C0] =	vst v3  }
0x129: {  	[tilespmem:$0xA3C0] =	vst v2  }
0x12a: {  	v3 =	vld.idx.msk [tilespmem:v3+s26+$0x0], $0xffff  }
0x12b: {  	v2 =	vld.idx.msk [tilespmem:v2+s30+$0x0], $0xffff;
	_ =	sdelay $0x4  }
0x12c: {  	v2 =	vadd.f32 v2, v3;
	_ =	sdelay $0x1  }
0x12d: {  	v3 =	vmul.f32 $2.000000030e-01, v2  }
0x12e: {  	vm12 =	vge.f32 v2, $0.0e+00  }
0x12f: {  	v2 =	vsel vm12, v2, v3  }
0x130: {  	v2 =	vmul.f32 $1.442695020e+00, v2;
	_ =	sdelay $0x1  }
0x131: {  	(erf) = vpow2.f32 v2;
	_ =	sdelay $0x8  }
0x132: {  	v2 =	vpop (erf)  }
0x133: {  	[tilespmem:$0xA1C0] =	vst v2  }
0x134: {  	v2 =	vld [tilespmem:s5+$0x50D0];
	_ =	sdelay $0x4  }
0x135: {  	v3 =	vshrl.u32 v2, $0xE  }
0x136: {  	v2 =	vand.u32 $0x3FFF, v2;
	_ =	sdelay $0x1  }
0x137: {  	[tilespmem:$0xA2D0] =	vst v3  }
0x138: {  	[tilespmem:$0xA3D0] =	vst v2  }
0x139: {  	v3 =	vld.idx.msk [tilespmem:v3+s26+$0x0], $0xffff  }
0x13a: {  	v2 =	vld.idx.msk [tilespmem:v2+s30+$0x0], $0xffff;
	_ =	sdelay $0x4  }
0x13b: {  	v2 =	vadd.f32 v2, v3;
	_ =	sdelay $0x1  }
0x13c: {  	v3 =	vmul.f32 $2.000000030e-01, v2  }
0x13d: {  	vm13 =	vge.f32 v2, $0.0e+00  }
0x13e: {  	v2 =	vsel vm13, v2, v3  }
0x13f: {  	v2 =	vmul.f32 $1.442695020e+00, v2;
	_ =	sdelay $0x1  }
0x140: {  	(erf) = vpow2.f32 v2;
	_ =	sdelay $0x8  }
0x141: {  	v2 =	vpop (erf)  }
0x142: {  	[tilespmem:$0xA1D0] =	vst v2  }
0x143: {  	v2 =	vld [tilespmem:s5+$0x50E0];
	_ =	sdelay $0x4  }
0x144: {  	v3 =	vshrl.u32 v2, $0xE  }
0x145: {  	v2 =	vand.u32 $0x3FFF, v2;
	_ =	sdelay $0x1  }
0x146: {  	[tilespmem:$0xA2E0] =	vst v3  }
0x147: {  	[tilespmem:$0xA3E0] =	vst v2  }
0x148: {  	v3 =	vld.idx.msk [tilespmem:v3+s26+$0x0], $0xffff  }
0x149: {  	v2 =	vld.idx.msk [tilespmem:v2+s30+$0x0], $0xffff;
	_ =	sdelay $0x4  }
0x14a: {  	v2 =	vadd.f32 v2, v3;
	_ =	sdelay $0x1  }
0x14b: {  	v3 =	vmul.f32 $2.000000030e-01, v2  }
0x14c: {  	vm14 =	vge.f32 v2, $0.0e+00  }
0x14d: {  	v2 =	vsel vm14, v2, v3  }
0x14e: {  	v2 =	vmul.f32 $1.442695020e+00, v2;
	_ =	sdelay $0x1  }
0x14f: {  	(erf) = vpow2.f32 v2;
	_ =	sdelay $0x8  }
0x150: {  	v2 =	vpop (erf)  }
0x151: {  	[tilespmem:$0xA1E0] =	vst v2  }
0x152: {  	v2 =	vld [tilespmem:s5+$0x50F0];
	_ =	sdelay $0x4  }
0x153: {  	v3 =	vshrl.u32 v2, $0xE  }
0x154: {  	v2 =	vand.u32 $0x3FFF, v2;
	_ =	sdelay $0x1  }
0x155: {  	[tilespmem:$0xA2F0] =	vst v3  }
0x156: {  	[tilespmem:$0xA3F0] =	vst v2  }
0x157: {  	v3 =	vld.idx.msk [tilespmem:v3+s26+$0x0], $0xffff  }
0x158: {  	v2 =	vld.idx.msk [tilespmem:v2+s30+$0x0], $0xffff;
	_ =	sdelay $0x4  }
0x159: {  	v2 =	vadd.f32 v2, v3;
	_ =	sdelay $0x1  }
0x15a: {  	v3 =	vmul.f32 $2.000000030e-01, v2  }
0x15b: {  	vm15 =	vge.f32 v2, $0.0e+00  }
0x15c: {  	v2 =	vsel vm15, v2, v3  }
0x15d: {  	v2 =	vmul.f32 $1.442695020e+00, v2;
	_ =	sdelay $0x1  }
0x15e: {  	(erf) = vpow2.f32 v2;
	_ =	sdelay $0x1  }
0x15f: {  	s15 =	simm.s32 $0x2  }
0x160: {  	s16 =	simm.s32 $0x3;
	s17 =	simm.s32 $0x4;
	s19 =	simm.s32 $0x5;
	v4 =	vmov s15  }
0x161: {  	v5 =	vmov s16;
	v6 =	vmov s17;
	v7 =	vmov s19  }
0x162: {  	s21 =	simm.s32 $0x1;
	v4 =	vshrl.u32 v4, $0x3;
	v5 =	vshrl.u32 v5, $0x3;
	v6 =	vshrl.u32 v6, $0x3  }
0x163: {  	v7 =	vshrl.u32 v7, $0x3;
	v3 =	vmov s21;
	v2 =	vmov s26  }
0x164: {  	v4 =	vshll.u32 v4, v1;
	v3 =	vshrl.u32 v3, $0x3;
	v2 =	vshrl.u32 v2, $0x3  }
0x165: {  	v5 =	vshll.u32 v5, v1;
	v3 =	vshll.u32 v3, v1;
	v2 =	vshll.u32 v2, v1  }
0x166: {  	v6 =	vshll.u32 v6, v1;
	v3 =	vadd.s32 $0x1, v3;
	v2 =	vbroadcast v2, $0x0;
	v9 =	vpop (erf)  }
0x167: {  	s16 =	simm.s32 $0x7;
	v7 =	vshll.u32 v7, v1;
	v4 =	vadd.s32 $0x2, v4;
	s21 =	simm.s32 $0x6;
	v3 =	vbroadcast v3, $0x0;
	[tilespmem:$0xA1F0] =	vst v9  }
0x168: {  	v5 =	vadd.s32 $0x3, v5;
	v6 =	vadd.s32 $0x4, v6;
	v4 =	vbroadcast v4, $0x0;
	[tilespmem:s9], [sflag:$0x2] =	stream.indirect.gather [spmem:s1], $0x20, s8, s0, $0xb8;
	[tilespmem:$0x18680] =	vst v63  }
0x169: {  	v5 =	vbroadcast v5, $0x0;
	v8 =	vmov s21;
	v9 =	vmov s16;
	_ =	swait.ge [sflag:s10], $0x1000  }
0x16a: {  	v10 =	vbroadcast v6, $0x0;
	v8 =	vshrl.u32 v8, $0x3;
	v6 =	vshrl.u32 v9, $0x3;
	[sflag:s10] =	ssyncset.done $0x0  }
0x16b: {  	v7 =	vadd.s32 $0x5, v7;
	v8 =	vshll.u32 v8, v1;
	v6 =	vshll.u32 v6, v1;
	[sflag:s10] =	ssyncadd.s32 $0xFFFFF000  }
0x16c: {  	v8 =	vadd.s32 $0x6, v8;
	v9 =	vbroadcast v7, $0x0;
	v6 =	vadd.s32 $0x7, v6;
	v7 =	vld.idx.msk [tilespmem:v2+s31+$0x0], $0xffff  }
0x16d: {  	v11 =	vbroadcast v6, $0x0;
	v2 =	vbroadcast v8, $0x0;
	v8 =	vld.idx.msk [tilespmem:v3+s31+$0x0], $0xffff  }
0x16e: {  	v6 =	vld.idx.msk [tilespmem:v4+s31+$0x0], $0xffff  }
0x16f: {  	v5 =	vld.idx.msk [tilespmem:v5+s31+$0x0], $0xffff  }
0x170: {  	s5 =	simm.s32 $0xA480;
	v4 =	vld.idx.msk [tilespmem:v10+s31+$0x0], $0xffff  }
0x171: {  	v15 =	vld [tilespmem:s5+$0xFFFFFF80]  }
0x172: {  	s19 =	simm.s32 $0x9;
	v3 =	vld.idx.msk [tilespmem:v9+s31+$0x0], $0xffff  }
0x173: {  	v12 =	vmov s19;
	s19 =	simm.s32 $0xD;
	v9 =	vld.idx.msk [tilespmem:v11+s31+$0x0], $0xffff  }
0x174: {  	v17 =	vmov s19;
	s21 =	simm.s32 $0xA;
	v11 =	vld [tilespmem:s5+$0x60]  }
0x175: {  	v12 =	vshrl.u32 v12, $0x3;
	v17 =	vshrl.u32 v17, $0x3;
	v13 =	vmov s21;
	s21 =	simm.s32 $0xE;
	v19 =	vld [tilespmem:s5+$0xFFFFFFA0]  }
0x176: {  	v12 =	vshll.u32 v12, v1;
	v18 =	vmov s21;
	v13 =	vshrl.u32 v13, $0x3;
	v20 =	vld [tilespmem:s5+$0xFFFFFFC0]  }
0x177: {  	s17 =	simm.s32 $0x8;
	v17 =	vshll.u32 v17, v1;
	v18 =	vshrl.u32 v18, $0x3;
	v13 =	vshll.u32 v13, v1;
	v21 =	vld [tilespmem:s5+$0xFFFFFFE0]  }
0x178: {  	v25 =	vshll.u32 v18, v1;
	v26 =	vadd.s32 $0x2, v13;
	v10 =	vmov s17;
	s17 =	simm.s32 $0xB;
	v22 =	vld [tilespmem:s5+$0x0]  }
0x179: {  	v23 =	vld [tilespmem:s5+$0x20];
	v10 =	vshrl.u32 v10, $0x3;
	v14 =	vmov s17;
	s17 =	simm.s32 $0xC;
	v11 =	vmul.f32 v11, v9  }
0x17a: {  	s15 =	simm.s32 $0xC480;
	v24 =	vld [tilespmem:s5+$0x40];
	v16 =	vmov s17;
	v10 =	vshll.u32 v10, v1;
	v15 =	vmul.f32 v15, v7  }
0x17b: {  	v14 =	vshrl.u32 v14, $0x3;
	v16 =	vshrl.u32 v16, $0x3;
	v19 =	vmul.f32 v19, v8;
	v2 =	vld.idx.msk [tilespmem:v2+s31+$0x0], $0xffff;
	[tilespmem:s15+$0x60] =	vst v11  }
0x17c: {  	v10 =	vbroadcast v10, $0x0;
	v14 =	vshll.u32 v14, v1;
	[tilespmem:s15+$0xFFFFFF80] =	vst v15;
	v15 =	vmul.f32 v20, v6;
	v11 =	vld [tilespmem:s5+$0x70]  }
0x17d: {  	v16 =	vshll.u32 v16, v1;
	v27 =	vmul.f32 v21, v5;
	v20 =	vadd.s32 $0x1, v12;
	[tilespmem:s15+$0xFFFFFFA0] =	vst v19;
	v12 =	vld [tilespmem:s5+$0xFFFFFF90]  }
0x17e: {  	v21 =	vadd.s32 $0x3, v14;
	v18 =	vadd.s32 $0x4, v16;
	v28 =	vmul.f32 v22, v4;
	v14 =	vld [tilespmem:s5+$0xFFFFFFB0];
	[tilespmem:s15+$0xFFFFFFC0] =	vst v15  }
0x17f: {  	v19 =	vadd.s32 $0x5, v17;
	[tilespmem:s15+$0xFFFFFFE0] =	vst v27;
	v22 =	vmul.f32 v23, v3;
	v16 =	vbroadcast v20, $0x0;
	v13 =	vld [tilespmem:s5+$0xFFFFFFD0]  }
0x180: {  	s16 =	simm.s32 $0x10;
	s17 =	simm.s32 $0xF;
	v17 =	vbroadcast v26, $0x0;
	[tilespmem:s15+$0x0] =	vst v28;
	v20 =	vadd.s32 $0x6, v25;
	v15 =	vld [tilespmem:s5+$0xFFFFFFF0];
	v23 =	vmul.f32 v24, v2  }
.LBB2_5:
0x181: {  	p1 =	slt.u32 s16, $0x78;
	v21 =	vbroadcast v21, $0x0;
	v24 =	vmov s17;
	v25 =	vld [tilespmem:s5+$0x10];
	[tilespmem:s15+$0x20] =	vst v22;
	v9 =	vmul.f32 v11, v9  }
0x182: {  	v11 =	vbroadcast v18, $0x0;
	v18 =	vshrl.u32 v24, $0x3;
	v12 =	vmul.f32 v12, v7;
	v22 =	vld [tilespmem:s5+$0x30];
	[tilespmem:s15+$0x40] =	vst v23  }
0x183: {  	v19 =	vbroadcast v19, $0x0;
	v18 =	vshll.u32 v18, v1;
	v14 =	vmul.f32 v14, v8;
	v23 =	vld [tilespmem:s5+$0x50];
	[tilespmem:s15+$0x70] =	vst v9  }
0x184: {  	v9 =	vbroadcast v20, $0x0;
	v7 =	vld.idx.msk [tilespmem:v10+s31+$0x0], $0xffff;
	v10 =	vadd.s32 $0x7, v18;
	[tilespmem:s15+$0xFFFFFF90] =	vst v12;
	v12 =	vmul.f32 v13, v6  }
0x185: {  	v8 =	vld.idx.msk [tilespmem:v16+s31+$0x0], $0xffff;
	v10 =	vbroadcast v10, $0x0;
	[tilespmem:s15+$0xFFFFFFB0] =	vst v14;
	v13 =	vmul.f32 v15, v5  }
0x186: {  	v6 =	vld.idx.msk [tilespmem:v17+s31+$0x0], $0xffff;
	[tilespmem:s15+$0xFFFFFFD0] =	vst v12;
	v12 =	vmul.f32 v25, v4  }
0x187: {  	v5 =	vld.idx.msk [tilespmem:v21+s31+$0x0], $0xffff;
	[tilespmem:s15+$0xFFFFFFF0] =	vst v13;
	v13 =	vmul.f32 v22, v3  }
0x188: {  	v4 =	vld.idx.msk [tilespmem:v11+s31+$0x0], $0xffff;
	[tilespmem:s15+$0x10] =	vst v12;
	v11 =	vmul.f32 v23, v2  }
0x189: {  	v3 =	vld.idx.msk [tilespmem:v19+s31+$0x0], $0xffff;
	[tilespmem:s15+$0x30] =	vst v13  }
0x18a: {  	v2 =	vld.idx.msk [tilespmem:v9+s31+$0x0], $0xffff;
	[tilespmem:s15+$0x50] =	vst v11  }
0x18b: {  	s5 =	sadd.s32 $0x100, s5;
	v11 =	vmov s16;
	v9 =	vld.idx.msk [tilespmem:v10+s31+$0x0], $0xffff  }
0x18c: {  	s17 =	sadd.s32 $0x1, s16;
	s19 =	sadd.s32 $0x2, s16;
	s21 =	sadd.s32 $0x3, s16;
	v10 =	vshrl.u32 v11, $0x3;
	v11 =	vld [tilespmem:s5+$0x60]  }
0x18d: {  	v14 =	vmov s21;
	s21 =	sadd.s32 $0x6, s16;
	v12 =	vmov s17;
	s17 =	sadd.s32 $0x4, s16;
	v13 =	vmov s19;
	s19 =	sadd.s32 $0x5, s16;
	v15 =	vld [tilespmem:s5+$0xFFFFFF80]  }
0x18e: {  	v18 =	vmov s21;
	v16 =	vmov s17;
	v17 =	vmov s19;
	v19 =	vld [tilespmem:s5+$0xFFFFFFA0]  }
0x18f: {  	v12 =	vshrl.u32 v12, $0x3;
	v13 =	vshrl.u32 v13, $0x3;
	v10 =	vshll.u32 v10, v1;
	v20 =	vld [tilespmem:s5+$0xFFFFFFC0]  }
0x190: {  	v14 =	vshrl.u32 v14, $0x3;
	v16 =	vshrl.u32 v16, $0x3;
	v17 =	vshrl.u32 v17, $0x3;
	v21 =	vld [tilespmem:s5+$0xFFFFFFE0]  }
0x191: {  	v18 =	vshrl.u32 v18, $0x3;
	v10 =	vbroadcast v10, $0x0;
	v22 =	vld [tilespmem:s5+$0x0];
	v11 =	vmul.f32 v11, v9  }
0x192: {  	v12 =	vshll.u32 v12, v1;
	s15 =	sadd.s32 $0x100, s15;
	v13 =	vshll.u32 v13, v1;
	v15 =	vmul.f32 v15, v7;
	v23 =	vld [tilespmem:s5+$0x20]  }
0x193: {  	v14 =	vshll.u32 v14, v1;
	v16 =	vshll.u32 v16, v1;
	v19 =	vmul.f32 v19, v8;
	v24 =	vld [tilespmem:s5+$0x40];
	[tilespmem:s15+$0x60] =	vst v11  }
.Ltmp1:
0x194: {  	v25 =	vshll.u32 v18, v1;
	v17 =	vshll.u32 v17, v1;
	[tilespmem:s15+$0xFFFFFF80] =	vst v15;
	v15 =	vmul.f32 v20, v6;
	v11 =	vld [tilespmem:s5+$0x70];
	(pc) =	sbr.rel @p1 .LBB2_5-.Ltmp1, $4  }
0x195: {  	v26 =	vadd.s32 $0x2, v13;
	v20 =	vadd.s32 $0x1, v12;
	v12 =	vld [tilespmem:s5+$0xFFFFFF90];
	[tilespmem:s15+$0xFFFFFFA0] =	vst v19;
	v27 =	vmul.f32 v21, v5  }
0x196: {  	v18 =	vadd.s32 $0x4, v16;
	v21 =	vadd.s32 $0x3, v14;
	v14 =	vld [tilespmem:s5+$0xFFFFFFB0];
	[tilespmem:s15+$0xFFFFFFC0] =	vst v15;
	v28 =	vmul.f32 v22, v4  }
0x197: {  	v16 =	vbroadcast v20, $0x0;
	v19 =	vadd.s32 $0x5, v17;
	v13 =	vld [tilespmem:s5+$0xFFFFFFD0];
	[tilespmem:s15+$0xFFFFFFE0] =	vst v27;
	v22 =	vmul.f32 v23, v3  }
0x198: {  	s17 =	sadd.s32 $0x7, s16;
	s16 =	sadd.s32 $0x8, s16;
	v17 =	vbroadcast v26, $0x0;
	v20 =	vadd.s32 $0x6, v25;
	v15 =	vld [tilespmem:s5+$0xFFFFFFF0];
	[tilespmem:s15+$0x0] =	vst v28;
	v23 =	vmul.f32 v24, v2  }
0x199: {  	_ =	sdelay $0x2  }
0x19a: {  	v25 =	vld [tilespmem:s5+$0x10]  }
0x19b: {  	v10 =	vld.idx.msk [tilespmem:v10+s31+$0x0], $0xffff  }
0x19c: {  	[tilespmem:s15+$0x20] =	vst v22;
	v16 =	vld.idx.msk [tilespmem:v16+s31+$0x0], $0xffff  }
0x19d: {  	v21 =	vbroadcast v21, $0x0;
	v61 =	vld [tilespmem:s5+$0x30]  }
0x19e: {  	v18 =	vbroadcast v18, $0x0;
	[tilespmem:s15+$0x40] =	vst v23;
	v17 =	vld.idx.msk [tilespmem:v17+s31+$0x0], $0xffff;
	v7 =	vmul.f32 v12, v7  }
0x19f: {  	v24 =	vmov s17;
	v19 =	vbroadcast v19, $0x0;
	s16 =	sadd.s32 $0x100, s5;
	v23 =	vld [tilespmem:s5+$0x50];
	v8 =	vmul.f32 v14, v8  }
0x1a0: {  	v22 =	vshrl.u32 v24, $0x3;
	[tilespmem:s15+$0xFFFFFF90] =	vst v7;
	v6 =	vmul.f32 v13, v6;
	v7 =	vld [tilespmem:s16+$0x60]  }
0x1a1: {  	v22 =	vshll.u32 v22, v1;
	[tilespmem:s15+$0xFFFFFFB0] =	vst v8;
	v8 =	vld [tilespmem:s16+$0xFFFFFF80]  }
0x1a2: {  	v22 =	vadd.s32 $0x7, v22;
	[tilespmem:s15+$0xFFFFFFD0] =	vst v6;
	v6 =	vld [tilespmem:s16+$0xFFFFFFA0]  }
0x1a3: {  	v9 =	vmul.f32 v11, v9;
	v22 =	vbroadcast v22, $0x0;
	v21 =	vld.idx.msk [tilespmem:v21+s31+$0x0], $0xffff  }
0x1a4: {  	v5 =	vmul.f32 v15, v5;
	v18 =	vld.idx.msk [tilespmem:v18+s31+$0x0], $0xffff  }
0x1a5: {  	[tilespmem:s15+$0x70] =	vst v9;
	v4 =	vmul.f32 v25, v4;
	v11 =	vld.idx.msk [tilespmem:v19+s31+$0x0], $0xffff  }
0x1a6: {  	v20 =	vbroadcast v20, $0x0;
	[tilespmem:s15+$0xFFFFFFF0] =	vst v5;
	v3 =	vmul.f32 v61, v3;
	v5 =	vld [tilespmem:s16+$0xFFFFFFC0]  }
0x1a7: {  	[tilespmem:s15+$0x10] =	vst v4;
	v2 =	vmul.f32 v23, v2;
	v4 =	vld [tilespmem:s16+$0xFFFFFFE0]  }
0x1a8: {  	[tilespmem:s15+$0x30] =	vst v3;
	v3 =	vld [tilespmem:s16+$0x0]  }
0x1a9: {  	[tilespmem:s15+$0x50] =	vst v2;
	v2 =	vmul.f32 v8, v10;
	v9 =	vld.idx.msk [tilespmem:v22+s31+$0x0], $0xffff  }
0x1aa: {  	v8 =	vld [tilespmem:s16+$0x20];
	s15 =	sadd.s32 $0x100, s15;
	v6 =	vmul.f32 v6, v16  }
0x1ab: {  	v13 =	vld [tilespmem:s16+$0x40];
	[tilespmem:s15+$0xFFFFFF80] =	vst v2;
	v2 =	vmul.f32 v5, v17  }
0x1ac: {  	v12 =	vld.idx.msk [tilespmem:v20+s31+$0x0], $0xffff;
	[tilespmem:s15+$0xFFFFFFA0] =	vst v6;
	v4 =	vmul.f32 v4, v21  }
0x1ad: {  	v6 =	vld [tilespmem:s16+$0xFFFFFFB0];
	[tilespmem:s15+$0xFFFFFFC0] =	vst v2  }
0x1ae: {  	v2 =	vmul.f32 v3, v18;
	v3 =	vld [tilespmem:s16+$0xFFFFFFD0];
	[tilespmem:s15+$0xFFFFFFE0] =	vst v4;
	v7 =	vmul.f32 v7, v9  }
0x1af: {  	v4 =	vmul.f32 v8, v11;
	v8 =	vld [tilespmem:s16+$0xFFFFFFF0]  }
0x1b0: {  	[tilespmem:s15+$0x60] =	vst v7;
	v7 =	vld [tilespmem:s16+$0xFFFFFF90]  }
0x1b1: {  	[tilespmem:s15+$0x0] =	vst v2;
	v2 =	vmul.f32 v13, v12;
	v5 =	vld [tilespmem:s16+$0x70]  }
0x1b2: {  	v13 =	vld [tilespmem:s16+$0x10]  }
0x1b3: {  	[tilespmem:s15+$0x40] =	vst v2;
	v2 =	vmul.f32 v6, v16  }
0x1b4: {  	[tilespmem:s15+$0x20] =	vst v4  }
0x1b5: {  	v6 =	vld [tilespmem:s16+$0x50];
	v3 =	vmul.f32 v3, v17;
	[tilespmem:s15+$0xFFFFFFB0] =	vst v2;
	v2 =	vmul.f32 v8, v21  }
0x1b6: {  	v4 =	vmul.f32 v5, v9;
	v5 =	vmul.f32 v7, v10;
	v7 =	vld [tilespmem:s16+$0x30]  }
0x1b7: {  	[tilespmem:s15+$0xFFFFFFD0] =	vst v3;
	v3 =	vmul.f32 v13, v18  }
0x1b8: {  	[tilespmem:s15+$0xFFFFFFF0] =	vst v2  }
0x1b9: {  	[tilespmem:s15+$0x10] =	vst v3  }
0x1ba: {  	v3 =	vmul.f32 v6, v12;
	[tilespmem:s15+$0x70] =	vst v4  }
0x1bb: {  	s5 =	simm.s32 $0x4;
	[tilespmem:s15+$0xFFFFFF90] =	vst v5;
	v2 =	vmul.f32 v7, v11  }
0x1bc: {  	s17 =	simm.s32 $0x0;
	s21 =	simm.s32 $0x3;
	v6 =	vmov s5;
	[tilespmem:s15+$0x50] =	vst v3  }
0x1bd: {  	s19 =	simm.s32 $0x1;
	s16 =	simm.s32 $0x2;
	v6 =	vshrl.u32 v6, $0x3;
	v4 =	vmov s17;
	v5 =	vmov s21;
	s21 =	simm.s32 $0x6;
	[tilespmem:s15+$0x30] =	vst v2  }
0x1be: {  	v3 =	vmov s16;
	v6 =	vshll.u32 v6, v1;
	v8 =	vmov s21;
	[spmem:s3] =	stream.indirect.scatter.add.f32 [tilespmem:s2], [sflag:$0x3], $0x20, s11, s0, $0xb8;
	[tilespmem:$0x18680] =	vst v63  }
0x1bf: {  	s5 =	simm.s32 @!p0 $0x80;
	s16 =	simm.s32 @!p0 $0xA100;
	v3 =	vshrl.u32 v3, $0x3;
	v2 =	vshrl.u32 v4, $0x3;
	v4 =	vmov s19;
	s15 =	simm.s32 @!p0 $0xA300  }
0x1c0: {  	v5 =	vshrl.u32 v5, $0x3;
	v6 =	vadd.s32 $0x4, v6;
	v4 =	vshrl.u32 v4, $0x3;
	[spmem:s4] =	stream.indirect.scatter.add.f32 @!p0 [tilespmem:s16], [sflag:$0x5], $0x1, s15, s5, $0xb8;
	[tilespmem:$0x18680] =	vst v63  }
0x1c1: {  	v8 =	vshrl.u32 v8, $0x3;
	v2 =	vshll.u32 v2, v1;
	v4 =	vshll.u32 v4, v1;
	s5 =	simm.s32 @!p0 $0x5  }
0x1c2: {  	v3 =	vshll.u32 v3, v1;
	v2 =	vbroadcast v2, $0x0;
	v4 =	vadd.s32 $0x1, v4;
	_ =	swait.ge @!p0 [sflag:s5], $0x80  }
0x1c3: {  	v5 =	vshll.u32 v5, v1;
	v3 =	vadd.s32 $0x2, v3;
	s19 =	simm.s32 $0x5;
	v4 =	vbroadcast v4, $0x0;
	[sflag:s5] =	ssyncset.done @!p0 $0x0  }
0x1c4: {  	v5 =	vadd.s32 $0x3, v5;
	v3 =	vbroadcast v3, $0x0;
	v7 =	vmov s19;
	s15 =	simm.s32 $0x7;
	[sflag:s5] =	ssyncadd.s32 @!p0 $0xFFFFFF80  }
0x1c5: {  	v5 =	vbroadcast v5, $0x0;
	v7 =	vshrl.u32 v7, $0x3;
	v9 =	vmov s15;
	_ =	swait.ge [sflag:s12], $0x1000  }
0x1c6: {  	v10 =	vbroadcast v6, $0x0;
	v7 =	vshll.u32 v7, v1;
	v6 =	vshrl.u32 v9, $0x3;
	[sflag:s12] =	ssyncset.done $0x0  }
0x1c7: {  	v8 =	vshll.u32 v8, v1;
	v7 =	vadd.s32 $0x5, v7;
	v6 =	vshll.u32 v6, v1;
	[sflag:s12] =	ssyncadd.s32 $0xFFFFF000  }
0x1c8: {  	v8 =	vadd.s32 $0x6, v8;
	v9 =	vbroadcast v7, $0x0;
	v6 =	vadd.s32 $0x7, v6;
	v7 =	vld.idx.msk [tilespmem:v2+s13+$0x0], $0xffff  }
0x1c9: {  	v11 =	vbroadcast v6, $0x0;
	v2 =	vbroadcast v8, $0x0;
	v8 =	vld.idx.msk [tilespmem:v4+s13+$0x0], $0xffff  }
0x1ca: {  	v6 =	vld.idx.msk [tilespmem:v3+s13+$0x0], $0xffff  }
0x1cb: {  	v5 =	vld.idx.msk [tilespmem:v5+s13+$0x0], $0xffff  }
0x1cc: {  	s5 =	simm.s32 $0xB480;
	v4 =	vld.idx.msk [tilespmem:v10+s13+$0x0], $0xffff  }
0x1cd: {  	v15 =	vld [tilespmem:s5+$0xFFFFFF80]  }
0x1ce: {  	v3 =	vld.idx.msk [tilespmem:v9+s13+$0x0], $0xffff  }
0x1cf: {  	s17 =	simm.s32 $0x9;
	s21 =	simm.s32 $0xB;
	v9 =	vld.idx.msk [tilespmem:v11+s13+$0x0], $0xffff  }
0x1d0: {  	v12 =	vmov s17;
	s17 =	simm.s32 $0xC;
	v14 =	vmov s21;
	s21 =	simm.s32 $0xE;
	v11 =	vld [tilespmem:s5+$0x60]  }
0x1d1: {  	v16 =	vmov s17;
	v12 =	vshrl.u32 v12, $0x3;
	v18 =	vmov s21;
	v19 =	vld [tilespmem:s5+$0xFFFFFFA0]  }
0x1d2: {  	v14 =	vshrl.u32 v14, $0x3;
	v16 =	vshrl.u32 v16, $0x3;
	v12 =	vshll.u32 v12, v1;
	v20 =	vld [tilespmem:s5+$0xFFFFFFC0]  }
0x1d3: {  	v18 =	vshrl.u32 v18, $0x3;
	v14 =	vshll.u32 v14, v1;
	v16 =	vshll.u32 v16, v1;
	s19 =	simm.s32 $0xA;
	v21 =	vld [tilespmem:s5+$0xFFFFFFE0]  }
0x1d4: {  	v63 =	vshll.u32 v18, v1;
	v18 =	vadd.s32 $0x4, v16;
	v13 =	vmov s19;
	s19 =	simm.s32 $0xD;
	v22 =	vld [tilespmem:s5+$0x0]  }
0x1d5: {  	v17 =	vmov s19;
	v13 =	vshrl.u32 v13, $0x3;
	v23 =	vld [tilespmem:s5+$0x20];
	v11 =	vmul.f32 v11, v9  }
0x1d6: {  	s16 =	simm.s32 $0x8;
	v17 =	vshrl.u32 v17, $0x3;
	s15 =	simm.s32 $0xD480;
	v13 =	vshll.u32 v13, v1;
	v62 =	vld [tilespmem:s5+$0x40];
	v15 =	vmul.f32 v15, v7  }
0x1d7: {  	v17 =	vshll.u32 v17, v1;
	v10 =	vmov s16;
	v19 =	vmul.f32 v19, v8;
	v2 =	vld.idx.msk [tilespmem:v2+s13+$0x0], $0xffff;
	[tilespmem:s15+$0x60] =	vst v11  }
0x1d8: {  	v26 =	vadd.s32 $0x2, v13;
	v10 =	vshrl.u32 v10, $0x3;
	[tilespmem:s15+$0xFFFFFF80] =	vst v15;
	v15 =	vmul.f32 v20, v6;
	v11 =	vld [tilespmem:s5+$0x70]  }
0x1d9: {  	v10 =	vshll.u32 v10, v1;
	v27 =	vmul.f32 v21, v5;
	v20 =	vadd.s32 $0x1, v12;
	[tilespmem:s15+$0xFFFFFFA0] =	vst v19;
	v12 =	vld [tilespmem:s5+$0xFFFFFF90]  }
0x1da: {  	v10 =	vbroadcast v10, $0x0;
	v21 =	vadd.s32 $0x3, v14;
	v28 =	vmul.f32 v22, v4;
	v14 =	vld [tilespmem:s5+$0xFFFFFFB0];
	[tilespmem:s15+$0xFFFFFFC0] =	vst v15  }
0x1db: {  	v22 =	vmul.f32 v23, v3;
	v19 =	vadd.s32 $0x5, v17;
	[tilespmem:s15+$0xFFFFFFE0] =	vst v27;
	v16 =	vbroadcast v20, $0x0;
	v13 =	vld [tilespmem:s5+$0xFFFFFFD0]  }
0x1dc: {  	s17 =	simm.s32 $0xF;
	s16 =	simm.s32 $0x10;
	v17 =	vbroadcast v26, $0x0;
	[tilespmem:s15+$0x0] =	vst v28;
	v20 =	vadd.s32 $0x6, v63;
	v15 =	vld [tilespmem:s5+$0xFFFFFFF0];
	v23 =	vmul.f32 v62, v2  }
.LBB2_7:
0x1dd: {  	p1 =	slt.u32 s16, $0x78;
	v21 =	vbroadcast v21, $0x0;
	v24 =	vmov s17;
	v25 =	vld [tilespmem:s5+$0x10];
	[tilespmem:s15+$0x20] =	vst v22;
	v9 =	vmul.f32 v11, v9  }
0x1de: {  	v11 =	vbroadcast v18, $0x0;
	v18 =	vshrl.u32 v24, $0x3;
	v12 =	vmul.f32 v12, v7;
	v22 =	vld [tilespmem:s5+$0x30];
	[tilespmem:s15+$0x40] =	vst v23  }
0x1df: {  	v19 =	vbroadcast v19, $0x0;
	v18 =	vshll.u32 v18, v1;
	v14 =	vmul.f32 v14, v8;
	v23 =	vld [tilespmem:s5+$0x50];
	[tilespmem:s15+$0x70] =	vst v9  }
0x1e0: {  	v9 =	vbroadcast v20, $0x0;
	v7 =	vld.idx.msk [tilespmem:v10+s13+$0x0], $0xffff;
	v10 =	vadd.s32 $0x7, v18;
	[tilespmem:s15+$0xFFFFFF90] =	vst v12;
	v12 =	vmul.f32 v13, v6  }
0x1e1: {  	v8 =	vld.idx.msk [tilespmem:v16+s13+$0x0], $0xffff;
	v10 =	vbroadcast v10, $0x0;
	[tilespmem:s15+$0xFFFFFFB0] =	vst v14;
	v13 =	vmul.f32 v15, v5  }
0x1e2: {  	v6 =	vld.idx.msk [tilespmem:v17+s13+$0x0], $0xffff;
	[tilespmem:s15+$0xFFFFFFD0] =	vst v12;
	v12 =	vmul.f32 v25, v4  }
0x1e3: {  	v5 =	vld.idx.msk [tilespmem:v21+s13+$0x0], $0xffff;
	[tilespmem:s15+$0xFFFFFFF0] =	vst v13;
	v13 =	vmul.f32 v22, v3  }
0x1e4: {  	v4 =	vld.idx.msk [tilespmem:v11+s13+$0x0], $0xffff;
	[tilespmem:s15+$0x10] =	vst v12;
	v11 =	vmul.f32 v23, v2  }
0x1e5: {  	v3 =	vld.idx.msk [tilespmem:v19+s13+$0x0], $0xffff;
	[tilespmem:s15+$0x30] =	vst v13  }
0x1e6: {  	v2 =	vld.idx.msk [tilespmem:v9+s13+$0x0], $0xffff;
	[tilespmem:s15+$0x50] =	vst v11  }
0x1e7: {  	s5 =	sadd.s32 $0x100, s5;
	v11 =	vmov s16;
	v9 =	vld.idx.msk [tilespmem:v10+s13+$0x0], $0xffff  }
0x1e8: {  	s17 =	sadd.s32 $0x1, s16;
	s19 =	sadd.s32 $0x2, s16;
	s21 =	sadd.s32 $0x3, s16;
	v10 =	vshrl.u32 v11, $0x3;
	v11 =	vld [tilespmem:s5+$0x60]  }
0x1e9: {  	v14 =	vmov s21;
	s21 =	sadd.s32 $0x6, s16;
	v12 =	vmov s17;
	s17 =	sadd.s32 $0x4, s16;
	v13 =	vmov s19;
	s19 =	sadd.s32 $0x5, s16;
	v15 =	vld [tilespmem:s5+$0xFFFFFF80]  }
0x1ea: {  	v18 =	vmov s21;
	v16 =	vmov s17;
	v17 =	vmov s19;
	v19 =	vld [tilespmem:s5+$0xFFFFFFA0]  }
0x1eb: {  	v12 =	vshrl.u32 v12, $0x3;
	v13 =	vshrl.u32 v13, $0x3;
	v10 =	vshll.u32 v10, v1;
	v20 =	vld [tilespmem:s5+$0xFFFFFFC0]  }
0x1ec: {  	v14 =	vshrl.u32 v14, $0x3;
	v16 =	vshrl.u32 v16, $0x3;
	v17 =	vshrl.u32 v17, $0x3;
	v21 =	vld [tilespmem:s5+$0xFFFFFFE0]  }
0x1ed: {  	v18 =	vshrl.u32 v18, $0x3;
	v10 =	vbroadcast v10, $0x0;
	v22 =	vld [tilespmem:s5+$0x0];
	v11 =	vmul.f32 v11, v9  }
0x1ee: {  	v12 =	vshll.u32 v12, v1;
	s15 =	sadd.s32 $0x100, s15;
	v13 =	vshll.u32 v13, v1;
	v15 =	vmul.f32 v15, v7;
	v23 =	vld [tilespmem:s5+$0x20]  }
0x1ef: {  	v14 =	vshll.u32 v14, v1;
	v16 =	vshll.u32 v16, v1;
	v19 =	vmul.f32 v19, v8;
	v24 =	vld [tilespmem:s5+$0x40];
	[tilespmem:s15+$0x60] =	vst v11  }
.Ltmp2:
0x1f0: {  	v25 =	vshll.u32 v18, v1;
	v17 =	vshll.u32 v17, v1;
	[tilespmem:s15+$0xFFFFFF80] =	vst v15;
	v15 =	vmul.f32 v20, v6;
	v11 =	vld [tilespmem:s5+$0x70];
	(pc) =	sbr.rel @p1 .LBB2_7-.Ltmp2, $4  }
0x1f1: {  	v26 =	vadd.s32 $0x2, v13;
	v20 =	vadd.s32 $0x1, v12;
	v12 =	vld [tilespmem:s5+$0xFFFFFF90];
	[tilespmem:s15+$0xFFFFFFA0] =	vst v19;
	v27 =	vmul.f32 v21, v5  }
0x1f2: {  	v18 =	vadd.s32 $0x4, v16;
	v21 =	vadd.s32 $0x3, v14;
	v14 =	vld [tilespmem:s5+$0xFFFFFFB0];
	[tilespmem:s15+$0xFFFFFFC0] =	vst v15;
	v28 =	vmul.f32 v22, v4  }
0x1f3: {  	v16 =	vbroadcast v20, $0x0;
	v19 =	vadd.s32 $0x5, v17;
	v13 =	vld [tilespmem:s5+$0xFFFFFFD0];
	[tilespmem:s15+$0xFFFFFFE0] =	vst v27;
	v22 =	vmul.f32 v23, v3  }
0x1f4: {  	s17 =	sadd.s32 $0x7, s16;
	s16 =	sadd.s32 $0x8, s16;
	v17 =	vbroadcast v26, $0x0;
	v20 =	vadd.s32 $0x6, v25;
	v15 =	vld [tilespmem:s5+$0xFFFFFFF0];
	[tilespmem:s15+$0x0] =	vst v28;
	v23 =	vmul.f32 v24, v2  }
0x1f5: {  	_ =	sdelay $0x2  }
0x1f6: {  	v25 =	vld [tilespmem:s5+$0x10]  }
0x1f7: {  	v10 =	vld.idx.msk [tilespmem:v10+s13+$0x0], $0xffff  }
0x1f8: {  	[tilespmem:s15+$0x20] =	vst v22;
	v16 =	vld.idx.msk [tilespmem:v16+s13+$0x0], $0xffff  }
0x1f9: {  	v44 =	vld [tilespmem:s5+$0x30]  }
0x1fa: {  	s19 =	sadd.s32 $0x100, s5;
	v17 =	vld.idx.msk [tilespmem:v17+s13+$0x0], $0xffff  }
0x1fb: {  	v48 =	vld [tilespmem:s19+$0x60]  }
0x1fc: {  	v49 =	vld [tilespmem:s19+$0xFFFFFF80]  }
0x1fd: {  	v21 =	vbroadcast v21, $0x0;
	v24 =	vmov s17;
	v50 =	vld [tilespmem:s19+$0xFFFFFFA0]  }
0x1fe: {  	v18 =	vbroadcast v18, $0x0;
	v9 =	vmul.f32 v11, v9;
	v43 =	vshrl.u32 v24, $0x3;
	[tilespmem:s15+$0x40] =	vst v23;
	v51 =	vld [tilespmem:s19+$0xFFFFFFC0]  }
0x1ff: {  	v7 =	vmul.f32 v12, v7;
	v22 =	vshll.u32 v43, v1;
	v23 =	vld [tilespmem:s5+$0x50]  }
0x200: {  	v19 =	vbroadcast v19, $0x0;
	v52 =	vld [tilespmem:s19+$0xFFFFFFE0];
	v8 =	vmul.f32 v14, v8;
	[tilespmem:s15+$0x70] =	vst v9;
	v22 =	vadd.s32 $0x7, v22  }
0x201: {  	v53 =	vld [tilespmem:s19+$0x20];
	[tilespmem:s15+$0xFFFFFF90] =	vst v7;
	v6 =	vmul.f32 v13, v6;
	v22 =	vbroadcast v22, $0x0  }
0x202: {  	v20 =	vbroadcast v20, $0x0;
	v54 =	vld [tilespmem:s19+$0x40];
	[tilespmem:s15+$0xFFFFFFB0] =	vst v8;
	v5 =	vmul.f32 v15, v5  }
0x203: {  	[tilespmem:s15+$0xFFFFFFD0] =	vst v6;
	v21 =	vld.idx.msk [tilespmem:v21+s13+$0x0], $0xffff;
	v3 =	vmul.f32 v44, v3  }
0x204: {  	v18 =	vld.idx.msk [tilespmem:v18+s13+$0x0], $0xffff;
	[tilespmem:s15+$0xFFFFFFF0] =	vst v5;
	v2 =	vmul.f32 v23, v2  }
0x205: {  	v4 =	vmul.f32 v25, v4;
	[tilespmem:s15+$0x30] =	vst v3;
	v3 =	vld [tilespmem:s19+$0x0]  }
0x206: {  	v45 =	vld.idx.msk [tilespmem:v19+s13+$0x0], $0xffff;
	[tilespmem:s15+$0x50] =	vst v2;
	v2 =	vmul.f32 v49, v10  }
0x207: {  	s21 =	sadd.s32 $0x100, s15;
	v6 =	vmul.f32 v50, v16;
	[tilespmem:s15+$0x10] =	vst v4;
	v47 =	vld.idx.msk [tilespmem:v22+s13+$0x0], $0xffff  }
0x208: {  	v46 =	vld.idx.msk [tilespmem:v20+s13+$0x0], $0xffff;
	[tilespmem:s21+$0xFFFFFF80] =	vst v2;
	v2 =	vmul.f32 v51, v17  }
0x209: {  	[tilespmem:s21+$0xFFFFFFA0] =	vst v6;
	v4 =	vmul.f32 v52, v21;
	v56 =	vld [tilespmem:s19+$0xFFFFFF90]  }
0x20a: {  	v6 =	vld [tilespmem:s19+$0xFFFFFFB0];
	[tilespmem:s21+$0xFFFFFFC0] =	vst v2;
	v2 =	vmul.f32 v3, v18  }
0x20b: {  	v57 =	vmul.f32 v53, v45;
	[tilespmem:s21+$0xFFFFFFE0] =	vst v4;
	v3 =	vld [tilespmem:s19+$0xFFFFFFD0]  }
0x20c: {  	v58 =	vld [tilespmem:s19+$0xFFFFFFF0];
	v7 =	vmul.f32 v48, v47;
	[tilespmem:s21+$0x0] =	vst v2  }
0x20d: {  	[tilespmem:s21+$0x20] =	vst v57;
	v2 =	vmul.f32 v54, v46;
	v59 =	vld [tilespmem:s19+$0x10]  }
0x20e: {  	v62 =	vld [tilespmem:s19+$0x30];
	[tilespmem:s21+$0x60] =	vst v7;
	v61 =	vmul.f32 v56, v10  }
0x20f: {  	[tilespmem:s21+$0x40] =	vst v2;
	v2 =	vmul.f32 v6, v16;
	v55 =	vld [tilespmem:s19+$0x70]  }
0x210: {  	v63 =	vld [tilespmem:s19+$0x50];
	[tilespmem:s21+$0xFFFFFF90] =	vst v61;
	v3 =	vmul.f32 v3, v17  }
0x211: {  	[tilespmem:s21+$0xFFFFFFB0] =	vst v2;
	v2 =	vmul.f32 v58, v21  }
0x212: {  	[tilespmem:s21+$0xFFFFFFD0] =	vst v3;
	v3 =	vmul.f32 v59, v18  }
0x213: {  	[tilespmem:s21+$0xFFFFFFF0] =	vst v2;
	v2 =	vmul.f32 v62, v45  }
0x214: {  	v60 =	vmul.f32 v55, v47;
	[tilespmem:s21+$0x10] =	vst v3  }
0x215: {  	v3 =	vmul.f32 v63, v46;
	[tilespmem:s21+$0x30] =	vst v2  }
0x216: {  	[tilespmem:s21+$0x70] =	vst v60  }
0x217: {  	[tilespmem:s21+$0x50] =	vst v3  }
0x218: {  	[spmem:s3] =	stream.indirect.scatter.add.f32 [tilespmem:s18], [sflag:$0x4], $0x20, s14, s0, $0xb8;
	[tilespmem:$0x18680] =	vst v63  }
0x219: {  	s16 =	simm.s32 @!p0 $0xA180;
	s5 =	simm.s32 @!p0 $0x80;
	s15 =	simm.s32 @!p0 $0xA380  }
0x21a: {  	[spmem:s4] =	stream.indirect.scatter.add.f32 @!p0 [tilespmem:s16], [sflag:$0x5], $0x1, s15, s5, $0xb8;
	[tilespmem:$0x18680] =	vst v63  }
0x21b: {  	s5 =	simm.s32 @!p0 $0x5  }
0x21c: {  	_ =	swait.ge @!p0 [sflag:s5], $0x80  }
0x21d: {  	[sflag:s5] =	ssyncset.done @!p0 $0x0  }
0x21e: {  	s28 =	sadd.s32 $0x1, s28;
	[sflag:s5] =	ssyncadd.s32 @!p0 $0xFFFFFF80  }
0x21f: {  	p1 =	sne.s32 s28, $0x51;
	_ =	swait.ge [sflag:s20], $0x1000  }
.Ltmp3:
0x220: {  	[sflag:s20] =	ssyncset.done $0x0;
	(pc) =	sbr.rel @p1 .LBB2_4-.Ltmp3, $4  }
0x221: {  	[sflag:s20] =	ssyncadd.s32 $0xFFFFF000  }
0x222: {  	_ =	swait.ge [sflag:s22], $0x1000  }
0x223: {  	[sflag:s22] =	ssyncset.done $0x0  }
0x224: {  	[sflag:s22] =	ssyncadd.s32 $0xFFFFF000  }
0x225: {  	[bflag:$0x0] =	sbarrier.arrive $0xFFFF  }
0x226: {  	s17 =	rddreg [dreg:$0x10]  }
0x227: {  	s16 =	rddreg [dreg:$0xb];
	s15 =	sshrl.u32 s17, $0x3  }
0x228: {  	[hbm:s16], [sflag:s25] =	dma.local [spmem:s15], $0x200  }
0x229: {  	_ =	swait.ge [sflag:s29], $0x200  }
0x22a: {  	[sflag:s29] =	ssyncset.done $0x0;
	s21 =	rddreg [dreg:$0x12]  }
0x22b: {  	s26 =	rddreg [dreg:$0x7];
	[sflag:s29] =	ssyncadd.s32 $0xFFFFFE00;
	s19 =	sshrl.u32 s21, $0x3  }
0x22c: {  	[hbm:s26], [sflag:s25] =	dma.local [spmem:s19], $0x200  }
0x22d: {  	_ =	swait.ge [sflag:s29], $0x200  }
0x22e: {  	[sflag:s29] =	ssyncset.done $0x0;
	s26 =	rddreg [dreg:$0x14]  }
0x22f: {  	s19 =	rddreg [dreg:$0x8];
	[sflag:s29] =	ssyncadd.s32 $0xFFFFFE00;
	s16 =	sshrl.u32 s26, $0x3  }
0x230: {  	[hbm:s19], [sflag:s25] =	dma.local [spmem:s16], $0x200  }
0x231: {  	_ =	swait.ge [sflag:s29], $0x200  }
0x232: {  	s28 =	smov.u32 s23;
	[sflag:s29] =	ssyncset.done $0x0  }
0x233: {  	s19 =	sshrl.u32 s23, $0x3;
	s23 =	rddreg [dreg:$0x9];
	[sflag:s29] =	ssyncadd.s32 $0xFFFFFE00  }
0x234: {  	[hbm:s23], [sflag:s25] =	dma.local [spmem:s19], $0x200  }
0x235: {  	_ =	swait.ge [sflag:s29], $0x200  }
0x236: {  	[sflag:s29] =	ssyncset.done $0x0;
	s19 =	rddreg [dreg:$0x16]  }
0x237: {  	s23 =	rddreg [dreg:$0xa];
	[sflag:s29] =	ssyncadd.s32 $0xFFFFFE00;
	s15 =	sshrl.u32 s19, $0x3  }
0x238: {  	[hbm:s23], [sflag:s25] =	dma.local [spmem:s15], $0x200  }
0x239: {  	_ =	swait.ge [sflag:s29], $0x200  }
0x23a: {  	[sflag:s29] =	ssyncset.done $0x0;
	s19 =	rddreg [dreg:$0xf]  }
0x23b: {  	s16 =	rddreg [dreg:$0x18];
	[sflag:s29] =	ssyncadd.s32 $0xFFFFFE00;
	s15 =	sshrl.u32 @!p0 s19, $0x3  }
0x23c: {  	[hbm:s16], [sflag:s25] =	dma.local @!p0 [spmem:s15], $0x50  }
0x23d: {  	_ =	swait.ge @!p0 [sflag:s5], $0x50  }
0x23e: {  	s24 =	sadd.s32 $0x1, s24;
	s25 =	rddreg [dreg:$0x19]  }
0x23f: {  	p1 =	sne.s32 s24, s25  }
.Ltmp4:
0x240: {  	_ = 	snop;
	(pc) =	sbr.rel @p1 .LBB2_1-.Ltmp4, $3  }
0x241: {  	_ =	sdelay $0x1  }
0x242: {  	[sflag:s5] =	ssyncset.done @!p0 $0x0  }
0x243: {  	[sflag:s5] =	ssyncadd.s32 @!p0 $0xFFFFFFB0  }
0x244: {  	_ =	sfence.sel $0x180000  }
0x245: {  	[bflag:$0x0] =	sbarrier.arrive $0xFFFF  }
0x246: {  	_ =	strace $0x9000004D  }
0x247: {  	s0 =	stileid.u32;
	[bflag:$0x2] =	sbarrier.arrive $0xFFFF  }
0x248: {  	p0 =	sne.s32 s0, $0x0;
	s0 =	rddreg [dreg:$0x5]  }
0x249: {  	s0 =	sadd.s32 @!p0 $0x100000, s0  }
0x24a: {  	[sflag:s0] =	ssyncadd.tile.s32 @!p0 $0x1;
	_ =	shalt  }
.Lfunc_end2:
_tile_overlayer_lowered:
.L_overlay_start_2:
0x24b: {  	(tag) =	ssettag $0x2  }
0x24c: {  	s0 =	rddreg [dreg:$0x0];
	s2 =	stileid.u32  }
0x24d: {  	s1 =	rddreg [dreg:$0x1];
	p0 =	sne.s32 s2, $0x0  }
0x24e: {  	s3 =	rddreg [dreg:$0x2];
	[bflag:$0x3] =	sbarrier.arrive $0xFFFF;
	s2 =	simm.s32 @!p0 $0x1C05  }
0x24f: {  	[timem:s3], [sflag:s2] =	dma.local @!p0 [hbm:s0], s1  }
0x250: {  	s0 =	simm.s32 @!p0 $0x5  }
0x251: {  	_ =	swait.ge @!p0 [sflag:s0], s1  }
0x252: {  	s1 =	ssub.s32 @!p0 $0x0, s1;
	[sflag:s0] =	ssyncset.done @!p0 $0x0  }
0x253: {  	[sflag:s0] =	ssyncadd.s32 @!p0 s1  }
0x254: {  	[bflag:$0x3] =	sbarrier.arrive $0xFFFF  }
0x255: {  	_ =	shalt  }

// kernel: kernel.9.cloned.1.call-start
scs
__scs_entry_jumppad:
0x0: {  	(pc) =	sbr.rel $0x88, $3  }
0x1: {  	(tag) =	ssettag $0x0;
	lr =	simm.s32 $0x1  }
0x2: {  	[smem:$0x3F8C] =	sst lr;
	_ =	strace $0xD0000000  }
0x3: {  	_ = 	snop  }
0x4: {  	_ = 	snop  }
0x5: {  	_ = 	snop  }
0x6: {  	_ = 	snop  }
0x7: {  	_ = 	snop  }
__scs_overlays_trampoline_lowered:
0x8: {  	[smem:$0x3F9B] =	sst s0  }
0x9: {  	[smem:$0x3F9C] =	sst s1  }
0xa: {  	[smem:$0x3F9D] =	sst s2  }
0xb: {  	[smem:$0x3F9E] =	sst s3  }
0xc: {  	[smem:$0x3F9F] =	sst s4  }
0xd: {  	[smem:$0x3FA0] =	sst s5  }
0xe: {  	[smem:$0x3FA1] =	sst s6  }
0xf: {  	[smem:$0x3FA2] =	sst s7  }
0x10: {  	[smem:$0x3FA3] =	sst s8  }
0x11: {  	[smem:$0x3FA4] =	sst s9;
	s0 =	simm.s32 @!p0 $0x0  }
0x12: {  	s1 =	sld [smem:$0x3F8A];
	s0 =	simm.s32 @p0 $0x1  }
0x13: {  	[smem:$0x3FA5] =	sst s0;
	s0 =	simm.s32 @!p1 $0x0  }
0x14: {  	s2 =	sld [smem:$0x3F89];
	s0 =	simm.s32 @p1 $0x1  }
0x15: {  	[smem:$0x3FA6] =	sst s0;
	s0 =	simm.s32 @!p2 $0x0  }
0x16: {  	s3 =	sld [smem:$0x3FDB];
	s0 =	simm.s32 @p2 $0x1  }
0x17: {  	s4 =	simm.s32 $0x1BF5;
	[smem:$0x3FA8] =	sst s0  }
0x18: {  	s0 =	sld [smem:$0x3F8B];
	_ =	swait.ge [sflag:s4], $0x0  }
0x19: {  	s7 =	sld [smem:$0x3F8C]  }
0x1a: {  	s8 =	sadd.s32 $0xFFFFE003, lr  }
0x1b: {  	s9 =	sadd.s32 $0xFFFFFEF7, lr;
	s5 =	simm.s32 $0xFFFFFFFF;
	p2 =	slt.u32 s8, $0xFFFFF086  }
0x1c: {  	p1 =	slt.u32 s9, $0xF7A;
	s5 =	simm.s32 @!p2 $0x0  }
0x1d: {  	s5 =	simm.s32 @p1 $0x1;
	p0 =	seq.s32 s7, s2  }
0x1e: {  	s7 =	smul.u32 @!p0 $0xF7A, s2;
	p2 =	seq.s32 @!p0 s5, $0x0  }
0x1f: {  	s9 =	smul.u32 $0xF7A, s1;
	s8 =	simm.s32 @!p0 $0x1BF5;
	p2 =	por !p2, p0  }
0x20: {  	[sflag:s8] =	ssyncset.s32 @!p0 $0xFFFFF086;
	s6 =	sadd.s32 @!p0 s3, s7;
	s7 =	simm.s32 @!p0 $0x108  }
0x21: {  	s3 =	sadd.s32 s3, s9;
	s6 =	sadd.s32 @!p0 $0x88, s6;
	s7 =	simm.s32 @p2 $0x1082  }
0x22: {  	[simem:s7], [sflag:s8] =	dma.local @!p0 [hbm:s6], $0xF7A  }
0x23: {  	s9 =	sor.u32 $0xD0000000, s2;
	s6 =	simm.s32 $0x108;
	_ =	swait.ge @!p0 [sflag:s8], $0x0  }
0x24: {  	s3 =	sadd.s32 $0x88, s3;
	s6 =	simm.s32 @!p1 $0x1082;
	[sflag:s4] =	ssyncset.s32 $0xFFFFF086  }
0x25: {  	[simem:s6], [sflag:s4] =	dma.local [hbm:s3], $0xF7A  }
0x26: {  	[smem:$0x3F8C] =	sst s1;
	(tag) =	ssettag s2;
	_ =	strace s9  }
0x27: {  	s1 =	sld [smem:$0x3F9C]  }
0x28: {  	s2 =	sld [smem:$0x3F9D]  }
0x29: {  	s4 =	sld [smem:$0x3F9F]  }
0x2a: {  	p0 =	seq.s32 s5, $0x0;
	s5 =	sld [smem:$0x3FA0]  }
0x2b: {  	s6 =	sld [smem:$0x3FA1]  }
0x2c: {  	s7 =	sld [smem:$0x3FA2]  }
0x2d: {  	s3 =	simm.s32 $0x108;
	s8 =	sld [smem:$0x3FA3]  }
0x2e: {  	s3 =	simm.s32 @!p0 $0x1082;
	s9 =	sld [smem:$0x3FA4]  }
0x2f: {  	lr =	sadd.s32 s0, s3;
	s0 =	sld [smem:$0x3F9B]  }
0x30: {  	s3 =	sld [smem:$0x3F9E]  }
0x31: {  	[smem:$0x3FA7] =	sst s10  }
0x32: {  	s10 =	sld [smem:$0x3FA5];
	_ =	sdelay $0x3  }
0x33: {  	p0 =	seq.s32 s10, $0x1;
	s10 =	sld [smem:$0x3FA7];
	_ =	sdelay $0x3  }
0x34: {  	[smem:$0x3FA7] =	sst s10  }
0x35: {  	s10 =	sld [smem:$0x3FA6];
	_ =	sdelay $0x3  }
0x36: {  	p1 =	seq.s32 s10, $0x1;
	s10 =	sld [smem:$0x3FA7];
	_ =	sdelay $0x3  }
0x37: {  	[smem:$0x3FA7] =	sst s10  }
0x38: {  	s10 =	sld [smem:$0x3FA8]  }
0x39: {  	_ = 	snop;
	(pc) =	sbr.ind lr, $3  }
0x3a: {  	_ = 	snop  }
0x3b: {  	_ = 	snop  }
0x3c: {  	p2 =	seq.s32 s10, $0x1;
	s10 =	sld [smem:$0x3FA7]  }
0x3d: {  	_ =	shalt  }
0x3e: {  	_ =	shalt  }
0x3f: {  	_ =	shalt  }
0x40: {  	_ =	shalt  }
0x41: {  	_ =	shalt  }
0x42: {  	_ =	shalt  }
0x43: {  	_ =	shalt  }
0x44: {  	_ =	shalt  }
0x45: {  	_ =	shalt  }
0x46: {  	_ =	shalt  }
0x47: {  	_ =	shalt  }
0x48: {  	_ =	shalt  }
0x49: {  	_ =	shalt  }
0x4a: {  	_ =	shalt  }
0x4b: {  	_ =	shalt  }
0x4c: {  	_ =	shalt  }
0x4d: {  	_ =	shalt  }
0x4e: {  	_ =	shalt  }
0x4f: {  	_ =	shalt  }
0x50: {  	_ =	shalt  }
0x51: {  	_ =	shalt  }
0x52: {  	_ =	shalt  }
0x53: {  	_ =	shalt  }
0x54: {  	_ =	shalt  }
0x55: {  	_ =	shalt  }
0x56: {  	_ =	shalt  }
0x57: {  	_ =	shalt  }
0x58: {  	_ =	shalt  }
0x59: {  	_ =	shalt  }
0x5a: {  	_ =	shalt  }
0x5b: {  	_ =	shalt  }
0x5c: {  	_ =	shalt  }
0x5d: {  	_ =	shalt  }
0x5e: {  	_ =	shalt  }
0x5f: {  	_ =	shalt  }
0x60: {  	_ =	shalt  }
0x61: {  	_ =	shalt  }
0x62: {  	_ =	shalt  }
0x63: {  	_ =	shalt  }
0x64: {  	_ =	shalt  }
0x65: {  	_ =	shalt  }
0x66: {  	_ =	shalt  }
0x67: {  	_ =	shalt  }
0x68: {  	_ =	shalt  }
0x69: {  	_ =	shalt  }
0x6a: {  	_ =	shalt  }
0x6b: {  	_ =	shalt  }
0x6c: {  	_ =	shalt  }
0x6d: {  	_ =	shalt  }
0x6e: {  	_ =	shalt  }
0x6f: {  	_ =	shalt  }
0x70: {  	_ =	shalt  }
0x71: {  	_ =	shalt  }
0x72: {  	_ =	shalt  }
0x73: {  	_ =	shalt  }
0x74: {  	_ =	shalt  }
0x75: {  	_ =	shalt  }
0x76: {  	_ =	shalt  }
0x77: {  	_ =	shalt  }
0x78: {  	_ =	shalt  }
0x79: {  	_ =	shalt  }
0x7a: {  	_ =	shalt  }
0x7b: {  	_ =	shalt  }
0x7c: {  	_ =	shalt  }
0x7d: {  	_ =	shalt  }
0x7e: {  	_ =	shalt  }
0x7f: {  	_ =	shalt  }
0x80: {  	_ =	shalt  }
0x81: {  	_ =	shalt  }
0x82: {  	_ =	shalt  }
0x83: {  	_ =	shalt  }
0x84: {  	_ =	shalt  }
0x85: {  	_ =	shalt  }
0x86: {  	_ =	shalt  }
0x87: {  	_ =	shalt  }
.Lfunc_end0:
.L_simem_size_0:
called_computation_lowered:
.L_overlay_start_0:
0x88: {  	s2 =	sld [smem:$0x3FD9]  }
0x89: {  	s3 =	sld [smem:$0x3FFE];
	_ =	sdelay $0x1  }
0x8a: {  	s1 =	srdreg.scid  }
0x8b: {  	s0 =	sand.u32 $0x1, s1  }
0x8c: {  	s14 =	sshll.u32 s0, $0xA;
	s2 =	sadd.s32 s3, s2  }
0x8d: {  	s2 =	sadd.s32 s2, s14  }
0x8e: {  	[smem:$0x3FB3] =	sst s2  }
0x8f: {  	_ = 	snop  }
0x90: {  	s2 =	sld [smem:$0x3FD0];
	_ =	sdelay $0x2  }
0x91: {  	s15 =	simm.s32 $0xA;
	s4 =	simm.s32 $0x10  }
0x92: {  	[smem:s4], [sflag:s15] =	dma.local [hbm:s2], $0x1  }
0x93: {  	_ =	swait.eq [sflag:s15], $0x1  }
0x94: {  	[sflag:s15] =	ssyncset.done $0x0  }
0x95: {  	[sflag:s15] =	ssyncadd.s32 $0xFFFFFFFF  }
0x96: {  	s16 =	sld [smem:$0x10];
	(tm) =	ssettm $0x1  }
0x97: {  	s17 =	sld [smem:$0x3FFB];
	_ =	sdelay $0x3  }
0x98: {  	_ =	strace s17  }
0x99: {  	s3 =	sld [smem:$0x3FFC];
	_ =	sdelay $0x3  }
0x9a: {  	_ =	strace s3  }
0x9b: {  	s3 =	sld [smem:$0x3FFD];
	_ =	sdelay $0x3  }
0x9c: {  	_ =	strace s3  }
0x9d: {  	_ =	strace $0x8FFFFFFF  }
0x9e: {  	s18 =	sld [smem:$0x3FDB];
	_ =	sdelay $0x1  }
0x9f: {  	s19 =	simm.s32 $_scs_section_size  }
0xa0: {  	s5 =	simm.s32 $_size__tile_overlayer_lowered;
	s6 =	simm.s32 $_tile_overlayer_lowered  }
0xa1: {  	s22 =	simm.s32 $0x1BFF;
	s21 =	sshll.u32 s6, $0x1;
	s3 =	sadd.s32 s19, s18  }
0xa2: {  	s7 =	simm.s32 $0x0;
	s20 =	sshll.u32 s5, $0x1;
	s5 =	sadd.s32 s21, s3  }
0xa3: {  	[timem:s7], [sflag:s22] =	dma.local [hbm:s5], s20  }
0xa4: {  	_ =	swait.ge [sflag:s22], s20  }
0xa5: {  	s4 =	ssub.s32 $0x0, s20;
	[sflag:s22] =	ssyncset.done $0x0  }
0xa6: {  	[sflag:s22] =	ssyncadd.s32 s4;
	_ =	sdelay $0x1  }
0xa7: {  	s23 =	simm.s32 $0x1B8B  }
0xa8: {  	_ =	swait.ge [sflag:s23], $0x1  }
0xa9: {  	[sflag:s23] =	ssyncset.done $0x0  }
0xaa: {  	s25 =	simm.s32 $0x1B8E;
	s24 =	sld [smem:$0x3FFE];
	[sflag:s23] =	ssyncadd.s32 $0xFFFFFFFF  }
0xab: {  	s26 =	simm.s32 $execute0_lowered;
	[smem:$0x3FD2] =	sst s25  }
0xac: {  	s5 =	sshll.u32 s26, $0x1;
	_ =	strace $0x80000046;
	[dreg:$0x1] =	wrdreg $0xFFFFFFFF  }
0xad: {  	s28 =	simm.s32 $_size_execute0_lowered;
	s3 =	sadd.s32 s3, s5;
	[dreg:$0x0] =	wrdreg $0x0  }
0xae: {  	s5 =	sshll.u32 s28, $0x1;
	[dreg:$0x2] =	wrdreg s3  }
0xaf: {  	[dreg:$0x3] =	wrdreg s5  }
0xb0: {  	[dreg:$0x4] =	wrdreg $0xC0  }
0xb1: {  	_ =	task [dreg:s7], $0x5FFFF  }
0xb2: {  	[dreg:$0x1] =	wrdreg $0xFFFFFFFF  }
0xb3: {  	[dreg:$0x0] =	wrdreg $0x60  }
0xb4: {  	[dreg:$0x2] =	wrdreg s24  }
0xb5: {  	[dreg:$0x3] =	wrdreg s16  }
0xb6: {  	[dreg:$0x4] =	wrdreg $0xE4000  }
0xb7: {  	[dreg:$0x5] =	wrdreg $0x134000  }
0xb8: {  	[dreg:$0x6] =	wrdreg $0x184000  }
0xb9: {  	[dreg:$0x7] =	wrdreg $0x9  }
0xba: {  	_ =	task.clear_ibuf [dreg:s7], $0x8FFFF;
	_ =	strace $0x90000046  }
0xbb: {  	s29 =	simm.s32 $0x9;
	_ =	strace $0x80000048  }
0xbc: {  	_ =	swait.ge [sflag:s29], $0x1  }
0xbd: {  	[sflag:s29] =	ssyncadd.s32 $0xFFFFFFFF  }
0xbe: {  	_ =	strace $0x90000048  }
0xbf: {  	_ =	sfence  }
0xc0: {  	s30 =	sld [smem:$0x0];
	_ =	sdelay $0x2  }
0xc1: {  	s31 =	sshll.u32 s1, $0xD;
	s1 =	sshrl.u32 s1, $0x2  }
0xc2: {  	s3 =	sand.u32 $0x4000, s31;
	s1 =	sadd.s32 s1, s30  }
0xc3: {  	s0 =	sor.u32 s3, s0;
	s1 =	sshll.u32 s1, $0x11  }
0xc4: {  	s0 =	sor.u32 s1, s0  }
0xc5: {  	s0 =	sadd.s32 $0x8F2B, s0  }
0xc6: {  	[sflag:s0] =	ssyncadd.remote.s32 $0x1  }
0xc7: {  	_ =	sfence.sel $0xFFFF  }
0xc8: {  	[dreg:$0x0] =	wrdreg $0xFFFFFFFF;
	(pc) =	sbr.abs _section_cstart, $3  }
0xc9: {  	[dreg:$0x1] =	wrdreg $0xFFFFFFFF  }
0xca: {  	_ =	task.clear_ibuf [dreg:s7], $0x2FFFF;
	_ =	strace $0x9FFFFFFF  }
0xcb: {  	(tm) =	ssettm $0x7FFFFFFF  }
tec
execute0_lowered:
.L_overlay_start_1:
0x0: {  	(tag) =	ssettag $0x1  }
0x1: {  	s0 =	rddreg [dreg:$0x0]  }
0x2: {  	s2 =	rddreg [dreg:$0x1]  }
0x3: {  	s1 =	rddreg [dreg:$0x2]  }
0x4: {  	s3 =	rddreg [dreg:$0x3];
	s5 =	srdreg.scid  }
0x5: {  	s13 =	stileid.u32;
	s4 =	rddreg [dreg:$0x4]  }
0x6: {  	s8 =	simm.s32 $0x0;
	s29 =	simm.s32 $0x5;
	s6 =	smul.u32 $0x5000, s13  }
0x7: {  	s30 =	simm.s32 $0x2800;
	s31 =	simm.s32 $0xA100;
	s9 =	smul.u32 $0x280, s13  }
0x8: {  	s5 =	sand.u32 $0x1, s5;
	[smem:$0x7FF] =	sst s8;
	s13 =	smul.u32 $0xA20, s13  }
0x9: {  	s11 =	sadd.s32 $0x2E00, s0;
	s7 =	smul.u32 $0x50000, s5;
	s10 =	ssub.s32 $0x2, s5  }
0xa: {  	_ =	strace $0x80000047;
	p0 =	sne.s32 s5, $0x0;
	s12 =	sshrl.u32 s10, $0x1  }
0xb: {  	s14 =	sshrl.u32 s9, $0x3;
	s2 =	sadd.s32 s2, s13;
	s13 =	sadd.s32 $0x100, s9  }
0xc: {  	s16 =	sadd.s32 $0x180, s9;
	s20 =	sadd.s32 $0x200, s9;
	s25 =	sadd.s32 s6, s7  }
0xd: {  	s10 =	ssub.s32 s10, s12;
	s12 =	sadd.s32 $0x80, s9;
	[dreg:$0x6] =	wrdreg s2  }
0xe: {  	s15 =	sshll.u32 s13, $0x5;
	s18 =	sshll.u32 s16, $0x5;
	s22 =	sshll.u32 s20, $0x5  }
0xf: {  	s8 =	sshrl.u32 s25, $0x3;
	s2 =	sshll.u32 s12, $0x5;
	s26 =	sadd.s32 s7, s15  }
0x10: {  	s19 =	sadd.s32 s7, s18;
	s25 =	sadd.s32 s14, s0;
	s14 =	sadd.s32 s12, s4  }
0x11: {  	s28 =	sadd.s32 s18, s3;
	s18 =	sadd.s32 s16, s4;
	s12 =	simm.s32 $0x2  }
0x12: {  	s17 =	sadd.s32 s7, s2;
	s7 =	sadd.s32 s7, s22;
	[dreg:$0x11] =	wrdreg s14  }
0x13: {  	s5 =	sshrl.u32 s19, $0x3;
	s23 =	sadd.s32 s11, s8;
	[dreg:$0x15] =	wrdreg s18  }
0x14: {  	s24 =	sadd.s32 s8, s0;
	s22 =	sadd.s32 s22, s3;
	[dreg:$0xb] =	wrdreg s23  }
0x15: {  	s19 =	sadd.s32 s9, s4;
	s9 =	simm.s32 $0xB400;
	[dreg:$0x16] =	wrdreg s22  }
0x16: {  	s14 =	simm.s32 $0xA380;
	s5 =	sadd.s32 s11, s5;
	[dreg:$0xf] =	wrdreg s19  }
0x17: {  	s18 =	simm.s32 $0xD400;
	s8 =	sadd.s32 $0x52200, s24;
	[dreg:$0x9] =	wrdreg s5  }
0x18: {  	s17 =	sshrl.u32 s17, $0x3;
	s23 =	sadd.s32 s20, s4;
	[dreg:$0xe] =	wrdreg s8  }
0x19: {  	s7 =	sshrl.u32 s7, $0x3;
	s24 =	sadd.s32 $0x16E00, s25;
	[dreg:$0x17] =	wrdreg s23  }
0x1a: {  	s25 =	smax.u32 s10, $0x1;
	s10 =	simm.s32 $0x1;
	[dreg:$0x18] =	wrdreg s24  }
0x1b: {  	s20 =	simm.s32 $0x3;
	s17 =	sadd.s32 s11, s17;
	[dreg:$0x19] =	wrdreg s25  }
0x1c: {  	s22 =	simm.s32 $0x4;
	s21 =	sadd.s32 s11, s7;
	[dreg:$0x7] =	wrdreg s17  }
0x1d: {  	s17 =	sshrl.u32 s26, $0x3;
	[dreg:$0xa] =	wrdreg s21;
	s26 =	sadd.s32 $0x2800, s0  }
0x1e: {  	s7 =	simm.s32 $0xA400;
	s0 =	sadd.s32 $0x2200, s0;
	[dreg:$0xc] =	wrdreg s26  }
0x1f: {  	s8 =	simm.s32 $0xA280;
	s21 =	sadd.s32 s2, s3;
	[dreg:$0xd] =	wrdreg s0  }
0x20: {  	s24 =	simm.s32 $0x0;
	s17 =	sadd.s32 s11, s17;
	[dreg:$0x12] =	wrdreg s21  }
0x21: {  	s26 =	sadd.s32 s15, s3;
	s15 =	sadd.s32 s13, s4;
	[dreg:$0x8] =	wrdreg s17  }
0x22: {  	s2 =	simm.s32 $0xC400;
	s11 =	sadd.s32 s6, s1;
	[dreg:$0x13] =	wrdreg s15  }
0x23: {  	s13 =	simm.s32 $0xA180;
	s0 =	sshrl.u32 s11, $0x3;
	[dreg:$0x14] =	wrdreg s26  }
0x24: {  	v1 =	vimm.s32 $0x0;
	vm0 =	vcmask $0x300;
	s17 =	sadd.s32 s6, s3;
	s6 =	simm.s32 $0xA200;
	[dreg:$0x1a] =	wrdreg s0  }
0x25: {  	v0 =	vimm.f32 $0.0e+00;
	v1 =	vsel vm0, $0x3, v1;
	s11 =	simm.s32 $0xA300;
	s0 =	simm.s32 $0x80;
	[dreg:$0x10] =	wrdreg s17  }
.LBB2_1:
0x26: {  	s5 =	simm.s32 $0x0;
	s15 =	rddreg [dreg:$0xc]  }
0x27: {  	[tilespmem:s5], [sflag:$0x5] =	stream.linear.gather [hbm4b:s15+s5], $0x2800, $0x38;
	[tilespmem:$0x18680] =	vst v63  }
0x28: {  	_ =	swait.ge [sflag:s29], $0x2800  }
0x29: {  	[sflag:s29] =	ssyncset.done $0x0  }
0x2a: {  	s23 =	rddreg [dreg:$0xd];
	[sflag:s29] =	ssyncadd.s32 $0xFFFFD800  }
0x2b: {  	[tilespmem:s30], [sflag:$0x5] =	stream.linear.gather [hbm4b:s23+s5], $0x2800, $0x38;
	[tilespmem:$0x18680] =	vst v63  }
0x2c: {  	_ =	swait.ge [sflag:s29], $0x2800  }
0x2d: {  	[sflag:s29] =	ssyncset.done $0x0  }
0x2e: {  	s16 =	simm.s32 $0x5000;
	s25 =	rddreg [dreg:$0x6];
	[sflag:s29] =	ssyncadd.s32 $0xFFFFD800  }
0x2f: {  	[tilespmem:s16], [sflag:$0x5] =	stream.linear.gather [hbm4b:s25+s5], $0x5100, $0x38;
	[tilespmem:$0x18680] =	vst v63  }
0x30: {  	s15 =	stileid.u32;
	_ =	swait.ge [sflag:s29], $0x5100  }
0x31: {  	s5 =	sshll.u32 s15, $0x6;
	[sflag:s29] =	ssyncset.done $0x0;
	s16 =	rddreg [dreg:$0xe]  }
0x32: {  	s25 =	sor.u32 $0x1C05, s5;
	s23 =	rddreg [dreg:$0x1a];
	[sflag:s29] =	ssyncadd.s32 $0xFFFFAF00  }
0x33: {  	[spmem:s23], [sflag:s25] =	dma.local [hbm:s16], $0xA00  }
0x34: {  	_ =	swait.ge [sflag:s29], $0xA00  }
0x35: {  	[sflag:s29] =	ssyncset.done $0x0  }
0x36: {  	s15 =	simm.s32 $0x0;
	s5 =	simm.s32 $0x80;
	[sflag:s29] =	ssyncadd.s32 $0xFFFFF600  }
.LBB2_2:
0x37: {  	p1 =	sne.s32 s5, $0x3F80;
	[tilespmem:s15+$0xC400] =	vst v0;
	s16 =	smov.u32 s5;
	s5 =	sadd.s32 $0x80, s5  }
.Ltmp0:
0x38: {  	[tilespmem:s15+$0xC410] =	vst v0;
	(pc) =	sbr.rel @p1 .LBB2_2-.Ltmp0, $2  }
0x39: {  	_ =	sdelay $0x2  }
0x3a: {  	s15 =	sshra.s32 s16, $0x2  }
0x3b: {  	[tilespmem:s15+$0xC400] =	vst v0  }
0x3c: {  	[tilespmem:s15+$0xC410] =	vst v0  }
0x3d: {  	[tilespmem:$0xA100] =	vst v0  }
0x3e: {  	[tilespmem:$0xA110] =	vst v0  }
0x3f: {  	[tilespmem:$0xA120] =	vst v0  }
0x40: {  	[tilespmem:$0xA130] =	vst v0  }
0x41: {  	[tilespmem:$0xA140] =	vst v0  }
0x42: {  	[tilespmem:$0xA150] =	vst v0  }
0x43: {  	[tilespmem:$0xA160] =	vst v0  }
0x44: {  	[tilespmem:$0xA170] =	vst v0  }
0x45: {  	[spmem:s17] =	stream.linear.scatter [tilespmem:s2], [sflag:$0x5], $0x1000, $0x38;
	[tilespmem:$0x18680] =	vst v63  }
0x46: {  	_ =	swait.ge [sflag:s29], $0x1000  }
0x47: {  	[sflag:s29] =	ssyncset.done $0x0  }
0x48: {  	[sflag:s29] =	ssyncadd.s32 $0xFFFFF000  }
0x49: {  	[spmem:s19] =	stream.linear.scatter [tilespmem:s31], [sflag:$0x5], $0x80, $0x38;
	[tilespmem:$0x18680] =	vst v63  }
0x4a: {  	_ =	swait.ge [sflag:s29], $0x80  }
0x4b: {  	[sflag:s29] =	ssyncset.done $0x0  }
0x4c: {  	[sflag:s29] =	ssyncadd.s32 $0xFFFFFF80  }
0x4d: {  	[spmem:s21] =	stream.linear.scatter [tilespmem:s2], [sflag:$0x5], $0x1000, $0x38;
	[tilespmem:$0x18680] =	vst v63  }
0x4e: {  	_ =	swait.ge [sflag:s29], $0x1000  }
0x4f: {  	[sflag:s29] =	ssyncset.done $0x0  }
0x50: {  	s5 =	rddreg [dreg:$0x11];
	[sflag:s29] =	ssyncadd.s32 $0xFFFFF000  }
0x51: {  	[spmem:s5] =	stream.linear.scatter [tilespmem:s31], [sflag:$0x5], $0x80, $0x38;
	[tilespmem:$0x18680] =	vst v63  }
0x52: {  	_ =	swait.ge [sflag:s29], $0x80  }
0x53: {  	[sflag:s29] =	ssyncset.done $0x0  }
0x54: {  	[sflag:s29] =	ssyncadd.s32 $0xFFFFFF80  }
0x55: {  	[spmem:s26] =	stream.linear.scatter [tilespmem:s2], [sflag:$0x5], $0x1000, $0x38;
	[tilespmem:$0x18680] =	vst v63  }
0x56: {  	_ =	swait.ge [sflag:s29], $0x1000  }
0x57: {  	[sflag:s29] =	ssyncset.done $0x0  }
0x58: {  	s17 =	rddreg [dreg:$0x13];
	[sflag:s29] =	ssyncadd.s32 $0xFFFFF000  }
0x59: {  	[spmem:s17] =	stream.linear.scatter [tilespmem:s31], [sflag:$0x5], $0x80, $0x38;
	[tilespmem:$0x18680] =	vst v63  }
0x5a: {  	_ =	swait.ge [sflag:s29], $0x80  }
0x5b: {  	[sflag:s29] =	ssyncset.done $0x0  }
0x5c: {  	[sflag:s29] =	ssyncadd.s32 $0xFFFFFF80  }
0x5d: {  	[spmem:s28] =	stream.linear.scatter [tilespmem:s2], [sflag:$0x5], $0x1000, $0x38;
	[tilespmem:$0x18680] =	vst v63  }
0x5e: {  	_ =	swait.ge [sflag:s29], $0x1000  }
0x5f: {  	[sflag:s29] =	ssyncset.done $0x0  }
0x60: {  	s19 =	rddreg [dreg:$0x15];
	[sflag:s29] =	ssyncadd.s32 $0xFFFFF000  }
0x61: {  	[spmem:s19] =	stream.linear.scatter [tilespmem:s31], [sflag:$0x5], $0x80, $0x38;
	[tilespmem:$0x18680] =	vst v63  }
0x62: {  	_ =	swait.ge [sflag:s29], $0x80  }
0x63: {  	[sflag:s29] =	ssyncset.done $0x0  }
0x64: {  	s21 =	rddreg [dreg:$0x16];
	[sflag:s29] =	ssyncadd.s32 $0xFFFFFF80  }
0x65: {  	[spmem:s21] =	stream.linear.scatter [tilespmem:s2], [sflag:$0x5], $0x1000, $0x38;
	[tilespmem:$0x18680] =	vst v63  }
0x66: {  	_ =	swait.ge [sflag:s29], $0x1000  }
0x67: {  	[sflag:s29] =	ssyncset.done $0x0  }
0x68: {  	s26 =	rddreg [dreg:$0x17];
	[sflag:s29] =	ssyncadd.s32 $0xFFFFF000  }
0x69: {  	[spmem:s26] =	stream.linear.scatter [tilespmem:s31], [sflag:$0x5], $0x80, $0x38;
	[tilespmem:$0x18680] =	vst v63  }
0x6a: {  	_ =	swait.ge [sflag:s29], $0x80  }
0x6b: {  	[sflag:s29] =	ssyncset.done $0x0  }
0x6c: {  	s23 =	smov.u32 s28;
	[sflag:s29] =	ssyncadd.s32 $0xFFFFFF80  }
0x6d: {  	s28 =	simm.s32 $0x0;
	s26 =	simm.s32 $0x0;
	[bflag:$0x0] =	sbarrier.arrive $0xFFFF  }
.LBB2_4:
0x6e: {  	s5 =	sshll.u32 s28, $0x8  }
0x6f: {  	s5 =	sand.u32 $0x3FFFFF00, s5  }
0x70: {  	v2 =	vld [tilespmem:s5+$0x5000];
	_ =	sdelay $0x4  }
0x71: {  	v3 =	vshrl.u32 v2, $0xE  }
0x72: {  	v2 =	vand.u32 $0x3FFF, v2;
	_ =	sdelay $0x1  }
0x73: {  	[tilespmem:$0xA200] =	vst v3  }
0x74: {  	[tilespmem:$0xA300] =	vst v2  }
0x75: {  	v3 =	vld.idx.msk [tilespmem:v3+s26+$0x0], $0xffff  }
0x76: {  	v2 =	vld.idx.msk [tilespmem:v2+s30+$0x0], $0xffff;
	_ =	sdelay $0x4  }
0x77: {  	v2 =	vadd.f32 v2, v3;
	_ =	sdelay $0x1  }
0x78: {  	v3 =	vmul.f32 $2.000000030e-01, v2  }
0x79: {  	vm0 =	vge.f32 v2, $0.0e+00  }
0x7a: {  	v2 =	vsel vm0, v2, v3  }
0x7b: {  	v2 =	vmul.f32 $1.442695020e+00, v2;
	_ =	sdelay $0x1  }
0x7c: {  	(erf) = vpow2.f32 v2;
	_ =	sdelay $0x8  }
0x7d: {  	v2 =	vpop (erf)  }
0x7e: {  	[tilespmem:$0xA100] =	vst v2  }
0x7f: {  	v2 =	vld [tilespmem:s5+$0x5010];
	_ =	sdelay $0x4  }
0x80: {  	v3 =	vshrl.u32 v2, $0xE  }
0x81: {  	v2 =	vand.u32 $0x3FFF, v2;
	_ =	sdelay $0x1  }
0x82: {  	[tilespmem:$0xA210] =	vst v3  }
0x83: {  	[tilespmem:$0xA310] =	vst v2  }
0x84: {  	v3 =	vld.idx.msk [tilespmem:v3+s26+$0x0], $0xffff  }
0x85: {  	v2 =	vld.idx.msk [tilespmem:v2+s30+$0x0], $0xffff;
	_ =	sdelay $0x4  }
0x86: {  	v2 =	vadd.f32 v2, v3;
	_ =	sdelay $0x1  }
0x87: {  	v3 =	vmul.f32 $2.000000030e-01, v2  }
0x88: {  	vm13 =	vge.f32 v2, $0.0e+00  }
0x89: {  	v2 =	vsel vm13, v2, v3  }
0x8a: {  	v2 =	vmul.f32 $1.442695020e+00, v2;
	_ =	sdelay $0x1  }
0x8b: {  	(erf) = vpow2.f32 v2;
	_ =	sdelay $0x8  }
0x8c: {  	v2 =	vpop (erf)  }
0x8d: {  	[tilespmem:$0xA110] =	vst v2  }
0x8e: {  	v2 =	vld [tilespmem:s5+$0x5020];
	_ =	sdelay $0x4  }
0x8f: {  	v3 =	vshrl.u32 v2, $0xE  }
0x90: {  	v2 =	vand.u32 $0x3FFF, v2;
	_ =	sdelay $0x1  }
0x91: {  	[tilespmem:$0xA220] =	vst v3  }
0x92: {  	[tilespmem:$0xA320] =	vst v2  }
0x93: {  	v3 =	vld.idx.msk [tilespmem:v3+s26+$0x0], $0xffff  }
0x94: {  	v2 =	vld.idx.msk [tilespmem:v2+s30+$0x0], $0xffff;
	_ =	sdelay $0x4  }
0x95: {  	v2 =	vadd.f32 v2, v3;
	_ =	sdelay $0x1  }
0x96: {  	v3 =	vmul.f32 $2.000000030e-01, v2  }
0x97: {  	vm14 =	vge.f32 v2, $0.0e+00  }
0x98: {  	v2 =	vsel vm14, v2, v3  }
0x99: {  	v2 =	vmul.f32 $1.442695020e+00, v2;
	_ =	sdelay $0x1  }
0x9a: {  	(erf) = vpow2.f32 v2;
	_ =	sdelay $0x8  }
0x9b: {  	v2 =	vpop (erf)  }
0x9c: {  	[tilespmem:$0xA120] =	vst v2  }
0x9d: {  	v2 =	vld [tilespmem:s5+$0x5030];
	_ =	sdelay $0x4  }
0x9e: {  	v3 =	vshrl.u32 v2, $0xE  }
0x9f: {  	v2 =	vand.u32 $0x3FFF, v2;
	_ =	sdelay $0x1  }
0xa0: {  	[tilespmem:$0xA230] =	vst v3  }
0xa1: {  	[tilespmem:$0xA330] =	vst v2  }
0xa2: {  	v3 =	vld.idx.msk [tilespmem:v3+s26+$0x0], $0xffff  }
0xa3: {  	v2 =	vld.idx.msk [tilespmem:v2+s30+$0x0], $0xffff;
	_ =	sdelay $0x4  }
0xa4: {  	v2 =	vadd.f32 v2, v3;
	_ =	sdelay $0x1  }
0xa5: {  	v3 =	vmul.f32 $2.000000030e-01, v2  }
0xa6: {  	vm15 =	vge.f32 v2, $0.0e+00  }
0xa7: {  	v2 =	vsel vm15, v2, v3  }
0xa8: {  	v2 =	vmul.f32 $1.442695020e+00, v2;
	_ =	sdelay $0x1  }
0xa9: {  	(erf) = vpow2.f32 v2;
	_ =	sdelay $0x8  }
0xaa: {  	v2 =	vpop (erf)  }
0xab: {  	[tilespmem:$0xA130] =	vst v2  }
0xac: {  	v2 =	vld [tilespmem:s5+$0x5040];
	_ =	sdelay $0x4  }
0xad: {  	v3 =	vshrl.u32 v2, $0xE  }
0xae: {  	v2 =	vand.u32 $0x3FFF, v2;
	_ =	sdelay $0x1  }
0xaf: {  	[tilespmem:$0xA240] =	vst v3  }
0xb0: {  	[tilespmem:$0xA340] =	vst v2  }
0xb1: {  	v3 =	vld.idx.msk [tilespmem:v3+s26+$0x0], $0xffff  }
0xb2: {  	v2 =	vld.idx.msk [tilespmem:v2+s30+$0x0], $0xffff;
	_ =	sdelay $0x4  }
0xb3: {  	v2 =	vadd.f32 v2, v3;
	_ =	sdelay $0x1  }
0xb4: {  	v3 =	vmul.f32 $2.000000030e-01, v2  }
0xb5: {  	vm4 =	vge.f32 v2, $0.0e+00  }
0xb6: {  	v2 =	vsel vm4, v2, v3  }
0xb7: {  	v2 =	vmul.f32 $1.442695020e+00, v2;
	_ =	sdelay $0x1  }
0xb8: {  	(erf) = vpow2.f32 v2;
	_ =	sdelay $0x8  }
0xb9: {  	v2 =	vpop (erf)  }
0xba: {  	[tilespmem:$0xA140] =	vst v2  }
0xbb: {  	v2 =	vld [tilespmem:s5+$0x5050];
	_ =	sdelay $0x4  }
0xbc: {  	v3 =	vshrl.u32 v2, $0xE  }
0xbd: {  	v2 =	vand.u32 $0x3FFF, v2;
	_ =	sdelay $0x1  }
0xbe: {  	[tilespmem:$0xA250] =	vst v3  }
0xbf: {  	[tilespmem:$0xA350] =	vst v2  }
0xc0: {  	v3 =	vld.idx.msk [tilespmem:v3+s26+$0x0], $0xffff  }
0xc1: {  	v2 =	vld.idx.msk [tilespmem:v2+s30+$0x0], $0xffff;
	_ =	sdelay $0x4  }
0xc2: {  	v2 =	vadd.f32 v2, v3;
	_ =	sdelay $0x1  }
0xc3: {  	v3 =	vmul.f32 $2.000000030e-01, v2  }
0xc4: {  	vm5 =	vge.f32 v2, $0.0e+00  }
0xc5: {  	v2 =	vsel vm5, v2, v3  }
0xc6: {  	v2 =	vmul.f32 $1.442695020e+00, v2;
	_ =	sdelay $0x1  }
0xc7: {  	(erf) = vpow2.f32 v2;
	_ =	sdelay $0x8  }
0xc8: {  	v2 =	vpop (erf)  }
0xc9: {  	[tilespmem:$0xA150] =	vst v2  }
0xca: {  	v2 =	vld [tilespmem:s5+$0x5060];
	_ =	sdelay $0x4  }
0xcb: {  	v3 =	vshrl.u32 v2, $0xE  }
0xcc: {  	v2 =	vand.u32 $0x3FFF, v2;
	_ =	sdelay $0x1  }
0xcd: {  	[tilespmem:$0xA260] =	vst v3  }
0xce: {  	[tilespmem:$0xA360] =	vst v2  }
0xcf: {  	v3 =	vld.idx.msk [tilespmem:v3+s26+$0x0], $0xffff  }
0xd0: {  	v2 =	vld.idx.msk [tilespmem:v2+s30+$0x0], $0xffff;
	_ =	sdelay $0x4  }
0xd1: {  	v2 =	vadd.f32 v2, v3;
	_ =	sdelay $0x1  }
0xd2: {  	v3 =	vmul.f32 $2.000000030e-01, v2  }
0xd3: {  	vm6 =	vge.f32 v2, $0.0e+00  }
0xd4: {  	v2 =	vsel vm6, v2, v3  }
0xd5: {  	v2 =	vmul.f32 $1.442695020e+00, v2;
	_ =	sdelay $0x1  }
0xd6: {  	(erf) = vpow2.f32 v2;
	_ =	sdelay $0x8  }
0xd7: {  	v2 =	vpop (erf)  }
0xd8: {  	[tilespmem:$0xA160] =	vst v2  }
0xd9: {  	v2 =	vld [tilespmem:s5+$0x5070];
	_ =	sdelay $0x4  }
0xda: {  	v3 =	vshrl.u32 v2, $0xE  }
0xdb: {  	v2 =	vand.u32 $0x3FFF, v2;
	_ =	sdelay $0x1  }
0xdc: {  	[tilespmem:$0xA270] =	vst v3  }
0xdd: {  	[tilespmem:$0xA370] =	vst v2  }
0xde: {  	v3 =	vld.idx.msk [tilespmem:v3+s26+$0x0], $0xffff  }
0xdf: {  	v2 =	vld.idx.msk [tilespmem:v2+s30+$0x0], $0xffff;
	_ =	sdelay $0x4  }
0xe0: {  	v2 =	vadd.f32 v2, v3;
	_ =	sdelay $0x1  }
0xe1: {  	v3 =	vmul.f32 $2.000000030e-01, v2  }
0xe2: {  	vm7 =	vge.f32 v2, $0.0e+00  }
0xe3: {  	v2 =	vsel vm7, v2, v3  }
0xe4: {  	v2 =	vmul.f32 $1.442695020e+00, v2;
	_ =	sdelay $0x1  }
0xe5: {  	(erf) = vpow2.f32 v2;
	_ =	sdelay $0x8  }
0xe6: {  	v2 =	vpop (erf)  }
0xe7: {  	[tilespmem:$0xA170] =	vst v2  }
0xe8: {  	[tilespmem:s7], [sflag:$0x1] =	stream.indirect.gather [spmem:s1], $0x20, s6, s0, $0xb8;
	[tilespmem:$0x18680] =	vst v63  }
0xe9: {  	v2 =	vld [tilespmem:s5+$0x5080];
	_ =	sdelay $0x4  }
0xea: {  	v3 =	vshrl.u32 v2, $0xE  }
0xeb: {  	v2 =	vand.u32 $0x3FFF, v2;
	_ =	sdelay $0x1  }
0xec: {  	[tilespmem:$0xA280] =	vst v3  }
0xed: {  	[tilespmem:$0xA380] =	vst v2  }
0xee: {  	v3 =	vld.idx.msk [tilespmem:v3+s26+$0x0], $0xffff  }
0xef: {  	v2 =	vld.idx.msk [tilespmem:v2+s30+$0x0], $0xffff;
	_ =	sdelay $0x4  }
0xf0: {  	v2 =	vadd.f32 v2, v3;
	_ =	sdelay $0x1  }
0xf1: {  	v3 =	vmul.f32 $2.000000030e-01, v2  }
0xf2: {  	vm8 =	vge.f32 v2, $0.0e+00  }
0xf3: {  	v2 =	vsel vm8, v2, v3  }
0xf4: {  	v2 =	vmul.f32 $1.442695020e+00, v2;
	_ =	sdelay $0x1  }
0xf5: {  	(erf) = vpow2.f32 v2;
	_ =	sdelay $0x8  }
0xf6: {  	v2 =	vpop (erf)  }
0xf7: {  	[tilespmem:$0xA180] =	vst v2  }
0xf8: {  	v2 =	vld [tilespmem:s5+$0x5090];
	_ =	sdelay $0x4  }
0xf9: {  	v3 =	vshrl.u32 v2, $0xE  }
0xfa: {  	v2 =	vand.u32 $0x3FFF, v2;
	_ =	sdelay $0x1  }
0xfb: {  	[tilespmem:$0xA290] =	vst v3  }
0xfc: {  	[tilespmem:$0xA390] =	vst v2  }
0xfd: {  	v3 =	vld.idx.msk [tilespmem:v3+s26+$0x0], $0xffff  }
0xfe: {  	v2 =	vld.idx.msk [tilespmem:v2+s30+$0x0], $0xffff;
	_ =	sdelay $0x4  }
0xff: {  	v2 =	vadd.f32 v2, v3;
	_ =	sdelay $0x1  }
0x100: {  	v3 =	vmul.f32 $2.000000030e-01, v2  }
0x101: {  	vm9 =	vge.f32 v2, $0.0e+00  }
0x102: {  	v2 =	vsel vm9, v2, v3  }
0x103: {  	v2 =	vmul.f32 $1.442695020e+00, v2;
	_ =	sdelay $0x1  }
0x104: {  	(erf) = vpow2.f32 v2;
	_ =	sdelay $0x8  }
0x105: {  	v2 =	vpop (erf)  }
0x106: {  	[tilespmem:$0xA190] =	vst v2  }
0x107: {  	v2 =	vld [tilespmem:s5+$0x50A0];
	_ =	sdelay $0x4  }
0x108: {  	v3 =	vshrl.u32 v2, $0xE  }
0x109: {  	v2 =	vand.u32 $0x3FFF, v2;
	_ =	sdelay $0x1  }
0x10a: {  	[tilespmem:$0xA2A0] =	vst v3  }
0x10b: {  	[tilespmem:$0xA3A0] =	vst v2  }
0x10c: {  	v3 =	vld.idx.msk [tilespmem:v3+s26+$0x0], $0xffff  }
0x10d: {  	v2 =	vld.idx.msk [tilespmem:v2+s30+$0x0], $0xffff;
	_ =	sdelay $0x4  }
0x10e: {  	v2 =	vadd.f32 v2, v3;
	_ =	sdelay $0x1  }
0x10f: {  	v3 =	vmul.f32 $2.000000030e-01, v2  }
0x110: {  	vm10 =	vge.f32 v2, $0.0e+00  }
0x111: {  	v2 =	vsel vm10, v2, v3  }
0x112: {  	v2 =	vmul.f32 $1.442695020e+00, v2;
	_ =	sdelay $0x1  }
0x113: {  	(erf) = vpow2.f32 v2;
	_ =	sdelay $0x8  }
0x114: {  	v2 =	vpop (erf)  }
0x115: {  	[tilespmem:$0xA1A0] =	vst v2  }
0x116: {  	v2 =	vld [tilespmem:s5+$0x50B0];
	_ =	sdelay $0x4  }
0x117: {  	v3 =	vshrl.u32 v2, $0xE  }
0x118: {  	v2 =	vand.u32 $0x3FFF, v2;
	_ =	sdelay $0x1  }
0x119: {  	[tilespmem:$0xA2B0] =	vst v3  }
0x11a: {  	[tilespmem:$0xA3B0] =	vst v2  }
0x11b: {  	v3 =	vld.idx.msk [tilespmem:v3+s26+$0x0], $0xffff  }
0x11c: {  	v2 =	vld.idx.msk [tilespmem:v2+s30+$0x0], $0xffff;
	_ =	sdelay $0x4  }
0x11d: {  	v2 =	vadd.f32 v2, v3;
	_ =	sdelay $0x1  }
0x11e: {  	v3 =	vmul.f32 $2.000000030e-01, v2  }
0x11f: {  	vm11 =	vge.f32 v2, $0.0e+00  }
0x120: {  	v2 =	vsel vm11, v2, v3  }
0x121: {  	v2 =	vmul.f32 $1.442695020e+00, v2;
	_ =	sdelay $0x1  }
0x122: {  	(erf) = vpow2.f32 v2;
	_ =	sdelay $0x8  }
0x123: {  	v2 =	vpop (erf)  }
0x124: {  	[tilespmem:$0xA1B0] =	vst v2  }
0x125: {  	v2 =	vld [tilespmem:s5+$0x50C0];
	_ =	sdelay $0x4  }
0x126: {  	v3 =	vshrl.u32 v2, $0xE  }
0x127: {  	v2 =	vand.u32 $0x3FFF, v2;
	_ =	sdelay $0x1  }
0x128: {  	[tilespmem:$0xA2C0] =	vst v3  }
0x129: {  	[tilespmem:$0xA3C0] =	vst v2  }
0x12a: {  	v3 =	vld.idx.msk [tilespmem:v3+s26+$0x0], $0xffff  }
0x12b: {  	v2 =	vld.idx.msk [tilespmem:v2+s30+$0x0], $0xffff;
	_ =	sdelay $0x4  }
0x12c: {  	v2 =	vadd.f32 v2, v3;
	_ =	sdelay $0x1  }
0x12d: {  	v3 =	vmul.f32 $2.000000030e-01, v2  }
0x12e: {  	vm12 =	vge.f32 v2, $0.0e+00  }
0x12f: {  	v2 =	vsel vm12, v2, v3  }
0x130: {  	v2 =	vmul.f32 $1.442695020e+00, v2;
	_ =	sdelay $0x1  }
0x131: {  	(erf) = vpow2.f32 v2;
	_ =	sdelay $0x8  }
0x132: {  	v2 =	vpop (erf)  }
0x133: {  	[tilespmem:$0xA1C0] =	vst v2  }
0x134: {  	v2 =	vld [tilespmem:s5+$0x50D0];
	_ =	sdelay $0x4  }
0x135: {  	v3 =	vshrl.u32 v2, $0xE  }
0x136: {  	v2 =	vand.u32 $0x3FFF, v2;
	_ =	sdelay $0x1  }
0x137: {  	[tilespmem:$0xA2D0] =	vst v3  }
0x138: {  	[tilespmem:$0xA3D0] =	vst v2  }
0x139: {  	v3 =	vld.idx.msk [tilespmem:v3+s26+$0x0], $0xffff  }
0x13a: {  	v2 =	vld.idx.msk [tilespmem:v2+s30+$0x0], $0xffff;
	_ =	sdelay $0x4  }
0x13b: {  	v2 =	vadd.f32 v2, v3;
	_ =	sdelay $0x1  }
0x13c: {  	v3 =	vmul.f32 $2.000000030e-01, v2  }
0x13d: {  	vm13 =	vge.f32 v2, $0.0e+00  }
0x13e: {  	v2 =	vsel vm13, v2, v3  }
0x13f: {  	v2 =	vmul.f32 $1.442695020e+00, v2;
	_ =	sdelay $0x1  }
0x140: {  	(erf) = vpow2.f32 v2;
	_ =	sdelay $0x8  }
0x141: {  	v2 =	vpop (erf)  }
0x142: {  	[tilespmem:$0xA1D0] =	vst v2  }
0x143: {  	v2 =	vld [tilespmem:s5+$0x50E0];
	_ =	sdelay $0x4  }
0x144: {  	v3 =	vshrl.u32 v2, $0xE  }
0x145: {  	v2 =	vand.u32 $0x3FFF, v2;
	_ =	sdelay $0x1  }
0x146: {  	[tilespmem:$0xA2E0] =	vst v3  }
0x147: {  	[tilespmem:$0xA3E0] =	vst v2  }
0x148: {  	v3 =	vld.idx.msk [tilespmem:v3+s26+$0x0], $0xffff  }
0x149: {  	v2 =	vld.idx.msk [tilespmem:v2+s30+$0x0], $0xffff;
	_ =	sdelay $0x4  }
0x14a: {  	v2 =	vadd.f32 v2, v3;
	_ =	sdelay $0x1  }
0x14b: {  	v3 =	vmul.f32 $2.000000030e-01, v2  }
0x14c: {  	vm14 =	vge.f32 v2, $0.0e+00  }
0x14d: {  	v2 =	vsel vm14, v2, v3  }
0x14e: {  	v2 =	vmul.f32 $1.442695020e+00, v2;
	_ =	sdelay $0x1  }
0x14f: {  	(erf) = vpow2.f32 v2;
	_ =	sdelay $0x8  }
0x150: {  	v2 =	vpop (erf)  }
0x151: {  	[tilespmem:$0xA1E0] =	vst v2  }
0x152: {  	v2 =	vld [tilespmem:s5+$0x50F0];
	_ =	sdelay $0x4  }
0x153: {  	v3 =	vshrl.u32 v2, $0xE  }
0x154: {  	v2 =	vand.u32 $0x3FFF, v2;
	_ =	sdelay $0x1  }
0x155: {  	[tilespmem:$0xA2F0] =	vst v3  }
0x156: {  	[tilespmem:$0xA3F0] =	vst v2  }
0x157: {  	v3 =	vld.idx.msk [tilespmem:v3+s26+$0x0], $0xffff  }
0x158: {  	v2 =	vld.idx.msk [tilespmem:v2+s30+$0x0], $0xffff;
	_ =	sdelay $0x4  }
0x159: {  	v2 =	vadd.f32 v2, v3;
	_ =	sdelay $0x1  }
0x15a: {  	v3 =	vmul.f32 $2.000000030e-01, v2  }
0x15b: {  	vm15 =	vge.f32 v2, $0.0e+00  }
0x15c: {  	v2 =	vsel vm15, v2, v3  }
0x15d: {  	v2 =	vmul.f32 $1.442695020e+00, v2;
	_ =	sdelay $0x1  }
0x15e: {  	(erf) = vpow2.f32 v2;
	_ =	sdelay $0x1  }
0x15f: {  	s15 =	simm.s32 $0x2  }
0x160: {  	s16 =	simm.s32 $0x3;
	s17 =	simm.s32 $0x4;
	s19 =	simm.s32 $0x5;
	v4 =	vmov s15  }
0x161: {  	v5 =	vmov s16;
	v6 =	vmov s17;
	v7 =	vmov s19  }
0x162: {  	s21 =	simm.s32 $0x1;
	v4 =	vshrl.u32 v4, $0x3;
	v5 =	vshrl.u32 v5, $0x3;
	v6 =	vshrl.u32 v6, $0x3  }
0x163: {  	v7 =	vshrl.u32 v7, $0x3;
	v3 =	vmov s21;
	v2 =	vmov s26  }
0x164: {  	v4 =	vshll.u32 v4, v1;
	v3 =	vshrl.u32 v3, $0x3;
	v2 =	vshrl.u32 v2, $0x3  }
0x165: {  	v5 =	vshll.u32 v5, v1;
	v3 =	vshll.u32 v3, v1;
	v2 =	vshll.u32 v2, v1  }
0x166: {  	v6 =	vshll.u32 v6, v1;
	v3 =	vadd.s32 $0x1, v3;
	v2 =	vbroadcast v2, $0x0;
	v9 =	vpop (erf)  }
0x167: {  	s16 =	simm.s32 $0x7;
	v7 =	vshll.u32 v7, v1;
	v4 =	vadd.s32 $0x2, v4;
	s21 =	simm.s32 $0x6;
	v3 =	vbroadcast v3, $0x0;
	[tilespmem:$0xA1F0] =	vst v9  }
0x168: {  	v5 =	vadd.s32 $0x3, v5;
	v6 =	vadd.s32 $0x4, v6;
	v4 =	vbroadcast v4, $0x0;
	[tilespmem:s9], [sflag:$0x2] =	stream.indirect.gather [spmem:s1], $0x20, s8, s0, $0xb8;
	[tilespmem:$0x18680] =	vst v63  }
0x169: {  	v5 =	vbroadcast v5, $0x0;
	v8 =	vmov s21;
	v9 =	vmov s16;
	_ =	swait.ge [sflag:s10], $0x1000  }
0x16a: {  	v10 =	vbroadcast v6, $0x0;
	v8 =	vshrl.u32 v8, $0x3;
	v6 =	vshrl.u32 v9, $0x3;
	[sflag:s10] =	ssyncset.done $0x0  }
0x16b: {  	v7 =	vadd.s32 $0x5, v7;
	v8 =	vshll.u32 v8, v1;
	v6 =	vshll.u32 v6, v1;
	[sflag:s10] =	ssyncadd.s32 $0xFFFFF000  }
0x16c: {  	v8 =	vadd.s32 $0x6, v8;
	v9 =	vbroadcast v7, $0x0;
	v6 =	vadd.s32 $0x7, v6;
	v7 =	vld.idx.msk [tilespmem:v2+s31+$0x0], $0xffff  }
0x16d: {  	v11 =	vbroadcast v6, $0x0;
	v2 =	vbroadcast v8, $0x0;
	v8 =	vld.idx.msk [tilespmem:v3+s31+$0x0], $0xffff  }
0x16e: {  	v6 =	vld.idx.msk [tilespmem:v4+s31+$0x0], $0xffff  }
0x16f: {  	v5 =	vld.idx.msk [tilespmem:v5+s31+$0x0], $0xffff  }
0x170: {  	s5 =	simm.s32 $0xA480;
	v4 =	vld.idx.msk [tilespmem:v10+s31+$0x0], $0xffff  }
0x171: {  	v15 =	vld [tilespmem:s5+$0xFFFFFF80]  }
0x172: {  	s19 =	simm.s32 $0x9;
	v3 =	vld.idx.msk [tilespmem:v9+s31+$0x0], $0xffff  }
0x173: {  	v12 =	vmov s19;
	s19 =	simm.s32 $0xD;
	v9 =	vld.idx.msk [tilespmem:v11+s31+$0x0], $0xffff  }
0x174: {  	v17 =	vmov s19;
	s21 =	simm.s32 $0xA;
	v11 =	vld [tilespmem:s5+$0x60]  }
0x175: {  	v12 =	vshrl.u32 v12, $0x3;
	v17 =	vshrl.u32 v17, $0x3;
	v13 =	vmov s21;
	s21 =	simm.s32 $0xE;
	v19 =	vld [tilespmem:s5+$0xFFFFFFA0]  }
0x176: {  	v12 =	vshll.u32 v12, v1;
	v18 =	vmov s21;
	v13 =	vshrl.u32 v13, $0x3;
	v20 =	vld [tilespmem:s5+$0xFFFFFFC0]  }
0x177: {  	s17 =	simm.s32 $0x8;
	v17 =	vshll.u32 v17, v1;
	v18 =	vshrl.u32 v18, $0x3;
	v13 =	vshll.u32 v13, v1;
	v21 =	vld [tilespmem:s5+$0xFFFFFFE0]  }
0x178: {  	v25 =	vshll.u32 v18, v1;
	v26 =	vadd.s32 $0x2, v13;
	v10 =	vmov s17;
	s17 =	simm.s32 $0xB;
	v22 =	vld [tilespmem:s5+$0x0]  }
0x179: {  	v23 =	vld [tilespmem:s5+$0x20];
	v10 =	vshrl.u32 v10, $0x3;
	v14 =	vmov s17;
	s17 =	simm.s32 $0xC;
	v11 =	vmul.f32 v11, v9  }
0x17a: {  	s15 =	simm.s32 $0xC480;
	v24 =	vld [tilespmem:s5+$0x40];
	v16 =	vmov s17;
	v10 =	vshll.u32 v10, v1;
	v15 =	vmul.f32 v15, v7  }
0x17b: {  	v14 =	vshrl.u32 v14, $0x3;
	v16 =	vshrl.u32 v16, $0x3;
	v19 =	vmul.f32 v19, v8;
	v2 =	vld.idx.msk [tilespmem:v2+s31+$0x0], $0xffff;
	[tilespmem:s15+$0x60] =	vst v11  }
0x17c: {  	v10 =	vbroadcast v10, $0x0;
	v14 =	vshll.u32 v14, v1;
	[tilespmem:s15+$0xFFFFFF80] =	vst v15;
	v15 =	vmul.f32 v20, v6;
	v11 =	vld [tilespmem:s5+$0x70]  }
0x17d: {  	v16 =	vshll.u32 v16, v1;
	v27 =	vmul.f32 v21, v5;
	v20 =	vadd.s32 $0x1, v12;
	[tilespmem:s15+$0xFFFFFFA0] =	vst v19;
	v12 =	vld [tilespmem:s5+$0xFFFFFF90]  }
0x17e: {  	v21 =	vadd.s32 $0x3, v14;
	v18 =	vadd.s32 $0x4, v16;
	v28 =	vmul.f32 v22, v4;
	v14 =	vld [tilespmem:s5+$0xFFFFFFB0];
	[tilespmem:s15+$0xFFFFFFC0] =	vst v15  }
0x17f: {  	v19 =	vadd.s32 $0x5, v17;
	[tilespmem:s15+$0xFFFFFFE0] =	vst v27;
	v22 =	vmul.f32 v23, v3;
	v16 =	vbroadcast v20, $0x0;
	v13 =	vld [tilespmem:s5+$0xFFFFFFD0]  }
0x180: {  	s16 =	simm.s32 $0x10;
	s17 =	simm.s32 $0xF;
	v17 =	vbroadcast v26, $0x0;
	[tilespmem:s15+$0x0] =	vst v28;
	v20 =	vadd.s32 $0x6, v25;
	v15 =	vld [tilespmem:s5+$0xFFFFFFF0];
	v23 =	vmul.f32 v24, v2  }
.LBB2_5:
0x181: {  	p1 =	slt.u32 s16, $0x78;
	v21 =	vbroadcast v21, $0x0;
	v24 =	vmov s17;
	v25 =	vld [tilespmem:s5+$0x10];
	[tilespmem:s15+$0x20] =	vst v22;
	v9 =	vmul.f32 v11, v9  }
0x182: {  	v11 =	vbroadcast v18, $0x0;
	v18 =	vshrl.u32 v24, $0x3;
	v12 =	vmul.f32 v12, v7;
	v22 =	vld [tilespmem:s5+$0x30];
	[tilespmem:s15+$0x40] =	vst v23  }
0x183: {  	v19 =	vbroadcast v19, $0x0;
	v18 =	vshll.u32 v18, v1;
	v14 =	vmul.f32 v14, v8;
	v23 =	vld [tilespmem:s5+$0x50];
	[tilespmem:s15+$0x70] =	vst v9  }
0x184: {  	v9 =	vbroadcast v20, $0x0;
	v7 =	vld.idx.msk [tilespmem:v10+s31+$0x0], $0xffff;
	v10 =	vadd.s32 $0x7, v18;
	[tilespmem:s15+$0xFFFFFF90] =	vst v12;
	v12 =	vmul.f32 v13, v6  }
0x185: {  	v8 =	vld.idx.msk [tilespmem:v16+s31+$0x0], $0xffff;
	v10 =	vbroadcast v10, $0x0;
	[tilespmem:s15+$0xFFFFFFB0] =	vst v14;
	v13 =	vmul.f32 v15, v5  }
0x186: {  	v6 =	vld.idx.msk [tilespmem:v17+s31+$0x0], $0xffff;
	[tilespmem:s15+$0xFFFFFFD0] =	vst v12;
	v12 =	vmul.f32 v25, v4  }
0x187: {  	v5 =	vld.idx.msk [tilespmem:v21+s31+$0x0], $0xffff;
	[tilespmem:s15+$0xFFFFFFF0] =	vst v13;
	v13 =	vmul.f32 v22, v3  }
0x188: {  	v4 =	vld.idx.msk [tilespmem:v11+s31+$0x0], $0xffff;
	[tilespmem:s15+$0x10] =	vst v12;
	v11 =	vmul.f32 v23, v2  }
0x189: {  	v3 =	vld.idx.msk [tilespmem:v19+s31+$0x0], $0xffff;
	[tilespmem:s15+$0x30] =	vst v13  }
0x18a: {  	v2 =	vld.idx.msk [tilespmem:v9+s31+$0x0], $0xffff;
	[tilespmem:s15+$0x50] =	vst v11  }
0x18b: {  	s5 =	sadd.s32 $0x100, s5;
	v11 =	vmov s16;
	v9 =	vld.idx.msk [tilespmem:v10+s31+$0x0], $0xffff  }
0x18c: {  	s17 =	sadd.s32 $0x1, s16;
	s19 =	sadd.s32 $0x2, s16;
	s21 =	sadd.s32 $0x3, s16;
	v10 =	vshrl.u32 v11, $0x3;
	v11 =	vld [tilespmem:s5+$0x60]  }
0x18d: {  	v14 =	vmov s21;
	s21 =	sadd.s32 $0x6, s16;
	v12 =	vmov s17;
	s17 =	sadd.s32 $0x4, s16;
	v13 =	vmov s19;
	s19 =	sadd.s32 $0x5, s16;
	v15 =	vld [tilespmem:s5+$0xFFFFFF80]  }
0x18e: {  	v18 =	vmov s21;
	v16 =	vmov s17;
	v17 =	vmov s19;
	v19 =	vld [tilespmem:s5+$0xFFFFFFA0]  }
0x18f: {  	v12 =	vshrl.u32 v12, $0x3;
	v13 =	vshrl.u32 v13, $0x3;
	v10 =	vshll.u32 v10, v1;
	v20 =	vld [tilespmem:s5+$0xFFFFFFC0]  }
0x190: {  	v14 =	vshrl.u32 v14, $0x3;
	v16 =	vshrl.u32 v16, $0x3;
	v17 =	vshrl.u32 v17, $0x3;
	v21 =	vld [tilespmem:s5+$0xFFFFFFE0]  }
0x191: {  	v18 =	vshrl.u32 v18, $0x3;
	v10 =	vbroadcast v10, $0x0;
	v22 =	vld [tilespmem:s5+$0x0];
	v11 =	vmul.f32 v11, v9  }
0x192: {  	v12 =	vshll.u32 v12, v1;
	s15 =	sadd.s32 $0x100, s15;
	v13 =	vshll.u32 v13, v1;
	v15 =	vmul.f32 v15, v7;
	v23 =	vld [tilespmem:s5+$0x20]  }
0x193: {  	v14 =	vshll.u32 v14, v1;
	v16 =	vshll.u32 v16, v1;
	v19 =	vmul.f32 v19, v8;
	v24 =	vld [tilespmem:s5+$0x40];
	[tilespmem:s15+$0x60] =	vst v11  }
.Ltmp1:
0x194: {  	v25 =	vshll.u32 v18, v1;
	v17 =	vshll.u32 v17, v1;
	[tilespmem:s15+$0xFFFFFF80] =	vst v15;
	v15 =	vmul.f32 v20, v6;
	v11 =	vld [tilespmem:s5+$0x70];
	(pc) =	sbr.rel @p1 .LBB2_5-.Ltmp1, $4  }
0x195: {  	v26 =	vadd.s32 $0x2, v13;
	v20 =	vadd.s32 $0x1, v12;
	v12 =	vld [tilespmem:s5+$0xFFFFFF90];
	[tilespmem:s15+$0xFFFFFFA0] =	vst v19;
	v27 =	vmul.f32 v21, v5  }
0x196: {  	v18 =	vadd.s32 $0x4, v16;
	v21 =	vadd.s32 $0x3, v14;
	v14 =	vld [tilespmem:s5+$0xFFFFFFB0];
	[tilespmem:s15+$0xFFFFFFC0] =	vst v15;
	v28 =	vmul.f32 v22, v4  }
0x197: {  	v16 =	vbroadcast v20, $0x0;
	v19 =	vadd.s32 $0x5, v17;
	v13 =	vld [tilespmem:s5+$0xFFFFFFD0];
	[tilespmem:s15+$0xFFFFFFE0] =	vst v27;
	v22 =	vmul.f32 v23, v3  }
0x198: {  	s17 =	sadd.s32 $0x7, s16;
	s16 =	sadd.s32 $0x8, s16;
	v17 =	vbroadcast v26, $0x0;
	v20 =	vadd.s32 $0x6, v25;
	v15 =	vld [tilespmem:s5+$0xFFFFFFF0];
	[tilespmem:s15+$0x0] =	vst v28;
	v23 =	vmul.f32 v24, v2  }
0x199: {  	_ =	sdelay $0x2  }
0x19a: {  	v25 =	vld [tilespmem:s5+$0x10]  }
0x19b: {  	v10 =	vld.idx.msk [tilespmem:v10+s31+$0x0], $0xffff  }
0x19c: {  	[tilespmem:s15+$0x20] =	vst v22;
	v16 =	vld.idx.msk [tilespmem:v16+s31+$0x0], $0xffff  }
0x19d: {  	v21 =	vbroadcast v21, $0x0;
	v61 =	vld [tilespmem:s5+$0x30]  }
0x19e: {  	v18 =	vbroadcast v18, $0x0;
	[tilespmem:s15+$0x40] =	vst v23;
	v17 =	vld.idx.msk [tilespmem:v17+s31+$0x0], $0xffff;
	v7 =	vmul.f32 v12, v7  }
0x19f: {  	v24 =	vmov s17;
	v19 =	vbroadcast v19, $0x0;
	s16 =	sadd.s32 $0x100, s5;
	v23 =	vld [tilespmem:s5+$0x50];
	v8 =	vmul.f32 v14, v8  }
0x1a0: {  	v22 =	vshrl.u32 v24, $0x3;
	[tilespmem:s15+$0xFFFFFF90] =	vst v7;
	v6 =	vmul.f32 v13, v6;
	v7 =	vld [tilespmem:s16+$0x60]  }
0x1a1: {  	v22 =	vshll.u32 v22, v1;
	[tilespmem:s15+$0xFFFFFFB0] =	vst v8;
	v8 =	vld [tilespmem:s16+$0xFFFFFF80]  }
0x1a2: {  	v22 =	vadd.s32 $0x7, v22;
	[tilespmem:s15+$0xFFFFFFD0] =	vst v6;
	v6 =	vld [tilespmem:s16+$0xFFFFFFA0]  }
0x1a3: {  	v9 =	vmul.f32 v11, v9;
	v22 =	vbroadcast v22, $0x0;
	v21 =	vld.idx.msk [tilespmem:v21+s31+$0x0], $0xffff  }
0x1a4: {  	v5 =	vmul.f32 v15, v5;
	v18 =	vld.idx.msk [tilespmem:v18+s31+$0x0], $0xffff  }
0x1a5: {  	[tilespmem:s15+$0x70] =	vst v9;
	v4 =	vmul.f32 v25, v4;
	v11 =	vld.idx.msk [tilespmem:v19+s31+$0x0], $0xffff  }
0x1a6: {  	v20 =	vbroadcast v20, $0x0;
	[tilespmem:s15+$0xFFFFFFF0] =	vst v5;
	v3 =	vmul.f32 v61, v3;
	v5 =	vld [tilespmem:s16+$0xFFFFFFC0]  }
0x1a7: {  	[tilespmem:s15+$0x10] =	vst v4;
	v2 =	vmul.f32 v23, v2;
	v4 =	vld [tilespmem:s16+$0xFFFFFFE0]  }
0x1a8: {  	[tilespmem:s15+$0x30] =	vst v3;
	v3 =	vld [tilespmem:s16+$0x0]  }
0x1a9: {  	[tilespmem:s15+$0x50] =	vst v2;
	v2 =	vmul.f32 v8, v10;
	v9 =	vld.idx.msk [tilespmem:v22+s31+$0x0], $0xffff  }
0x1aa: {  	v8 =	vld [tilespmem:s16+$0x20];
	s15 =	sadd.s32 $0x100, s15;
	v6 =	vmul.f32 v6, v16  }
0x1ab: {  	v13 =	vld [tilespmem:s16+$0x40];
	[tilespmem:s15+$0xFFFFFF80] =	vst v2;
	v2 =	vmul.f32 v5, v17  }
0x1ac: {  	v12 =	vld.idx.msk [tilespmem:v20+s31+$0x0], $0xffff;
	[tilespmem:s15+$0xFFFFFFA0] =	vst v6;
	v4 =	vmul.f32 v4, v21  }
0x1ad: {  	v6 =	vld [tilespmem:s16+$0xFFFFFFB0];
	[tilespmem:s15+$0xFFFFFFC0] =	vst v2  }
0x1ae: {  	v2 =	vmul.f32 v3, v18;
	v3 =	vld [tilespmem:s16+$0xFFFFFFD0];
	[tilespmem:s15+$0xFFFFFFE0] =	vst v4;
	v7 =	vmul.f32 v7, v9  }
0x1af: {  	v4 =	vmul.f32 v8, v11;
	v8 =	vld [tilespmem:s16+$0xFFFFFFF0]  }
0x1b0: {  	[tilespmem:s15+$0x60] =	vst v7;
	v7 =	vld [tilespmem:s16+$0xFFFFFF90]  }
0x1b1: {  	[tilespmem:s15+$0x0] =	vst v2;
	v2 =	vmul.f32 v13, v12;
	v5 =	vld [tilespmem:s16+$0x70]  }
0x1b2: {  	v13 =	vld [tilespmem:s16+$0x10]  }
0x1b3: {  	[tilespmem:s15+$0x40] =	vst v2;
	v2 =	vmul.f32 v6, v16  }
0x1b4: {  	[tilespmem:s15+$0x20] =	vst v4  }
0x1b5: {  	v6 =	vld [tilespmem:s16+$0x50];
	v3 =	vmul.f32 v3, v17;
	[tilespmem:s15+$0xFFFFFFB0] =	vst v2;
	v2 =	vmul.f32 v8, v21  }
0x1b6: {  	v4 =	vmul.f32 v5, v9;
	v5 =	vmul.f32 v7, v10;
	v7 =	vld [tilespmem:s16+$0x30]  }
0x1b7: {  	[tilespmem:s15+$0xFFFFFFD0] =	vst v3;
	v3 =	vmul.f32 v13, v18  }
0x1b8: {  	[tilespmem:s15+$0xFFFFFFF0] =	vst v2  }
0x1b9: {  	[tilespmem:s15+$0x10] =	vst v3  }
0x1ba: {  	v3 =	vmul.f32 v6, v12;
	[tilespmem:s15+$0x70] =	vst v4  }
0x1bb: {  	s5 =	simm.s32 $0x4;
	[tilespmem:s15+$0xFFFFFF90] =	vst v5;
	v2 =	vmul.f32 v7, v11  }
0x1bc: {  	s17 =	simm.s32 $0x0;
	s21 =	simm.s32 $0x3;
	v6 =	vmov s5;
	[tilespmem:s15+$0x50] =	vst v3  }
0x1bd: {  	s19 =	simm.s32 $0x1;
	s16 =	simm.s32 $0x2;
	v6 =	vshrl.u32 v6, $0x3;
	v4 =	vmov s17;
	v5 =	vmov s21;
	s21 =	simm.s32 $0x6;
	[tilespmem:s15+$0x30] =	vst v2  }
0x1be: {  	v3 =	vmov s16;
	v6 =	vshll.u32 v6, v1;
	v8 =	vmov s21;
	[spmem:s3] =	stream.indirect.scatter.add.f32 [tilespmem:s2], [sflag:$0x3], $0x20, s11, s0, $0xb8;
	[tilespmem:$0x18680] =	vst v63  }
0x1bf: {  	s5 =	simm.s32 @!p0 $0x80;
	s16 =	simm.s32 @!p0 $0xA100;
	v3 =	vshrl.u32 v3, $0x3;
	v2 =	vshrl.u32 v4, $0x3;
	v4 =	vmov s19;
	s15 =	simm.s32 @!p0 $0xA300  }
0x1c0: {  	v5 =	vshrl.u32 v5, $0x3;
	v6 =	vadd.s32 $0x4, v6;
	v4 =	vshrl.u32 v4, $0x3;
	[spmem:s4] =	stream.indirect.scatter.add.f32 @!p0 [tilespmem:s16], [sflag:$0x5], $0x1, s15, s5, $0xb8;
	[tilespmem:$0x18680] =	vst v63  }
0x1c1: {  	v8 =	vshrl.u32 v8, $0x3;
	v2 =	vshll.u32 v2, v1;
	v4 =	vshll.u32 v4, v1;
	s5 =	simm.s32 @!p0 $0x5  }
0x1c2: {  	v3 =	vshll.u32 v3, v1;
	v2 =	vbroadcast v2, $0x0;
	v4 =	vadd.s32 $0x1, v4;
	_ =	swait.ge @!p0 [sflag:s5], $0x80  }
0x1c3: {  	v5 =	vshll.u32 v5, v1;
	v3 =	vadd.s32 $0x2, v3;
	s19 =	simm.s32 $0x5;
	v4 =	vbroadcast v4, $0x0;
	[sflag:s5] =	ssyncset.done @!p0 $0x0  }
0x1c4: {  	v5 =	vadd.s32 $0x3, v5;
	v3 =	vbroadcast v3, $0x0;
	v7 =	vmov s19;
	s15 =	simm.s32 $0x7;
	[sflag:s5] =	ssyncadd.s32 @!p0 $0xFFFFFF80  }
0x1c5: {  	v5 =	vbroadcast v5, $0x0;
	v7 =	vshrl.u32 v7, $0x3;
	v9 =	vmov s15;
	_ =	swait.ge [sflag:s12], $0x1000  }
0x1c6: {  	v10 =	vbroadcast v6, $0x0;
	v7 =	vshll.u32 v7, v1;
	v6 =	vshrl.u32 v9, $0x3;
	[sflag:s12] =	ssyncset.done $0x0  }
0x1c7: {  	v8 =	vshll.u32 v8, v1;
	v7 =	vadd.s32 $0x5, v7;
	v6 =	vshll.u32 v6, v1;
	[sflag:s12] =	ssyncadd.s32 $0xFFFFF000  }
0x1c8: {  	v8 =	vadd.s32 $0x6, v8;
	v9 =	vbroadcast v7, $0x0;
	v6 =	vadd.s32 $0x7, v6;
	v7 =	vld.idx.msk [tilespmem:v2+s13+$0x0], $0xffff  }
0x1c9: {  	v11 =	vbroadcast v6, $0x0;
	v2 =	vbroadcast v8, $0x0;
	v8 =	vld.idx.msk [tilespmem:v4+s13+$0x0], $0xffff  }
0x1ca: {  	v6 =	vld.idx.msk [tilespmem:v3+s13+$0x0], $0xffff  }
0x1cb: {  	v5 =	vld.idx.msk [tilespmem:v5+s13+$0x0], $0xffff  }
0x1cc: {  	s5 =	simm.s32 $0xB480;
	v4 =	vld.idx.msk [tilespmem:v10+s13+$0x0], $0xffff  }
0x1cd: {  	v15 =	vld [tilespmem:s5+$0xFFFFFF80]  }
0x1ce: {  	v3 =	vld.idx.msk [tilespmem:v9+s13+$0x0], $0xffff  }
0x1cf: {  	s17 =	simm.s32 $0x9;
	s21 =	simm.s32 $0xB;
	v9 =	vld.idx.msk [tilespmem:v11+s13+$0x0], $0xffff  }
0x1d0: {  	v12 =	vmov s17;
	s17 =	simm.s32 $0xC;
	v14 =	vmov s21;
	s21 =	simm.s32 $0xE;
	v11 =	vld [tilespmem:s5+$0x60]  }
0x1d1: {  	v16 =	vmov s17;
	v12 =	vshrl.u32 v12, $0x3;
	v18 =	vmov s21;
	v19 =	vld [tilespmem:s5+$0xFFFFFFA0]  }
0x1d2: {  	v14 =	vshrl.u32 v14, $0x3;
	v16 =	vshrl.u32 v16, $0x3;
	v12 =	vshll.u32 v12, v1;
	v20 =	vld [tilespmem:s5+$0xFFFFFFC0]  }
0x1d3: {  	v18 =	vshrl.u32 v18, $0x3;
	v14 =	vshll.u32 v14, v1;
	v16 =	vshll.u32 v16, v1;
	s19 =	simm.s32 $0xA;
	v21 =	vld [tilespmem:s5+$0xFFFFFFE0]  }
0x1d4: {  	v63 =	vshll.u32 v18, v1;
	v18 =	vadd.s32 $0x4, v16;
	v13 =	vmov s19;
	s19 =	simm.s32 $0xD;
	v22 =	vld [tilespmem:s5+$0x0]  }
0x1d5: {  	v17 =	vmov s19;
	v13 =	vshrl.u32 v13, $0x3;
	v23 =	vld [tilespmem:s5+$0x20];
	v11 =	vmul.f32 v11, v9  }
0x1d6: {  	s16 =	simm.s32 $0x8;
	v17 =	vshrl.u32 v17, $0x3;
	s15 =	simm.s32 $0xD480;
	v13 =	vshll.u32 v13, v1;
	v62 =	vld [tilespmem:s5+$0x40];
	v15 =	vmul.f32 v15, v7  }
0x1d7: {  	v17 =	vshll.u32 v17, v1;
	v10 =	vmov s16;
	v19 =	vmul.f32 v19, v8;
	v2 =	vld.idx.msk [tilespmem:v2+s13+$0x0], $0xffff;
	[tilespmem:s15+$0x60] =	vst v11  }
0x1d8: {  	v26 =	vadd.s32 $0x2, v13;
	v10 =	vshrl.u32 v10, $0x3;
	[tilespmem:s15+$0xFFFFFF80] =	vst v15;
	v15 =	vmul.f32 v20, v6;
	v11 =	vld [tilespmem:s5+$0x70]  }
0x1d9: {  	v10 =	vshll.u32 v10, v1;
	v27 =	vmul.f32 v21, v5;
	v20 =	vadd.s32 $0x1, v12;
	[tilespmem:s15+$0xFFFFFFA0] =	vst v19;
	v12 =	vld [tilespmem:s5+$0xFFFFFF90]  }
0x1da: {  	v10 =	vbroadcast v10, $0x0;
	v21 =	vadd.s32 $0x3, v14;
	v28 =	vmul.f32 v22, v4;
	v14 =	vld [tilespmem:s5+$0xFFFFFFB0];
	[tilespmem:s15+$0xFFFFFFC0] =	vst v15  }
0x1db: {  	v22 =	vmul.f32 v23, v3;
	v19 =	vadd.s32 $0x5, v17;
	[tilespmem:s15+$0xFFFFFFE0] =	vst v27;
	v16 =	vbroadcast v20, $0x0;
	v13 =	vld [tilespmem:s5+$0xFFFFFFD0]  }
0x1dc: {  	s17 =	simm.s32 $0xF;
	s16 =	simm.s32 $0x10;
	v17 =	vbroadcast v26, $0x0;
	[tilespmem:s15+$0x0] =	vst v28;
	v20 =	vadd.s32 $0x6, v63;
	v15 =	vld [tilespmem:s5+$0xFFFFFFF0];
	v23 =	vmul.f32 v62, v2  }
.LBB2_7:
0x1dd: {  	p1 =	slt.u32 s16, $0x78;
	v21 =	vbroadcast v21, $0x0;
	v24 =	vmov s17;
	v25 =	vld [tilespmem:s5+$0x10];
	[tilespmem:s15+$0x20] =	vst v22;
	v9 =	vmul.f32 v11, v9  }
0x1de: {  	v11 =	vbroadcast v18, $0x0;
	v18 =	vshrl.u32 v24, $0x3;
	v12 =	vmul.f32 v12, v7;
	v22 =	vld [tilespmem:s5+$0x30];
	[tilespmem:s15+$0x40] =	vst v23  }
0x1df: {  	v19 =	vbroadcast v19, $0x0;
	v18 =	vshll.u32 v18, v1;
	v14 =	vmul.f32 v14, v8;
	v23 =	vld [tilespmem:s5+$0x50];
	[tilespmem:s15+$0x70] =	vst v9  }
0x1e0: {  	v9 =	vbroadcast v20, $0x0;
	v7 =	vld.idx.msk [tilespmem:v10+s13+$0x0], $0xffff;
	v10 =	vadd.s32 $0x7, v18;
	[tilespmem:s15+$0xFFFFFF90] =	vst v12;
	v12 =	vmul.f32 v13, v6  }
0x1e1: {  	v8 =	vld.idx.msk [tilespmem:v16+s13+$0x0], $0xffff;
	v10 =	vbroadcast v10, $0x0;
	[tilespmem:s15+$0xFFFFFFB0] =	vst v14;
	v13 =	vmul.f32 v15, v5  }
0x1e2: {  	v6 =	vld.idx.msk [tilespmem:v17+s13+$0x0], $0xffff;
	[tilespmem:s15+$0xFFFFFFD0] =	vst v12;
	v12 =	vmul.f32 v25, v4  }
0x1e3: {  	v5 =	vld.idx.msk [tilespmem:v21+s13+$0x0], $0xffff;
	[tilespmem:s15+$0xFFFFFFF0] =	vst v13;
	v13 =	vmul.f32 v22, v3  }
0x1e4: {  	v4 =	vld.idx.msk [tilespmem:v11+s13+$0x0], $0xffff;
	[tilespmem:s15+$0x10] =	vst v12;
	v11 =	vmul.f32 v23, v2  }
0x1e5: {  	v3 =	vld.idx.msk [tilespmem:v19+s13+$0x0], $0xffff;
	[tilespmem:s15+$0x30] =	vst v13  }
0x1e6: {  	v2 =	vld.idx.msk [tilespmem:v9+s13+$0x0], $0xffff;
	[tilespmem:s15+$0x50] =	vst v11  }
0x1e7: {  	s5 =	sadd.s32 $0x100, s5;
	v11 =	vmov s16;
	v9 =	vld.idx.msk [tilespmem:v10+s13+$0x0], $0xffff  }
0x1e8: {  	s17 =	sadd.s32 $0x1, s16;
	s19 =	sadd.s32 $0x2, s16;
	s21 =	sadd.s32 $0x3, s16;
	v10 =	vshrl.u32 v11, $0x3;
	v11 =	vld [tilespmem:s5+$0x60]  }
0x1e9: {  	v14 =	vmov s21;
	s21 =	sadd.s32 $0x6, s16;
	v12 =	vmov s17;
	s17 =	sadd.s32 $0x4, s16;
	v13 =	vmov s19;
	s19 =	sadd.s32 $0x5, s16;
	v15 =	vld [tilespmem:s5+$0xFFFFFF80]  }
0x1ea: {  	v18 =	vmov s21;
	v16 =	vmov s17;
	v17 =	vmov s19;
	v19 =	vld [tilespmem:s5+$0xFFFFFFA0]  }
0x1eb: {  	v12 =	vshrl.u32 v12, $0x3;
	v13 =	vshrl.u32 v13, $0x3;
	v10 =	vshll.u32 v10, v1;
	v20 =	vld [tilespmem:s5+$0xFFFFFFC0]  }
0x1ec: {  	v14 =	vshrl.u32 v14, $0x3;
	v16 =	vshrl.u32 v16, $0x3;
	v17 =	vshrl.u32 v17, $0x3;
	v21 =	vld [tilespmem:s5+$0xFFFFFFE0]  }
0x1ed: {  	v18 =	vshrl.u32 v18, $0x3;
	v10 =	vbroadcast v10, $0x0;
	v22 =	vld [tilespmem:s5+$0x0];
	v11 =	vmul.f32 v11, v9  }
0x1ee: {  	v12 =	vshll.u32 v12, v1;
	s15 =	sadd.s32 $0x100, s15;
	v13 =	vshll.u32 v13, v1;
	v15 =	vmul.f32 v15, v7;
	v23 =	vld [tilespmem:s5+$0x20]  }
0x1ef: {  	v14 =	vshll.u32 v14, v1;
	v16 =	vshll.u32 v16, v1;
	v19 =	vmul.f32 v19, v8;
	v24 =	vld [tilespmem:s5+$0x40];
	[tilespmem:s15+$0x60] =	vst v11  }
.Ltmp2:
0x1f0: {  	v25 =	vshll.u32 v18, v1;
	v17 =	vshll.u32 v17, v1;
	[tilespmem:s15+$0xFFFFFF80] =	vst v15;
	v15 =	vmul.f32 v20, v6;
	v11 =	vld [tilespmem:s5+$0x70];
	(pc) =	sbr.rel @p1 .LBB2_7-.Ltmp2, $4  }
0x1f1: {  	v26 =	vadd.s32 $0x2, v13;
	v20 =	vadd.s32 $0x1, v12;
	v12 =	vld [tilespmem:s5+$0xFFFFFF90];
	[tilespmem:s15+$0xFFFFFFA0] =	vst v19;
	v27 =	vmul.f32 v21, v5  }
0x1f2: {  	v18 =	vadd.s32 $0x4, v16;
	v21 =	vadd.s32 $0x3, v14;
	v14 =	vld [tilespmem:s5+$0xFFFFFFB0];
	[tilespmem:s15+$0xFFFFFFC0] =	vst v15;
	v28 =	vmul.f32 v22, v4  }
0x1f3: {  	v16 =	vbroadcast v20, $0x0;
	v19 =	vadd.s32 $0x5, v17;
	v13 =	vld [tilespmem:s5+$0xFFFFFFD0];
	[tilespmem:s15+$0xFFFFFFE0] =	vst v27;
	v22 =	vmul.f32 v23, v3  }
0x1f4: {  	s17 =	sadd.s32 $0x7, s16;
	s16 =	sadd.s32 $0x8, s16;
	v17 =	vbroadcast v26, $0x0;
	v20 =	vadd.s32 $0x6, v25;
	v15 =	vld [tilespmem:s5+$0xFFFFFFF0];
	[tilespmem:s15+$0x0] =	vst v28;
	v23 =	vmul.f32 v24, v2  }
0x1f5: {  	_ =	sdelay $0x2  }
0x1f6: {  	v25 =	vld [tilespmem:s5+$0x10]  }
0x1f7: {  	v10 =	vld.idx.msk [tilespmem:v10+s13+$0x0], $0xffff  }
0x1f8: {  	[tilespmem:s15+$0x20] =	vst v22;
	v16 =	vld.idx.msk [tilespmem:v16+s13+$0x0], $0xffff  }
0x1f9: {  	v44 =	vld [tilespmem:s5+$0x30]  }
0x1fa: {  	s19 =	sadd.s32 $0x100, s5;
	v17 =	vld.idx.msk [tilespmem:v17+s13+$0x0], $0xffff  }
0x1fb: {  	v48 =	vld [tilespmem:s19+$0x60]  }
0x1fc: {  	v49 =	vld [tilespmem:s19+$0xFFFFFF80]  }
0x1fd: {  	v21 =	vbroadcast v21, $0x0;
	v24 =	vmov s17;
	v50 =	vld [tilespmem:s19+$0xFFFFFFA0]  }
0x1fe: {  	v18 =	vbroadcast v18, $0x0;
	v9 =	vmul.f32 v11, v9;
	v43 =	vshrl.u32 v24, $0x3;
	[tilespmem:s15+$0x40] =	vst v23;
	v51 =	vld [tilespmem:s19+$0xFFFFFFC0]  }
0x1ff: {  	v7 =	vmul.f32 v12, v7;
	v22 =	vshll.u32 v43, v1;
	v23 =	vld [tilespmem:s5+$0x50]  }
0x200: {  	v19 =	vbroadcast v19, $0x0;
	v52 =	vld [tilespmem:s19+$0xFFFFFFE0];
	v8 =	vmul.f32 v14, v8;
	[tilespmem:s15+$0x70] =	vst v9;
	v22 =	vadd.s32 $0x7, v22  }
0x201: {  	v53 =	vld [tilespmem:s19+$0x20];
	[tilespmem:s15+$0xFFFFFF90] =	vst v7;
	v6 =	vmul.f32 v13, v6;
	v22 =	vbroadcast v22, $0x0  }
0x202: {  	v20 =	vbroadcast v20, $0x0;
	v54 =	vld [tilespmem:s19+$0x40];
	[tilespmem:s15+$0xFFFFFFB0] =	vst v8;
	v5 =	vmul.f32 v15, v5  }
0x203: {  	[tilespmem:s15+$0xFFFFFFD0] =	vst v6;
	v21 =	vld.idx.msk [tilespmem:v21+s13+$0x0], $0xffff;
	v3 =	vmul.f32 v44, v3  }
0x204: {  	v18 =	vld.idx.msk [tilespmem:v18+s13+$0x0], $0xffff;
	[tilespmem:s15+$0xFFFFFFF0] =	vst v5;
	v2 =	vmul.f32 v23, v2  }
0x205: {  	v4 =	vmul.f32 v25, v4;
	[tilespmem:s15+$0x30] =	vst v3;
	v3 =	vld [tilespmem:s19+$0x0]  }
0x206: {  	v45 =	vld.idx.msk [tilespmem:v19+s13+$0x0], $0xffff;
	[tilespmem:s15+$0x50] =	vst v2;
	v2 =	vmul.f32 v49, v10  }
0x207: {  	s21 =	sadd.s32 $0x100, s15;
	v6 =	vmul.f32 v50, v16;
	[tilespmem:s15+$0x10] =	vst v4;
	v47 =	vld.idx.msk [tilespmem:v22+s13+$0x0], $0xffff  }
0x208: {  	v46 =	vld.idx.msk [tilespmem:v20+s13+$0x0], $0xffff;
	[tilespmem:s21+$0xFFFFFF80] =	vst v2;
	v2 =	vmul.f32 v51, v17  }
0x209: {  	[tilespmem:s21+$0xFFFFFFA0] =	vst v6;
	v4 =	vmul.f32 v52, v21;
	v56 =	vld [tilespmem:s19+$0xFFFFFF90]  }
0x20a: {  	v6 =	vld [tilespmem:s19+$0xFFFFFFB0];
	[tilespmem:s21+$0xFFFFFFC0] =	vst v2;
	v2 =	vmul.f32 v3, v18  }
0x20b: {  	v57 =	vmul.f32 v53, v45;
	[tilespmem:s21+$0xFFFFFFE0] =	vst v4;
	v3 =	vld [tilespmem:s19+$0xFFFFFFD0]  }
0x20c: {  	v58 =	vld [tilespmem:s19+$0xFFFFFFF0];
	v7 =	vmul.f32 v48, v47;
	[tilespmem:s21+$0x0] =	vst v2  }
0x20d: {  	[tilespmem:s21+$0x20] =	vst v57;
	v2 =	vmul.f32 v54, v46;
	v59 =	vld [tilespmem:s19+$0x10]  }
0x20e: {  	v62 =	vld [tilespmem:s19+$0x30];
	[tilespmem:s21+$0x60] =	vst v7;
	v61 =	vmul.f32 v56, v10  }
0x20f: {  	[tilespmem:s21+$0x40] =	vst v2;
	v2 =	vmul.f32 v6, v16;
	v55 =	vld [tilespmem:s19+$0x70]  }
0x210: {  	v63 =	vld [tilespmem:s19+$0x50];
	[tilespmem:s21+$0xFFFFFF90] =	vst v61;
	v3 =	vmul.f32 v3, v17  }
0x211: {  	[tilespmem:s21+$0xFFFFFFB0] =	vst v2;
	v2 =	vmul.f32 v58, v21  }
0x212: {  	[tilespmem:s21+$0xFFFFFFD0] =	vst v3;
	v3 =	vmul.f32 v59, v18  }
0x213: {  	[tilespmem:s21+$0xFFFFFFF0] =	vst v2;
	v2 =	vmul.f32 v62, v45  }
0x214: {  	v60 =	vmul.f32 v55, v47;
	[tilespmem:s21+$0x10] =	vst v3  }
0x215: {  	v3 =	vmul.f32 v63, v46;
	[tilespmem:s21+$0x30] =	vst v2  }
0x216: {  	[tilespmem:s21+$0x70] =	vst v60  }
0x217: {  	[tilespmem:s21+$0x50] =	vst v3  }
0x218: {  	[spmem:s3] =	stream.indirect.scatter.add.f32 [tilespmem:s18], [sflag:$0x4], $0x20, s14, s0, $0xb8;
	[tilespmem:$0x18680] =	vst v63  }
0x219: {  	s16 =	simm.s32 @!p0 $0xA180;
	s5 =	simm.s32 @!p0 $0x80;
	s15 =	simm.s32 @!p0 $0xA380  }
0x21a: {  	[spmem:s4] =	stream.indirect.scatter.add.f32 @!p0 [tilespmem:s16], [sflag:$0x5], $0x1, s15, s5, $0xb8;
	[tilespmem:$0x18680] =	vst v63  }
0x21b: {  	s5 =	simm.s32 @!p0 $0x5  }
0x21c: {  	_ =	swait.ge @!p0 [sflag:s5], $0x80  }
0x21d: {  	[sflag:s5] =	ssyncset.done @!p0 $0x0  }
0x21e: {  	s28 =	sadd.s32 $0x1, s28;
	[sflag:s5] =	ssyncadd.s32 @!p0 $0xFFFFFF80  }
0x21f: {  	p1 =	sne.s32 s28, $0x51;
	_ =	swait.ge [sflag:s20], $0x1000  }
.Ltmp3:
0x220: {  	[sflag:s20] =	ssyncset.done $0x0;
	(pc) =	sbr.rel @p1 .LBB2_4-.Ltmp3, $4  }
0x221: {  	[sflag:s20] =	ssyncadd.s32 $0xFFFFF000  }
0x222: {  	_ =	swait.ge [sflag:s22], $0x1000  }
0x223: {  	[sflag:s22] =	ssyncset.done $0x0  }
0x224: {  	[sflag:s22] =	ssyncadd.s32 $0xFFFFF000  }
0x225: {  	[bflag:$0x0] =	sbarrier.arrive $0xFFFF  }
0x226: {  	s17 =	rddreg [dreg:$0x10]  }
0x227: {  	s16 =	rddreg [dreg:$0xb];
	s15 =	sshrl.u32 s17, $0x3  }
0x228: {  	[hbm:s16], [sflag:s25] =	dma.local [spmem:s15], $0x200  }
0x229: {  	_ =	swait.ge [sflag:s29], $0x200  }
0x22a: {  	[sflag:s29] =	ssyncset.done $0x0;
	s21 =	rddreg [dreg:$0x12]  }
0x22b: {  	s26 =	rddreg [dreg:$0x7];
	[sflag:s29] =	ssyncadd.s32 $0xFFFFFE00;
	s19 =	sshrl.u32 s21, $0x3  }
0x22c: {  	[hbm:s26], [sflag:s25] =	dma.local [spmem:s19], $0x200  }
0x22d: {  	_ =	swait.ge [sflag:s29], $0x200  }
0x22e: {  	[sflag:s29] =	ssyncset.done $0x0;
	s26 =	rddreg [dreg:$0x14]  }
0x22f: {  	s19 =	rddreg [dreg:$0x8];
	[sflag:s29] =	ssyncadd.s32 $0xFFFFFE00;
	s16 =	sshrl.u32 s26, $0x3  }
0x230: {  	[hbm:s19], [sflag:s25] =	dma.local [spmem:s16], $0x200  }
0x231: {  	_ =	swait.ge [sflag:s29], $0x200  }
0x232: {  	s28 =	smov.u32 s23;
	[sflag:s29] =	ssyncset.done $0x0  }
0x233: {  	s19 =	sshrl.u32 s23, $0x3;
	s23 =	rddreg [dreg:$0x9];
	[sflag:s29] =	ssyncadd.s32 $0xFFFFFE00  }
0x234: {  	[hbm:s23], [sflag:s25] =	dma.local [spmem:s19], $0x200  }
0x235: {  	_ =	swait.ge [sflag:s29], $0x200  }
0x236: {  	[sflag:s29] =	ssyncset.done $0x0;
	s19 =	rddreg [dreg:$0x16]  }
0x237: {  	s23 =	rddreg [dreg:$0xa];
	[sflag:s29] =	ssyncadd.s32 $0xFFFFFE00;
	s15 =	sshrl.u32 s19, $0x3  }
0x238: {  	[hbm:s23], [sflag:s25] =	dma.local [spmem:s15], $0x200  }
0x239: {  	_ =	swait.ge [sflag:s29], $0x200  }
0x23a: {  	[sflag:s29] =	ssyncset.done $0x0;
	s19 =	rddreg [dreg:$0xf]  }
0x23b: {  	s16 =	rddreg [dreg:$0x18];
	[sflag:s29] =	ssyncadd.s32 $0xFFFFFE00;
	s15 =	sshrl.u32 @!p0 s19, $0x3  }
0x23c: {  	[hbm:s16], [sflag:s25] =	dma.local @!p0 [spmem:s15], $0x50  }
0x23d: {  	_ =	swait.ge @!p0 [sflag:s5], $0x50  }
0x23e: {  	s24 =	sadd.s32 $0x1, s24;
	s25 =	rddreg [dreg:$0x19]  }
0x23f: {  	p1 =	sne.s32 s24, s25  }
.Ltmp4:
0x240: {  	_ = 	snop;
	(pc) =	sbr.rel @p1 .LBB2_1-.Ltmp4, $3  }
0x241: {  	_ =	sdelay $0x1  }
0x242: {  	[sflag:s5] =	ssyncset.done @!p0 $0x0  }
0x243: {  	[sflag:s5] =	ssyncadd.s32 @!p0 $0xFFFFFFB0  }
0x244: {  	_ =	sfence.sel $0x180000  }
0x245: {  	[bflag:$0x0] =	sbarrier.arrive $0xFFFF  }
0x246: {  	_ =	strace $0x90000047  }
0x247: {  	s0 =	stileid.u32;
	[bflag:$0x2] =	sbarrier.arrive $0xFFFF  }
0x248: {  	p0 =	sne.s32 s0, $0x0;
	s0 =	rddreg [dreg:$0x5]  }
0x249: {  	s0 =	sadd.s32 @!p0 $0x100000, s0  }
0x24a: {  	[sflag:s0] =	ssyncadd.tile.s32 @!p0 $0x1;
	_ =	shalt  }
.Lfunc_end2:
_tile_overlayer_lowered:
.L_overlay_start_2:
0x24b: {  	(tag) =	ssettag $0x2  }
0x24c: {  	s0 =	rddreg [dreg:$0x0];
	s2 =	stileid.u32  }
0x24d: {  	s1 =	rddreg [dreg:$0x1];
	p0 =	sne.s32 s2, $0x0  }
0x24e: {  	s3 =	rddreg [dreg:$0x2];
	[bflag:$0x3] =	sbarrier.arrive $0xFFFF;
	s2 =	simm.s32 @!p0 $0x1C05  }
0x24f: {  	[timem:s3], [sflag:s2] =	dma.local @!p0 [hbm:s0], s1  }
0x250: {  	s0 =	simm.s32 @!p0 $0x5  }
0x251: {  	_ =	swait.ge @!p0 [sflag:s0], s1  }
0x252: {  	s1 =	ssub.s32 @!p0 $0x0, s1;
	[sflag:s0] =	ssyncset.done @!p0 $0x0  }
0x253: {  	[sflag:s0] =	ssyncadd.s32 @!p0 s1  }
0x254: {  	[bflag:$0x3] =	sbarrier.arrive $0xFFFF  }
0x255: {  	_ =	shalt  }

</sc_bundles>
